<compile_context>
chip_gen: v7x
topology: tpu7x:2x2x1
jax: 0.10.2.dev20260603
libtpu: 0.0.44.dev20260713+nightly
codegen_flags: <defaults>
</compile_context>

<pallas_src>
import math

import jax
import jax.numpy as jnp
from jax import lax
from jax.experimental import pallas as pl
from jax.experimental.pallas import tpu as pltpu
from jax.experimental.pallas import tpu_sc as plsc

NUM_SLOTS = 16
SLOT_DIM = 512
LM_HIDDEN = 2560
HIDDEN = 1024
TOP_M = 5
THR = 0.7
B = 32
P = 576
MROWS = 8
LANES = 16
NSEL = B * MROWS

_HIGH = jax.lax.Precision.HIGHEST
_INV_SQRT2 = 1.0 / math.sqrt(2.0)


def _gelu_exact(x):
    return 0.5 * x * (1.0 + lax.erf(x * _INV_SQRT2))



FB = 1


def _conf_kernel(x_ref, w1_ref, b1_ref, wct_ref, bc_ref, conf_ref):
    x = x_ref[...].reshape(FB * P, LM_HIDDEN)
    h = _gelu_exact(jnp.dot(x, w1_ref[...]) + b1_ref[...])
    conf = lax.dot_general(wct_ref[...], h, (((1,), (1,)), ((), ())))
    conf_ref[0] = conf + bc_ref[...]



def _combine(a, b):
    va, ga = a
    vb, gb = b
    keep_a = (va > vb) | ((va == vb) & (ga < gb))
    return jnp.where(keep_a, va, vb), jnp.where(keep_a, ga, gb)


def _sc_body(conf_hbm, x_hbm, xsel_hbm, conf_v, idx_v, bcf_v, bci_v, rows_v,
             sem):
    c = lax.axis_index("c")
    s = lax.axis_index("s")
    b = s * 2 + c
    pltpu.sync_copy(conf_hbm.at[b], conf_v)

    lanes = lax.iota(jnp.int32, 16)
    nchunks = P // LANES
    gidx = [ci * LANES + lanes for ci in range(nchunks)]
    vals = [conf_v[pl.ds(ci * LANES, LANES)] for ci in range(nchunks)]

    picked = []
    for m in range(TOP_M):
        if picked:
            last = picked[-1]
            vals = [jnp.where(g == last, -jnp.inf, v)
                    for g, v in zip(gidx, vals)]
        items = list(zip(vals, gidx))
        while len(items) > 1:
            nxt = [_combine(items[i], items[i + 1])
                   for i in range(0, len(items) - 1, 2)]
            if len(items) % 2:
                nxt.append(items[-1])
            items = nxt
        bv, bi = items[0]
        bcf_v[...] = bv
        bci_v[...] = bi
        splats = []
        for j in range(LANES):
            sel = jnp.full((LANES,), j, jnp.int32)
            splats.append((plsc.load_gather(bcf_v, [sel]),
                           plsc.load_gather(bci_v, [sel])))
        while len(splats) > 1:
            splats = [_combine(splats[i], splats[i + 1])
                      for i in range(0, len(splats), 2)]
        picked.append(splats[0][1])

    acc = jnp.zeros((LANES,), jnp.int32)
    for m, idx_m in enumerate(picked):
        acc = jnp.where(lanes == m, b * P + idx_m, acc)
    idx_v[...] = acc
    pltpu.async_copy(x_hbm.at[idx_v.at[pl.ds(0, MROWS)]], rows_v,
                     sem).wait()
    pltpu.sync_copy(rows_v, xsel_hbm.at[pl.ds(b * MROWS, MROWS)])



def _finish_kernel(xsel_ref, w1_ref, b1_ref, w2c_ref, b2c_ref, slots_ref,
                   wg_ref, bg_ref, wp_ref, bp_ref, out_ref):
    h = _gelu_exact(jnp.dot(xsel_ref[...], w1_ref[...]) + b1_ref[...])
    cand = jnp.dot(h, w2c_ref[...]) + b2c_ref[...]

    cn = cand / (jnp.sqrt(jnp.sum(cand * cand, axis=1, keepdims=True)) + 1e-12)
    slots = slots_ref[...]
    sn = slots / (jnp.sqrt(jnp.sum(slots * slots, axis=1, keepdims=True)) + 1e-12)
    scores = lax.dot_general(cn, sn, (((1,), (1,)), ((), ())))

    best_score = jnp.max(scores, axis=1, keepdims=True)
    s_iota = lax.broadcasted_iota(jnp.int32, (NSEL, NUM_SLOTS), 1)
    idx = jnp.min(jnp.where(scores == best_score, s_iota, NUM_SLOTS),
                  axis=1, keepdims=True)

    onehot = jnp.where(s_iota == idx, 1.0, 0.0)
    old = jnp.dot(onehot, slots, precision=_HIGH)

    g = jax.nn.sigmoid(
        jnp.dot(jnp.concatenate([old, cand], axis=1), wg_ref[...]) + bg_ref[...])
    upd = g * cand + (1.0 - g) * old
    vals = jnp.where(best_score > THR, upd, old)

    r_iota = lax.broadcasted_iota(jnp.int32, (NSEL, 1), 0)
    bv, mv = r_iota // MROWS, r_iota % MROWS
    valid = mv < TOP_M
    rank = jnp.where(valid, 1 + bv * TOP_M + mv, -1)
    rmat = jnp.where((s_iota == idx) & valid, rank, -1)

    eye = lax.broadcasted_iota(jnp.int32, (NUM_SLOTS, NUM_SLOTS), 0) == \
        lax.broadcasted_iota(jnp.int32, (NUM_SLOTS, NUM_SLOTS), 1)
    rmat_ext = jnp.concatenate([rmat, jnp.where(eye, 0, -1)], axis=0)
    vals_ext = jnp.concatenate([vals, slots], axis=0)

    sel_rank = jnp.max(rmat_ext, axis=0, keepdims=True)
    wsel = jnp.where(rmat_ext == sel_rank, 1.0, 0.0)
    new_slots = lax.dot_general(wsel, vals_ext, (((0,), (0,)), ((), ())),
                                precision=_HIGH)

    out_ref[...] = jnp.dot(new_slots, wp_ref[...]) + bp_ref[...]


@jax.jit
def kernel(lm_tokens, W1, b1, W2, b2, slots, Wg, bg, Wp, bp):
    w2c = W2[:, :SLOT_DIM]
    wct = W2[:, SLOT_DIM:SLOT_DIM + 1].T
    b2c = b2[:SLOT_DIM].reshape(1, SLOT_DIM)
    bc = b2[SLOT_DIM:].reshape(1, 1)
    b1r = b1.reshape(1, HIDDEN)
    bgr = bg.reshape(1, SLOT_DIM)
    bpr = bp.reshape(1, LM_HIDDEN)

    conf = pl.pallas_call(
        _conf_kernel,
        grid=(B // FB,),
        in_specs=[
            pl.BlockSpec((FB, P, LM_HIDDEN), lambda b: (b, 0, 0)),
            pl.BlockSpec((LM_HIDDEN, HIDDEN), lambda b: (0, 0)),
            pl.BlockSpec((1, HIDDEN), lambda b: (0, 0)),
            pl.BlockSpec((1, HIDDEN), lambda b: (0, 0)),
            pl.BlockSpec((1, 1), lambda b: (0, 0)),
        ],
        out_specs=pl.BlockSpec((1, 1, FB * P), lambda b: (b, 0, 0)),
        out_shape=jax.ShapeDtypeStruct((B // FB, 1, FB * P), jnp.float32),
        compiler_params=pltpu.CompilerParams(
            dimension_semantics=("arbitrary",)),
    )(lm_tokens, W1, b1r, wct, bc)

    conf2 = conf.reshape(B, P)
    x2 = lm_tokens.reshape(B * P, LM_HIDDEN)

    sc_gather = pl.kernel(
        _sc_body,
        out_type=jax.ShapeDtypeStruct((NSEL, LM_HIDDEN), jnp.float32),
        mesh=plsc.VectorSubcoreMesh(core_axis_name="c", subcore_axis_name="s",
                                    num_cores=2, num_subcores=16),
        scratch_types=[
            pltpu.VMEM((P,), jnp.float32),
            pltpu.VMEM((LANES,), jnp.int32),
            pltpu.VMEM((LANES,), jnp.float32),
            pltpu.VMEM((LANES,), jnp.int32),
            pltpu.VMEM((MROWS, LM_HIDDEN), jnp.float32),
            pltpu.SemaphoreType.DMA,
        ],
        compiler_params=pltpu.CompilerParams(needs_layout_passes=False),
    )
    xsel = sc_gather(conf2, x2)

    slot_lm = pl.pallas_call(
        _finish_kernel,
        out_shape=jax.ShapeDtypeStruct((NUM_SLOTS, LM_HIDDEN), jnp.float32),
    )(xsel, W1, b1r, w2c, b2c, slots, Wg, bgr, Wp, bpr)
    return slot_lm

# --- scband reference (transcript-rebuilt; emitter-appended) ---
"""Pipeline reference for scband-lesion-instance-memory-bank-78829829751307 (READ-ONLY COPY).

The authoritative reference and input builder live on the scoring server;
editing this copy changes nothing except your own understanding.
"""

import jax, jax.numpy as jnp
import numpy as np

NUM_SLOTS = 16
SLOT_DIM = 512
LM_HIDDEN = 2560
HIDDEN = 1024
TOP_M = 5
THR = 0.7


def setup_inputs(seed: int = 0) -> dict:
    key = jax.random.key(seed)
    ks = jax.random.split(key, 8)
    B, P = 32, 576
    def w(k, shape, scale=0.02):
        return jax.random.normal(k, shape, dtype=jnp.float32) * scale
    return {
        "lm_tokens": jax.random.normal(ks[0], (B, P, LM_HIDDEN), dtype=jnp.float32),
        "W1": w(ks[1], (LM_HIDDEN, HIDDEN)),
        "b1": jnp.zeros((HIDDEN,), dtype=jnp.float32),
        "W2": w(ks[2], (HIDDEN, SLOT_DIM + 1)),
        "b2": jnp.zeros((SLOT_DIM + 1,), dtype=jnp.float32),
        "slots": jax.random.normal(ks[3], (NUM_SLOTS, SLOT_DIM), dtype=jnp.float32),
        "Wg": w(ks[4], (2 * SLOT_DIM, SLOT_DIM)),
        "bg": jnp.zeros((SLOT_DIM,), dtype=jnp.float32),
        "Wp": w(ks[5], (SLOT_DIM, LM_HIDDEN)),
        "bp": jnp.zeros((LM_HIDDEN,), dtype=jnp.float32),
    }


def reference(lm_tokens, W1, b1, W2, b2, slots, Wg, bg, Wp, bp):
    # LesionDetector: Linear -> GELU -> Linear -> split candidates / confidence
    h = jax.nn.gelu(lm_tokens @ W1 + b1, approximate=False)
    out = h @ W2 + b2
    candidates = out[..., :-1]                       # [B, P, slot_dim]
    confidences = jax.nn.sigmoid(out[..., -1])       # [B, P]
    # top_m candidates per frame
    top_conf, top_idx = jax.lax.top_k(confidences, TOP_M)            # [B, M]
    top_cand = jnp.take_along_axis(candidates, top_idx[..., None], axis=1)  # [B, M, D]
    # SlotMatcher: cosine similarity of each top candidate to every slot
    cn = top_cand / (jnp.linalg.norm(top_cand, axis=-1, keepdims=True) + 1e-12)
    sn = slots / (jnp.linalg.norm(slots, axis=-1, keepdims=True) + 1e-12)
    scores = jnp.einsum('bmd,sd->bms', cn, sn)       # [B, M, num_slots]
    best_score = scores.max(axis=-1)                 # [B, M]
    best_idx = scores.argmax(axis=-1)                # [B, M]
    # SlotUpdater: gated update of the matched slot embedding
    flat_new = top_cand.reshape(-1, SLOT_DIM)
    flat_idx = best_idx.reshape(-1)
    flat_score = best_score.reshape(-1)
    old = slots[flat_idx]                            # gather from slot memory
    gate = jax.nn.sigmoid(jnp.concatenate([old, flat_new], axis=-1) @ Wg + bg)
    updated = gate * flat_new + (1.0 - gate) * old
    match_mask = (flat_score > THR)[:, None]
    vals = jnp.where(match_mask, updated, old)
    new_slots = slots.at[flat_idx].set(vals)         # scatter-overwrite into slot memory
    # project updated slots back to LM space
    slot_lm = new_slots @ Wp + bp                    # [num_slots, lm_hidden]
    return slot_lm

if __name__ == "__main__":
    import jax
    _d = setup_inputs()
    print(jax.jit(kernel)(*tuple(_d.values())))

</pallas_src>

<mosaic_0001>
#map = affine_map<(d0, d1) -> (0, 0)>
module attributes {stable_mosaic.version = 14 : i64} {
  func.func @_sc_body(%arg0: i32, %arg1: i32, %arg2: memref<32x576xf32, #tpu.memory_space<hbm>>, %arg3: memref<18432x2560xf32, #tpu.memory_space<hbm>>, %arg4: memref<256x2560xf32, #tpu.memory_space<hbm>>, %arg5: memref<576xf32, #tpu.memory_space<vmem>>, %arg6: memref<16xi32, #tpu.memory_space<vmem>>, %arg7: memref<16xf32, #tpu.memory_space<vmem>>, %arg8: memref<16xi32, #tpu.memory_space<vmem>>, %arg9: memref<8x2560xf32, #tpu.memory_space<vmem>>, %arg10: memref<!tpu.dma_semaphore, #tpu.memory_space<semaphore_mem>>) attributes {dimension_semantics = [#tpu.dimension_semantics<core_parallel>, #tpu.dimension_semantics<subcore_parallel>], iteration_bounds = array<i64: 2, 16>, scalar_prefetch = 0 : i64, scratch_operands = 6 : i64, tpu.core_type = #tpu.core_type<sc_vector_subcore>, window_params = [{transform_indices = #map}, {transform_indices = #map}, {transform_indices = #map}]} {
    %mul3A = arith.constant 2 : i32
    %mul3A_0 = arith.muli %arg1, %mul3A : i32
    %add3A = arith.addi %mul3A_0, %arg0 : i32
    "tpu.region"() ({
      %run_scoped3A = tpu.sem_alloc : memref<!tpu.dma_semaphore, #tpu.memory_space<semaphore_mem>>
      %dma_start3A_2890 = arith.constant 0 : i32
      %dma_start3A_2891 = tpu.memref_slice %arg2[%add3A, %dma_start3A_2890] : memref<32x576xf32, #tpu.memory_space<hbm>> -> memref<1x576xf32, #tpu.memory_space<hbm>>
      %dma_start3A_2892 = tpu.memref_squeeze %dma_start3A_2891 : memref<1x576xf32, #tpu.memory_space<hbm>> -> memref<576xf32, #tpu.memory_space<hbm>>
      %dma_start3A_2893 = arith.constant 0 : i32
      %dma_start3A_2894 = tpu.memref_slice %arg2[%add3A, %dma_start3A_2893] : memref<32x576xf32, #tpu.memory_space<hbm>> -> memref<1x576xf32, #tpu.memory_space<hbm>>
      %dma_start3A_2895 = tpu.memref_squeeze %dma_start3A_2894 : memref<1x576xf32, #tpu.memory_space<hbm>> -> memref<576xf32, #tpu.memory_space<hbm>>
      tpu.enqueue_dma source(%dma_start3A_2895 : memref<576xf32, #tpu.memory_space<hbm>>) target(%arg5 : memref<576xf32, #tpu.memory_space<vmem>>) target_semaphore(%run_scoped3A : memref<!tpu.dma_semaphore, #tpu.memory_space<semaphore_mem>>)
      %dma_wait3A_2896 = arith.constant 0 : i32
      %dma_wait3A_2897 = tpu.memref_slice %arg2[%add3A, %dma_wait3A_2896] : memref<32x576xf32, #tpu.memory_space<hbm>> -> memref<1x576xf32, #tpu.memory_space<hbm>>
      %dma_wait3A_2898 = tpu.memref_squeeze %dma_wait3A_2897 : memref<1x576xf32, #tpu.memory_space<hbm>> -> memref<576xf32, #tpu.memory_space<hbm>>
      %dma_wait3A_2899 = arith.constant 0 : i32
      %dma_wait3A_2900 = tpu.memref_slice %arg2[%add3A, %dma_wait3A_2899] : memref<32x576xf32, #tpu.memory_space<hbm>> -> memref<1x576xf32, #tpu.memory_space<hbm>>
      %dma_wait3A_2901 = tpu.memref_squeeze %dma_wait3A_2900 : memref<1x576xf32, #tpu.memory_space<hbm>> -> memref<576xf32, #tpu.memory_space<hbm>>
      tpu.wait_dma2 semaphore(%run_scoped3A : memref<!tpu.dma_semaphore, #tpu.memory_space<semaphore_mem>>) src(%dma_wait3A_2901 : memref<576xf32, #tpu.memory_space<hbm>>) dst(%arg5 : memref<576xf32, #tpu.memory_space<vmem>>)
      tpu.yield
    }) : () -> ()
    %iota3A = tpu.iota {dimensions = array<i32: 0>} : vector<16xi32>
    %add3A_1 = arith.constant 0 : i32
    %add3A_2 = vector.broadcast %add3A_1 : i32 to vector<16xi32>
    %add3A_3 = arith.addi %add3A_2, %iota3A : vector<16xi32>
    %add3A_4 = arith.constant 16 : i32
    %add3A_5 = vector.broadcast %add3A_4 : i32 to vector<16xi32>
    %add3A_6 = arith.addi %add3A_5, %iota3A : vector<16xi32>
    %add3A_7 = arith.constant 32 : i32
    %add3A_8 = vector.broadcast %add3A_7 : i32 to vector<16xi32>
    %add3A_9 = arith.addi %add3A_8, %iota3A : vector<16xi32>
    %add3A_10 = arith.constant 48 : i32
    %add3A_11 = vector.broadcast %add3A_10 : i32 to vector<16xi32>
    %add3A_12 = arith.addi %add3A_11, %iota3A : vector<16xi32>
    %add3A_13 = arith.constant 64 : i32
    %add3A_14 = vector.broadcast %add3A_13 : i32 to vector<16xi32>
    %add3A_15 = arith.addi %add3A_14, %iota3A : vector<16xi32>
    %add3A_16 = arith.constant 80 : i32
    %add3A_17 = vector.broadcast %add3A_16 : i32 to vector<16xi32>
    %add3A_18 = arith.addi %add3A_17, %iota3A : vector<16xi32>
    %add3A_19 = arith.constant 96 : i32
    %add3A_20 = vector.broadcast %add3A_19 : i32 to vector<16xi32>
    %add3A_21 = arith.addi %add3A_20, %iota3A : vector<16xi32>
    %add3A_22 = arith.constant 112 : i32
    %add3A_23 = vector.broadcast %add3A_22 : i32 to vector<16xi32>
    %add3A_24 = arith.addi %add3A_23, %iota3A : vector<16xi32>
    %add3A_25 = arith.constant 128 : i32
    %add3A_26 = vector.broadcast %add3A_25 : i32 to vector<16xi32>
    %add3A_27 = arith.addi %add3A_26, %iota3A : vector<16xi32>
    %add3A_28 = arith.constant 144 : i32
    %add3A_29 = vector.broadcast %add3A_28 : i32 to vector<16xi32>
    %add3A_30 = arith.addi %add3A_29, %iota3A : vector<16xi32>
    %add3A_31 = arith.constant 160 : i32
    %add3A_32 = vector.broadcast %add3A_31 : i32 to vector<16xi32>
    %add3A_33 = arith.addi %add3A_32, %iota3A : vector<16xi32>
    %add3A_34 = arith.constant 176 : i32
    %add3A_35 = vector.broadcast %add3A_34 : i32 to vector<16xi32>
    %add3A_36 = arith.addi %add3A_35, %iota3A : vector<16xi32>
    %add3A_37 = arith.constant 192 : i32
    %add3A_38 = vector.broadcast %add3A_37 : i32 to vector<16xi32>
    %add3A_39 = arith.addi %add3A_38, %iota3A : vector<16xi32>
    %add3A_40 = arith.constant 208 : i32
    %add3A_41 = vector.broadcast %add3A_40 : i32 to vector<16xi32>
    %add3A_42 = arith.addi %add3A_41, %iota3A : vector<16xi32>
    %add3A_43 = arith.constant 224 : i32
    %add3A_44 = vector.broadcast %add3A_43 : i32 to vector<16xi32>
    %add3A_45 = arith.addi %add3A_44, %iota3A : vector<16xi32>
    %add3A_46 = arith.constant 240 : i32
    %add3A_47 = vector.broadcast %add3A_46 : i32 to vector<16xi32>
    %add3A_48 = arith.addi %add3A_47, %iota3A : vector<16xi32>
    %add3A_49 = arith.constant 256 : i32
    %add3A_50 = vector.broadcast %add3A_49 : i32 to vector<16xi32>
    %add3A_51 = arith.addi %add3A_50, %iota3A : vector<16xi32>
    %add3A_52 = arith.constant 272 : i32
    %add3A_53 = vector.broadcast %add3A_52 : i32 to vector<16xi32>
    %add3A_54 = arith.addi %add3A_53, %iota3A : vector<16xi32>
    %add3A_55 = arith.constant 288 : i32
    %add3A_56 = vector.broadcast %add3A_55 : i32 to vector<16xi32>
    %add3A_57 = arith.addi %add3A_56, %iota3A : vector<16xi32>
    %add3A_58 = arith.constant 304 : i32
    %add3A_59 = vector.broadcast %add3A_58 : i32 to vector<16xi32>
    %add3A_60 = arith.addi %add3A_59, %iota3A : vector<16xi32>
    %add3A_61 = arith.constant 320 : i32
    %add3A_62 = vector.broadcast %add3A_61 : i32 to vector<16xi32>
    %add3A_63 = arith.addi %add3A_62, %iota3A : vector<16xi32>
    %add3A_64 = arith.constant 336 : i32
    %add3A_65 = vector.broadcast %add3A_64 : i32 to vector<16xi32>
    %add3A_66 = arith.addi %add3A_65, %iota3A : vector<16xi32>
    %add3A_67 = arith.constant 352 : i32
    %add3A_68 = vector.broadcast %add3A_67 : i32 to vector<16xi32>
    %add3A_69 = arith.addi %add3A_68, %iota3A : vector<16xi32>
    %add3A_70 = arith.constant 368 : i32
    %add3A_71 = vector.broadcast %add3A_70 : i32 to vector<16xi32>
    %add3A_72 = arith.addi %add3A_71, %iota3A : vector<16xi32>
    %add3A_73 = arith.constant 384 : i32
    %add3A_74 = vector.broadcast %add3A_73 : i32 to vector<16xi32>
    %add3A_75 = arith.addi %add3A_74, %iota3A : vector<16xi32>
    %add3A_76 = arith.constant 400 : i32
    %add3A_77 = vector.broadcast %add3A_76 : i32 to vector<16xi32>
    %add3A_78 = arith.addi %add3A_77, %iota3A : vector<16xi32>
    %add3A_79 = arith.constant 416 : i32
    %add3A_80 = vector.broadcast %add3A_79 : i32 to vector<16xi32>
    %add3A_81 = arith.addi %add3A_80, %iota3A : vector<16xi32>
    %add3A_82 = arith.constant 432 : i32
    %add3A_83 = vector.broadcast %add3A_82 : i32 to vector<16xi32>
    %add3A_84 = arith.addi %add3A_83, %iota3A : vector<16xi32>
    %add3A_85 = arith.constant 448 : i32
    %add3A_86 = vector.broadcast %add3A_85 : i32 to vector<16xi32>
    %add3A_87 = arith.addi %add3A_86, %iota3A : vector<16xi32>
    %add3A_88 = arith.constant 464 : i32
    %add3A_89 = vector.broadcast %add3A_88 : i32 to vector<16xi32>
    %add3A_90 = arith.addi %add3A_89, %iota3A : vector<16xi32>
    %add3A_91 = arith.constant 480 : i32
    %add3A_92 = vector.broadcast %add3A_91 : i32 to vector<16xi32>
    %add3A_93 = arith.addi %add3A_92, %iota3A : vector<16xi32>
    %add3A_94 = arith.constant 496 : i32
    %add3A_95 = vector.broadcast %add3A_94 : i32 to vector<16xi32>
    %add3A_96 = arith.addi %add3A_95, %iota3A : vector<16xi32>
    %add3A_97 = arith.constant 512 : i32
    %add3A_98 = vector.broadcast %add3A_97 : i32 to vector<16xi32>
    %add3A_99 = arith.addi %add3A_98, %iota3A : vector<16xi32>
    %add3A_100 = arith.constant 528 : i32
    %add3A_101 = vector.broadcast %add3A_100 : i32 to vector<16xi32>
    %add3A_102 = arith.addi %add3A_101, %iota3A : vector<16xi32>
    %add3A_103 = arith.constant 544 : i32
    %add3A_104 = vector.broadcast %add3A_103 : i32 to vector<16xi32>
    %add3A_105 = arith.addi %add3A_104, %iota3A : vector<16xi32>
    %add3A_106 = arith.constant 560 : i32
    %add3A_107 = vector.broadcast %add3A_106 : i32 to vector<16xi32>
    %add3A_108 = arith.addi %add3A_107, %iota3A : vector<16xi32>
    %get3A = arith.constant 0 : index
    %get3A_109 = tpu.vector_load %arg5[%get3A] {strides = array<i32>} : memref<576xf32, #tpu.memory_space<vmem>>, vector<16xf32>,
    %get3A_110 = arith.constant 16 : index
    %get3A_111 = tpu.vector_load %arg5[%get3A_110] {strides = array<i32>} : memref<576xf32, #tpu.memory_space<vmem>>, vector<16xf32>,
    %get3A_112 = arith.constant 32 : index
    %get3A_113 = tpu.vector_load %arg5[%get3A_112] {strides = array<i32>} : memref<576xf32, #tpu.memory_space<vmem>>, vector<16xf32>,
    %get3A_114 = arith.constant 48 : index
    %get3A_115 = tpu.vector_load %arg5[%get3A_114] {strides = array<i32>} : memref<576xf32, #tpu.memory_space<vmem>>, vector<16xf32>,
    %get3A_116 = arith.constant 64 : index
    %get3A_117 = tpu.vector_load %arg5[%get3A_116] {strides = array<i32>} : memref<576xf32, #tpu.memory_space<vmem>>, vector<16xf32>,
    %get3A_118 = arith.constant 80 : index
    %get3A_119 = tpu.vector_load %arg5[%get3A_118] {strides = array<i32>} : memref<576xf32, #tpu.memory_space<vmem>>, vector<16xf32>,
    %get3A_120 = arith.constant 96 : index
    %get3A_121 = tpu.vector_load %arg5[%get3A_120] {strides = array<i32>} : memref<576xf32, #tpu.memory_space<vmem>>, vector<16xf32>,
    %get3A_122 = arith.constant 112 : index
    %get3A_123 = tpu.vector_load %arg5[%get3A_122] {strides = array<i32>} : memref<576xf32, #tpu.memory_space<vmem>>, vector<16xf32>,
    %get3A_124 = arith.constant 128 : index
    %get3A_125 = tpu.vector_load %arg5[%get3A_124] {strides = array<i32>} : memref<576xf32, #tpu.memory_space<vmem>>, vector<16xf32>,
    %get3A_126 = arith.constant 144 : index
    %get3A_127 = tpu.vector_load %arg5[%get3A_126] {strides = array<i32>} : memref<576xf32, #tpu.memory_space<vmem>>, vector<16xf32>,
    %get3A_128 = arith.constant 160 : index
    %get3A_129 = tpu.vector_load %arg5[%get3A_128] {strides = array<i32>} : memref<576xf32, #tpu.memory_space<vmem>>, vector<16xf32>,
    %get3A_130 = arith.constant 176 : index
    %get3A_131 = tpu.vector_load %arg5[%get3A_130] {strides = array<i32>} : memref<576xf32, #tpu.memory_space<vmem>>, vector<16xf32>,
    %get3A_132 = arith.constant 192 : index
    %get3A_133 = tpu.vector_load %arg5[%get3A_132] {strides = array<i32>} : memref<576xf32, #tpu.memory_space<vmem>>, vector<16xf32>,
    %get3A_134 = arith.constant 208 : index
    %get3A_135 = tpu.vector_load %arg5[%get3A_134] {strides = array<i32>} : memref<576xf32, #tpu.memory_space<vmem>>, vector<16xf32>,
    %get3A_136 = arith.constant 224 : index
    %get3A_137 = tpu.vector_load %arg5[%get3A_136] {strides = array<i32>} : memref<576xf32, #tpu.memory_space<vmem>>, vector<16xf32>,
    %get3A_138 = arith.constant 240 : index
    %get3A_139 = tpu.vector_load %arg5[%get3A_138] {strides = array<i32>} : memref<576xf32, #tpu.memory_space<vmem>>, vector<16xf32>,
    %get3A_140 = arith.constant 256 : index
    %get3A_141 = tpu.vector_load %arg5[%get3A_140] {strides = array<i32>} : memref<576xf32, #tpu.memory_space<vmem>>, vector<16xf32>,
    %get3A_142 = arith.constant 272 : index
    %get3A_143 = tpu.vector_load %arg5[%get3A_142] {strides = array<i32>} : memref<576xf32, #tpu.memory_space<vmem>>, vector<16xf32>,
    %get3A_144 = arith.constant 288 : index
    %get3A_145 = tpu.vector_load %arg5[%get3A_144] {strides = array<i32>} : memref<576xf32, #tpu.memory_space<vmem>>, vector<16xf32>,
    %get3A_146 = arith.constant 304 : index
    %get3A_147 = tpu.vector_load %arg5[%get3A_146] {strides = array<i32>} : memref<576xf32, #tpu.memory_space<vmem>>, vector<16xf32>,
    %get3A_148 = arith.constant 320 : index
    %get3A_149 = tpu.vector_load %arg5[%get3A_148] {strides = array<i32>} : memref<576xf32, #tpu.memory_space<vmem>>, vector<16xf32>,
    %get3A_150 = arith.constant 336 : index
    %get3A_151 = tpu.vector_load %arg5[%get3A_150] {strides = array<i32>} : memref<576xf32, #tpu.memory_space<vmem>>, vector<16xf32>,
    %get3A_152 = arith.constant 352 : index
    %get3A_153 = tpu.vector_load %arg5[%get3A_152] {strides = array<i32>} : memref<576xf32, #tpu.memory_space<vmem>>, vector<16xf32>,
    %get3A_154 = arith.constant 368 : index
    %get3A_155 = tpu.vector_load %arg5[%get3A_154] {strides = array<i32>} : memref<576xf32, #tpu.memory_space<vmem>>, vector<16xf32>,
    %get3A_156 = arith.constant 384 : index
    %get3A_157 = tpu.vector_load %arg5[%get3A_156] {strides = array<i32>} : memref<576xf32, #tpu.memory_space<vmem>>, vector<16xf32>,
    %get3A_158 = arith.constant 400 : index
    %get3A_159 = tpu.vector_load %arg5[%get3A_158] {strides = array<i32>} : memref<576xf32, #tpu.memory_space<vmem>>, vector<16xf32>,
    %get3A_160 = arith.constant 416 : index
    %get3A_161 = tpu.vector_load %arg5[%get3A_160] {strides = array<i32>} : memref<576xf32, #tpu.memory_space<vmem>>, vector<16xf32>,
    %get3A_162 = arith.constant 432 : index
    %get3A_163 = tpu.vector_load %arg5[%get3A_162] {strides = array<i32>} : memref<576xf32, #tpu.memory_space<vmem>>, vector<16xf32>,
    %get3A_164 = arith.constant 448 : index
    %get3A_165 = tpu.vector_load %arg5[%get3A_164] {strides = array<i32>} : memref<576xf32, #tpu.memory_space<vmem>>, vector<16xf32>,
    %get3A_166 = arith.constant 464 : index
    %get3A_167 = tpu.vector_load %arg5[%get3A_166] {strides = array<i32>} : memref<576xf32, #tpu.memory_space<vmem>>, vector<16xf32>,
    %get3A_168 = arith.constant 480 : index
    %get3A_169 = tpu.vector_load %arg5[%get3A_168] {strides = array<i32>} : memref<576xf32, #tpu.memory_space<vmem>>, vector<16xf32>,
    %get3A_170 = arith.constant 496 : index
    %get3A_171 = tpu.vector_load %arg5[%get3A_170] {strides = array<i32>} : memref<576xf32, #tpu.memory_space<vmem>>, vector<16xf32>,
    %get3A_172 = arith.constant 512 : index
    %get3A_173 = tpu.vector_load %arg5[%get3A_172] {strides = array<i32>} : memref<576xf32, #tpu.memory_space<vmem>>, vector<16xf32>,
    %get3A_174 = arith.constant 528 : index
    %get3A_175 = tpu.vector_load %arg5[%get3A_174] {strides = array<i32>} : memref<576xf32, #tpu.memory_space<vmem>>, vector<16xf32>,
    %get3A_176 = arith.constant 544 : index
    %get3A_177 = tpu.vector_load %arg5[%get3A_176] {strides = array<i32>} : memref<576xf32, #tpu.memory_space<vmem>>, vector<16xf32>,
    %get3A_178 = arith.constant 560 : index
    %get3A_179 = tpu.vector_load %arg5[%get3A_178] {strides = array<i32>} : memref<576xf32, #tpu.memory_space<vmem>>, vector<16xf32>,
    %gt3A = arith.cmpf ogt, %get3A_109, %get3A_111 : vector<16xf32>
    %eq3A = arith.cmpf oeq, %get3A_109, %get3A_111 : vector<16xf32>
    %lt3A = arith.cmpi slt, %add3A_3, %add3A_6 : vector<16xi32>
    %and3A = arith.andi %eq3A, %lt3A : vector<16xi1>
    %or3A = arith.ori %gt3A, %and3A : vector<16xi1>
    %select_n3A = arith.select %or3A, %get3A_109, %get3A_111 : vector<16xi1>, vector<16xf32>
    %select_n3A_180 = arith.select %or3A, %add3A_3, %add3A_6 : vector<16xi1>, vector<16xi32>
    %gt3A_181 = arith.cmpf ogt, %get3A_113, %get3A_115 : vector<16xf32>
    %eq3A_182 = arith.cmpf oeq, %get3A_113, %get3A_115 : vector<16xf32>
    %lt3A_183 = arith.cmpi slt, %add3A_9, %add3A_12 : vector<16xi32>
    %and3A_184 = arith.andi %eq3A_182, %lt3A_183 : vector<16xi1>
    %or3A_185 = arith.ori %gt3A_181, %and3A_184 : vector<16xi1>
    %select_n3A_186 = arith.select %or3A_185, %get3A_113, %get3A_115 : vector<16xi1>, vector<16xf32>
    %select_n3A_187 = arith.select %or3A_185, %add3A_9, %add3A_12 : vector<16xi1>, vector<16xi32>
    %gt3A_188 = arith.cmpf ogt, %get3A_117, %get3A_119 : vector<16xf32>
    %eq3A_189 = arith.cmpf oeq, %get3A_117, %get3A_119 : vector<16xf32>
    %lt3A_190 = arith.cmpi slt, %add3A_15, %add3A_18 : vector<16xi32>
    %and3A_191 = arith.andi %eq3A_189, %lt3A_190 : vector<16xi1>
    %or3A_192 = arith.ori %gt3A_188, %and3A_191 : vector<16xi1>
    %select_n3A_193 = arith.select %or3A_192, %get3A_117, %get3A_119 : vector<16xi1>, vector<16xf32>
    %select_n3A_194 = arith.select %or3A_192, %add3A_15, %add3A_18 : vector<16xi1>, vector<16xi32>
    %gt3A_195 = arith.cmpf ogt, %get3A_121, %get3A_123 : vector<16xf32>
    %eq3A_196 = arith.cmpf oeq, %get3A_121, %get3A_123 : vector<16xf32>
    %lt3A_197 = arith.cmpi slt, %add3A_21, %add3A_24 : vector<16xi32>
    %and3A_198 = arith.andi %eq3A_196, %lt3A_197 : vector<16xi1>
    %or3A_199 = arith.ori %gt3A_195, %and3A_198 : vector<16xi1>
    %select_n3A_200 = arith.select %or3A_199, %get3A_121, %get3A_123 : vector<16xi1>, vector<16xf32>
    %select_n3A_201 = arith.select %or3A_199, %add3A_21, %add3A_24 : vector<16xi1>, vector<16xi32>
    %gt3A_202 = arith.cmpf ogt, %get3A_125, %get3A_127 : vector<16xf32>
    %eq3A_203 = arith.cmpf oeq, %get3A_125, %get3A_127 : vector<16xf32>
    %lt3A_204 = arith.cmpi slt, %add3A_27, %add3A_30 : vector<16xi32>
    %and3A_205 = arith.andi %eq3A_203, %lt3A_204 : vector<16xi1>
    %or3A_206 = arith.ori %gt3A_202, %and3A_205 : vector<16xi1>
    %select_n3A_207 = arith.select %or3A_206, %get3A_125, %get3A_127 : vector<16xi1>, vector<16xf32>
    %select_n3A_208 = arith.select %or3A_206, %add3A_27, %add3A_30 : vector<16xi1>, vector<16xi32>
    %gt3A_209 = arith.cmpf ogt, %get3A_129, %get3A_131 : vector<16xf32>
    %eq3A_210 = arith.cmpf oeq, %get3A_129, %get3A_131 : vector<16xf32>
    %lt3A_211 = arith.cmpi slt, %add3A_33, %add3A_36 : vector<16xi32>
    %and3A_212 = arith.andi %eq3A_210, %lt3A_211 : vector<16xi1>
    %or3A_213 = arith.ori %gt3A_209, %and3A_212 : vector<16xi1>
    %select_n3A_214 = arith.select %or3A_213, %get3A_129, %get3A_131 : vector<16xi1>, vector<16xf32>
    %select_n3A_215 = arith.select %or3A_213, %add3A_33, %add3A_36 : vector<16xi1>, vector<16xi32>
    %gt3A_216 = arith.cmpf ogt, %get3A_133, %get3A_135 : vector<16xf32>
    %eq3A_217 = arith.cmpf oeq, %get3A_133, %get3A_135 : vector<16xf32>
    %lt3A_218 = arith.cmpi slt, %add3A_39, %add3A_42 : vector<16xi32>
    %and3A_219 = arith.andi %eq3A_217, %lt3A_218 : vector<16xi1>
    %or3A_220 = arith.ori %gt3A_216, %and3A_219 : vector<16xi1>
    %select_n3A_221 = arith.select %or3A_220, %get3A_133, %get3A_135 : vector<16xi1>, vector<16xf32>
    %select_n3A_222 = arith.select %or3A_220, %add3A_39, %add3A_42 : vector<16xi1>, vector<16xi32>
    %gt3A_223 = arith.cmpf ogt, %get3A_137, %get3A_139 : vector<16xf32>
    %eq3A_224 = arith.cmpf oeq, %get3A_137, %get3A_139 : vector<16xf32>
    %lt3A_225 = arith.cmpi slt, %add3A_45, %add3A_48 : vector<16xi32>
    %and3A_226 = arith.andi %eq3A_224, %lt3A_225 : vector<16xi1>
    %or3A_227 = arith.ori %gt3A_223, %and3A_226 : vector<16xi1>
    %select_n3A_228 = arith.select %or3A_227, %get3A_137, %get3A_139 : vector<16xi1>, vector<16xf32>
    %select_n3A_229 = arith.select %or3A_227, %add3A_45, %add3A_48 : vector<16xi1>, vector<16xi32>
    %gt3A_230 = arith.cmpf ogt, %get3A_141, %get3A_143 : vector<16xf32>
    %eq3A_231 = arith.cmpf oeq, %get3A_141, %get3A_143 : vector<16xf32>
    %lt3A_232 = arith.cmpi slt, %add3A_51, %add3A_54 : vector<16xi32>
    %and3A_233 = arith.andi %eq3A_231, %lt3A_232 : vector<16xi1>
    %or3A_234 = arith.ori %gt3A_230, %and3A_233 : vector<16xi1>
    %select_n3A_235 = arith.select %or3A_234, %get3A_141, %get3A_143 : vector<16xi1>, vector<16xf32>
    %select_n3A_236 = arith.select %or3A_234, %add3A_51, %add3A_54 : vector<16xi1>, vector<16xi32>
    %gt3A_237 = arith.cmpf ogt, %get3A_145, %get3A_147 : vector<16xf32>
    %eq3A_238 = arith.cmpf oeq, %get3A_145, %get3A_147 : vector<16xf32>
    %lt3A_239 = arith.cmpi slt, %add3A_57, %add3A_60 : vector<16xi32>
    %and3A_240 = arith.andi %eq3A_238, %lt3A_239 : vector<16xi1>
    %or3A_241 = arith.ori %gt3A_237, %and3A_240 : vector<16xi1>
    %select_n3A_242 = arith.select %or3A_241, %get3A_145, %get3A_147 : vector<16xi1>, vector<16xf32>
    %select_n3A_243 = arith.select %or3A_241, %add3A_57, %add3A_60 : vector<16xi1>, vector<16xi32>
    %gt3A_244 = arith.cmpf ogt, %get3A_149, %get3A_151 : vector<16xf32>
    %eq3A_245 = arith.cmpf oeq, %get3A_149, %get3A_151 : vector<16xf32>
    %lt3A_246 = arith.cmpi slt, %add3A_63, %add3A_66 : vector<16xi32>
    %and3A_247 = arith.andi %eq3A_245, %lt3A_246 : vector<16xi1>
    %or3A_248 = arith.ori %gt3A_244, %and3A_247 : vector<16xi1>
    %select_n3A_249 = arith.select %or3A_248, %get3A_149, %get3A_151 : vector<16xi1>, vector<16xf32>
    %select_n3A_250 = arith.select %or3A_248, %add3A_63, %add3A_66 : vector<16xi1>, vector<16xi32>
    %gt3A_251 = arith.cmpf ogt, %get3A_153, %get3A_155 : vector<16xf32>
    %eq3A_252 = arith.cmpf oeq, %get3A_153, %get3A_155 : vector<16xf32>
    %lt3A_253 = arith.cmpi slt, %add3A_69, %add3A_72 : vector<16xi32>
    %and3A_254 = arith.andi %eq3A_252, %lt3A_253 : vector<16xi1>
    %or3A_255 = arith.ori %gt3A_251, %and3A_254 : vector<16xi1>
    %select_n3A_256 = arith.select %or3A_255, %get3A_153, %get3A_155 : vector<16xi1>, vector<16xf32>
    %select_n3A_257 = arith.select %or3A_255, %add3A_69, %add3A_72 : vector<16xi1>, vector<16xi32>
    %gt3A_258 = arith.cmpf ogt, %get3A_157, %get3A_159 : vector<16xf32>
    %eq3A_259 = arith.cmpf oeq, %get3A_157, %get3A_159 : vector<16xf32>
    %lt3A_260 = arith.cmpi slt, %add3A_75, %add3A_78 : vector<16xi32>
    %and3A_261 = arith.andi %eq3A_259, %lt3A_260 : vector<16xi1>
    %or3A_262 = arith.ori %gt3A_258, %and3A_261 : vector<16xi1>
    %select_n3A_263 = arith.select %or3A_262, %get3A_157, %get3A_159 : vector<16xi1>, vector<16xf32>
    %select_n3A_264 = arith.select %or3A_262, %add3A_75, %add3A_78 : vector<16xi1>, vector<16xi32>
    %gt3A_265 = arith.cmpf ogt, %get3A_161, %get3A_163 : vector<16xf32>
    %eq3A_266 = arith.cmpf oeq, %get3A_161, %get3A_163 : vector<16xf32>
    %lt3A_267 = arith.cmpi slt, %add3A_81, %add3A_84 : vector<16xi32>
    %and3A_268 = arith.andi %eq3A_266, %lt3A_267 : vector<16xi1>
    %or3A_269 = arith.ori %gt3A_265, %and3A_268 : vector<16xi1>
    %select_n3A_270 = arith.select %or3A_269, %get3A_161, %get3A_163 : vector<16xi1>, vector<16xf32>
    %select_n3A_271 = arith.select %or3A_269, %add3A_81, %add3A_84 : vector<16xi1>, vector<16xi32>
    %gt3A_272 = arith.cmpf ogt, %get3A_165, %get3A_167 : vector<16xf32>
    %eq3A_273 = arith.cmpf oeq, %get3A_165, %get3A_167 : vector<16xf32>
    %lt3A_274 = arith.cmpi slt, %add3A_87, %add3A_90 : vector<16xi32>
    %and3A_275 = arith.andi %eq3A_273, %lt3A_274 : vector<16xi1>
    %or3A_276 = arith.ori %gt3A_272, %and3A_275 : vector<16xi1>
    %select_n3A_277 = arith.select %or3A_276, %get3A_165, %get3A_167 : vector<16xi1>, vector<16xf32>
    %select_n3A_278 = arith.select %or3A_276, %add3A_87, %add3A_90 : vector<16xi1>, vector<16xi32>
    %gt3A_279 = arith.cmpf ogt, %get3A_169, %get3A_171 : vector<16xf32>
    %eq3A_280 = arith.cmpf oeq, %get3A_169, %get3A_171 : vector<16xf32>
    %lt3A_281 = arith.cmpi slt, %add3A_93, %add3A_96 : vector<16xi32>
    %and3A_282 = arith.andi %eq3A_280, %lt3A_281 : vector<16xi1>
    %or3A_283 = arith.ori %gt3A_279, %and3A_282 : vector<16xi1>
    %select_n3A_284 = arith.select %or3A_283, %get3A_169, %get3A_171 : vector<16xi1>, vector<16xf32>
    %select_n3A_285 = arith.select %or3A_283, %add3A_93, %add3A_96 : vector<16xi1>, vector<16xi32>
    %gt3A_286 = arith.cmpf ogt, %get3A_173, %get3A_175 : vector<16xf32>
    %eq3A_287 = arith.cmpf oeq, %get3A_173, %get3A_175 : vector<16xf32>
    %lt3A_288 = arith.cmpi slt, %add3A_99, %add3A_102 : vector<16xi32>
    %and3A_289 = arith.andi %eq3A_287, %lt3A_288 : vector<16xi1>
    %or3A_290 = arith.ori %gt3A_286, %and3A_289 : vector<16xi1>
    %select_n3A_291 = arith.select %or3A_290, %get3A_173, %get3A_175 : vector<16xi1>, vector<16xf32>
    %select_n3A_292 = arith.select %or3A_290, %add3A_99, %add3A_102 : vector<16xi1>, vector<16xi32>
    %gt3A_293 = arith.cmpf ogt, %get3A_177, %get3A_179 : vector<16xf32>
    %eq3A_294 = arith.cmpf oeq, %get3A_177, %get3A_179 : vector<16xf32>
    %lt3A_295 = arith.cmpi slt, %add3A_105, %add3A_108 : vector<16xi32>
    %and3A_296 = arith.andi %eq3A_294, %lt3A_295 : vector<16xi1>
    %or3A_297 = arith.ori %gt3A_293, %and3A_296 : vector<16xi1>
    %select_n3A_298 = arith.select %or3A_297, %get3A_177, %get3A_179 : vector<16xi1>, vector<16xf32>
    %select_n3A_299 = arith.select %or3A_297, %add3A_105, %add3A_108 : vector<16xi1>, vector<16xi32>
    %gt3A_300 = arith.cmpf ogt, %select_n3A, %select_n3A_186 : vector<16xf32>
    %eq3A_301 = arith.cmpf oeq, %select_n3A, %select_n3A_186 : vector<16xf32>
    %lt3A_302 = arith.cmpi slt, %select_n3A_180, %select_n3A_187 : vector<16xi32>
    %and3A_303 = arith.andi %eq3A_301, %lt3A_302 : vector<16xi1>
    %or3A_304 = arith.ori %gt3A_300, %and3A_303 : vector<16xi1>
    %select_n3A_305 = arith.select %or3A_304, %select_n3A, %select_n3A_186 : vector<16xi1>, vector<16xf32>
    %select_n3A_306 = arith.select %or3A_304, %select_n3A_180, %select_n3A_187 : vector<16xi1>, vector<16xi32>
    %gt3A_307 = arith.cmpf ogt, %select_n3A_193, %select_n3A_200 : vector<16xf32>
    %eq3A_308 = arith.cmpf oeq, %select_n3A_193, %select_n3A_200 : vector<16xf32>
    %lt3A_309 = arith.cmpi slt, %select_n3A_194, %select_n3A_201 : vector<16xi32>
    %and3A_310 = arith.andi %eq3A_308, %lt3A_309 : vector<16xi1>
    %or3A_311 = arith.ori %gt3A_307, %and3A_310 : vector<16xi1>
    %select_n3A_312 = arith.select %or3A_311, %select_n3A_193, %select_n3A_200 : vector<16xi1>, vector<16xf32>
    %select_n3A_313 = arith.select %or3A_311, %select_n3A_194, %select_n3A_201 : vector<16xi1>, vector<16xi32>
    %gt3A_314 = arith.cmpf ogt, %select_n3A_207, %select_n3A_214 : vector<16xf32>
    %eq3A_315 = arith.cmpf oeq, %select_n3A_207, %select_n3A_214 : vector<16xf32>
    %lt3A_316 = arith.cmpi slt, %select_n3A_208, %select_n3A_215 : vector<16xi32>
    %and3A_317 = arith.andi %eq3A_315, %lt3A_316 : vector<16xi1>
    %or3A_318 = arith.ori %gt3A_314, %and3A_317 : vector<16xi1>
    %select_n3A_319 = arith.select %or3A_318, %select_n3A_207, %select_n3A_214 : vector<16xi1>, vector<16xf32>
    %select_n3A_320 = arith.select %or3A_318, %select_n3A_208, %select_n3A_215 : vector<16xi1>, vector<16xi32>
    %gt3A_321 = arith.cmpf ogt, %select_n3A_221, %select_n3A_228 : vector<16xf32>
    %eq3A_322 = arith.cmpf oeq, %select_n3A_221, %select_n3A_228 : vector<16xf32>
    %lt3A_323 = arith.cmpi slt, %select_n3A_222, %select_n3A_229 : vector<16xi32>
    %and3A_324 = arith.andi %eq3A_322, %lt3A_323 : vector<16xi1>
    %or3A_325 = arith.ori %gt3A_321, %and3A_324 : vector<16xi1>
    %select_n3A_326 = arith.select %or3A_325, %select_n3A_221, %select_n3A_228 : vector<16xi1>, vector<16xf32>
    %select_n3A_327 = arith.select %or3A_325, %select_n3A_222, %select_n3A_229 : vector<16xi1>, vector<16xi32>
    %gt3A_328 = arith.cmpf ogt, %select_n3A_235, %select_n3A_242 : vector<16xf32>
    %eq3A_329 = arith.cmpf oeq, %select_n3A_235, %select_n3A_242 : vector<16xf32>
    %lt3A_330 = arith.cmpi slt, %select_n3A_236, %select_n3A_243 : vector<16xi32>
    %and3A_331 = arith.andi %eq3A_329, %lt3A_330 : vector<16xi1>
    %or3A_332 = arith.ori %gt3A_328, %and3A_331 : vector<16xi1>
    %select_n3A_333 = arith.select %or3A_332, %select_n3A_235, %select_n3A_242 : vector<16xi1>, vector<16xf32>
    %select_n3A_334 = arith.select %or3A_332, %select_n3A_236, %select_n3A_243 : vector<16xi1>, vector<16xi32>
    %gt3A_335 = arith.cmpf ogt, %select_n3A_249, %select_n3A_256 : vector<16xf32>
    %eq3A_336 = arith.cmpf oeq, %select_n3A_249, %select_n3A_256 : vector<16xf32>
    %lt3A_337 = arith.cmpi slt, %select_n3A_250, %select_n3A_257 : vector<16xi32>
    %and3A_338 = arith.andi %eq3A_336, %lt3A_337 : vector<16xi1>
    %or3A_339 = arith.ori %gt3A_335, %and3A_338 : vector<16xi1>
    %select_n3A_340 = arith.select %or3A_339, %select_n3A_249, %select_n3A_256 : vector<16xi1>, vector<16xf32>
    %select_n3A_341 = arith.select %or3A_339, %select_n3A_250, %select_n3A_257 : vector<16xi1>, vector<16xi32>
    %gt3A_342 = arith.cmpf ogt, %select_n3A_263, %select_n3A_270 : vector<16xf32>
    %eq3A_343 = arith.cmpf oeq, %select_n3A_263, %select_n3A_270 : vector<16xf32>
    %lt3A_344 = arith.cmpi slt, %select_n3A_264, %select_n3A_271 : vector<16xi32>
    %and3A_345 = arith.andi %eq3A_343, %lt3A_344 : vector<16xi1>
    %or3A_346 = arith.ori %gt3A_342, %and3A_345 : vector<16xi1>
    %select_n3A_347 = arith.select %or3A_346, %select_n3A_263, %select_n3A_270 : vector<16xi1>, vector<16xf32>
    %select_n3A_348 = arith.select %or3A_346, %select_n3A_264, %select_n3A_271 : vector<16xi1>, vector<16xi32>
    %gt3A_349 = arith.cmpf ogt, %select_n3A_277, %select_n3A_284 : vector<16xf32>
    %eq3A_350 = arith.cmpf oeq, %select_n3A_277, %select_n3A_284 : vector<16xf32>
    %lt3A_351 = arith.cmpi slt, %select_n3A_278, %select_n3A_285 : vector<16xi32>
    %and3A_352 = arith.andi %eq3A_350, %lt3A_351 : vector<16xi1>
    %or3A_353 = arith.ori %gt3A_349, %and3A_352 : vector<16xi1>
    %select_n3A_354 = arith.select %or3A_353, %select_n3A_277, %select_n3A_284 : vector<16xi1>, vector<16xf32>
    %select_n3A_355 = arith.select %or3A_353, %select_n3A_278, %select_n3A_285 : vector<16xi1>, vector<16xi32>
    %gt3A_356 = arith.cmpf ogt, %select_n3A_291, %select_n3A_298 : vector<16xf32>
    %eq3A_357 = arith.cmpf oeq, %select_n3A_291, %select_n3A_298 : vector<16xf32>
    %lt3A_358 = arith.cmpi slt, %select_n3A_292, %select_n3A_299 : vector<16xi32>
    %and3A_359 = arith.andi %eq3A_357, %lt3A_358 : vector<16xi1>
    %or3A_360 = arith.ori %gt3A_356, %and3A_359 : vector<16xi1>
    %select_n3A_361 = arith.select %or3A_360, %select_n3A_291, %select_n3A_298 : vector<16xi1>, vector<16xf32>
    %select_n3A_362 = arith.select %or3A_360, %select_n3A_292, %select_n3A_299 : vector<16xi1>, vector<16xi32>
    %gt3A_363 = arith.cmpf ogt, %select_n3A_305, %select_n3A_312 : vector<16xf32>
    %eq3A_364 = arith.cmpf oeq, %select_n3A_305, %select_n3A_312 : vector<16xf32>
    %lt3A_365 = arith.cmpi slt, %select_n3A_306, %select_n3A_313 : vector<16xi32>
    %and3A_366 = arith.andi %eq3A_364, %lt3A_365 : vector<16xi1>
    %or3A_367 = arith.ori %gt3A_363, %and3A_366 : vector<16xi1>
    %select_n3A_368 = arith.select %or3A_367, %select_n3A_305, %select_n3A_312 : vector<16xi1>, vector<16xf32>
    %select_n3A_369 = arith.select %or3A_367, %select_n3A_306, %select_n3A_313 : vector<16xi1>, vector<16xi32>
    %gt3A_370 = arith.cmpf ogt, %select_n3A_319, %select_n3A_326 : vector<16xf32>
    %eq3A_371 = arith.cmpf oeq, %select_n3A_319, %select_n3A_326 : vector<16xf32>
    %lt3A_372 = arith.cmpi slt, %select_n3A_320, %select_n3A_327 : vector<16xi32>
    %and3A_373 = arith.andi %eq3A_371, %lt3A_372 : vector<16xi1>
    %or3A_374 = arith.ori %gt3A_370, %and3A_373 : vector<16xi1>
    %select_n3A_375 = arith.select %or3A_374, %select_n3A_319, %select_n3A_326 : vector<16xi1>, vector<16xf32>
    %select_n3A_376 = arith.select %or3A_374, %select_n3A_320, %select_n3A_327 : vector<16xi1>, vector<16xi32>
    %gt3A_377 = arith.cmpf ogt, %select_n3A_333, %select_n3A_340 : vector<16xf32>
    %eq3A_378 = arith.cmpf oeq, %select_n3A_333, %select_n3A_340 : vector<16xf32>
    %lt3A_379 = arith.cmpi slt, %select_n3A_334, %select_n3A_341 : vector<16xi32>
    %and3A_380 = arith.andi %eq3A_378, %lt3A_379 : vector<16xi1>
    %or3A_381 = arith.ori %gt3A_377, %and3A_380 : vector<16xi1>
    %select_n3A_382 = arith.select %or3A_381, %select_n3A_333, %select_n3A_340 : vector<16xi1>, vector<16xf32>
    %select_n3A_383 = arith.select %or3A_381, %select_n3A_334, %select_n3A_341 : vector<16xi1>, vector<16xi32>
    %gt3A_384 = arith.cmpf ogt, %select_n3A_347, %select_n3A_354 : vector<16xf32>
    %eq3A_385 = arith.cmpf oeq, %select_n3A_347, %select_n3A_354 : vector<16xf32>
    %lt3A_386 = arith.cmpi slt, %select_n3A_348, %select_n3A_355 : vector<16xi32>
    %and3A_387 = arith.andi %eq3A_385, %lt3A_386 : vector<16xi1>
    %or3A_388 = arith.ori %gt3A_384, %and3A_387 : vector<16xi1>
    %select_n3A_389 = arith.select %or3A_388, %select_n3A_347, %select_n3A_354 : vector<16xi1>, vector<16xf32>
    %select_n3A_390 = arith.select %or3A_388, %select_n3A_348, %select_n3A_355 : vector<16xi1>, vector<16xi32>
    %gt3A_391 = arith.cmpf ogt, %select_n3A_368, %select_n3A_375 : vector<16xf32>
    %eq3A_392 = arith.cmpf oeq, %select_n3A_368, %select_n3A_375 : vector<16xf32>
    %lt3A_393 = arith.cmpi slt, %select_n3A_369, %select_n3A_376 : vector<16xi32>
    %and3A_394 = arith.andi %eq3A_392, %lt3A_393 : vector<16xi1>
    %or3A_395 = arith.ori %gt3A_391, %and3A_394 : vector<16xi1>
    %select_n3A_396 = arith.select %or3A_395, %select_n3A_368, %select_n3A_375 : vector<16xi1>, vector<16xf32>
    %select_n3A_397 = arith.select %or3A_395, %select_n3A_369, %select_n3A_376 : vector<16xi1>, vector<16xi32>
    %gt3A_398 = arith.cmpf ogt, %select_n3A_382, %select_n3A_389 : vector<16xf32>
    %eq3A_399 = arith.cmpf oeq, %select_n3A_382, %select_n3A_389 : vector<16xf32>
    %lt3A_400 = arith.cmpi slt, %select_n3A_383, %select_n3A_390 : vector<16xi32>
    %and3A_401 = arith.andi %eq3A_399, %lt3A_400 : vector<16xi1>
    %or3A_402 = arith.ori %gt3A_398, %and3A_401 : vector<16xi1>
    %select_n3A_403 = arith.select %or3A_402, %select_n3A_382, %select_n3A_389 : vector<16xi1>, vector<16xf32>
    %select_n3A_404 = arith.select %or3A_402, %select_n3A_383, %select_n3A_390 : vector<16xi1>, vector<16xi32>
    %gt3A_405 = arith.cmpf ogt, %select_n3A_396, %select_n3A_403 : vector<16xf32>
    %eq3A_406 = arith.cmpf oeq, %select_n3A_396, %select_n3A_403 : vector<16xf32>
    %lt3A_407 = arith.cmpi slt, %select_n3A_397, %select_n3A_404 : vector<16xi32>
    %and3A_408 = arith.andi %eq3A_406, %lt3A_407 : vector<16xi1>
    %or3A_409 = arith.ori %gt3A_405, %and3A_408 : vector<16xi1>
    %select_n3A_410 = arith.select %or3A_409, %select_n3A_396, %select_n3A_403 : vector<16xi1>, vector<16xf32>
    %select_n3A_411 = arith.select %or3A_409, %select_n3A_397, %select_n3A_404 : vector<16xi1>, vector<16xi32>
    %gt3A_412 = arith.cmpf ogt, %select_n3A_410, %select_n3A_361 : vector<16xf32>
    %eq3A_413 = arith.cmpf oeq, %select_n3A_410, %select_n3A_361 : vector<16xf32>
    %lt3A_414 = arith.cmpi slt, %select_n3A_411, %select_n3A_362 : vector<16xi32>
    %and3A_415 = arith.andi %eq3A_413, %lt3A_414 : vector<16xi1>
    %or3A_416 = arith.ori %gt3A_412, %and3A_415 : vector<16xi1>
    %select_n3A_417 = arith.select %or3A_416, %select_n3A_410, %select_n3A_361 : vector<16xi1>, vector<16xf32>
    %select_n3A_418 = arith.select %or3A_416, %select_n3A_411, %select_n3A_362 : vector<16xi1>, vector<16xi32>
    %swap3A = arith.constant 0 : index
    %swap3A_419 = tpu.vector_load %arg7[%swap3A] {strides = array<i32>} : memref<16xf32, #tpu.memory_space<vmem>>, vector<16xf32>,
    tpu.vector_store %arg7[%swap3A], %select_n3A_417 {strides = array<i32>} : memref<16xf32, #tpu.memory_space<vmem>>, vector<16xf32>,
    %swap3A_420 = arith.constant 0 : index
    %swap3A_421 = tpu.vector_load %arg8[%swap3A_420] {strides = array<i32>} : memref<16xi32, #tpu.memory_space<vmem>>, vector<16xi32>,
    tpu.vector_store %arg8[%swap3A_420], %select_n3A_418 {strides = array<i32>} : memref<16xi32, #tpu.memory_space<vmem>>, vector<16xi32>,
    %broadcast_in_dim3A = arith.constant 0 : i32
    %broadcast_in_dim3A_422 = vector.broadcast %broadcast_in_dim3A : i32 to vector<16xi32>
    %gather3A = tpu.vector_load_idx %arg7[%broadcast_in_dim3A_422] : memref<16xf32, #tpu.memory_space<vmem>>[vector<16xi32>], vector<16xf32>,
    %gather3A_423 = tpu.vector_load_idx %arg8[%broadcast_in_dim3A_422] : memref<16xi32, #tpu.memory_space<vmem>>[vector<16xi32>], vector<16xi32>,
    %broadcast_in_dim3A_424 = arith.constant 1 : i32
    %broadcast_in_dim3A_425 = vector.broadcast %broadcast_in_dim3A_424 : i32 to vector<16xi32>
    %gather3A_426 = tpu.vector_load_idx %arg7[%broadcast_in_dim3A_425] : memref<16xf32, #tpu.memory_space<vmem>>[vector<16xi32>], vector<16xf32>,
    %gather3A_427 = tpu.vector_load_idx %arg8[%broadcast_in_dim3A_425] : memref<16xi32, #tpu.memory_space<vmem>>[vector<16xi32>], vector<16xi32>,
    %broadcast_in_dim3A_428 = arith.constant 2 : i32
    %broadcast_in_dim3A_429 = vector.broadcast %broadcast_in_dim3A_428 : i32 to vector<16xi32>
    %gather3A_430 = tpu.vector_load_idx %arg7[%broadcast_in_dim3A_429] : memref<16xf32, #tpu.memory_space<vmem>>[vector<16xi32>], vector<16xf32>,
    %gather3A_431 = tpu.vector_load_idx %arg8[%broadcast_in_dim3A_429] : memref<16xi32, #tpu.memory_space<vmem>>[vector<16xi32>], vector<16xi32>,
    %broadcast_in_dim3A_432 = arith.constant 3 : i32
    %broadcast_in_dim3A_433 = vector.broadcast %broadcast_in_dim3A_432 : i32 to vector<16xi32>
    %gather3A_434 = tpu.vector_load_idx %arg7[%broadcast_in_dim3A_433] : memref<16xf32, #tpu.memory_space<vmem>>[vector<16xi32>], vector<16xf32>,
    %gather3A_435 = tpu.vector_load_idx %arg8[%broadcast_in_dim3A_433] : memref<16xi32, #tpu.memory_space<vmem>>[vector<16xi32>], vector<16xi32>,
    %broadcast_in_dim3A_436 = arith.constant 4 : i32
    %broadcast_in_dim3A_437 = vector.broadcast %broadcast_in_dim3A_436 : i32 to vector<16xi32>
    %gather3A_438 = tpu.vector_load_idx %arg7[%broadcast_in_dim3A_437] : memref<16xf32, #tpu.memory_space<vmem>>[vector<16xi32>], vector<16xf32>,
    %gather3A_439 = tpu.vector_load_idx %arg8[%broadcast_in_dim3A_437] : memref<16xi32, #tpu.memory_space<vmem>>[vector<16xi32>], vector<16xi32>,
    %broadcast_in_dim3A_440 = arith.constant 5 : i32
    %broadcast_in_dim3A_441 = vector.broadcast %broadcast_in_dim3A_440 : i32 to vector<16xi32>
    %gather3A_442 = tpu.vector_load_idx %arg7[%broadcast_in_dim3A_441] : memref<16xf32, #tpu.memory_space<vmem>>[vector<16xi32>], vector<16xf32>,
    %gather3A_443 = tpu.vector_load_idx %arg8[%broadcast_in_dim3A_441] : memref<16xi32, #tpu.memory_space<vmem>>[vector<16xi32>], vector<16xi32>,
    %broadcast_in_dim3A_444 = arith.constant 6 : i32
    %broadcast_in_dim3A_445 = vector.broadcast %broadcast_in_dim3A_444 : i32 to vector<16xi32>
    %gather3A_446 = tpu.vector_load_idx %arg7[%broadcast_in_dim3A_445] : memref<16xf32, #tpu.memory_space<vmem>>[vector<16xi32>], vector<16xf32>,
    %gather3A_447 = tpu.vector_load_idx %arg8[%broadcast_in_dim3A_445] : memref<16xi32, #tpu.memory_space<vmem>>[vector<16xi32>], vector<16xi32>,
    %broadcast_in_dim3A_448 = arith.constant 7 : i32
    %broadcast_in_dim3A_449 = vector.broadcast %broadcast_in_dim3A_448 : i32 to vector<16xi32>
    %gather3A_450 = tpu.vector_load_idx %arg7[%broadcast_in_dim3A_449] : memref<16xf32, #tpu.memory_space<vmem>>[vector<16xi32>], vector<16xf32>,
    %gather3A_451 = tpu.vector_load_idx %arg8[%broadcast_in_dim3A_449] : memref<16xi32, #tpu.memory_space<vmem>>[vector<16xi32>], vector<16xi32>,
    %broadcast_in_dim3A_452 = arith.constant 8 : i32
    %broadcast_in_dim3A_453 = vector.broadcast %broadcast_in_dim3A_452 : i32 to vector<16xi32>
    %gather3A_454 = tpu.vector_load_idx %arg7[%broadcast_in_dim3A_453] : memref<16xf32, #tpu.memory_space<vmem>>[vector<16xi32>], vector<16xf32>,
    %gather3A_455 = tpu.vector_load_idx %arg8[%broadcast_in_dim3A_453] : memref<16xi32, #tpu.memory_space<vmem>>[vector<16xi32>], vector<16xi32>,
    %broadcast_in_dim3A_456 = arith.constant 9 : i32
    %broadcast_in_dim3A_457 = vector.broadcast %broadcast_in_dim3A_456 : i32 to vector<16xi32>
    %gather3A_458 = tpu.vector_load_idx %arg7[%broadcast_in_dim3A_457] : memref<16xf32, #tpu.memory_space<vmem>>[vector<16xi32>], vector<16xf32>,
    %gather3A_459 = tpu.vector_load_idx %arg8[%broadcast_in_dim3A_457] : memref<16xi32, #tpu.memory_space<vmem>>[vector<16xi32>], vector<16xi32>,
    %broadcast_in_dim3A_460 = arith.constant 10 : i32
    %broadcast_in_dim3A_461 = vector.broadcast %broadcast_in_dim3A_460 : i32 to vector<16xi32>
    %gather3A_462 = tpu.vector_load_idx %arg7[%broadcast_in_dim3A_461] : memref<16xf32, #tpu.memory_space<vmem>>[vector<16xi32>], vector<16xf32>,
    %gather3A_463 = tpu.vector_load_idx %arg8[%broadcast_in_dim3A_461] : memref<16xi32, #tpu.memory_space<vmem>>[vector<16xi32>], vector<16xi32>,
    %broadcast_in_dim3A_464 = arith.constant 11 : i32
    %broadcast_in_dim3A_465 = vector.broadcast %broadcast_in_dim3A_464 : i32 to vector<16xi32>
    %gather3A_466 = tpu.vector_load_idx %arg7[%broadcast_in_dim3A_465] : memref<16xf32, #tpu.memory_space<vmem>>[vector<16xi32>], vector<16xf32>,
    %gather3A_467 = tpu.vector_load_idx %arg8[%broadcast_in_dim3A_465] : memref<16xi32, #tpu.memory_space<vmem>>[vector<16xi32>], vector<16xi32>,
    %broadcast_in_dim3A_468 = arith.constant 12 : i32
    %broadcast_in_dim3A_469 = vector.broadcast %broadcast_in_dim3A_468 : i32 to vector<16xi32>
    %gather3A_470 = tpu.vector_load_idx %arg7[%broadcast_in_dim3A_469] : memref<16xf32, #tpu.memory_space<vmem>>[vector<16xi32>], vector<16xf32>,
    %gather3A_471 = tpu.vector_load_idx %arg8[%broadcast_in_dim3A_469] : memref<16xi32, #tpu.memory_space<vmem>>[vector<16xi32>], vector<16xi32>,
    %broadcast_in_dim3A_472 = arith.constant 13 : i32
    %broadcast_in_dim3A_473 = vector.broadcast %broadcast_in_dim3A_472 : i32 to vector<16xi32>
    %gather3A_474 = tpu.vector_load_idx %arg7[%broadcast_in_dim3A_473] : memref<16xf32, #tpu.memory_space<vmem>>[vector<16xi32>], vector<16xf32>,
    %gather3A_475 = tpu.vector_load_idx %arg8[%broadcast_in_dim3A_473] : memref<16xi32, #tpu.memory_space<vmem>>[vector<16xi32>], vector<16xi32>,
    %broadcast_in_dim3A_476 = arith.constant 14 : i32
    %broadcast_in_dim3A_477 = vector.broadcast %broadcast_in_dim3A_476 : i32 to vector<16xi32>
    %gather3A_478 = tpu.vector_load_idx %arg7[%broadcast_in_dim3A_477] : memref<16xf32, #tpu.memory_space<vmem>>[vector<16xi32>], vector<16xf32>,
    %gather3A_479 = tpu.vector_load_idx %arg8[%broadcast_in_dim3A_477] : memref<16xi32, #tpu.memory_space<vmem>>[vector<16xi32>], vector<16xi32>,
    %broadcast_in_dim3A_480 = arith.constant 15 : i32
    %broadcast_in_dim3A_481 = vector.broadcast %broadcast_in_dim3A_480 : i32 to vector<16xi32>
    %gather3A_482 = tpu.vector_load_idx %arg7[%broadcast_in_dim3A_481] : memref<16xf32, #tpu.memory_space<vmem>>[vector<16xi32>], vector<16xf32>,
    %gather3A_483 = tpu.vector_load_idx %arg8[%broadcast_in_dim3A_481] : memref<16xi32, #tpu.memory_space<vmem>>[vector<16xi32>], vector<16xi32>,
    %gt3A_484 = arith.cmpf ogt, %gather3A, %gather3A_426 : vector<16xf32>
    %eq3A_485 = arith.cmpf oeq, %gather3A, %gather3A_426 : vector<16xf32>
    %lt3A_486 = arith.cmpi slt, %gather3A_423, %gather3A_427 : vector<16xi32>
    %and3A_487 = arith.andi %eq3A_485, %lt3A_486 : vector<16xi1>
    %or3A_488 = arith.ori %gt3A_484, %and3A_487 : vector<16xi1>
    %select_n3A_489 = arith.select %or3A_488, %gather3A, %gather3A_426 : vector<16xi1>, vector<16xf32>
    %select_n3A_490 = arith.select %or3A_488, %gather3A_423, %gather3A_427 : vector<16xi1>, vector<16xi32>
    %gt3A_491 = arith.cmpf ogt, %gather3A_430, %gather3A_434 : vector<16xf32>
    %eq3A_492 = arith.cmpf oeq, %gather3A_430, %gather3A_434 : vector<16xf32>
    %lt3A_493 = arith.cmpi slt, %gather3A_431, %gather3A_435 : vector<16xi32>
    %and3A_494 = arith.andi %eq3A_492, %lt3A_493 : vector<16xi1>
    %or3A_495 = arith.ori %gt3A_491, %and3A_494 : vector<16xi1>
    %select_n3A_496 = arith.select %or3A_495, %gather3A_430, %gather3A_434 : vector<16xi1>, vector<16xf32>
    %select_n3A_497 = arith.select %or3A_495, %gather3A_431, %gather3A_435 : vector<16xi1>, vector<16xi32>
    %gt3A_498 = arith.cmpf ogt, %gather3A_438, %gather3A_442 : vector<16xf32>
    %eq3A_499 = arith.cmpf oeq, %gather3A_438, %gather3A_442 : vector<16xf32>
    %lt3A_500 = arith.cmpi slt, %gather3A_439, %gather3A_443 : vector<16xi32>
    %and3A_501 = arith.andi %eq3A_499, %lt3A_500 : vector<16xi1>
    %or3A_502 = arith.ori %gt3A_498, %and3A_501 : vector<16xi1>
    %select_n3A_503 = arith.select %or3A_502, %gather3A_438, %gather3A_442 : vector<16xi1>, vector<16xf32>
    %select_n3A_504 = arith.select %or3A_502, %gather3A_439, %gather3A_443 : vector<16xi1>, vector<16xi32>
    %gt3A_505 = arith.cmpf ogt, %gather3A_446, %gather3A_450 : vector<16xf32>
    %eq3A_506 = arith.cmpf oeq, %gather3A_446, %gather3A_450 : vector<16xf32>
    %lt3A_507 = arith.cmpi slt, %gather3A_447, %gather3A_451 : vector<16xi32>
    %and3A_508 = arith.andi %eq3A_506, %lt3A_507 : vector<16xi1>
    %or3A_509 = arith.ori %gt3A_505, %and3A_508 : vector<16xi1>
    %select_n3A_510 = arith.select %or3A_509, %gather3A_446, %gather3A_450 : vector<16xi1>, vector<16xf32>
    %select_n3A_511 = arith.select %or3A_509, %gather3A_447, %gather3A_451 : vector<16xi1>, vector<16xi32>
    %gt3A_512 = arith.cmpf ogt, %gather3A_454, %gather3A_458 : vector<16xf32>
    %eq3A_513 = arith.cmpf oeq, %gather3A_454, %gather3A_458 : vector<16xf32>
    %lt3A_514 = arith.cmpi slt, %gather3A_455, %gather3A_459 : vector<16xi32>
    %and3A_515 = arith.andi %eq3A_513, %lt3A_514 : vector<16xi1>
    %or3A_516 = arith.ori %gt3A_512, %and3A_515 : vector<16xi1>
    %select_n3A_517 = arith.select %or3A_516, %gather3A_454, %gather3A_458 : vector<16xi1>, vector<16xf32>
    %select_n3A_518 = arith.select %or3A_516, %gather3A_455, %gather3A_459 : vector<16xi1>, vector<16xi32>
    %gt3A_519 = arith.cmpf ogt, %gather3A_462, %gather3A_466 : vector<16xf32>
    %eq3A_520 = arith.cmpf oeq, %gather3A_462, %gather3A_466 : vector<16xf32>
    %lt3A_521 = arith.cmpi slt, %gather3A_463, %gather3A_467 : vector<16xi32>
    %and3A_522 = arith.andi %eq3A_520, %lt3A_521 : vector<16xi1>
    %or3A_523 = arith.ori %gt3A_519, %and3A_522 : vector<16xi1>
    %select_n3A_524 = arith.select %or3A_523, %gather3A_462, %gather3A_466 : vector<16xi1>, vector<16xf32>
    %select_n3A_525 = arith.select %or3A_523, %gather3A_463, %gather3A_467 : vector<16xi1>, vector<16xi32>
    %gt3A_526 = arith.cmpf ogt, %gather3A_470, %gather3A_474 : vector<16xf32>
    %eq3A_527 = arith.cmpf oeq, %gather3A_470, %gather3A_474 : vector<16xf32>
    %lt3A_528 = arith.cmpi slt, %gather3A_471, %gather3A_475 : vector<16xi32>
    %and3A_529 = arith.andi %eq3A_527, %lt3A_528 : vector<16xi1>
    %or3A_530 = arith.ori %gt3A_526, %and3A_529 : vector<16xi1>
    %select_n3A_531 = arith.select %or3A_530, %gather3A_470, %gather3A_474 : vector<16xi1>, vector<16xf32>
    %select_n3A_532 = arith.select %or3A_530, %gather3A_471, %gather3A_475 : vector<16xi1>, vector<16xi32>
    %gt3A_533 = arith.cmpf ogt, %gather3A_478, %gather3A_482 : vector<16xf32>
    %eq3A_534 = arith.cmpf oeq, %gather3A_478, %gather3A_482 : vector<16xf32>
    %lt3A_535 = arith.cmpi slt, %gather3A_479, %gather3A_483 : vector<16xi32>
    %and3A_536 = arith.andi %eq3A_534, %lt3A_535 : vector<16xi1>
    %or3A_537 = arith.ori %gt3A_533, %and3A_536 : vector<16xi1>
    %select_n3A_538 = arith.select %or3A_537, %gather3A_478, %gather3A_482 : vector<16xi1>, vector<16xf32>
    %select_n3A_539 = arith.select %or3A_537, %gather3A_479, %gather3A_483 : vector<16xi1>, vector<16xi32>
    %gt3A_540 = arith.cmpf ogt, %select_n3A_489, %select_n3A_496 : vector<16xf32>
    %eq3A_541 = arith.cmpf oeq, %select_n3A_489, %select_n3A_496 : vector<16xf32>
    %lt3A_542 = arith.cmpi slt, %select_n3A_490, %select_n3A_497 : vector<16xi32>
    %and3A_543 = arith.andi %eq3A_541, %lt3A_542 : vector<16xi1>
    %or3A_544 = arith.ori %gt3A_540, %and3A_543 : vector<16xi1>
    %select_n3A_545 = arith.select %or3A_544, %select_n3A_489, %select_n3A_496 : vector<16xi1>, vector<16xf32>
    %select_n3A_546 = arith.select %or3A_544, %select_n3A_490, %select_n3A_497 : vector<16xi1>, vector<16xi32>
    %gt3A_547 = arith.cmpf ogt, %select_n3A_503, %select_n3A_510 : vector<16xf32>
    %eq3A_548 = arith.cmpf oeq, %select_n3A_503, %select_n3A_510 : vector<16xf32>
    %lt3A_549 = arith.cmpi slt, %select_n3A_504, %select_n3A_511 : vector<16xi32>
    %and3A_550 = arith.andi %eq3A_548, %lt3A_549 : vector<16xi1>
    %or3A_551 = arith.ori %gt3A_547, %and3A_550 : vector<16xi1>
    %select_n3A_552 = arith.select %or3A_551, %select_n3A_503, %select_n3A_510 : vector<16xi1>, vector<16xf32>
    %select_n3A_553 = arith.select %or3A_551, %select_n3A_504, %select_n3A_511 : vector<16xi1>, vector<16xi32>
    %gt3A_554 = arith.cmpf ogt, %select_n3A_517, %select_n3A_524 : vector<16xf32>
    %eq3A_555 = arith.cmpf oeq, %select_n3A_517, %select_n3A_524 : vector<16xf32>
    %lt3A_556 = arith.cmpi slt, %select_n3A_518, %select_n3A_525 : vector<16xi32>
    %and3A_557 = arith.andi %eq3A_555, %lt3A_556 : vector<16xi1>
    %or3A_558 = arith.ori %gt3A_554, %and3A_557 : vector<16xi1>
    %select_n3A_559 = arith.select %or3A_558, %select_n3A_517, %select_n3A_524 : vector<16xi1>, vector<16xf32>
    %select_n3A_560 = arith.select %or3A_558, %select_n3A_518, %select_n3A_525 : vector<16xi1>, vector<16xi32>
    %gt3A_561 = arith.cmpf ogt, %select_n3A_531, %select_n3A_538 : vector<16xf32>
    %eq3A_562 = arith.cmpf oeq, %select_n3A_531, %select_n3A_538 : vector<16xf32>
    %lt3A_563 = arith.cmpi slt, %select_n3A_532, %select_n3A_539 : vector<16xi32>
    %and3A_564 = arith.andi %eq3A_562, %lt3A_563 : vector<16xi1>
    %or3A_565 = arith.ori %gt3A_561, %and3A_564 : vector<16xi1>
    %select_n3A_566 = arith.select %or3A_565, %select_n3A_531, %select_n3A_538 : vector<16xi1>, vector<16xf32>
    %select_n3A_567 = arith.select %or3A_565, %select_n3A_532, %select_n3A_539 : vector<16xi1>, vector<16xi32>
    %gt3A_568 = arith.cmpf ogt, %select_n3A_545, %select_n3A_552 : vector<16xf32>
    %eq3A_569 = arith.cmpf oeq, %select_n3A_545, %select_n3A_552 : vector<16xf32>
    %lt3A_570 = arith.cmpi slt, %select_n3A_546, %select_n3A_553 : vector<16xi32>
    %and3A_571 = arith.andi %eq3A_569, %lt3A_570 : vector<16xi1>
    %or3A_572 = arith.ori %gt3A_568, %and3A_571 : vector<16xi1>
    %select_n3A_573 = arith.select %or3A_572, %select_n3A_545, %select_n3A_552 : vector<16xi1>, vector<16xf32>
    %select_n3A_574 = arith.select %or3A_572, %select_n3A_546, %select_n3A_553 : vector<16xi1>, vector<16xi32>
    %gt3A_575 = arith.cmpf ogt, %select_n3A_559, %select_n3A_566 : vector<16xf32>
    %eq3A_576 = arith.cmpf oeq, %select_n3A_559, %select_n3A_566 : vector<16xf32>
    %lt3A_577 = arith.cmpi slt, %select_n3A_560, %select_n3A_567 : vector<16xi32>
    %and3A_578 = arith.andi %eq3A_576, %lt3A_577 : vector<16xi1>
    %or3A_579 = arith.ori %gt3A_575, %and3A_578 : vector<16xi1>
    %select_n3A_580 = arith.select %or3A_579, %select_n3A_559, %select_n3A_566 : vector<16xi1>, vector<16xf32>
    %select_n3A_581 = arith.select %or3A_579, %select_n3A_560, %select_n3A_567 : vector<16xi1>, vector<16xi32>
    %gt3A_582 = arith.cmpf ogt, %select_n3A_573, %select_n3A_580 : vector<16xf32>
    %eq3A_583 = arith.cmpf oeq, %select_n3A_573, %select_n3A_580 : vector<16xf32>
    %lt3A_584 = arith.cmpi slt, %select_n3A_574, %select_n3A_581 : vector<16xi32>
    %and3A_585 = arith.andi %eq3A_583, %lt3A_584 : vector<16xi1>
    %or3A_586 = arith.ori %gt3A_582, %and3A_585 : vector<16xi1>
    %select_n3A_587 = arith.select %or3A_586, %select_n3A_573, %select_n3A_580 : vector<16xi1>, vector<16xf32>
    %select_n3A_588 = arith.select %or3A_586, %select_n3A_574, %select_n3A_581 : vector<16xi1>, vector<16xi32>
    %eq3A_589 = arith.cmpi eq, %add3A_3, %select_n3A_588 : vector<16xi32>
    %jit3A = arith.constant 0xFF800000 : f32
    %broadcast_in_dim3A_590 = vector.broadcast %jit3A : f32 to vector<16xf32>
    %select_n3A_591 = arith.select %eq3A_589, %broadcast_in_dim3A_590, %get3A_109 : vector<16xi1>, vector<16xf32>
    %eq3A_592 = arith.cmpi eq, %add3A_6, %select_n3A_588 : vector<16xi32>
    %jit3A_593 = arith.constant 0xFF800000 : f32
    %broadcast_in_dim3A_594 = vector.broadcast %jit3A_593 : f32 to vector<16xf32>
    %select_n3A_595 = arith.select %eq3A_592, %broadcast_in_dim3A_594, %get3A_111 : vector<16xi1>, vector<16xf32>
    %eq3A_596 = arith.cmpi eq, %add3A_9, %select_n3A_588 : vector<16xi32>
    %jit3A_597 = arith.constant 0xFF800000 : f32
    %broadcast_in_dim3A_598 = vector.broadcast %jit3A_597 : f32 to vector<16xf32>
    %select_n3A_599 = arith.select %eq3A_596, %broadcast_in_dim3A_598, %get3A_113 : vector<16xi1>, vector<16xf32>
    %eq3A_600 = arith.cmpi eq, %add3A_12, %select_n3A_588 : vector<16xi32>
    %jit3A_601 = arith.constant 0xFF800000 : f32
    %broadcast_in_dim3A_602 = vector.broadcast %jit3A_601 : f32 to vector<16xf32>
    %select_n3A_603 = arith.select %eq3A_600, %broadcast_in_dim3A_602, %get3A_115 : vector<16xi1>, vector<16xf32>
    %eq3A_604 = arith.cmpi eq, %add3A_15, %select_n3A_588 : vector<16xi32>
    %jit3A_605 = arith.constant 0xFF800000 : f32
    %broadcast_in_dim3A_606 = vector.broadcast %jit3A_605 : f32 to vector<16xf32>
    %select_n3A_607 = arith.select %eq3A_604, %broadcast_in_dim3A_606, %get3A_117 : vector<16xi1>, vector<16xf32>
    %eq3A_608 = arith.cmpi eq, %add3A_18, %select_n3A_588 : vector<16xi32>
    %jit3A_609 = arith.constant 0xFF800000 : f32
    %broadcast_in_dim3A_610 = vector.broadcast %jit3A_609 : f32 to vector<16xf32>
    %select_n3A_611 = arith.select %eq3A_608, %broadcast_in_dim3A_610, %get3A_119 : vector<16xi1>, vector<16xf32>
    %eq3A_612 = arith.cmpi eq, %add3A_21, %select_n3A_588 : vector<16xi32>
    %jit3A_613 = arith.constant 0xFF800000 : f32
    %broadcast_in_dim3A_614 = vector.broadcast %jit3A_613 : f32 to vector<16xf32>
    %select_n3A_615 = arith.select %eq3A_612, %broadcast_in_dim3A_614, %get3A_121 : vector<16xi1>, vector<16xf32>
    %eq3A_616 = arith.cmpi eq, %add3A_24, %select_n3A_588 : vector<16xi32>
    %jit3A_617 = arith.constant 0xFF800000 : f32
    %broadcast_in_dim3A_618 = vector.broadcast %jit3A_617 : f32 to vector<16xf32>
    %select_n3A_619 = arith.select %eq3A_616, %broadcast_in_dim3A_618, %get3A_123 : vector<16xi1>, vector<16xf32>
    %eq3A_620 = arith.cmpi eq, %add3A_27, %select_n3A_588 : vector<16xi32>
    %jit3A_621 = arith.constant 0xFF800000 : f32
    %broadcast_in_dim3A_622 = vector.broadcast %jit3A_621 : f32 to vector<16xf32>
    %select_n3A_623 = arith.select %eq3A_620, %broadcast_in_dim3A_622, %get3A_125 : vector<16xi1>, vector<16xf32>
    %eq3A_624 = arith.cmpi eq, %add3A_30, %select_n3A_588 : vector<16xi32>
    %jit3A_625 = arith.constant 0xFF800000 : f32
    %broadcast_in_dim3A_626 = vector.broadcast %jit3A_625 : f32 to vector<16xf32>
    %select_n3A_627 = arith.select %eq3A_624, %broadcast_in_dim3A_626, %get3A_127 : vector<16xi1>, vector<16xf32>
    %eq3A_628 = arith.cmpi eq, %add3A_33, %select_n3A_588 : vector<16xi32>
    %jit3A_629 = arith.constant 0xFF800000 : f32
    %broadcast_in_dim3A_630 = vector.broadcast %jit3A_629 : f32 to vector<16xf32>
    %select_n3A_631 = arith.select %eq3A_628, %broadcast_in_dim3A_630, %get3A_129 : vector<16xi1>, vector<16xf32>
    %eq3A_632 = arith.cmpi eq, %add3A_36, %select_n3A_588 : vector<16xi32>
    %jit3A_633 = arith.constant 0xFF800000 : f32
    %broadcast_in_dim3A_634 = vector.broadcast %jit3A_633 : f32 to vector<16xf32>
    %select_n3A_635 = arith.select %eq3A_632, %broadcast_in_dim3A_634, %get3A_131 : vector<16xi1>, vector<16xf32>
    %eq3A_636 = arith.cmpi eq, %add3A_39, %select_n3A_588 : vector<16xi32>
    %jit3A_637 = arith.constant 0xFF800000 : f32
    %broadcast_in_dim3A_638 = vector.broadcast %jit3A_637 : f32 to vector<16xf32>
    %select_n3A_639 = arith.select %eq3A_636, %broadcast_in_dim3A_638, %get3A_133 : vector<16xi1>, vector<16xf32>
    %eq3A_640 = arith.cmpi eq, %add3A_42, %select_n3A_588 : vector<16xi32>
    %jit3A_641 = arith.constant 0xFF800000 : f32
    %broadcast_in_dim3A_642 = vector.broadcast %jit3A_641 : f32 to vector<16xf32>
    %select_n3A_643 = arith.select %eq3A_640, %broadcast_in_dim3A_642, %get3A_135 : vector<16xi1>, vector<16xf32>
    %eq3A_644 = arith.cmpi eq, %add3A_45, %select_n3A_588 : vector<16xi32>
    %jit3A_645 = arith.constant 0xFF800000 : f32
    %broadcast_in_dim3A_646 = vector.broadcast %jit3A_645 : f32 to vector<16xf32>
    %select_n3A_647 = arith.select %eq3A_644, %broadcast_in_dim3A_646, %get3A_137 : vector<16xi1>, vector<16xf32>
    %eq3A_648 = arith.cmpi eq, %add3A_48, %select_n3A_588 : vector<16xi32>
    %jit3A_649 = arith.constant 0xFF800000 : f32
    %broadcast_in_dim3A_650 = vector.broadcast %jit3A_649 : f32 to vector<16xf32>
    %select_n3A_651 = arith.select %eq3A_648, %broadcast_in_dim3A_650, %get3A_139 : vector<16xi1>, vector<16xf32>
    %eq3A_652 = arith.cmpi eq, %add3A_51, %select_n3A_588 : vector<16xi32>
    %jit3A_653 = arith.constant 0xFF800000 : f32
    %broadcast_in_dim3A_654 = vector.broadcast %jit3A_653 : f32 to vector<16xf32>
    %select_n3A_655 = arith.select %eq3A_652, %broadcast_in_dim3A_654, %get3A_141 : vector<16xi1>, vector<16xf32>
    %eq3A_656 = arith.cmpi eq, %add3A_54, %select_n3A_588 : vector<16xi32>
    %jit3A_657 = arith.constant 0xFF800000 : f32
    %broadcast_in_dim3A_658 = vector.broadcast %jit3A_657 : f32 to vector<16xf32>
    %select_n3A_659 = arith.select %eq3A_656, %broadcast_in_dim3A_658, %get3A_143 : vector<16xi1>, vector<16xf32>
    %eq3A_660 = arith.cmpi eq, %add3A_57, %select_n3A_588 : vector<16xi32>
    %jit3A_661 = arith.constant 0xFF800000 : f32
    %broadcast_in_dim3A_662 = vector.broadcast %jit3A_661 : f32 to vector<16xf32>
    %select_n3A_663 = arith.select %eq3A_660, %broadcast_in_dim3A_662, %get3A_145 : vector<16xi1>, vector<16xf32>
    %eq3A_664 = arith.cmpi eq, %add3A_60, %select_n3A_588 : vector<16xi32>
    %jit3A_665 = arith.constant 0xFF800000 : f32
    %broadcast_in_dim3A_666 = vector.broadcast %jit3A_665 : f32 to vector<16xf32>
    %select_n3A_667 = arith.select %eq3A_664, %broadcast_in_dim3A_666, %get3A_147 : vector<16xi1>, vector<16xf32>
    %eq3A_668 = arith.cmpi eq, %add3A_63, %select_n3A_588 : vector<16xi32>
    %jit3A_669 = arith.constant 0xFF800000 : f32
    %broadcast_in_dim3A_670 = vector.broadcast %jit3A_669 : f32 to vector<16xf32>
    %select_n3A_671 = arith.select %eq3A_668, %broadcast_in_dim3A_670, %get3A_149 : vector<16xi1>, vector<16xf32>
    %eq3A_672 = arith.cmpi eq, %add3A_66, %select_n3A_588 : vector<16xi32>
    %jit3A_673 = arith.constant 0xFF800000 : f32
    %broadcast_in_dim3A_674 = vector.broadcast %jit3A_673 : f32 to vector<16xf32>
    %select_n3A_675 = arith.select %eq3A_672, %broadcast_in_dim3A_674, %get3A_151 : vector<16xi1>, vector<16xf32>
    %eq3A_676 = arith.cmpi eq, %add3A_69, %select_n3A_588 : vector<16xi32>
    %jit3A_677 = arith.constant 0xFF800000 : f32
    %broadcast_in_dim3A_678 = vector.broadcast %jit3A_677 : f32 to vector<16xf32>
    %select_n3A_679 = arith.select %eq3A_676, %broadcast_in_dim3A_678, %get3A_153 : vector<16xi1>, vector<16xf32>
    %eq3A_680 = arith.cmpi eq, %add3A_72, %select_n3A_588 : vector<16xi32>
    %jit3A_681 = arith.constant 0xFF800000 : f32
    %broadcast_in_dim3A_682 = vector.broadcast %jit3A_681 : f32 to vector<16xf32>
    %select_n3A_683 = arith.select %eq3A_680, %broadcast_in_dim3A_682, %get3A_155 : vector<16xi1>, vector<16xf32>
    %eq3A_684 = arith.cmpi eq, %add3A_75, %select_n3A_588 : vector<16xi32>
    %jit3A_685 = arith.constant 0xFF800000 : f32
    %broadcast_in_dim3A_686 = vector.broadcast %jit3A_685 : f32 to vector<16xf32>
    %select_n3A_687 = arith.select %eq3A_684, %broadcast_in_dim3A_686, %get3A_157 : vector<16xi1>, vector<16xf32>
    %eq3A_688 = arith.cmpi eq, %add3A_78, %select_n3A_588 : vector<16xi32>
    %jit3A_689 = arith.constant 0xFF800000 : f32
    %broadcast_in_dim3A_690 = vector.broadcast %jit3A_689 : f32 to vector<16xf32>
    %select_n3A_691 = arith.select %eq3A_688, %broadcast_in_dim3A_690, %get3A_159 : vector<16xi1>, vector<16xf32>
    %eq3A_692 = arith.cmpi eq, %add3A_81, %select_n3A_588 : vector<16xi32>
    %jit3A_693 = arith.constant 0xFF800000 : f32
    %broadcast_in_dim3A_694 = vector.broadcast %jit3A_693 : f32 to vector<16xf32>
    %select_n3A_695 = arith.select %eq3A_692, %broadcast_in_dim3A_694, %get3A_161 : vector<16xi1>, vector<16xf32>
    %eq3A_696 = arith.cmpi eq, %add3A_84, %select_n3A_588 : vector<16xi32>
    %jit3A_697 = arith.constant 0xFF800000 : f32
    %broadcast_in_dim3A_698 = vector.broadcast %jit3A_697 : f32 to vector<16xf32>
    %select_n3A_699 = arith.select %eq3A_696, %broadcast_in_dim3A_698, %get3A_163 : vector<16xi1>, vector<16xf32>
    %eq3A_700 = arith.cmpi eq, %add3A_87, %select_n3A_588 : vector<16xi32>
    %jit3A_701 = arith.constant 0xFF800000 : f32
    %broadcast_in_dim3A_702 = vector.broadcast %jit3A_701 : f32 to vector<16xf32>
    %select_n3A_703 = arith.select %eq3A_700, %broadcast_in_dim3A_702, %get3A_165 : vector<16xi1>, vector<16xf32>
    %eq3A_704 = arith.cmpi eq, %add3A_90, %select_n3A_588 : vector<16xi32>
    %jit3A_705 = arith.constant 0xFF800000 : f32
    %broadcast_in_dim3A_706 = vector.broadcast %jit3A_705 : f32 to vector<16xf32>
    %select_n3A_707 = arith.select %eq3A_704, %broadcast_in_dim3A_706, %get3A_167 : vector<16xi1>, vector<16xf32>
    %eq3A_708 = arith.cmpi eq, %add3A_93, %select_n3A_588 : vector<16xi32>
    %jit3A_709 = arith.constant 0xFF800000 : f32
    %broadcast_in_dim3A_710 = vector.broadcast %jit3A_709 : f32 to vector<16xf32>
    %select_n3A_711 = arith.select %eq3A_708, %broadcast_in_dim3A_710, %get3A_169 : vector<16xi1>, vector<16xf32>
    %eq3A_712 = arith.cmpi eq, %add3A_96, %select_n3A_588 : vector<16xi32>
    %jit3A_713 = arith.constant 0xFF800000 : f32
    %broadcast_in_dim3A_714 = vector.broadcast %jit3A_713 : f32 to vector<16xf32>
    %select_n3A_715 = arith.select %eq3A_712, %broadcast_in_dim3A_714, %get3A_171 : vector<16xi1>, vector<16xf32>
    %eq3A_716 = arith.cmpi eq, %add3A_99, %select_n3A_588 : vector<16xi32>
    %jit3A_717 = arith.constant 0xFF800000 : f32
    %broadcast_in_dim3A_718 = vector.broadcast %jit3A_717 : f32 to vector<16xf32>
    %select_n3A_719 = arith.select %eq3A_716, %broadcast_in_dim3A_718, %get3A_173 : vector<16xi1>, vector<16xf32>
    %eq3A_720 = arith.cmpi eq, %add3A_102, %select_n3A_588 : vector<16xi32>
    %jit3A_721 = arith.constant 0xFF800000 : f32
    %broadcast_in_dim3A_722 = vector.broadcast %jit3A_721 : f32 to vector<16xf32>
    %select_n3A_723 = arith.select %eq3A_720, %broadcast_in_dim3A_722, %get3A_175 : vector<16xi1>, vector<16xf32>
    %eq3A_724 = arith.cmpi eq, %add3A_105, %select_n3A_588 : vector<16xi32>
    %jit3A_725 = arith.constant 0xFF800000 : f32
    %broadcast_in_dim3A_726 = vector.broadcast %jit3A_725 : f32 to vector<16xf32>
    %select_n3A_727 = arith.select %eq3A_724, %broadcast_in_dim3A_726, %get3A_177 : vector<16xi1>, vector<16xf32>
    %eq3A_728 = arith.cmpi eq, %add3A_108, %select_n3A_588 : vector<16xi32>
    %jit3A_729 = arith.constant 0xFF800000 : f32
    %broadcast_in_dim3A_730 = vector.broadcast %jit3A_729 : f32 to vector<16xf32>
    %select_n3A_731 = arith.select %eq3A_728, %broadcast_in_dim3A_730, %get3A_179 : vector<16xi1>, vector<16xf32>
    %gt3A_732 = arith.cmpf ogt, %select_n3A_591, %select_n3A_595 : vector<16xf32>
    %eq3A_733 = arith.cmpf oeq, %select_n3A_591, %select_n3A_595 : vector<16xf32>
    %lt3A_734 = arith.cmpi slt, %add3A_3, %add3A_6 : vector<16xi32>
    %and3A_735 = arith.andi %eq3A_733, %lt3A_734 : vector<16xi1>
    %or3A_736 = arith.ori %gt3A_732, %and3A_735 : vector<16xi1>
    %select_n3A_737 = arith.select %or3A_736, %select_n3A_591, %select_n3A_595 : vector<16xi1>, vector<16xf32>
    %select_n3A_738 = arith.select %or3A_736, %add3A_3, %add3A_6 : vector<16xi1>, vector<16xi32>
    %gt3A_739 = arith.cmpf ogt, %select_n3A_599, %select_n3A_603 : vector<16xf32>
    %eq3A_740 = arith.cmpf oeq, %select_n3A_599, %select_n3A_603 : vector<16xf32>
    %lt3A_741 = arith.cmpi slt, %add3A_9, %add3A_12 : vector<16xi32>
    %and3A_742 = arith.andi %eq3A_740, %lt3A_741 : vector<16xi1>
    %or3A_743 = arith.ori %gt3A_739, %and3A_742 : vector<16xi1>
    %select_n3A_744 = arith.select %or3A_743, %select_n3A_599, %select_n3A_603 : vector<16xi1>, vector<16xf32>
    %select_n3A_745 = arith.select %or3A_743, %add3A_9, %add3A_12 : vector<16xi1>, vector<16xi32>
    %gt3A_746 = arith.cmpf ogt, %select_n3A_607, %select_n3A_611 : vector<16xf32>
    %eq3A_747 = arith.cmpf oeq, %select_n3A_607, %select_n3A_611 : vector<16xf32>
    %lt3A_748 = arith.cmpi slt, %add3A_15, %add3A_18 : vector<16xi32>
    %and3A_749 = arith.andi %eq3A_747, %lt3A_748 : vector<16xi1>
    %or3A_750 = arith.ori %gt3A_746, %and3A_749 : vector<16xi1>
    %select_n3A_751 = arith.select %or3A_750, %select_n3A_607, %select_n3A_611 : vector<16xi1>, vector<16xf32>
    %select_n3A_752 = arith.select %or3A_750, %add3A_15, %add3A_18 : vector<16xi1>, vector<16xi32>
    %gt3A_753 = arith.cmpf ogt, %select_n3A_615, %select_n3A_619 : vector<16xf32>
    %eq3A_754 = arith.cmpf oeq, %select_n3A_615, %select_n3A_619 : vector<16xf32>
    %lt3A_755 = arith.cmpi slt, %add3A_21, %add3A_24 : vector<16xi32>
    %and3A_756 = arith.andi %eq3A_754, %lt3A_755 : vector<16xi1>
    %or3A_757 = arith.ori %gt3A_753, %and3A_756 : vector<16xi1>
    %select_n3A_758 = arith.select %or3A_757, %select_n3A_615, %select_n3A_619 : vector<16xi1>, vector<16xf32>
    %select_n3A_759 = arith.select %or3A_757, %add3A_21, %add3A_24 : vector<16xi1>, vector<16xi32>
    %gt3A_760 = arith.cmpf ogt, %select_n3A_623, %select_n3A_627 : vector<16xf32>
    %eq3A_761 = arith.cmpf oeq, %select_n3A_623, %select_n3A_627 : vector<16xf32>
    %lt3A_762 = arith.cmpi slt, %add3A_27, %add3A_30 : vector<16xi32>
    %and3A_763 = arith.andi %eq3A_761, %lt3A_762 : vector<16xi1>
    %or3A_764 = arith.ori %gt3A_760, %and3A_763 : vector<16xi1>
    %select_n3A_765 = arith.select %or3A_764, %select_n3A_623, %select_n3A_627 : vector<16xi1>, vector<16xf32>
    %select_n3A_766 = arith.select %or3A_764, %add3A_27, %add3A_30 : vector<16xi1>, vector<16xi32>
    %gt3A_767 = arith.cmpf ogt, %select_n3A_631, %select_n3A_635 : vector<16xf32>
    %eq3A_768 = arith.cmpf oeq, %select_n3A_631, %select_n3A_635 : vector<16xf32>
    %lt3A_769 = arith.cmpi slt, %add3A_33, %add3A_36 : vector<16xi32>
    %and3A_770 = arith.andi %eq3A_768, %lt3A_769 : vector<16xi1>
    %or3A_771 = arith.ori %gt3A_767, %and3A_770 : vector<16xi1>
    %select_n3A_772 = arith.select %or3A_771, %select_n3A_631, %select_n3A_635 : vector<16xi1>, vector<16xf32>
    %select_n3A_773 = arith.select %or3A_771, %add3A_33, %add3A_36 : vector<16xi1>, vector<16xi32>
    %gt3A_774 = arith.cmpf ogt, %select_n3A_639, %select_n3A_643 : vector<16xf32>
    %eq3A_775 = arith.cmpf oeq, %select_n3A_639, %select_n3A_643 : vector<16xf32>
    %lt3A_776 = arith.cmpi slt, %add3A_39, %add3A_42 : vector<16xi32>
    %and3A_777 = arith.andi %eq3A_775, %lt3A_776 : vector<16xi1>
    %or3A_778 = arith.ori %gt3A_774, %and3A_777 : vector<16xi1>
    %select_n3A_779 = arith.select %or3A_778, %select_n3A_639, %select_n3A_643 : vector<16xi1>, vector<16xf32>
    %select_n3A_780 = arith.select %or3A_778, %add3A_39, %add3A_42 : vector<16xi1>, vector<16xi32>
    %gt3A_781 = arith.cmpf ogt, %select_n3A_647, %select_n3A_651 : vector<16xf32>
    %eq3A_782 = arith.cmpf oeq, %select_n3A_647, %select_n3A_651 : vector<16xf32>
    %lt3A_783 = arith.cmpi slt, %add3A_45, %add3A_48 : vector<16xi32>
    %and3A_784 = arith.andi %eq3A_782, %lt3A_783 : vector<16xi1>
    %or3A_785 = arith.ori %gt3A_781, %and3A_784 : vector<16xi1>
    %select_n3A_786 = arith.select %or3A_785, %select_n3A_647, %select_n3A_651 : vector<16xi1>, vector<16xf32>
    %select_n3A_787 = arith.select %or3A_785, %add3A_45, %add3A_48 : vector<16xi1>, vector<16xi32>
    %gt3A_788 = arith.cmpf ogt, %select_n3A_655, %select_n3A_659 : vector<16xf32>
    %eq3A_789 = arith.cmpf oeq, %select_n3A_655, %select_n3A_659 : vector<16xf32>
    %lt3A_790 = arith.cmpi slt, %add3A_51, %add3A_54 : vector<16xi32>
    %and3A_791 = arith.andi %eq3A_789, %lt3A_790 : vector<16xi1>
    %or3A_792 = arith.ori %gt3A_788, %and3A_791 : vector<16xi1>
    %select_n3A_793 = arith.select %or3A_792, %select_n3A_655, %select_n3A_659 : vector<16xi1>, vector<16xf32>
    %select_n3A_794 = arith.select %or3A_792, %add3A_51, %add3A_54 : vector<16xi1>, vector<16xi32>
    %gt3A_795 = arith.cmpf ogt, %select_n3A_663, %select_n3A_667 : vector<16xf32>
    %eq3A_796 = arith.cmpf oeq, %select_n3A_663, %select_n3A_667 : vector<16xf32>
    %lt3A_797 = arith.cmpi slt, %add3A_57, %add3A_60 : vector<16xi32>
    %and3A_798 = arith.andi %eq3A_796, %lt3A_797 : vector<16xi1>
    %or3A_799 = arith.ori %gt3A_795, %and3A_798 : vector<16xi1>
    %select_n3A_800 = arith.select %or3A_799, %select_n3A_663, %select_n3A_667 : vector<16xi1>, vector<16xf32>
    %select_n3A_801 = arith.select %or3A_799, %add3A_57, %add3A_60 : vector<16xi1>, vector<16xi32>
    %gt3A_802 = arith.cmpf ogt, %select_n3A_671, %select_n3A_675 : vector<16xf32>
    %eq3A_803 = arith.cmpf oeq, %select_n3A_671, %select_n3A_675 : vector<16xf32>
    %lt3A_804 = arith.cmpi slt, %add3A_63, %add3A_66 : vector<16xi32>
    %and3A_805 = arith.andi %eq3A_803, %lt3A_804 : vector<16xi1>
    %or3A_806 = arith.ori %gt3A_802, %and3A_805 : vector<16xi1>
    %select_n3A_807 = arith.select %or3A_806, %select_n3A_671, %select_n3A_675 : vector<16xi1>, vector<16xf32>
    %select_n3A_808 = arith.select %or3A_806, %add3A_63, %add3A_66 : vector<16xi1>, vector<16xi32>
    %gt3A_809 = arith.cmpf ogt, %select_n3A_679, %select_n3A_683 : vector<16xf32>
    %eq3A_810 = arith.cmpf oeq, %select_n3A_679, %select_n3A_683 : vector<16xf32>
    %lt3A_811 = arith.cmpi slt, %add3A_69, %add3A_72 : vector<16xi32>
    %and3A_812 = arith.andi %eq3A_810, %lt3A_811 : vector<16xi1>
    %or3A_813 = arith.ori %gt3A_809, %and3A_812 : vector<16xi1>
    %select_n3A_814 = arith.select %or3A_813, %select_n3A_679, %select_n3A_683 : vector<16xi1>, vector<16xf32>
    %select_n3A_815 = arith.select %or3A_813, %add3A_69, %add3A_72 : vector<16xi1>, vector<16xi32>
    %gt3A_816 = arith.cmpf ogt, %select_n3A_687, %select_n3A_691 : vector<16xf32>
    %eq3A_817 = arith.cmpf oeq, %select_n3A_687, %select_n3A_691 : vector<16xf32>
    %lt3A_818 = arith.cmpi slt, %add3A_75, %add3A_78 : vector<16xi32>
    %and3A_819 = arith.andi %eq3A_817, %lt3A_818 : vector<16xi1>
    %or3A_820 = arith.ori %gt3A_816, %and3A_819 : vector<16xi1>
    %select_n3A_821 = arith.select %or3A_820, %select_n3A_687, %select_n3A_691 : vector<16xi1>, vector<16xf32>
    %select_n3A_822 = arith.select %or3A_820, %add3A_75, %add3A_78 : vector<16xi1>, vector<16xi32>
    %gt3A_823 = arith.cmpf ogt, %select_n3A_695, %select_n3A_699 : vector<16xf32>
    %eq3A_824 = arith.cmpf oeq, %select_n3A_695, %select_n3A_699 : vector<16xf32>
    %lt3A_825 = arith.cmpi slt, %add3A_81, %add3A_84 : vector<16xi32>
    %and3A_826 = arith.andi %eq3A_824, %lt3A_825 : vector<16xi1>
    %or3A_827 = arith.ori %gt3A_823, %and3A_826 : vector<16xi1>
    %select_n3A_828 = arith.select %or3A_827, %select_n3A_695, %select_n3A_699 : vector<16xi1>, vector<16xf32>
    %select_n3A_829 = arith.select %or3A_827, %add3A_81, %add3A_84 : vector<16xi1>, vector<16xi32>
    %gt3A_830 = arith.cmpf ogt, %select_n3A_703, %select_n3A_707 : vector<16xf32>
    %eq3A_831 = arith.cmpf oeq, %select_n3A_703, %select_n3A_707 : vector<16xf32>
    %lt3A_832 = arith.cmpi slt, %add3A_87, %add3A_90 : vector<16xi32>
    %and3A_833 = arith.andi %eq3A_831, %lt3A_832 : vector<16xi1>
    %or3A_834 = arith.ori %gt3A_830, %and3A_833 : vector<16xi1>
    %select_n3A_835 = arith.select %or3A_834, %select_n3A_703, %select_n3A_707 : vector<16xi1>, vector<16xf32>
    %select_n3A_836 = arith.select %or3A_834, %add3A_87, %add3A_90 : vector<16xi1>, vector<16xi32>
    %gt3A_837 = arith.cmpf ogt, %select_n3A_711, %select_n3A_715 : vector<16xf32>
    %eq3A_838 = arith.cmpf oeq, %select_n3A_711, %select_n3A_715 : vector<16xf32>
    %lt3A_839 = arith.cmpi slt, %add3A_93, %add3A_96 : vector<16xi32>
    %and3A_840 = arith.andi %eq3A_838, %lt3A_839 : vector<16xi1>
    %or3A_841 = arith.ori %gt3A_837, %and3A_840 : vector<16xi1>
    %select_n3A_842 = arith.select %or3A_841, %select_n3A_711, %select_n3A_715 : vector<16xi1>, vector<16xf32>
    %select_n3A_843 = arith.select %or3A_841, %add3A_93, %add3A_96 : vector<16xi1>, vector<16xi32>
    %gt3A_844 = arith.cmpf ogt, %select_n3A_719, %select_n3A_723 : vector<16xf32>
    %eq3A_845 = arith.cmpf oeq, %select_n3A_719, %select_n3A_723 : vector<16xf32>
    %lt3A_846 = arith.cmpi slt, %add3A_99, %add3A_102 : vector<16xi32>
    %and3A_847 = arith.andi %eq3A_845, %lt3A_846 : vector<16xi1>
    %or3A_848 = arith.ori %gt3A_844, %and3A_847 : vector<16xi1>
    %select_n3A_849 = arith.select %or3A_848, %select_n3A_719, %select_n3A_723 : vector<16xi1>, vector<16xf32>
    %select_n3A_850 = arith.select %or3A_848, %add3A_99, %add3A_102 : vector<16xi1>, vector<16xi32>
    %gt3A_851 = arith.cmpf ogt, %select_n3A_727, %select_n3A_731 : vector<16xf32>
    %eq3A_852 = arith.cmpf oeq, %select_n3A_727, %select_n3A_731 : vector<16xf32>
    %lt3A_853 = arith.cmpi slt, %add3A_105, %add3A_108 : vector<16xi32>
    %and3A_854 = arith.andi %eq3A_852, %lt3A_853 : vector<16xi1>
    %or3A_855 = arith.ori %gt3A_851, %and3A_854 : vector<16xi1>
    %select_n3A_856 = arith.select %or3A_855, %select_n3A_727, %select_n3A_731 : vector<16xi1>, vector<16xf32>
    %select_n3A_857 = arith.select %or3A_855, %add3A_105, %add3A_108 : vector<16xi1>, vector<16xi32>
    %gt3A_858 = arith.cmpf ogt, %select_n3A_737, %select_n3A_744 : vector<16xf32>
    %eq3A_859 = arith.cmpf oeq, %select_n3A_737, %select_n3A_744 : vector<16xf32>
    %lt3A_860 = arith.cmpi slt, %select_n3A_738, %select_n3A_745 : vector<16xi32>
    %and3A_861 = arith.andi %eq3A_859, %lt3A_860 : vector<16xi1>
    %or3A_862 = arith.ori %gt3A_858, %and3A_861 : vector<16xi1>
    %select_n3A_863 = arith.select %or3A_862, %select_n3A_737, %select_n3A_744 : vector<16xi1>, vector<16xf32>
    %select_n3A_864 = arith.select %or3A_862, %select_n3A_738, %select_n3A_745 : vector<16xi1>, vector<16xi32>
    %gt3A_865 = arith.cmpf ogt, %select_n3A_751, %select_n3A_758 : vector<16xf32>
    %eq3A_866 = arith.cmpf oeq, %select_n3A_751, %select_n3A_758 : vector<16xf32>
    %lt3A_867 = arith.cmpi slt, %select_n3A_752, %select_n3A_759 : vector<16xi32>
    %and3A_868 = arith.andi %eq3A_866, %lt3A_867 : vector<16xi1>
    %or3A_869 = arith.ori %gt3A_865, %and3A_868 : vector<16xi1>
    %select_n3A_870 = arith.select %or3A_869, %select_n3A_751, %select_n3A_758 : vector<16xi1>, vector<16xf32>
    %select_n3A_871 = arith.select %or3A_869, %select_n3A_752, %select_n3A_759 : vector<16xi1>, vector<16xi32>
    %gt3A_872 = arith.cmpf ogt, %select_n3A_765, %select_n3A_772 : vector<16xf32>
    %eq3A_873 = arith.cmpf oeq, %select_n3A_765, %select_n3A_772 : vector<16xf32>
    %lt3A_874 = arith.cmpi slt, %select_n3A_766, %select_n3A_773 : vector<16xi32>
    %and3A_875 = arith.andi %eq3A_873, %lt3A_874 : vector<16xi1>
    %or3A_876 = arith.ori %gt3A_872, %and3A_875 : vector<16xi1>
    %select_n3A_877 = arith.select %or3A_876, %select_n3A_765, %select_n3A_772 : vector<16xi1>, vector<16xf32>
    %select_n3A_878 = arith.select %or3A_876, %select_n3A_766, %select_n3A_773 : vector<16xi1>, vector<16xi32>
    %gt3A_879 = arith.cmpf ogt, %select_n3A_779, %select_n3A_786 : vector<16xf32>
    %eq3A_880 = arith.cmpf oeq, %select_n3A_779, %select_n3A_786 : vector<16xf32>
    %lt3A_881 = arith.cmpi slt, %select_n3A_780, %select_n3A_787 : vector<16xi32>
    %and3A_882 = arith.andi %eq3A_880, %lt3A_881 : vector<16xi1>
    %or3A_883 = arith.ori %gt3A_879, %and3A_882 : vector<16xi1>
    %select_n3A_884 = arith.select %or3A_883, %select_n3A_779, %select_n3A_786 : vector<16xi1>, vector<16xf32>
    %select_n3A_885 = arith.select %or3A_883, %select_n3A_780, %select_n3A_787 : vector<16xi1>, vector<16xi32>
    %gt3A_886 = arith.cmpf ogt, %select_n3A_793, %select_n3A_800 : vector<16xf32>
    %eq3A_887 = arith.cmpf oeq, %select_n3A_793, %select_n3A_800 : vector<16xf32>
    %lt3A_888 = arith.cmpi slt, %select_n3A_794, %select_n3A_801 : vector<16xi32>
    %and3A_889 = arith.andi %eq3A_887, %lt3A_888 : vector<16xi1>
    %or3A_890 = arith.ori %gt3A_886, %and3A_889 : vector<16xi1>
    %select_n3A_891 = arith.select %or3A_890, %select_n3A_793, %select_n3A_800 : vector<16xi1>, vector<16xf32>
    %select_n3A_892 = arith.select %or3A_890, %select_n3A_794, %select_n3A_801 : vector<16xi1>, vector<16xi32>
    %gt3A_893 = arith.cmpf ogt, %select_n3A_807, %select_n3A_814 : vector<16xf32>
    %eq3A_894 = arith.cmpf oeq, %select_n3A_807, %select_n3A_814 : vector<16xf32>
    %lt3A_895 = arith.cmpi slt, %select_n3A_808, %select_n3A_815 : vector<16xi32>
    %and3A_896 = arith.andi %eq3A_894, %lt3A_895 : vector<16xi1>
    %or3A_897 = arith.ori %gt3A_893, %and3A_896 : vector<16xi1>
    %select_n3A_898 = arith.select %or3A_897, %select_n3A_807, %select_n3A_814 : vector<16xi1>, vector<16xf32>
    %select_n3A_899 = arith.select %or3A_897, %select_n3A_808, %select_n3A_815 : vector<16xi1>, vector<16xi32>
    %gt3A_900 = arith.cmpf ogt, %select_n3A_821, %select_n3A_828 : vector<16xf32>
    %eq3A_901 = arith.cmpf oeq, %select_n3A_821, %select_n3A_828 : vector<16xf32>
    %lt3A_902 = arith.cmpi slt, %select_n3A_822, %select_n3A_829 : vector<16xi32>
    %and3A_903 = arith.andi %eq3A_901, %lt3A_902 : vector<16xi1>
    %or3A_904 = arith.ori %gt3A_900, %and3A_903 : vector<16xi1>
    %select_n3A_905 = arith.select %or3A_904, %select_n3A_821, %select_n3A_828 : vector<16xi1>, vector<16xf32>
    %select_n3A_906 = arith.select %or3A_904, %select_n3A_822, %select_n3A_829 : vector<16xi1>, vector<16xi32>
    %gt3A_907 = arith.cmpf ogt, %select_n3A_835, %select_n3A_842 : vector<16xf32>
    %eq3A_908 = arith.cmpf oeq, %select_n3A_835, %select_n3A_842 : vector<16xf32>
    %lt3A_909 = arith.cmpi slt, %select_n3A_836, %select_n3A_843 : vector<16xi32>
    %and3A_910 = arith.andi %eq3A_908, %lt3A_909 : vector<16xi1>
    %or3A_911 = arith.ori %gt3A_907, %and3A_910 : vector<16xi1>
    %select_n3A_912 = arith.select %or3A_911, %select_n3A_835, %select_n3A_842 : vector<16xi1>, vector<16xf32>
    %select_n3A_913 = arith.select %or3A_911, %select_n3A_836, %select_n3A_843 : vector<16xi1>, vector<16xi32>
    %gt3A_914 = arith.cmpf ogt, %select_n3A_849, %select_n3A_856 : vector<16xf32>
    %eq3A_915 = arith.cmpf oeq, %select_n3A_849, %select_n3A_856 : vector<16xf32>
    %lt3A_916 = arith.cmpi slt, %select_n3A_850, %select_n3A_857 : vector<16xi32>
    %and3A_917 = arith.andi %eq3A_915, %lt3A_916 : vector<16xi1>
    %or3A_918 = arith.ori %gt3A_914, %and3A_917 : vector<16xi1>
    %select_n3A_919 = arith.select %or3A_918, %select_n3A_849, %select_n3A_856 : vector<16xi1>, vector<16xf32>
    %select_n3A_920 = arith.select %or3A_918, %select_n3A_850, %select_n3A_857 : vector<16xi1>, vector<16xi32>
    %gt3A_921 = arith.cmpf ogt, %select_n3A_863, %select_n3A_870 : vector<16xf32>
    %eq3A_922 = arith.cmpf oeq, %select_n3A_863, %select_n3A_870 : vector<16xf32>
    %lt3A_923 = arith.cmpi slt, %select_n3A_864, %select_n3A_871 : vector<16xi32>
    %and3A_924 = arith.andi %eq3A_922, %lt3A_923 : vector<16xi1>
    %or3A_925 = arith.ori %gt3A_921, %and3A_924 : vector<16xi1>
    %select_n3A_926 = arith.select %or3A_925, %select_n3A_863, %select_n3A_870 : vector<16xi1>, vector<16xf32>
    %select_n3A_927 = arith.select %or3A_925, %select_n3A_864, %select_n3A_871 : vector<16xi1>, vector<16xi32>
    %gt3A_928 = arith.cmpf ogt, %select_n3A_877, %select_n3A_884 : vector<16xf32>
    %eq3A_929 = arith.cmpf oeq, %select_n3A_877, %select_n3A_884 : vector<16xf32>
    %lt3A_930 = arith.cmpi slt, %select_n3A_878, %select_n3A_885 : vector<16xi32>
    %and3A_931 = arith.andi %eq3A_929, %lt3A_930 : vector<16xi1>
    %or3A_932 = arith.ori %gt3A_928, %and3A_931 : vector<16xi1>
    %select_n3A_933 = arith.select %or3A_932, %select_n3A_877, %select_n3A_884 : vector<16xi1>, vector<16xf32>
    %select_n3A_934 = arith.select %or3A_932, %select_n3A_878, %select_n3A_885 : vector<16xi1>, vector<16xi32>
    %gt3A_935 = arith.cmpf ogt, %select_n3A_891, %select_n3A_898 : vector<16xf32>
    %eq3A_936 = arith.cmpf oeq, %select_n3A_891, %select_n3A_898 : vector<16xf32>
    %lt3A_937 = arith.cmpi slt, %select_n3A_892, %select_n3A_899 : vector<16xi32>
    %and3A_938 = arith.andi %eq3A_936, %lt3A_937 : vector<16xi1>
    %or3A_939 = arith.ori %gt3A_935, %and3A_938 : vector<16xi1>
    %select_n3A_940 = arith.select %or3A_939, %select_n3A_891, %select_n3A_898 : vector<16xi1>, vector<16xf32>
    %select_n3A_941 = arith.select %or3A_939, %select_n3A_892, %select_n3A_899 : vector<16xi1>, vector<16xi32>
    %gt3A_942 = arith.cmpf ogt, %select_n3A_905, %select_n3A_912 : vector<16xf32>
    %eq3A_943 = arith.cmpf oeq, %select_n3A_905, %select_n3A_912 : vector<16xf32>
    %lt3A_944 = arith.cmpi slt, %select_n3A_906, %select_n3A_913 : vector<16xi32>
    %and3A_945 = arith.andi %eq3A_943, %lt3A_944 : vector<16xi1>
    %or3A_946 = arith.ori %gt3A_942, %and3A_945 : vector<16xi1>
    %select_n3A_947 = arith.select %or3A_946, %select_n3A_905, %select_n3A_912 : vector<16xi1>, vector<16xf32>
    %select_n3A_948 = arith.select %or3A_946, %select_n3A_906, %select_n3A_913 : vector<16xi1>, vector<16xi32>
    %gt3A_949 = arith.cmpf ogt, %select_n3A_926, %select_n3A_933 : vector<16xf32>
    %eq3A_950 = arith.cmpf oeq, %select_n3A_926, %select_n3A_933 : vector<16xf32>
    %lt3A_951 = arith.cmpi slt, %select_n3A_927, %select_n3A_934 : vector<16xi32>
    %and3A_952 = arith.andi %eq3A_950, %lt3A_951 : vector<16xi1>
    %or3A_953 = arith.ori %gt3A_949, %and3A_952 : vector<16xi1>
    %select_n3A_954 = arith.select %or3A_953, %select_n3A_926, %select_n3A_933 : vector<16xi1>, vector<16xf32>
    %select_n3A_955 = arith.select %or3A_953, %select_n3A_927, %select_n3A_934 : vector<16xi1>, vector<16xi32>
    %gt3A_956 = arith.cmpf ogt, %select_n3A_940, %select_n3A_947 : vector<16xf32>
    %eq3A_957 = arith.cmpf oeq, %select_n3A_940, %select_n3A_947 : vector<16xf32>
    %lt3A_958 = arith.cmpi slt, %select_n3A_941, %select_n3A_948 : vector<16xi32>
    %and3A_959 = arith.andi %eq3A_957, %lt3A_958 : vector<16xi1>
    %or3A_960 = arith.ori %gt3A_956, %and3A_959 : vector<16xi1>
    %select_n3A_961 = arith.select %or3A_960, %select_n3A_940, %select_n3A_947 : vector<16xi1>, vector<16xf32>
    %select_n3A_962 = arith.select %or3A_960, %select_n3A_941, %select_n3A_948 : vector<16xi1>, vector<16xi32>
    %gt3A_963 = arith.cmpf ogt, %select_n3A_954, %select_n3A_961 : vector<16xf32>
    %eq3A_964 = arith.cmpf oeq, %select_n3A_954, %select_n3A_961 : vector<16xf32>
    %lt3A_965 = arith.cmpi slt, %select_n3A_955, %select_n3A_962 : vector<16xi32>
    %and3A_966 = arith.andi %eq3A_964, %lt3A_965 : vector<16xi1>
    %or3A_967 = arith.ori %gt3A_963, %and3A_966 : vector<16xi1>
    %select_n3A_968 = arith.select %or3A_967, %select_n3A_954, %select_n3A_961 : vector<16xi1>, vector<16xf32>
    %select_n3A_969 = arith.select %or3A_967, %select_n3A_955, %select_n3A_962 : vector<16xi1>, vector<16xi32>
    %gt3A_970 = arith.cmpf ogt, %select_n3A_968, %select_n3A_919 : vector<16xf32>
    %eq3A_971 = arith.cmpf oeq, %select_n3A_968, %select_n3A_919 : vector<16xf32>
    %lt3A_972 = arith.cmpi slt, %select_n3A_969, %select_n3A_920 : vector<16xi32>
    %and3A_973 = arith.andi %eq3A_971, %lt3A_972 : vector<16xi1>
    %or3A_974 = arith.ori %gt3A_970, %and3A_973 : vector<16xi1>
    %select_n3A_975 = arith.select %or3A_974, %select_n3A_968, %select_n3A_919 : vector<16xi1>, vector<16xf32>
    %select_n3A_976 = arith.select %or3A_974, %select_n3A_969, %select_n3A_920 : vector<16xi1>, vector<16xi32>
    %swap3A_977 = arith.constant 0 : index
    %swap3A_978 = tpu.vector_load %arg7[%swap3A_977] {strides = array<i32>} : memref<16xf32, #tpu.memory_space<vmem>>, vector<16xf32>,
    tpu.vector_store %arg7[%swap3A_977], %select_n3A_975 {strides = array<i32>} : memref<16xf32, #tpu.memory_space<vmem>>, vector<16xf32>,
    %swap3A_979 = arith.constant 0 : index
    %swap3A_980 = tpu.vector_load %arg8[%swap3A_979] {strides = array<i32>} : memref<16xi32, #tpu.memory_space<vmem>>, vector<16xi32>,
    tpu.vector_store %arg8[%swap3A_979], %select_n3A_976 {strides = array<i32>} : memref<16xi32, #tpu.memory_space<vmem>>, vector<16xi32>,
    %broadcast_in_dim3A_981 = arith.constant 0 : i32
    %broadcast_in_dim3A_982 = vector.broadcast %broadcast_in_dim3A_981 : i32 to vector<16xi32>
    %gather3A_983 = tpu.vector_load_idx %arg7[%broadcast_in_dim3A_982] : memref<16xf32, #tpu.memory_space<vmem>>[vector<16xi32>], vector<16xf32>,
    %gather3A_984 = tpu.vector_load_idx %arg8[%broadcast_in_dim3A_982] : memref<16xi32, #tpu.memory_space<vmem>>[vector<16xi32>], vector<16xi32>,
    %broadcast_in_dim3A_985 = arith.constant 1 : i32
    %broadcast_in_dim3A_986 = vector.broadcast %broadcast_in_dim3A_985 : i32 to vector<16xi32>
    %gather3A_987 = tpu.vector_load_idx %arg7[%broadcast_in_dim3A_986] : memref<16xf32, #tpu.memory_space<vmem>>[vector<16xi32>], vector<16xf32>,
    %gather3A_988 = tpu.vector_load_idx %arg8[%broadcast_in_dim3A_986] : memref<16xi32, #tpu.memory_space<vmem>>[vector<16xi32>], vector<16xi32>,
    %broadcast_in_dim3A_989 = arith.constant 2 : i32
    %broadcast_in_dim3A_990 = vector.broadcast %broadcast_in_dim3A_989 : i32 to vector<16xi32>
    %gather3A_991 = tpu.vector_load_idx %arg7[%broadcast_in_dim3A_990] : memref<16xf32, #tpu.memory_space<vmem>>[vector<16xi32>], vector<16xf32>,
    %gather3A_992 = tpu.vector_load_idx %arg8[%broadcast_in_dim3A_990] : memref<16xi32, #tpu.memory_space<vmem>>[vector<16xi32>], vector<16xi32>,
    %broadcast_in_dim3A_993 = arith.constant 3 : i32
    %broadcast_in_dim3A_994 = vector.broadcast %broadcast_in_dim3A_993 : i32 to vector<16xi32>
    %gather3A_995 = tpu.vector_load_idx %arg7[%broadcast_in_dim3A_994] : memref<16xf32, #tpu.memory_space<vmem>>[vector<16xi32>], vector<16xf32>,
    %gather3A_996 = tpu.vector_load_idx %arg8[%broadcast_in_dim3A_994] : memref<16xi32, #tpu.memory_space<vmem>>[vector<16xi32>], vector<16xi32>,
    %broadcast_in_dim3A_997 = arith.constant 4 : i32
    %broadcast_in_dim3A_998 = vector.broadcast %broadcast_in_dim3A_997 : i32 to vector<16xi32>
    %gather3A_999 = tpu.vector_load_idx %arg7[%broadcast_in_dim3A_998] : memref<16xf32, #tpu.memory_space<vmem>>[vector<16xi32>], vector<16xf32>,
    %gather3A_1000 = tpu.vector_load_idx %arg8[%broadcast_in_dim3A_998] : memref<16xi32, #tpu.memory_space<vmem>>[vector<16xi32>], vector<16xi32>,
    %broadcast_in_dim3A_1001 = arith.constant 5 : i32
    %broadcast_in_dim3A_1002 = vector.broadcast %broadcast_in_dim3A_1001 : i32 to vector<16xi32>
    %gather3A_1003 = tpu.vector_load_idx %arg7[%broadcast_in_dim3A_1002] : memref<16xf32, #tpu.memory_space<vmem>>[vector<16xi32>], vector<16xf32>,
    %gather3A_1004 = tpu.vector_load_idx %arg8[%broadcast_in_dim3A_1002] : memref<16xi32, #tpu.memory_space<vmem>>[vector<16xi32>], vector<16xi32>,
    %broadcast_in_dim3A_1005 = arith.constant 6 : i32
    %broadcast_in_dim3A_1006 = vector.broadcast %broadcast_in_dim3A_1005 : i32 to vector<16xi32>
    %gather3A_1007 = tpu.vector_load_idx %arg7[%broadcast_in_dim3A_1006] : memref<16xf32, #tpu.memory_space<vmem>>[vector<16xi32>], vector<16xf32>,
    %gather3A_1008 = tpu.vector_load_idx %arg8[%broadcast_in_dim3A_1006] : memref<16xi32, #tpu.memory_space<vmem>>[vector<16xi32>], vector<16xi32>,
    %broadcast_in_dim3A_1009 = arith.constant 7 : i32
    %broadcast_in_dim3A_1010 = vector.broadcast %broadcast_in_dim3A_1009 : i32 to vector<16xi32>
    %gather3A_1011 = tpu.vector_load_idx %arg7[%broadcast_in_dim3A_1010] : memref<16xf32, #tpu.memory_space<vmem>>[vector<16xi32>], vector<16xf32>,
    %gather3A_1012 = tpu.vector_load_idx %arg8[%broadcast_in_dim3A_1010] : memref<16xi32, #tpu.memory_space<vmem>>[vector<16xi32>], vector<16xi32>,
    %broadcast_in_dim3A_1013 = arith.constant 8 : i32
    %broadcast_in_dim3A_1014 = vector.broadcast %broadcast_in_dim3A_1013 : i32 to vector<16xi32>
    %gather3A_1015 = tpu.vector_load_idx %arg7[%broadcast_in_dim3A_1014] : memref<16xf32, #tpu.memory_space<vmem>>[vector<16xi32>], vector<16xf32>,
    %gather3A_1016 = tpu.vector_load_idx %arg8[%broadcast_in_dim3A_1014] : memref<16xi32, #tpu.memory_space<vmem>>[vector<16xi32>], vector<16xi32>,
    %broadcast_in_dim3A_1017 = arith.constant 9 : i32
    %broadcast_in_dim3A_1018 = vector.broadcast %broadcast_in_dim3A_1017 : i32 to vector<16xi32>
    %gather3A_1019 = tpu.vector_load_idx %arg7[%broadcast_in_dim3A_1018] : memref<16xf32, #tpu.memory_space<vmem>>[vector<16xi32>], vector<16xf32>,
    %gather3A_1020 = tpu.vector_load_idx %arg8[%broadcast_in_dim3A_1018] : memref<16xi32, #tpu.memory_space<vmem>>[vector<16xi32>], vector<16xi32>,
    %broadcast_in_dim3A_1021 = arith.constant 10 : i32
    %broadcast_in_dim3A_1022 = vector.broadcast %broadcast_in_dim3A_1021 : i32 to vector<16xi32>
    %gather3A_1023 = tpu.vector_load_idx %arg7[%broadcast_in_dim3A_1022] : memref<16xf32, #tpu.memory_space<vmem>>[vector<16xi32>], vector<16xf32>,
    %gather3A_1024 = tpu.vector_load_idx %arg8[%broadcast_in_dim3A_1022] : memref<16xi32, #tpu.memory_space<vmem>>[vector<16xi32>], vector<16xi32>,
    %broadcast_in_dim3A_1025 = arith.constant 11 : i32
    %broadcast_in_dim3A_1026 = vector.broadcast %broadcast_in_dim3A_1025 : i32 to vector<16xi32>
    %gather3A_1027 = tpu.vector_load_idx %arg7[%broadcast_in_dim3A_1026] : memref<16xf32, #tpu.memory_space<vmem>>[vector<16xi32>], vector<16xf32>,
    %gather3A_1028 = tpu.vector_load_idx %arg8[%broadcast_in_dim3A_1026] : memref<16xi32, #tpu.memory_space<vmem>>[vector<16xi32>], vector<16xi32>,
    %broadcast_in_dim3A_1029 = arith.constant 12 : i32
    %broadcast_in_dim3A_1030 = vector.broadcast %broadcast_in_dim3A_1029 : i32 to vector<16xi32>
    %gather3A_1031 = tpu.vector_load_idx %arg7[%broadcast_in_dim3A_1030] : memref<16xf32, #tpu.memory_space<vmem>>[vector<16xi32>], vector<16xf32>,
    %gather3A_1032 = tpu.vector_load_idx %arg8[%broadcast_in_dim3A_1030] : memref<16xi32, #tpu.memory_space<vmem>>[vector<16xi32>], vector<16xi32>,
    %broadcast_in_dim3A_1033 = arith.constant 13 : i32
    %broadcast_in_dim3A_1034 = vector.broadcast %broadcast_in_dim3A_1033 : i32 to vector<16xi32>
    %gather3A_1035 = tpu.vector_load_idx %arg7[%broadcast_in_dim3A_1034] : memref<16xf32, #tpu.memory_space<vmem>>[vector<16xi32>], vector<16xf32>,
    %gather3A_1036 = tpu.vector_load_idx %arg8[%broadcast_in_dim3A_1034] : memref<16xi32, #tpu.memory_space<vmem>>[vector<16xi32>], vector<16xi32>,
    %broadcast_in_dim3A_1037 = arith.constant 14 : i32
    %broadcast_in_dim3A_1038 = vector.broadcast %broadcast_in_dim3A_1037 : i32 to vector<16xi32>
    %gather3A_1039 = tpu.vector_load_idx %arg7[%broadcast_in_dim3A_1038] : memref<16xf32, #tpu.memory_space<vmem>>[vector<16xi32>], vector<16xf32>,
    %gather3A_1040 = tpu.vector_load_idx %arg8[%broadcast_in_dim3A_1038] : memref<16xi32, #tpu.memory_space<vmem>>[vector<16xi32>], vector<16xi32>,
    %broadcast_in_dim3A_1041 = arith.constant 15 : i32
    %broadcast_in_dim3A_1042 = vector.broadcast %broadcast_in_dim3A_1041 : i32 to vector<16xi32>
    %gather3A_1043 = tpu.vector_load_idx %arg7[%broadcast_in_dim3A_1042] : memref<16xf32, #tpu.memory_space<vmem>>[vector<16xi32>], vector<16xf32>,
    %gather3A_1044 = tpu.vector_load_idx %arg8[%broadcast_in_dim3A_1042] : memref<16xi32, #tpu.memory_space<vmem>>[vector<16xi32>], vector<16xi32>,
    %gt3A_1045 = arith.cmpf ogt, %gather3A_983, %gather3A_987 : vector<16xf32>
    %eq3A_1046 = arith.cmpf oeq, %gather3A_983, %gather3A_987 : vector<16xf32>
    %lt3A_1047 = arith.cmpi slt, %gather3A_984, %gather3A_988 : vector<16xi32>
    %and3A_1048 = arith.andi %eq3A_1046, %lt3A_1047 : vector<16xi1>
    %or3A_1049 = arith.ori %gt3A_1045, %and3A_1048 : vector<16xi1>
    %select_n3A_1050 = arith.select %or3A_1049, %gather3A_983, %gather3A_987 : vector<16xi1>, vector<16xf32>
    %select_n3A_1051 = arith.select %or3A_1049, %gather3A_984, %gather3A_988 : vector<16xi1>, vector<16xi32>
    %gt3A_1052 = arith.cmpf ogt, %gather3A_991, %gather3A_995 : vector<16xf32>
    %eq3A_1053 = arith.cmpf oeq, %gather3A_991, %gather3A_995 : vector<16xf32>
    %lt3A_1054 = arith.cmpi slt, %gather3A_992, %gather3A_996 : vector<16xi32>
    %and3A_1055 = arith.andi %eq3A_1053, %lt3A_1054 : vector<16xi1>
    %or3A_1056 = arith.ori %gt3A_1052, %and3A_1055 : vector<16xi1>
    %select_n3A_1057 = arith.select %or3A_1056, %gather3A_991, %gather3A_995 : vector<16xi1>, vector<16xf32>
    %select_n3A_1058 = arith.select %or3A_1056, %gather3A_992, %gather3A_996 : vector<16xi1>, vector<16xi32>
    %gt3A_1059 = arith.cmpf ogt, %gather3A_999, %gather3A_1003 : vector<16xf32>
    %eq3A_1060 = arith.cmpf oeq, %gather3A_999, %gather3A_1003 : vector<16xf32>
    %lt3A_1061 = arith.cmpi slt, %gather3A_1000, %gather3A_1004 : vector<16xi32>
    %and3A_1062 = arith.andi %eq3A_1060, %lt3A_1061 : vector<16xi1>
    %or3A_1063 = arith.ori %gt3A_1059, %and3A_1062 : vector<16xi1>
    %select_n3A_1064 = arith.select %or3A_1063, %gather3A_999, %gather3A_1003 : vector<16xi1>, vector<16xf32>
    %select_n3A_1065 = arith.select %or3A_1063, %gather3A_1000, %gather3A_1004 : vector<16xi1>, vector<16xi32>
    %gt3A_1066 = arith.cmpf ogt, %gather3A_1007, %gather3A_1011 : vector<16xf32>
    %eq3A_1067 = arith.cmpf oeq, %gather3A_1007, %gather3A_1011 : vector<16xf32>
    %lt3A_1068 = arith.cmpi slt, %gather3A_1008, %gather3A_1012 : vector<16xi32>
    %and3A_1069 = arith.andi %eq3A_1067, %lt3A_1068 : vector<16xi1>
    %or3A_1070 = arith.ori %gt3A_1066, %and3A_1069 : vector<16xi1>
    %select_n3A_1071 = arith.select %or3A_1070, %gather3A_1007, %gather3A_1011 : vector<16xi1>, vector<16xf32>
    %select_n3A_1072 = arith.select %or3A_1070, %gather3A_1008, %gather3A_1012 : vector<16xi1>, vector<16xi32>
    %gt3A_1073 = arith.cmpf ogt, %gather3A_1015, %gather3A_1019 : vector<16xf32>
    %eq3A_1074 = arith.cmpf oeq, %gather3A_1015, %gather3A_1019 : vector<16xf32>
    %lt3A_1075 = arith.cmpi slt, %gather3A_1016, %gather3A_1020 : vector<16xi32>
    %and3A_1076 = arith.andi %eq3A_1074, %lt3A_1075 : vector<16xi1>
    %or3A_1077 = arith.ori %gt3A_1073, %and3A_1076 : vector<16xi1>
    %select_n3A_1078 = arith.select %or3A_1077, %gather3A_1015, %gather3A_1019 : vector<16xi1>, vector<16xf32>
    %select_n3A_1079 = arith.select %or3A_1077, %gather3A_1016, %gather3A_1020 : vector<16xi1>, vector<16xi32>
    %gt3A_1080 = arith.cmpf ogt, %gather3A_1023, %gather3A_1027 : vector<16xf32>
    %eq3A_1081 = arith.cmpf oeq, %gather3A_1023, %gather3A_1027 : vector<16xf32>
    %lt3A_1082 = arith.cmpi slt, %gather3A_1024, %gather3A_1028 : vector<16xi32>
    %and3A_1083 = arith.andi %eq3A_1081, %lt3A_1082 : vector<16xi1>
    %or3A_1084 = arith.ori %gt3A_1080, %and3A_1083 : vector<16xi1>
    %select_n3A_1085 = arith.select %or3A_1084, %gather3A_1023, %gather3A_1027 : vector<16xi1>, vector<16xf32>
    %select_n3A_1086 = arith.select %or3A_1084, %gather3A_1024, %gather3A_1028 : vector<16xi1>, vector<16xi32>
    %gt3A_1087 = arith.cmpf ogt, %gather3A_1031, %gather3A_1035 : vector<16xf32>
    %eq3A_1088 = arith.cmpf oeq, %gather3A_1031, %gather3A_1035 : vector<16xf32>
    %lt3A_1089 = arith.cmpi slt, %gather3A_1032, %gather3A_1036 : vector<16xi32>
    %and3A_1090 = arith.andi %eq3A_1088, %lt3A_1089 : vector<16xi1>
    %or3A_1091 = arith.ori %gt3A_1087, %and3A_1090 : vector<16xi1>
    %select_n3A_1092 = arith.select %or3A_1091, %gather3A_1031, %gather3A_1035 : vector<16xi1>, vector<16xf32>
    %select_n3A_1093 = arith.select %or3A_1091, %gather3A_1032, %gather3A_1036 : vector<16xi1>, vector<16xi32>
    %gt3A_1094 = arith.cmpf ogt, %gather3A_1039, %gather3A_1043 : vector<16xf32>
    %eq3A_1095 = arith.cmpf oeq, %gather3A_1039, %gather3A_1043 : vector<16xf32>
    %lt3A_1096 = arith.cmpi slt, %gather3A_1040, %gather3A_1044 : vector<16xi32>
    %and3A_1097 = arith.andi %eq3A_1095, %lt3A_1096 : vector<16xi1>
    %or3A_1098 = arith.ori %gt3A_1094, %and3A_1097 : vector<16xi1>
    %select_n3A_1099 = arith.select %or3A_1098, %gather3A_1039, %gather3A_1043 : vector<16xi1>, vector<16xf32>
    %select_n3A_1100 = arith.select %or3A_1098, %gather3A_1040, %gather3A_1044 : vector<16xi1>, vector<16xi32>
    %gt3A_1101 = arith.cmpf ogt, %select_n3A_1050, %select_n3A_1057 : vector<16xf32>
    %eq3A_1102 = arith.cmpf oeq, %select_n3A_1050, %select_n3A_1057 : vector<16xf32>
    %lt3A_1103 = arith.cmpi slt, %select_n3A_1051, %select_n3A_1058 : vector<16xi32>
    %and3A_1104 = arith.andi %eq3A_1102, %lt3A_1103 : vector<16xi1>
    %or3A_1105 = arith.ori %gt3A_1101, %and3A_1104 : vector<16xi1>
    %select_n3A_1106 = arith.select %or3A_1105, %select_n3A_1050, %select_n3A_1057 : vector<16xi1>, vector<16xf32>
    %select_n3A_1107 = arith.select %or3A_1105, %select_n3A_1051, %select_n3A_1058 : vector<16xi1>, vector<16xi32>
    %gt3A_1108 = arith.cmpf ogt, %select_n3A_1064, %select_n3A_1071 : vector<16xf32>
    %eq3A_1109 = arith.cmpf oeq, %select_n3A_1064, %select_n3A_1071 : vector<16xf32>
    %lt3A_1110 = arith.cmpi slt, %select_n3A_1065, %select_n3A_1072 : vector<16xi32>
    %and3A_1111 = arith.andi %eq3A_1109, %lt3A_1110 : vector<16xi1>
    %or3A_1112 = arith.ori %gt3A_1108, %and3A_1111 : vector<16xi1>
    %select_n3A_1113 = arith.select %or3A_1112, %select_n3A_1064, %select_n3A_1071 : vector<16xi1>, vector<16xf32>
    %select_n3A_1114 = arith.select %or3A_1112, %select_n3A_1065, %select_n3A_1072 : vector<16xi1>, vector<16xi32>
    %gt3A_1115 = arith.cmpf ogt, %select_n3A_1078, %select_n3A_1085 : vector<16xf32>
    %eq3A_1116 = arith.cmpf oeq, %select_n3A_1078, %select_n3A_1085 : vector<16xf32>
    %lt3A_1117 = arith.cmpi slt, %select_n3A_1079, %select_n3A_1086 : vector<16xi32>
    %and3A_1118 = arith.andi %eq3A_1116, %lt3A_1117 : vector<16xi1>
    %or3A_1119 = arith.ori %gt3A_1115, %and3A_1118 : vector<16xi1>
    %select_n3A_1120 = arith.select %or3A_1119, %select_n3A_1078, %select_n3A_1085 : vector<16xi1>, vector<16xf32>
    %select_n3A_1121 = arith.select %or3A_1119, %select_n3A_1079, %select_n3A_1086 : vector<16xi1>, vector<16xi32>
    %gt3A_1122 = arith.cmpf ogt, %select_n3A_1092, %select_n3A_1099 : vector<16xf32>
    %eq3A_1123 = arith.cmpf oeq, %select_n3A_1092, %select_n3A_1099 : vector<16xf32>
    %lt3A_1124 = arith.cmpi slt, %select_n3A_1093, %select_n3A_1100 : vector<16xi32>
    %and3A_1125 = arith.andi %eq3A_1123, %lt3A_1124 : vector<16xi1>
    %or3A_1126 = arith.ori %gt3A_1122, %and3A_1125 : vector<16xi1>
    %select_n3A_1127 = arith.select %or3A_1126, %select_n3A_1092, %select_n3A_1099 : vector<16xi1>, vector<16xf32>
    %select_n3A_1128 = arith.select %or3A_1126, %select_n3A_1093, %select_n3A_1100 : vector<16xi1>, vector<16xi32>
    %gt3A_1129 = arith.cmpf ogt, %select_n3A_1106, %select_n3A_1113 : vector<16xf32>
    %eq3A_1130 = arith.cmpf oeq, %select_n3A_1106, %select_n3A_1113 : vector<16xf32>
    %lt3A_1131 = arith.cmpi slt, %select_n3A_1107, %select_n3A_1114 : vector<16xi32>
    %and3A_1132 = arith.andi %eq3A_1130, %lt3A_1131 : vector<16xi1>
    %or3A_1133 = arith.ori %gt3A_1129, %and3A_1132 : vector<16xi1>
    %select_n3A_1134 = arith.select %or3A_1133, %select_n3A_1106, %select_n3A_1113 : vector<16xi1>, vector<16xf32>
    %select_n3A_1135 = arith.select %or3A_1133, %select_n3A_1107, %select_n3A_1114 : vector<16xi1>, vector<16xi32>
    %gt3A_1136 = arith.cmpf ogt, %select_n3A_1120, %select_n3A_1127 : vector<16xf32>
    %eq3A_1137 = arith.cmpf oeq, %select_n3A_1120, %select_n3A_1127 : vector<16xf32>
    %lt3A_1138 = arith.cmpi slt, %select_n3A_1121, %select_n3A_1128 : vector<16xi32>
    %and3A_1139 = arith.andi %eq3A_1137, %lt3A_1138 : vector<16xi1>
    %or3A_1140 = arith.ori %gt3A_1136, %and3A_1139 : vector<16xi1>
    %select_n3A_1141 = arith.select %or3A_1140, %select_n3A_1120, %select_n3A_1127 : vector<16xi1>, vector<16xf32>
    %select_n3A_1142 = arith.select %or3A_1140, %select_n3A_1121, %select_n3A_1128 : vector<16xi1>, vector<16xi32>
    %gt3A_1143 = arith.cmpf ogt, %select_n3A_1134, %select_n3A_1141 : vector<16xf32>
    %eq3A_1144 = arith.cmpf oeq, %select_n3A_1134, %select_n3A_1141 : vector<16xf32>
    %lt3A_1145 = arith.cmpi slt, %select_n3A_1135, %select_n3A_1142 : vector<16xi32>
    %and3A_1146 = arith.andi %eq3A_1144, %lt3A_1145 : vector<16xi1>
    %or3A_1147 = arith.ori %gt3A_1143, %and3A_1146 : vector<16xi1>
    %select_n3A_1148 = arith.select %or3A_1147, %select_n3A_1134, %select_n3A_1141 : vector<16xi1>, vector<16xf32>
    %select_n3A_1149 = arith.select %or3A_1147, %select_n3A_1135, %select_n3A_1142 : vector<16xi1>, vector<16xi32>
    %eq3A_1150 = arith.cmpi eq, %add3A_3, %select_n3A_1149 : vector<16xi32>
    %jit3A_1151 = arith.constant 0xFF800000 : f32
    %broadcast_in_dim3A_1152 = vector.broadcast %jit3A_1151 : f32 to vector<16xf32>
    %select_n3A_1153 = arith.select %eq3A_1150, %broadcast_in_dim3A_1152, %select_n3A_591 : vector<16xi1>, vector<16xf32>
    %eq3A_1154 = arith.cmpi eq, %add3A_6, %select_n3A_1149 : vector<16xi32>
    %jit3A_1155 = arith.constant 0xFF800000 : f32
    %broadcast_in_dim3A_1156 = vector.broadcast %jit3A_1155 : f32 to vector<16xf32>
    %select_n3A_1157 = arith.select %eq3A_1154, %broadcast_in_dim3A_1156, %select_n3A_595 : vector<16xi1>, vector<16xf32>
    %eq3A_1158 = arith.cmpi eq, %add3A_9, %select_n3A_1149 : vector<16xi32>
    %jit3A_1159 = arith.constant 0xFF800000 : f32
    %broadcast_in_dim3A_1160 = vector.broadcast %jit3A_1159 : f32 to vector<16xf32>
    %select_n3A_1161 = arith.select %eq3A_1158, %broadcast_in_dim3A_1160, %select_n3A_599 : vector<16xi1>, vector<16xf32>
    %eq3A_1162 = arith.cmpi eq, %add3A_12, %select_n3A_1149 : vector<16xi32>
    %jit3A_1163 = arith.constant 0xFF800000 : f32
    %broadcast_in_dim3A_1164 = vector.broadcast %jit3A_1163 : f32 to vector<16xf32>
    %select_n3A_1165 = arith.select %eq3A_1162, %broadcast_in_dim3A_1164, %select_n3A_603 : vector<16xi1>, vector<16xf32>
    %eq3A_1166 = arith.cmpi eq, %add3A_15, %select_n3A_1149 : vector<16xi32>
    %jit3A_1167 = arith.constant 0xFF800000 : f32
    %broadcast_in_dim3A_1168 = vector.broadcast %jit3A_1167 : f32 to vector<16xf32>
    %select_n3A_1169 = arith.select %eq3A_1166, %broadcast_in_dim3A_1168, %select_n3A_607 : vector<16xi1>, vector<16xf32>
    %eq3A_1170 = arith.cmpi eq, %add3A_18, %select_n3A_1149 : vector<16xi32>
    %jit3A_1171 = arith.constant 0xFF800000 : f32
    %broadcast_in_dim3A_1172 = vector.broadcast %jit3A_1171 : f32 to vector<16xf32>
    %select_n3A_1173 = arith.select %eq3A_1170, %broadcast_in_dim3A_1172, %select_n3A_611 : vector<16xi1>, vector<16xf32>
    %eq3A_1174 = arith.cmpi eq, %add3A_21, %select_n3A_1149 : vector<16xi32>
    %jit3A_1175 = arith.constant 0xFF800000 : f32
    %broadcast_in_dim3A_1176 = vector.broadcast %jit3A_1175 : f32 to vector<16xf32>
    %select_n3A_1177 = arith.select %eq3A_1174, %broadcast_in_dim3A_1176, %select_n3A_615 : vector<16xi1>, vector<16xf32>
    %eq3A_1178 = arith.cmpi eq, %add3A_24, %select_n3A_1149 : vector<16xi32>
    %jit3A_1179 = arith.constant 0xFF800000 : f32
    %broadcast_in_dim3A_1180 = vector.broadcast %jit3A_1179 : f32 to vector<16xf32>
    %select_n3A_1181 = arith.select %eq3A_1178, %broadcast_in_dim3A_1180, %select_n3A_619 : vector<16xi1>, vector<16xf32>
    %eq3A_1182 = arith.cmpi eq, %add3A_27, %select_n3A_1149 : vector<16xi32>
    %jit3A_1183 = arith.constant 0xFF800000 : f32
    %broadcast_in_dim3A_1184 = vector.broadcast %jit3A_1183 : f32 to vector<16xf32>
    %select_n3A_1185 = arith.select %eq3A_1182, %broadcast_in_dim3A_1184, %select_n3A_623 : vector<16xi1>, vector<16xf32>
    %eq3A_1186 = arith.cmpi eq, %add3A_30, %select_n3A_1149 : vector<16xi32>
    %jit3A_1187 = arith.constant 0xFF800000 : f32
    %broadcast_in_dim3A_1188 = vector.broadcast %jit3A_1187 : f32 to vector<16xf32>
    %select_n3A_1189 = arith.select %eq3A_1186, %broadcast_in_dim3A_1188, %select_n3A_627 : vector<16xi1>, vector<16xf32>
    %eq3A_1190 = arith.cmpi eq, %add3A_33, %select_n3A_1149 : vector<16xi32>
    %jit3A_1191 = arith.constant 0xFF800000 : f32
    %broadcast_in_dim3A_1192 = vector.broadcast %jit3A_1191 : f32 to vector<16xf32>
    %select_n3A_1193 = arith.select %eq3A_1190, %broadcast_in_dim3A_1192, %select_n3A_631 : vector<16xi1>, vector<16xf32>
    %eq3A_1194 = arith.cmpi eq, %add3A_36, %select_n3A_1149 : vector<16xi32>
    %jit3A_1195 = arith.constant 0xFF800000 : f32
    %broadcast_in_dim3A_1196 = vector.broadcast %jit3A_1195 : f32 to vector<16xf32>
    %select_n3A_1197 = arith.select %eq3A_1194, %broadcast_in_dim3A_1196, %select_n3A_635 : vector<16xi1>, vector<16xf32>
    %eq3A_1198 = arith.cmpi eq, %add3A_39, %select_n3A_1149 : vector<16xi32>
    %jit3A_1199 = arith.constant 0xFF800000 : f32
    %broadcast_in_dim3A_1200 = vector.broadcast %jit3A_1199 : f32 to vector<16xf32>
    %select_n3A_1201 = arith.select %eq3A_1198, %broadcast_in_dim3A_1200, %select_n3A_639 : vector<16xi1>, vector<16xf32>
    %eq3A_1202 = arith.cmpi eq, %add3A_42, %select_n3A_1149 : vector<16xi32>
    %jit3A_1203 = arith.constant 0xFF800000 : f32
    %broadcast_in_dim3A_1204 = vector.broadcast %jit3A_1203 : f32 to vector<16xf32>
    %select_n3A_1205 = arith.select %eq3A_1202, %broadcast_in_dim3A_1204, %select_n3A_643 : vector<16xi1>, vector<16xf32>
    %eq3A_1206 = arith.cmpi eq, %add3A_45, %select_n3A_1149 : vector<16xi32>
    %jit3A_1207 = arith.constant 0xFF800000 : f32
    %broadcast_in_dim3A_1208 = vector.broadcast %jit3A_1207 : f32 to vector<16xf32>
    %select_n3A_1209 = arith.select %eq3A_1206, %broadcast_in_dim3A_1208, %select_n3A_647 : vector<16xi1>, vector<16xf32>
    %eq3A_1210 = arith.cmpi eq, %add3A_48, %select_n3A_1149 : vector<16xi32>
    %jit3A_1211 = arith.constant 0xFF800000 : f32
    %broadcast_in_dim3A_1212 = vector.broadcast %jit3A_1211 : f32 to vector<16xf32>
    %select_n3A_1213 = arith.select %eq3A_1210, %broadcast_in_dim3A_1212, %select_n3A_651 : vector<16xi1>, vector<16xf32>
    %eq3A_1214 = arith.cmpi eq, %add3A_51, %select_n3A_1149 : vector<16xi32>
    %jit3A_1215 = arith.constant 0xFF800000 : f32
    %broadcast_in_dim3A_1216 = vector.broadcast %jit3A_1215 : f32 to vector<16xf32>
    %select_n3A_1217 = arith.select %eq3A_1214, %broadcast_in_dim3A_1216, %select_n3A_655 : vector<16xi1>, vector<16xf32>
    %eq3A_1218 = arith.cmpi eq, %add3A_54, %select_n3A_1149 : vector<16xi32>
    %jit3A_1219 = arith.constant 0xFF800000 : f32
    %broadcast_in_dim3A_1220 = vector.broadcast %jit3A_1219 : f32 to vector<16xf32>
    %select_n3A_1221 = arith.select %eq3A_1218, %broadcast_in_dim3A_1220, %select_n3A_659 : vector<16xi1>, vector<16xf32>
    %eq3A_1222 = arith.cmpi eq, %add3A_57, %select_n3A_1149 : vector<16xi32>
    %jit3A_1223 = arith.constant 0xFF800000 : f32
    %broadcast_in_dim3A_1224 = vector.broadcast %jit3A_1223 : f32 to vector<16xf32>
    %select_n3A_1225 = arith.select %eq3A_1222, %broadcast_in_dim3A_1224, %select_n3A_663 : vector<16xi1>, vector<16xf32>
    %eq3A_1226 = arith.cmpi eq, %add3A_60, %select_n3A_1149 : vector<16xi32>
    %jit3A_1227 = arith.constant 0xFF800000 : f32
    %broadcast_in_dim3A_1228 = vector.broadcast %jit3A_1227 : f32 to vector<16xf32>
    %select_n3A_1229 = arith.select %eq3A_1226, %broadcast_in_dim3A_1228, %select_n3A_667 : vector<16xi1>, vector<16xf32>
    %eq3A_1230 = arith.cmpi eq, %add3A_63, %select_n3A_1149 : vector<16xi32>
    %jit3A_1231 = arith.constant 0xFF800000 : f32
    %broadcast_in_dim3A_1232 = vector.broadcast %jit3A_1231 : f32 to vector<16xf32>
    %select_n3A_1233 = arith.select %eq3A_1230, %broadcast_in_dim3A_1232, %select_n3A_671 : vector<16xi1>, vector<16xf32>
    %eq3A_1234 = arith.cmpi eq, %add3A_66, %select_n3A_1149 : vector<16xi32>
    %jit3A_1235 = arith.constant 0xFF800000 : f32
    %broadcast_in_dim3A_1236 = vector.broadcast %jit3A_1235 : f32 to vector<16xf32>
    %select_n3A_1237 = arith.select %eq3A_1234, %broadcast_in_dim3A_1236, %select_n3A_675 : vector<16xi1>, vector<16xf32>
    %eq3A_1238 = arith.cmpi eq, %add3A_69, %select_n3A_1149 : vector<16xi32>
    %jit3A_1239 = arith.constant 0xFF800000 : f32
    %broadcast_in_dim3A_1240 = vector.broadcast %jit3A_1239 : f32 to vector<16xf32>
    %select_n3A_1241 = arith.select %eq3A_1238, %broadcast_in_dim3A_1240, %select_n3A_679 : vector<16xi1>, vector<16xf32>
    %eq3A_1242 = arith.cmpi eq, %add3A_72, %select_n3A_1149 : vector<16xi32>
    %jit3A_1243 = arith.constant 0xFF800000 : f32
    %broadcast_in_dim3A_1244 = vector.broadcast %jit3A_1243 : f32 to vector<16xf32>
    %select_n3A_1245 = arith.select %eq3A_1242, %broadcast_in_dim3A_1244, %select_n3A_683 : vector<16xi1>, vector<16xf32>
    %eq3A_1246 = arith.cmpi eq, %add3A_75, %select_n3A_1149 : vector<16xi32>
    %jit3A_1247 = arith.constant 0xFF800000 : f32
    %broadcast_in_dim3A_1248 = vector.broadcast %jit3A_1247 : f32 to vector<16xf32>
    %select_n3A_1249 = arith.select %eq3A_1246, %broadcast_in_dim3A_1248, %select_n3A_687 : vector<16xi1>, vector<16xf32>
    %eq3A_1250 = arith.cmpi eq, %add3A_78, %select_n3A_1149 : vector<16xi32>
    %jit3A_1251 = arith.constant 0xFF800000 : f32
    %broadcast_in_dim3A_1252 = vector.broadcast %jit3A_1251 : f32 to vector<16xf32>
    %select_n3A_1253 = arith.select %eq3A_1250, %broadcast_in_dim3A_1252, %select_n3A_691 : vector<16xi1>, vector<16xf32>
    %eq3A_1254 = arith.cmpi eq, %add3A_81, %select_n3A_1149 : vector<16xi32>
    %jit3A_1255 = arith.constant 0xFF800000 : f32
    %broadcast_in_dim3A_1256 = vector.broadcast %jit3A_1255 : f32 to vector<16xf32>
    %select_n3A_1257 = arith.select %eq3A_1254, %broadcast_in_dim3A_1256, %select_n3A_695 : vector<16xi1>, vector<16xf32>
    %eq3A_1258 = arith.cmpi eq, %add3A_84, %select_n3A_1149 : vector<16xi32>
    %jit3A_1259 = arith.constant 0xFF800000 : f32
    %broadcast_in_dim3A_1260 = vector.broadcast %jit3A_1259 : f32 to vector<16xf32>
    %select_n3A_1261 = arith.select %eq3A_1258, %broadcast_in_dim3A_1260, %select_n3A_699 : vector<16xi1>, vector<16xf32>
    %eq3A_1262 = arith.cmpi eq, %add3A_87, %select_n3A_1149 : vector<16xi32>
    %jit3A_1263 = arith.constant 0xFF800000 : f32
    %broadcast_in_dim3A_1264 = vector.broadcast %jit3A_1263 : f32 to vector<16xf32>
    %select_n3A_1265 = arith.select %eq3A_1262, %broadcast_in_dim3A_1264, %select_n3A_703 : vector<16xi1>, vector<16xf32>
    %eq3A_1266 = arith.cmpi eq, %add3A_90, %select_n3A_1149 : vector<16xi32>
    %jit3A_1267 = arith.constant 0xFF800000 : f32
    %broadcast_in_dim3A_1268 = vector.broadcast %jit3A_1267 : f32 to vector<16xf32>
    %select_n3A_1269 = arith.select %eq3A_1266, %broadcast_in_dim3A_1268, %select_n3A_707 : vector<16xi1>, vector<16xf32>
    %eq3A_1270 = arith.cmpi eq, %add3A_93, %select_n3A_1149 : vector<16xi32>
    %jit3A_1271 = arith.constant 0xFF800000 : f32
    %broadcast_in_dim3A_1272 = vector.broadcast %jit3A_1271 : f32 to vector<16xf32>
    %select_n3A_1273 = arith.select %eq3A_1270, %broadcast_in_dim3A_1272, %select_n3A_711 : vector<16xi1>, vector<16xf32>
    %eq3A_1274 = arith.cmpi eq, %add3A_96, %select_n3A_1149 : vector<16xi32>
    %jit3A_1275 = arith.constant 0xFF800000 : f32
    %broadcast_in_dim3A_1276 = vector.broadcast %jit3A_1275 : f32 to vector<16xf32>
    %select_n3A_1277 = arith.select %eq3A_1274, %broadcast_in_dim3A_1276, %select_n3A_715 : vector<16xi1>, vector<16xf32>
    %eq3A_1278 = arith.cmpi eq, %add3A_99, %select_n3A_1149 : vector<16xi32>
    %jit3A_1279 = arith.constant 0xFF800000 : f32
    %broadcast_in_dim3A_1280 = vector.broadcast %jit3A_1279 : f32 to vector<16xf32>
    %select_n3A_1281 = arith.select %eq3A_1278, %broadcast_in_dim3A_1280, %select_n3A_719 : vector<16xi1>, vector<16xf32>
    %eq3A_1282 = arith.cmpi eq, %add3A_102, %select_n3A_1149 : vector<16xi32>
    %jit3A_1283 = arith.constant 0xFF800000 : f32
    %broadcast_in_dim3A_1284 = vector.broadcast %jit3A_1283 : f32 to vector<16xf32>
    %select_n3A_1285 = arith.select %eq3A_1282, %broadcast_in_dim3A_1284, %select_n3A_723 : vector<16xi1>, vector<16xf32>
    %eq3A_1286 = arith.cmpi eq, %add3A_105, %select_n3A_1149 : vector<16xi32>
    %jit3A_1287 = arith.constant 0xFF800000 : f32
    %broadcast_in_dim3A_1288 = vector.broadcast %jit3A_1287 : f32 to vector<16xf32>
    %select_n3A_1289 = arith.select %eq3A_1286, %broadcast_in_dim3A_1288, %select_n3A_727 : vector<16xi1>, vector<16xf32>
    %eq3A_1290 = arith.cmpi eq, %add3A_108, %select_n3A_1149 : vector<16xi32>
    %jit3A_1291 = arith.constant 0xFF800000 : f32
    %broadcast_in_dim3A_1292 = vector.broadcast %jit3A_1291 : f32 to vector<16xf32>
    %select_n3A_1293 = arith.select %eq3A_1290, %broadcast_in_dim3A_1292, %select_n3A_731 : vector<16xi1>, vector<16xf32>
    %gt3A_1294 = arith.cmpf ogt, %select_n3A_1153, %select_n3A_1157 : vector<16xf32>
    %eq3A_1295 = arith.cmpf oeq, %select_n3A_1153, %select_n3A_1157 : vector<16xf32>
    %lt3A_1296 = arith.cmpi slt, %add3A_3, %add3A_6 : vector<16xi32>
    %and3A_1297 = arith.andi %eq3A_1295, %lt3A_1296 : vector<16xi1>
    %or3A_1298 = arith.ori %gt3A_1294, %and3A_1297 : vector<16xi1>
    %select_n3A_1299 = arith.select %or3A_1298, %select_n3A_1153, %select_n3A_1157 : vector<16xi1>, vector<16xf32>
    %select_n3A_1300 = arith.select %or3A_1298, %add3A_3, %add3A_6 : vector<16xi1>, vector<16xi32>
    %gt3A_1301 = arith.cmpf ogt, %select_n3A_1161, %select_n3A_1165 : vector<16xf32>
    %eq3A_1302 = arith.cmpf oeq, %select_n3A_1161, %select_n3A_1165 : vector<16xf32>
    %lt3A_1303 = arith.cmpi slt, %add3A_9, %add3A_12 : vector<16xi32>
    %and3A_1304 = arith.andi %eq3A_1302, %lt3A_1303 : vector<16xi1>
    %or3A_1305 = arith.ori %gt3A_1301, %and3A_1304 : vector<16xi1>
    %select_n3A_1306 = arith.select %or3A_1305, %select_n3A_1161, %select_n3A_1165 : vector<16xi1>, vector<16xf32>
    %select_n3A_1307 = arith.select %or3A_1305, %add3A_9, %add3A_12 : vector<16xi1>, vector<16xi32>
    %gt3A_1308 = arith.cmpf ogt, %select_n3A_1169, %select_n3A_1173 : vector<16xf32>
    %eq3A_1309 = arith.cmpf oeq, %select_n3A_1169, %select_n3A_1173 : vector<16xf32>
    %lt3A_1310 = arith.cmpi slt, %add3A_15, %add3A_18 : vector<16xi32>
    %and3A_1311 = arith.andi %eq3A_1309, %lt3A_1310 : vector<16xi1>
    %or3A_1312 = arith.ori %gt3A_1308, %and3A_1311 : vector<16xi1>
    %select_n3A_1313 = arith.select %or3A_1312, %select_n3A_1169, %select_n3A_1173 : vector<16xi1>, vector<16xf32>
    %select_n3A_1314 = arith.select %or3A_1312, %add3A_15, %add3A_18 : vector<16xi1>, vector<16xi32>
    %gt3A_1315 = arith.cmpf ogt, %select_n3A_1177, %select_n3A_1181 : vector<16xf32>
    %eq3A_1316 = arith.cmpf oeq, %select_n3A_1177, %select_n3A_1181 : vector<16xf32>
    %lt3A_1317 = arith.cmpi slt, %add3A_21, %add3A_24 : vector<16xi32>
    %and3A_1318 = arith.andi %eq3A_1316, %lt3A_1317 : vector<16xi1>
    %or3A_1319 = arith.ori %gt3A_1315, %and3A_1318 : vector<16xi1>
    %select_n3A_1320 = arith.select %or3A_1319, %select_n3A_1177, %select_n3A_1181 : vector<16xi1>, vector<16xf32>
    %select_n3A_1321 = arith.select %or3A_1319, %add3A_21, %add3A_24 : vector<16xi1>, vector<16xi32>
    %gt3A_1322 = arith.cmpf ogt, %select_n3A_1185, %select_n3A_1189 : vector<16xf32>
    %eq3A_1323 = arith.cmpf oeq, %select_n3A_1185, %select_n3A_1189 : vector<16xf32>
    %lt3A_1324 = arith.cmpi slt, %add3A_27, %add3A_30 : vector<16xi32>
    %and3A_1325 = arith.andi %eq3A_1323, %lt3A_1324 : vector<16xi1>
    %or3A_1326 = arith.ori %gt3A_1322, %and3A_1325 : vector<16xi1>
    %select_n3A_1327 = arith.select %or3A_1326, %select_n3A_1185, %select_n3A_1189 : vector<16xi1>, vector<16xf32>
    %select_n3A_1328 = arith.select %or3A_1326, %add3A_27, %add3A_30 : vector<16xi1>, vector<16xi32>
    %gt3A_1329 = arith.cmpf ogt, %select_n3A_1193, %select_n3A_1197 : vector<16xf32>
    %eq3A_1330 = arith.cmpf oeq, %select_n3A_1193, %select_n3A_1197 : vector<16xf32>
    %lt3A_1331 = arith.cmpi slt, %add3A_33, %add3A_36 : vector<16xi32>
    %and3A_1332 = arith.andi %eq3A_1330, %lt3A_1331 : vector<16xi1>
    %or3A_1333 = arith.ori %gt3A_1329, %and3A_1332 : vector<16xi1>
    %select_n3A_1334 = arith.select %or3A_1333, %select_n3A_1193, %select_n3A_1197 : vector<16xi1>, vector<16xf32>
    %select_n3A_1335 = arith.select %or3A_1333, %add3A_33, %add3A_36 : vector<16xi1>, vector<16xi32>
    %gt3A_1336 = arith.cmpf ogt, %select_n3A_1201, %select_n3A_1205 : vector<16xf32>
    %eq3A_1337 = arith.cmpf oeq, %select_n3A_1201, %select_n3A_1205 : vector<16xf32>
    %lt3A_1338 = arith.cmpi slt, %add3A_39, %add3A_42 : vector<16xi32>
    %and3A_1339 = arith.andi %eq3A_1337, %lt3A_1338 : vector<16xi1>
    %or3A_1340 = arith.ori %gt3A_1336, %and3A_1339 : vector<16xi1>
    %select_n3A_1341 = arith.select %or3A_1340, %select_n3A_1201, %select_n3A_1205 : vector<16xi1>, vector<16xf32>
    %select_n3A_1342 = arith.select %or3A_1340, %add3A_39, %add3A_42 : vector<16xi1>, vector<16xi32>
    %gt3A_1343 = arith.cmpf ogt, %select_n3A_1209, %select_n3A_1213 : vector<16xf32>
    %eq3A_1344 = arith.cmpf oeq, %select_n3A_1209, %select_n3A_1213 : vector<16xf32>
    %lt3A_1345 = arith.cmpi slt, %add3A_45, %add3A_48 : vector<16xi32>
    %and3A_1346 = arith.andi %eq3A_1344, %lt3A_1345 : vector<16xi1>
    %or3A_1347 = arith.ori %gt3A_1343, %and3A_1346 : vector<16xi1>
    %select_n3A_1348 = arith.select %or3A_1347, %select_n3A_1209, %select_n3A_1213 : vector<16xi1>, vector<16xf32>
    %select_n3A_1349 = arith.select %or3A_1347, %add3A_45, %add3A_48 : vector<16xi1>, vector<16xi32>
    %gt3A_1350 = arith.cmpf ogt, %select_n3A_1217, %select_n3A_1221 : vector<16xf32>
    %eq3A_1351 = arith.cmpf oeq, %select_n3A_1217, %select_n3A_1221 : vector<16xf32>
    %lt3A_1352 = arith.cmpi slt, %add3A_51, %add3A_54 : vector<16xi32>
    %and3A_1353 = arith.andi %eq3A_1351, %lt3A_1352 : vector<16xi1>
    %or3A_1354 = arith.ori %gt3A_1350, %and3A_1353 : vector<16xi1>
    %select_n3A_1355 = arith.select %or3A_1354, %select_n3A_1217, %select_n3A_1221 : vector<16xi1>, vector<16xf32>
    %select_n3A_1356 = arith.select %or3A_1354, %add3A_51, %add3A_54 : vector<16xi1>, vector<16xi32>
    %gt3A_1357 = arith.cmpf ogt, %select_n3A_1225, %select_n3A_1229 : vector<16xf32>
    %eq3A_1358 = arith.cmpf oeq, %select_n3A_1225, %select_n3A_1229 : vector<16xf32>
    %lt3A_1359 = arith.cmpi slt, %add3A_57, %add3A_60 : vector<16xi32>
    %and3A_1360 = arith.andi %eq3A_1358, %lt3A_1359 : vector<16xi1>
    %or3A_1361 = arith.ori %gt3A_1357, %and3A_1360 : vector<16xi1>
    %select_n3A_1362 = arith.select %or3A_1361, %select_n3A_1225, %select_n3A_1229 : vector<16xi1>, vector<16xf32>
    %select_n3A_1363 = arith.select %or3A_1361, %add3A_57, %add3A_60 : vector<16xi1>, vector<16xi32>
    %gt3A_1364 = arith.cmpf ogt, %select_n3A_1233, %select_n3A_1237 : vector<16xf32>
    %eq3A_1365 = arith.cmpf oeq, %select_n3A_1233, %select_n3A_1237 : vector<16xf32>
    %lt3A_1366 = arith.cmpi slt, %add3A_63, %add3A_66 : vector<16xi32>
    %and3A_1367 = arith.andi %eq3A_1365, %lt3A_1366 : vector<16xi1>
    %or3A_1368 = arith.ori %gt3A_1364, %and3A_1367 : vector<16xi1>
    %select_n3A_1369 = arith.select %or3A_1368, %select_n3A_1233, %select_n3A_1237 : vector<16xi1>, vector<16xf32>
    %select_n3A_1370 = arith.select %or3A_1368, %add3A_63, %add3A_66 : vector<16xi1>, vector<16xi32>
    %gt3A_1371 = arith.cmpf ogt, %select_n3A_1241, %select_n3A_1245 : vector<16xf32>
    %eq3A_1372 = arith.cmpf oeq, %select_n3A_1241, %select_n3A_1245 : vector<16xf32>
    %lt3A_1373 = arith.cmpi slt, %add3A_69, %add3A_72 : vector<16xi32>
    %and3A_1374 = arith.andi %eq3A_1372, %lt3A_1373 : vector<16xi1>
    %or3A_1375 = arith.ori %gt3A_1371, %and3A_1374 : vector<16xi1>
    %select_n3A_1376 = arith.select %or3A_1375, %select_n3A_1241, %select_n3A_1245 : vector<16xi1>, vector<16xf32>
    %select_n3A_1377 = arith.select %or3A_1375, %add3A_69, %add3A_72 : vector<16xi1>, vector<16xi32>
    %gt3A_1378 = arith.cmpf ogt, %select_n3A_1249, %select_n3A_1253 : vector<16xf32>
    %eq3A_1379 = arith.cmpf oeq, %select_n3A_1249, %select_n3A_1253 : vector<16xf32>
    %lt3A_1380 = arith.cmpi slt, %add3A_75, %add3A_78 : vector<16xi32>
    %and3A_1381 = arith.andi %eq3A_1379, %lt3A_1380 : vector<16xi1>
    %or3A_1382 = arith.ori %gt3A_1378, %and3A_1381 : vector<16xi1>
    %select_n3A_1383 = arith.select %or3A_1382, %select_n3A_1249, %select_n3A_1253 : vector<16xi1>, vector<16xf32>
    %select_n3A_1384 = arith.select %or3A_1382, %add3A_75, %add3A_78 : vector<16xi1>, vector<16xi32>
    %gt3A_1385 = arith.cmpf ogt, %select_n3A_1257, %select_n3A_1261 : vector<16xf32>
    %eq3A_1386 = arith.cmpf oeq, %select_n3A_1257, %select_n3A_1261 : vector<16xf32>
    %lt3A_1387 = arith.cmpi slt, %add3A_81, %add3A_84 : vector<16xi32>
    %and3A_1388 = arith.andi %eq3A_1386, %lt3A_1387 : vector<16xi1>
    %or3A_1389 = arith.ori %gt3A_1385, %and3A_1388 : vector<16xi1>
    %select_n3A_1390 = arith.select %or3A_1389, %select_n3A_1257, %select_n3A_1261 : vector<16xi1>, vector<16xf32>
    %select_n3A_1391 = arith.select %or3A_1389, %add3A_81, %add3A_84 : vector<16xi1>, vector<16xi32>
    %gt3A_1392 = arith.cmpf ogt, %select_n3A_1265, %select_n3A_1269 : vector<16xf32>
    %eq3A_1393 = arith.cmpf oeq, %select_n3A_1265, %select_n3A_1269 : vector<16xf32>
    %lt3A_1394 = arith.cmpi slt, %add3A_87, %add3A_90 : vector<16xi32>
    %and3A_1395 = arith.andi %eq3A_1393, %lt3A_1394 : vector<16xi1>
    %or3A_1396 = arith.ori %gt3A_1392, %and3A_1395 : vector<16xi1>
    %select_n3A_1397 = arith.select %or3A_1396, %select_n3A_1265, %select_n3A_1269 : vector<16xi1>, vector<16xf32>
    %select_n3A_1398 = arith.select %or3A_1396, %add3A_87, %add3A_90 : vector<16xi1>, vector<16xi32>
    %gt3A_1399 = arith.cmpf ogt, %select_n3A_1273, %select_n3A_1277 : vector<16xf32>
    %eq3A_1400 = arith.cmpf oeq, %select_n3A_1273, %select_n3A_1277 : vector<16xf32>
    %lt3A_1401 = arith.cmpi slt, %add3A_93, %add3A_96 : vector<16xi32>
    %and3A_1402 = arith.andi %eq3A_1400, %lt3A_1401 : vector<16xi1>
    %or3A_1403 = arith.ori %gt3A_1399, %and3A_1402 : vector<16xi1>
    %select_n3A_1404 = arith.select %or3A_1403, %select_n3A_1273, %select_n3A_1277 : vector<16xi1>, vector<16xf32>
    %select_n3A_1405 = arith.select %or3A_1403, %add3A_93, %add3A_96 : vector<16xi1>, vector<16xi32>
    %gt3A_1406 = arith.cmpf ogt, %select_n3A_1281, %select_n3A_1285 : vector<16xf32>
    %eq3A_1407 = arith.cmpf oeq, %select_n3A_1281, %select_n3A_1285 : vector<16xf32>
    %lt3A_1408 = arith.cmpi slt, %add3A_99, %add3A_102 : vector<16xi32>
    %and3A_1409 = arith.andi %eq3A_1407, %lt3A_1408 : vector<16xi1>
    %or3A_1410 = arith.ori %gt3A_1406, %and3A_1409 : vector<16xi1>
    %select_n3A_1411 = arith.select %or3A_1410, %select_n3A_1281, %select_n3A_1285 : vector<16xi1>, vector<16xf32>
    %select_n3A_1412 = arith.select %or3A_1410, %add3A_99, %add3A_102 : vector<16xi1>, vector<16xi32>
    %gt3A_1413 = arith.cmpf ogt, %select_n3A_1289, %select_n3A_1293 : vector<16xf32>
    %eq3A_1414 = arith.cmpf oeq, %select_n3A_1289, %select_n3A_1293 : vector<16xf32>
    %lt3A_1415 = arith.cmpi slt, %add3A_105, %add3A_108 : vector<16xi32>
    %and3A_1416 = arith.andi %eq3A_1414, %lt3A_1415 : vector<16xi1>
    %or3A_1417 = arith.ori %gt3A_1413, %and3A_1416 : vector<16xi1>
    %select_n3A_1418 = arith.select %or3A_1417, %select_n3A_1289, %select_n3A_1293 : vector<16xi1>, vector<16xf32>
    %select_n3A_1419 = arith.select %or3A_1417, %add3A_105, %add3A_108 : vector<16xi1>, vector<16xi32>
    %gt3A_1420 = arith.cmpf ogt, %select_n3A_1299, %select_n3A_1306 : vector<16xf32>
    %eq3A_1421 = arith.cmpf oeq, %select_n3A_1299, %select_n3A_1306 : vector<16xf32>
    %lt3A_1422 = arith.cmpi slt, %select_n3A_1300, %select_n3A_1307 : vector<16xi32>
    %and3A_1423 = arith.andi %eq3A_1421, %lt3A_1422 : vector<16xi1>
    %or3A_1424 = arith.ori %gt3A_1420, %and3A_1423 : vector<16xi1>
    %select_n3A_1425 = arith.select %or3A_1424, %select_n3A_1299, %select_n3A_1306 : vector<16xi1>, vector<16xf32>
    %select_n3A_1426 = arith.select %or3A_1424, %select_n3A_1300, %select_n3A_1307 : vector<16xi1>, vector<16xi32>
    %gt3A_1427 = arith.cmpf ogt, %select_n3A_1313, %select_n3A_1320 : vector<16xf32>
    %eq3A_1428 = arith.cmpf oeq, %select_n3A_1313, %select_n3A_1320 : vector<16xf32>
    %lt3A_1429 = arith.cmpi slt, %select_n3A_1314, %select_n3A_1321 : vector<16xi32>
    %and3A_1430 = arith.andi %eq3A_1428, %lt3A_1429 : vector<16xi1>
    %or3A_1431 = arith.ori %gt3A_1427, %and3A_1430 : vector<16xi1>
    %select_n3A_1432 = arith.select %or3A_1431, %select_n3A_1313, %select_n3A_1320 : vector<16xi1>, vector<16xf32>
    %select_n3A_1433 = arith.select %or3A_1431, %select_n3A_1314, %select_n3A_1321 : vector<16xi1>, vector<16xi32>
    %gt3A_1434 = arith.cmpf ogt, %select_n3A_1327, %select_n3A_1334 : vector<16xf32>
    %eq3A_1435 = arith.cmpf oeq, %select_n3A_1327, %select_n3A_1334 : vector<16xf32>
    %lt3A_1436 = arith.cmpi slt, %select_n3A_1328, %select_n3A_1335 : vector<16xi32>
    %and3A_1437 = arith.andi %eq3A_1435, %lt3A_1436 : vector<16xi1>
    %or3A_1438 = arith.ori %gt3A_1434, %and3A_1437 : vector<16xi1>
    %select_n3A_1439 = arith.select %or3A_1438, %select_n3A_1327, %select_n3A_1334 : vector<16xi1>, vector<16xf32>
    %select_n3A_1440 = arith.select %or3A_1438, %select_n3A_1328, %select_n3A_1335 : vector<16xi1>, vector<16xi32>
    %gt3A_1441 = arith.cmpf ogt, %select_n3A_1341, %select_n3A_1348 : vector<16xf32>
    %eq3A_1442 = arith.cmpf oeq, %select_n3A_1341, %select_n3A_1348 : vector<16xf32>
    %lt3A_1443 = arith.cmpi slt, %select_n3A_1342, %select_n3A_1349 : vector<16xi32>
    %and3A_1444 = arith.andi %eq3A_1442, %lt3A_1443 : vector<16xi1>
    %or3A_1445 = arith.ori %gt3A_1441, %and3A_1444 : vector<16xi1>
    %select_n3A_1446 = arith.select %or3A_1445, %select_n3A_1341, %select_n3A_1348 : vector<16xi1>, vector<16xf32>
    %select_n3A_1447 = arith.select %or3A_1445, %select_n3A_1342, %select_n3A_1349 : vector<16xi1>, vector<16xi32>
    %gt3A_1448 = arith.cmpf ogt, %select_n3A_1355, %select_n3A_1362 : vector<16xf32>
    %eq3A_1449 = arith.cmpf oeq, %select_n3A_1355, %select_n3A_1362 : vector<16xf32>
    %lt3A_1450 = arith.cmpi slt, %select_n3A_1356, %select_n3A_1363 : vector<16xi32>
    %and3A_1451 = arith.andi %eq3A_1449, %lt3A_1450 : vector<16xi1>
    %or3A_1452 = arith.ori %gt3A_1448, %and3A_1451 : vector<16xi1>
    %select_n3A_1453 = arith.select %or3A_1452, %select_n3A_1355, %select_n3A_1362 : vector<16xi1>, vector<16xf32>
    %select_n3A_1454 = arith.select %or3A_1452, %select_n3A_1356, %select_n3A_1363 : vector<16xi1>, vector<16xi32>
    %gt3A_1455 = arith.cmpf ogt, %select_n3A_1369, %select_n3A_1376 : vector<16xf32>
    %eq3A_1456 = arith.cmpf oeq, %select_n3A_1369, %select_n3A_1376 : vector<16xf32>
    %lt3A_1457 = arith.cmpi slt, %select_n3A_1370, %select_n3A_1377 : vector<16xi32>
    %and3A_1458 = arith.andi %eq3A_1456, %lt3A_1457 : vector<16xi1>
    %or3A_1459 = arith.ori %gt3A_1455, %and3A_1458 : vector<16xi1>
    %select_n3A_1460 = arith.select %or3A_1459, %select_n3A_1369, %select_n3A_1376 : vector<16xi1>, vector<16xf32>
    %select_n3A_1461 = arith.select %or3A_1459, %select_n3A_1370, %select_n3A_1377 : vector<16xi1>, vector<16xi32>
    %gt3A_1462 = arith.cmpf ogt, %select_n3A_1383, %select_n3A_1390 : vector<16xf32>
    %eq3A_1463 = arith.cmpf oeq, %select_n3A_1383, %select_n3A_1390 : vector<16xf32>
    %lt3A_1464 = arith.cmpi slt, %select_n3A_1384, %select_n3A_1391 : vector<16xi32>
    %and3A_1465 = arith.andi %eq3A_1463, %lt3A_1464 : vector<16xi1>
    %or3A_1466 = arith.ori %gt3A_1462, %and3A_1465 : vector<16xi1>
    %select_n3A_1467 = arith.select %or3A_1466, %select_n3A_1383, %select_n3A_1390 : vector<16xi1>, vector<16xf32>
    %select_n3A_1468 = arith.select %or3A_1466, %select_n3A_1384, %select_n3A_1391 : vector<16xi1>, vector<16xi32>
    %gt3A_1469 = arith.cmpf ogt, %select_n3A_1397, %select_n3A_1404 : vector<16xf32>
    %eq3A_1470 = arith.cmpf oeq, %select_n3A_1397, %select_n3A_1404 : vector<16xf32>
    %lt3A_1471 = arith.cmpi slt, %select_n3A_1398, %select_n3A_1405 : vector<16xi32>
    %and3A_1472 = arith.andi %eq3A_1470, %lt3A_1471 : vector<16xi1>
    %or3A_1473 = arith.ori %gt3A_1469, %and3A_1472 : vector<16xi1>
    %select_n3A_1474 = arith.select %or3A_1473, %select_n3A_1397, %select_n3A_1404 : vector<16xi1>, vector<16xf32>
    %select_n3A_1475 = arith.select %or3A_1473, %select_n3A_1398, %select_n3A_1405 : vector<16xi1>, vector<16xi32>
    %gt3A_1476 = arith.cmpf ogt, %select_n3A_1411, %select_n3A_1418 : vector<16xf32>
    %eq3A_1477 = arith.cmpf oeq, %select_n3A_1411, %select_n3A_1418 : vector<16xf32>
    %lt3A_1478 = arith.cmpi slt, %select_n3A_1412, %select_n3A_1419 : vector<16xi32>
    %and3A_1479 = arith.andi %eq3A_1477, %lt3A_1478 : vector<16xi1>
    %or3A_1480 = arith.ori %gt3A_1476, %and3A_1479 : vector<16xi1>
    %select_n3A_1481 = arith.select %or3A_1480, %select_n3A_1411, %select_n3A_1418 : vector<16xi1>, vector<16xf32>
    %select_n3A_1482 = arith.select %or3A_1480, %select_n3A_1412, %select_n3A_1419 : vector<16xi1>, vector<16xi32>
    %gt3A_1483 = arith.cmpf ogt, %select_n3A_1425, %select_n3A_1432 : vector<16xf32>
    %eq3A_1484 = arith.cmpf oeq, %select_n3A_1425, %select_n3A_1432 : vector<16xf32>
    %lt3A_1485 = arith.cmpi slt, %select_n3A_1426, %select_n3A_1433 : vector<16xi32>
    %and3A_1486 = arith.andi %eq3A_1484, %lt3A_1485 : vector<16xi1>
    %or3A_1487 = arith.ori %gt3A_1483, %and3A_1486 : vector<16xi1>
    %select_n3A_1488 = arith.select %or3A_1487, %select_n3A_1425, %select_n3A_1432 : vector<16xi1>, vector<16xf32>
    %select_n3A_1489 = arith.select %or3A_1487, %select_n3A_1426, %select_n3A_1433 : vector<16xi1>, vector<16xi32>
    %gt3A_1490 = arith.cmpf ogt, %select_n3A_1439, %select_n3A_1446 : vector<16xf32>
    %eq3A_1491 = arith.cmpf oeq, %select_n3A_1439, %select_n3A_1446 : vector<16xf32>
    %lt3A_1492 = arith.cmpi slt, %select_n3A_1440, %select_n3A_1447 : vector<16xi32>
    %and3A_1493 = arith.andi %eq3A_1491, %lt3A_1492 : vector<16xi1>
    %or3A_1494 = arith.ori %gt3A_1490, %and3A_1493 : vector<16xi1>
    %select_n3A_1495 = arith.select %or3A_1494, %select_n3A_1439, %select_n3A_1446 : vector<16xi1>, vector<16xf32>
    %select_n3A_1496 = arith.select %or3A_1494, %select_n3A_1440, %select_n3A_1447 : vector<16xi1>, vector<16xi32>
    %gt3A_1497 = arith.cmpf ogt, %select_n3A_1453, %select_n3A_1460 : vector<16xf32>
    %eq3A_1498 = arith.cmpf oeq, %select_n3A_1453, %select_n3A_1460 : vector<16xf32>
    %lt3A_1499 = arith.cmpi slt, %select_n3A_1454, %select_n3A_1461 : vector<16xi32>
    %and3A_1500 = arith.andi %eq3A_1498, %lt3A_1499 : vector<16xi1>
    %or3A_1501 = arith.ori %gt3A_1497, %and3A_1500 : vector<16xi1>
    %select_n3A_1502 = arith.select %or3A_1501, %select_n3A_1453, %select_n3A_1460 : vector<16xi1>, vector<16xf32>
    %select_n3A_1503 = arith.select %or3A_1501, %select_n3A_1454, %select_n3A_1461 : vector<16xi1>, vector<16xi32>
    %gt3A_1504 = arith.cmpf ogt, %select_n3A_1467, %select_n3A_1474 : vector<16xf32>
    %eq3A_1505 = arith.cmpf oeq, %select_n3A_1467, %select_n3A_1474 : vector<16xf32>
    %lt3A_1506 = arith.cmpi slt, %select_n3A_1468, %select_n3A_1475 : vector<16xi32>
    %and3A_1507 = arith.andi %eq3A_1505, %lt3A_1506 : vector<16xi1>
    %or3A_1508 = arith.ori %gt3A_1504, %and3A_1507 : vector<16xi1>
    %select_n3A_1509 = arith.select %or3A_1508, %select_n3A_1467, %select_n3A_1474 : vector<16xi1>, vector<16xf32>
    %select_n3A_1510 = arith.select %or3A_1508, %select_n3A_1468, %select_n3A_1475 : vector<16xi1>, vector<16xi32>
    %gt3A_1511 = arith.cmpf ogt, %select_n3A_1488, %select_n3A_1495 : vector<16xf32>
    %eq3A_1512 = arith.cmpf oeq, %select_n3A_1488, %select_n3A_1495 : vector<16xf32>
    %lt3A_1513 = arith.cmpi slt, %select_n3A_1489, %select_n3A_1496 : vector<16xi32>
    %and3A_1514 = arith.andi %eq3A_1512, %lt3A_1513 : vector<16xi1>
    %or3A_1515 = arith.ori %gt3A_1511, %and3A_1514 : vector<16xi1>
    %select_n3A_1516 = arith.select %or3A_1515, %select_n3A_1488, %select_n3A_1495 : vector<16xi1>, vector<16xf32>
    %select_n3A_1517 = arith.select %or3A_1515, %select_n3A_1489, %select_n3A_1496 : vector<16xi1>, vector<16xi32>
    %gt3A_1518 = arith.cmpf ogt, %select_n3A_1502, %select_n3A_1509 : vector<16xf32>
    %eq3A_1519 = arith.cmpf oeq, %select_n3A_1502, %select_n3A_1509 : vector<16xf32>
    %lt3A_1520 = arith.cmpi slt, %select_n3A_1503, %select_n3A_1510 : vector<16xi32>
    %and3A_1521 = arith.andi %eq3A_1519, %lt3A_1520 : vector<16xi1>
    %or3A_1522 = arith.ori %gt3A_1518, %and3A_1521 : vector<16xi1>
    %select_n3A_1523 = arith.select %or3A_1522, %select_n3A_1502, %select_n3A_1509 : vector<16xi1>, vector<16xf32>
    %select_n3A_1524 = arith.select %or3A_1522, %select_n3A_1503, %select_n3A_1510 : vector<16xi1>, vector<16xi32>
    %gt3A_1525 = arith.cmpf ogt, %select_n3A_1516, %select_n3A_1523 : vector<16xf32>
    %eq3A_1526 = arith.cmpf oeq, %select_n3A_1516, %select_n3A_1523 : vector<16xf32>
    %lt3A_1527 = arith.cmpi slt, %select_n3A_1517, %select_n3A_1524 : vector<16xi32>
    %and3A_1528 = arith.andi %eq3A_1526, %lt3A_1527 : vector<16xi1>
    %or3A_1529 = arith.ori %gt3A_1525, %and3A_1528 : vector<16xi1>
    %select_n3A_1530 = arith.select %or3A_1529, %select_n3A_1516, %select_n3A_1523 : vector<16xi1>, vector<16xf32>
    %select_n3A_1531 = arith.select %or3A_1529, %select_n3A_1517, %select_n3A_1524 : vector<16xi1>, vector<16xi32>
    %gt3A_1532 = arith.cmpf ogt, %select_n3A_1530, %select_n3A_1481 : vector<16xf32>
    %eq3A_1533 = arith.cmpf oeq, %select_n3A_1530, %select_n3A_1481 : vector<16xf32>
    %lt3A_1534 = arith.cmpi slt, %select_n3A_1531, %select_n3A_1482 : vector<16xi32>
    %and3A_1535 = arith.andi %eq3A_1533, %lt3A_1534 : vector<16xi1>
    %or3A_1536 = arith.ori %gt3A_1532, %and3A_1535 : vector<16xi1>
    %select_n3A_1537 = arith.select %or3A_1536, %select_n3A_1530, %select_n3A_1481 : vector<16xi1>, vector<16xf32>
    %select_n3A_1538 = arith.select %or3A_1536, %select_n3A_1531, %select_n3A_1482 : vector<16xi1>, vector<16xi32>
    %swap3A_1539 = arith.constant 0 : index
    %swap3A_1540 = tpu.vector_load %arg7[%swap3A_1539] {strides = array<i32>} : memref<16xf32, #tpu.memory_space<vmem>>, vector<16xf32>,
    tpu.vector_store %arg7[%swap3A_1539], %select_n3A_1537 {strides = array<i32>} : memref<16xf32, #tpu.memory_space<vmem>>, vector<16xf32>,
    %swap3A_1541 = arith.constant 0 : index
    %swap3A_1542 = tpu.vector_load %arg8[%swap3A_1541] {strides = array<i32>} : memref<16xi32, #tpu.memory_space<vmem>>, vector<16xi32>,
    tpu.vector_store %arg8[%swap3A_1541], %select_n3A_1538 {strides = array<i32>} : memref<16xi32, #tpu.memory_space<vmem>>, vector<16xi32>,
    %broadcast_in_dim3A_1543 = arith.constant 0 : i32
    %broadcast_in_dim3A_1544 = vector.broadcast %broadcast_in_dim3A_1543 : i32 to vector<16xi32>
    %gather3A_1545 = tpu.vector_load_idx %arg7[%broadcast_in_dim3A_1544] : memref<16xf32, #tpu.memory_space<vmem>>[vector<16xi32>], vector<16xf32>,
    %gather3A_1546 = tpu.vector_load_idx %arg8[%broadcast_in_dim3A_1544] : memref<16xi32, #tpu.memory_space<vmem>>[vector<16xi32>], vector<16xi32>,
    %broadcast_in_dim3A_1547 = arith.constant 1 : i32
    %broadcast_in_dim3A_1548 = vector.broadcast %broadcast_in_dim3A_1547 : i32 to vector<16xi32>
    %gather3A_1549 = tpu.vector_load_idx %arg7[%broadcast_in_dim3A_1548] : memref<16xf32, #tpu.memory_space<vmem>>[vector<16xi32>], vector<16xf32>,
    %gather3A_1550 = tpu.vector_load_idx %arg8[%broadcast_in_dim3A_1548] : memref<16xi32, #tpu.memory_space<vmem>>[vector<16xi32>], vector<16xi32>,
    %broadcast_in_dim3A_1551 = arith.constant 2 : i32
    %broadcast_in_dim3A_1552 = vector.broadcast %broadcast_in_dim3A_1551 : i32 to vector<16xi32>
    %gather3A_1553 = tpu.vector_load_idx %arg7[%broadcast_in_dim3A_1552] : memref<16xf32, #tpu.memory_space<vmem>>[vector<16xi32>], vector<16xf32>,
    %gather3A_1554 = tpu.vector_load_idx %arg8[%broadcast_in_dim3A_1552] : memref<16xi32, #tpu.memory_space<vmem>>[vector<16xi32>], vector<16xi32>,
    %broadcast_in_dim3A_1555 = arith.constant 3 : i32
    %broadcast_in_dim3A_1556 = vector.broadcast %broadcast_in_dim3A_1555 : i32 to vector<16xi32>
    %gather3A_1557 = tpu.vector_load_idx %arg7[%broadcast_in_dim3A_1556] : memref<16xf32, #tpu.memory_space<vmem>>[vector<16xi32>], vector<16xf32>,
    %gather3A_1558 = tpu.vector_load_idx %arg8[%broadcast_in_dim3A_1556] : memref<16xi32, #tpu.memory_space<vmem>>[vector<16xi32>], vector<16xi32>,
    %broadcast_in_dim3A_1559 = arith.constant 4 : i32
    %broadcast_in_dim3A_1560 = vector.broadcast %broadcast_in_dim3A_1559 : i32 to vector<16xi32>
    %gather3A_1561 = tpu.vector_load_idx %arg7[%broadcast_in_dim3A_1560] : memref<16xf32, #tpu.memory_space<vmem>>[vector<16xi32>], vector<16xf32>,
    %gather3A_1562 = tpu.vector_load_idx %arg8[%broadcast_in_dim3A_1560] : memref<16xi32, #tpu.memory_space<vmem>>[vector<16xi32>], vector<16xi32>,
    %broadcast_in_dim3A_1563 = arith.constant 5 : i32
    %broadcast_in_dim3A_1564 = vector.broadcast %broadcast_in_dim3A_1563 : i32 to vector<16xi32>
    %gather3A_1565 = tpu.vector_load_idx %arg7[%broadcast_in_dim3A_1564] : memref<16xf32, #tpu.memory_space<vmem>>[vector<16xi32>], vector<16xf32>,
    %gather3A_1566 = tpu.vector_load_idx %arg8[%broadcast_in_dim3A_1564] : memref<16xi32, #tpu.memory_space<vmem>>[vector<16xi32>], vector<16xi32>,
    %broadcast_in_dim3A_1567 = arith.constant 6 : i32
    %broadcast_in_dim3A_1568 = vector.broadcast %broadcast_in_dim3A_1567 : i32 to vector<16xi32>
    %gather3A_1569 = tpu.vector_load_idx %arg7[%broadcast_in_dim3A_1568] : memref<16xf32, #tpu.memory_space<vmem>>[vector<16xi32>], vector<16xf32>,
    %gather3A_1570 = tpu.vector_load_idx %arg8[%broadcast_in_dim3A_1568] : memref<16xi32, #tpu.memory_space<vmem>>[vector<16xi32>], vector<16xi32>,
    %broadcast_in_dim3A_1571 = arith.constant 7 : i32
    %broadcast_in_dim3A_1572 = vector.broadcast %broadcast_in_dim3A_1571 : i32 to vector<16xi32>
    %gather3A_1573 = tpu.vector_load_idx %arg7[%broadcast_in_dim3A_1572] : memref<16xf32, #tpu.memory_space<vmem>>[vector<16xi32>], vector<16xf32>,
    %gather3A_1574 = tpu.vector_load_idx %arg8[%broadcast_in_dim3A_1572] : memref<16xi32, #tpu.memory_space<vmem>>[vector<16xi32>], vector<16xi32>,
    %broadcast_in_dim3A_1575 = arith.constant 8 : i32
    %broadcast_in_dim3A_1576 = vector.broadcast %broadcast_in_dim3A_1575 : i32 to vector<16xi32>
    %gather3A_1577 = tpu.vector_load_idx %arg7[%broadcast_in_dim3A_1576] : memref<16xf32, #tpu.memory_space<vmem>>[vector<16xi32>], vector<16xf32>,
    %gather3A_1578 = tpu.vector_load_idx %arg8[%broadcast_in_dim3A_1576] : memref<16xi32, #tpu.memory_space<vmem>>[vector<16xi32>], vector<16xi32>,
    %broadcast_in_dim3A_1579 = arith.constant 9 : i32
    %broadcast_in_dim3A_1580 = vector.broadcast %broadcast_in_dim3A_1579 : i32 to vector<16xi32>
    %gather3A_1581 = tpu.vector_load_idx %arg7[%broadcast_in_dim3A_1580] : memref<16xf32, #tpu.memory_space<vmem>>[vector<16xi32>], vector<16xf32>,
    %gather3A_1582 = tpu.vector_load_idx %arg8[%broadcast_in_dim3A_1580] : memref<16xi32, #tpu.memory_space<vmem>>[vector<16xi32>], vector<16xi32>,
    %broadcast_in_dim3A_1583 = arith.constant 10 : i32
    %broadcast_in_dim3A_1584 = vector.broadcast %broadcast_in_dim3A_1583 : i32 to vector<16xi32>
    %gather3A_1585 = tpu.vector_load_idx %arg7[%broadcast_in_dim3A_1584] : memref<16xf32, #tpu.memory_space<vmem>>[vector<16xi32>], vector<16xf32>,
    %gather3A_1586 = tpu.vector_load_idx %arg8[%broadcast_in_dim3A_1584] : memref<16xi32, #tpu.memory_space<vmem>>[vector<16xi32>], vector<16xi32>,
    %broadcast_in_dim3A_1587 = arith.constant 11 : i32
    %broadcast_in_dim3A_1588 = vector.broadcast %broadcast_in_dim3A_1587 : i32 to vector<16xi32>
    %gather3A_1589 = tpu.vector_load_idx %arg7[%broadcast_in_dim3A_1588] : memref<16xf32, #tpu.memory_space<vmem>>[vector<16xi32>], vector<16xf32>,
    %gather3A_1590 = tpu.vector_load_idx %arg8[%broadcast_in_dim3A_1588] : memref<16xi32, #tpu.memory_space<vmem>>[vector<16xi32>], vector<16xi32>,
    %broadcast_in_dim3A_1591 = arith.constant 12 : i32
    %broadcast_in_dim3A_1592 = vector.broadcast %broadcast_in_dim3A_1591 : i32 to vector<16xi32>
    %gather3A_1593 = tpu.vector_load_idx %arg7[%broadcast_in_dim3A_1592] : memref<16xf32, #tpu.memory_space<vmem>>[vector<16xi32>], vector<16xf32>,
    %gather3A_1594 = tpu.vector_load_idx %arg8[%broadcast_in_dim3A_1592] : memref<16xi32, #tpu.memory_space<vmem>>[vector<16xi32>], vector<16xi32>,
    %broadcast_in_dim3A_1595 = arith.constant 13 : i32
    %broadcast_in_dim3A_1596 = vector.broadcast %broadcast_in_dim3A_1595 : i32 to vector<16xi32>
    %gather3A_1597 = tpu.vector_load_idx %arg7[%broadcast_in_dim3A_1596] : memref<16xf32, #tpu.memory_space<vmem>>[vector<16xi32>], vector<16xf32>,
    %gather3A_1598 = tpu.vector_load_idx %arg8[%broadcast_in_dim3A_1596] : memref<16xi32, #tpu.memory_space<vmem>>[vector<16xi32>], vector<16xi32>,
    %broadcast_in_dim3A_1599 = arith.constant 14 : i32
    %broadcast_in_dim3A_1600 = vector.broadcast %broadcast_in_dim3A_1599 : i32 to vector<16xi32>
    %gather3A_1601 = tpu.vector_load_idx %arg7[%broadcast_in_dim3A_1600] : memref<16xf32, #tpu.memory_space<vmem>>[vector<16xi32>], vector<16xf32>,
    %gather3A_1602 = tpu.vector_load_idx %arg8[%broadcast_in_dim3A_1600] : memref<16xi32, #tpu.memory_space<vmem>>[vector<16xi32>], vector<16xi32>,
    %broadcast_in_dim3A_1603 = arith.constant 15 : i32
    %broadcast_in_dim3A_1604 = vector.broadcast %broadcast_in_dim3A_1603 : i32 to vector<16xi32>
    %gather3A_1605 = tpu.vector_load_idx %arg7[%broadcast_in_dim3A_1604] : memref<16xf32, #tpu.memory_space<vmem>>[vector<16xi32>], vector<16xf32>,
    %gather3A_1606 = tpu.vector_load_idx %arg8[%broadcast_in_dim3A_1604] : memref<16xi32, #tpu.memory_space<vmem>>[vector<16xi32>], vector<16xi32>,
    %gt3A_1607 = arith.cmpf ogt, %gather3A_1545, %gather3A_1549 : vector<16xf32>
    %eq3A_1608 = arith.cmpf oeq, %gather3A_1545, %gather3A_1549 : vector<16xf32>
    %lt3A_1609 = arith.cmpi slt, %gather3A_1546, %gather3A_1550 : vector<16xi32>
    %and3A_1610 = arith.andi %eq3A_1608, %lt3A_1609 : vector<16xi1>
    %or3A_1611 = arith.ori %gt3A_1607, %and3A_1610 : vector<16xi1>
    %select_n3A_1612 = arith.select %or3A_1611, %gather3A_1545, %gather3A_1549 : vector<16xi1>, vector<16xf32>
    %select_n3A_1613 = arith.select %or3A_1611, %gather3A_1546, %gather3A_1550 : vector<16xi1>, vector<16xi32>
    %gt3A_1614 = arith.cmpf ogt, %gather3A_1553, %gather3A_1557 : vector<16xf32>
    %eq3A_1615 = arith.cmpf oeq, %gather3A_1553, %gather3A_1557 : vector<16xf32>
    %lt3A_1616 = arith.cmpi slt, %gather3A_1554, %gather3A_1558 : vector<16xi32>
    %and3A_1617 = arith.andi %eq3A_1615, %lt3A_1616 : vector<16xi1>
    %or3A_1618 = arith.ori %gt3A_1614, %and3A_1617 : vector<16xi1>
    %select_n3A_1619 = arith.select %or3A_1618, %gather3A_1553, %gather3A_1557 : vector<16xi1>, vector<16xf32>
    %select_n3A_1620 = arith.select %or3A_1618, %gather3A_1554, %gather3A_1558 : vector<16xi1>, vector<16xi32>
    %gt3A_1621 = arith.cmpf ogt, %gather3A_1561, %gather3A_1565 : vector<16xf32>
    %eq3A_1622 = arith.cmpf oeq, %gather3A_1561, %gather3A_1565 : vector<16xf32>
    %lt3A_1623 = arith.cmpi slt, %gather3A_1562, %gather3A_1566 : vector<16xi32>
    %and3A_1624 = arith.andi %eq3A_1622, %lt3A_1623 : vector<16xi1>
    %or3A_1625 = arith.ori %gt3A_1621, %and3A_1624 : vector<16xi1>
    %select_n3A_1626 = arith.select %or3A_1625, %gather3A_1561, %gather3A_1565 : vector<16xi1>, vector<16xf32>
    %select_n3A_1627 = arith.select %or3A_1625, %gather3A_1562, %gather3A_1566 : vector<16xi1>, vector<16xi32>
    %gt3A_1628 = arith.cmpf ogt, %gather3A_1569, %gather3A_1573 : vector<16xf32>
    %eq3A_1629 = arith.cmpf oeq, %gather3A_1569, %gather3A_1573 : vector<16xf32>
    %lt3A_1630 = arith.cmpi slt, %gather3A_1570, %gather3A_1574 : vector<16xi32>
    %and3A_1631 = arith.andi %eq3A_1629, %lt3A_1630 : vector<16xi1>
    %or3A_1632 = arith.ori %gt3A_1628, %and3A_1631 : vector<16xi1>
    %select_n3A_1633 = arith.select %or3A_1632, %gather3A_1569, %gather3A_1573 : vector<16xi1>, vector<16xf32>
    %select_n3A_1634 = arith.select %or3A_1632, %gather3A_1570, %gather3A_1574 : vector<16xi1>, vector<16xi32>
    %gt3A_1635 = arith.cmpf ogt, %gather3A_1577, %gather3A_1581 : vector<16xf32>
    %eq3A_1636 = arith.cmpf oeq, %gather3A_1577, %gather3A_1581 : vector<16xf32>
    %lt3A_1637 = arith.cmpi slt, %gather3A_1578, %gather3A_1582 : vector<16xi32>
    %and3A_1638 = arith.andi %eq3A_1636, %lt3A_1637 : vector<16xi1>
    %or3A_1639 = arith.ori %gt3A_1635, %and3A_1638 : vector<16xi1>
    %select_n3A_1640 = arith.select %or3A_1639, %gather3A_1577, %gather3A_1581 : vector<16xi1>, vector<16xf32>
    %select_n3A_1641 = arith.select %or3A_1639, %gather3A_1578, %gather3A_1582 : vector<16xi1>, vector<16xi32>
    %gt3A_1642 = arith.cmpf ogt, %gather3A_1585, %gather3A_1589 : vector<16xf32>
    %eq3A_1643 = arith.cmpf oeq, %gather3A_1585, %gather3A_1589 : vector<16xf32>
    %lt3A_1644 = arith.cmpi slt, %gather3A_1586, %gather3A_1590 : vector<16xi32>
    %and3A_1645 = arith.andi %eq3A_1643, %lt3A_1644 : vector<16xi1>
    %or3A_1646 = arith.ori %gt3A_1642, %and3A_1645 : vector<16xi1>
    %select_n3A_1647 = arith.select %or3A_1646, %gather3A_1585, %gather3A_1589 : vector<16xi1>, vector<16xf32>
    %select_n3A_1648 = arith.select %or3A_1646, %gather3A_1586, %gather3A_1590 : vector<16xi1>, vector<16xi32>
    %gt3A_1649 = arith.cmpf ogt, %gather3A_1593, %gather3A_1597 : vector<16xf32>
    %eq3A_1650 = arith.cmpf oeq, %gather3A_1593, %gather3A_1597 : vector<16xf32>
    %lt3A_1651 = arith.cmpi slt, %gather3A_1594, %gather3A_1598 : vector<16xi32>
    %and3A_1652 = arith.andi %eq3A_1650, %lt3A_1651 : vector<16xi1>
    %or3A_1653 = arith.ori %gt3A_1649, %and3A_1652 : vector<16xi1>
    %select_n3A_1654 = arith.select %or3A_1653, %gather3A_1593, %gather3A_1597 : vector<16xi1>, vector<16xf32>
    %select_n3A_1655 = arith.select %or3A_1653, %gather3A_1594, %gather3A_1598 : vector<16xi1>, vector<16xi32>
    %gt3A_1656 = arith.cmpf ogt, %gather3A_1601, %gather3A_1605 : vector<16xf32>
    %eq3A_1657 = arith.cmpf oeq, %gather3A_1601, %gather3A_1605 : vector<16xf32>
    %lt3A_1658 = arith.cmpi slt, %gather3A_1602, %gather3A_1606 : vector<16xi32>
    %and3A_1659 = arith.andi %eq3A_1657, %lt3A_1658 : vector<16xi1>
    %or3A_1660 = arith.ori %gt3A_1656, %and3A_1659 : vector<16xi1>
    %select_n3A_1661 = arith.select %or3A_1660, %gather3A_1601, %gather3A_1605 : vector<16xi1>, vector<16xf32>
    %select_n3A_1662 = arith.select %or3A_1660, %gather3A_1602, %gather3A_1606 : vector<16xi1>, vector<16xi32>
    %gt3A_1663 = arith.cmpf ogt, %select_n3A_1612, %select_n3A_1619 : vector<16xf32>
    %eq3A_1664 = arith.cmpf oeq, %select_n3A_1612, %select_n3A_1619 : vector<16xf32>
    %lt3A_1665 = arith.cmpi slt, %select_n3A_1613, %select_n3A_1620 : vector<16xi32>
    %and3A_1666 = arith.andi %eq3A_1664, %lt3A_1665 : vector<16xi1>
    %or3A_1667 = arith.ori %gt3A_1663, %and3A_1666 : vector<16xi1>
    %select_n3A_1668 = arith.select %or3A_1667, %select_n3A_1612, %select_n3A_1619 : vector<16xi1>, vector<16xf32>
    %select_n3A_1669 = arith.select %or3A_1667, %select_n3A_1613, %select_n3A_1620 : vector<16xi1>, vector<16xi32>
    %gt3A_1670 = arith.cmpf ogt, %select_n3A_1626, %select_n3A_1633 : vector<16xf32>
    %eq3A_1671 = arith.cmpf oeq, %select_n3A_1626, %select_n3A_1633 : vector<16xf32>
    %lt3A_1672 = arith.cmpi slt, %select_n3A_1627, %select_n3A_1634 : vector<16xi32>
    %and3A_1673 = arith.andi %eq3A_1671, %lt3A_1672 : vector<16xi1>
    %or3A_1674 = arith.ori %gt3A_1670, %and3A_1673 : vector<16xi1>
    %select_n3A_1675 = arith.select %or3A_1674, %select_n3A_1626, %select_n3A_1633 : vector<16xi1>, vector<16xf32>
    %select_n3A_1676 = arith.select %or3A_1674, %select_n3A_1627, %select_n3A_1634 : vector<16xi1>, vector<16xi32>
    %gt3A_1677 = arith.cmpf ogt, %select_n3A_1640, %select_n3A_1647 : vector<16xf32>
    %eq3A_1678 = arith.cmpf oeq, %select_n3A_1640, %select_n3A_1647 : vector<16xf32>
    %lt3A_1679 = arith.cmpi slt, %select_n3A_1641, %select_n3A_1648 : vector<16xi32>
    %and3A_1680 = arith.andi %eq3A_1678, %lt3A_1679 : vector<16xi1>
    %or3A_1681 = arith.ori %gt3A_1677, %and3A_1680 : vector<16xi1>
    %select_n3A_1682 = arith.select %or3A_1681, %select_n3A_1640, %select_n3A_1647 : vector<16xi1>, vector<16xf32>
    %select_n3A_1683 = arith.select %or3A_1681, %select_n3A_1641, %select_n3A_1648 : vector<16xi1>, vector<16xi32>
    %gt3A_1684 = arith.cmpf ogt, %select_n3A_1654, %select_n3A_1661 : vector<16xf32>
    %eq3A_1685 = arith.cmpf oeq, %select_n3A_1654, %select_n3A_1661 : vector<16xf32>
    %lt3A_1686 = arith.cmpi slt, %select_n3A_1655, %select_n3A_1662 : vector<16xi32>
    %and3A_1687 = arith.andi %eq3A_1685, %lt3A_1686 : vector<16xi1>
    %or3A_1688 = arith.ori %gt3A_1684, %and3A_1687 : vector<16xi1>
    %select_n3A_1689 = arith.select %or3A_1688, %select_n3A_1654, %select_n3A_1661 : vector<16xi1>, vector<16xf32>
    %select_n3A_1690 = arith.select %or3A_1688, %select_n3A_1655, %select_n3A_1662 : vector<16xi1>, vector<16xi32>
    %gt3A_1691 = arith.cmpf ogt, %select_n3A_1668, %select_n3A_1675 : vector<16xf32>
    %eq3A_1692 = arith.cmpf oeq, %select_n3A_1668, %select_n3A_1675 : vector<16xf32>
    %lt3A_1693 = arith.cmpi slt, %select_n3A_1669, %select_n3A_1676 : vector<16xi32>
    %and3A_1694 = arith.andi %eq3A_1692, %lt3A_1693 : vector<16xi1>
    %or3A_1695 = arith.ori %gt3A_1691, %and3A_1694 : vector<16xi1>
    %select_n3A_1696 = arith.select %or3A_1695, %select_n3A_1668, %select_n3A_1675 : vector<16xi1>, vector<16xf32>
    %select_n3A_1697 = arith.select %or3A_1695, %select_n3A_1669, %select_n3A_1676 : vector<16xi1>, vector<16xi32>
    %gt3A_1698 = arith.cmpf ogt, %select_n3A_1682, %select_n3A_1689 : vector<16xf32>
    %eq3A_1699 = arith.cmpf oeq, %select_n3A_1682, %select_n3A_1689 : vector<16xf32>
    %lt3A_1700 = arith.cmpi slt, %select_n3A_1683, %select_n3A_1690 : vector<16xi32>
    %and3A_1701 = arith.andi %eq3A_1699, %lt3A_1700 : vector<16xi1>
    %or3A_1702 = arith.ori %gt3A_1698, %and3A_1701 : vector<16xi1>
    %select_n3A_1703 = arith.select %or3A_1702, %select_n3A_1682, %select_n3A_1689 : vector<16xi1>, vector<16xf32>
    %select_n3A_1704 = arith.select %or3A_1702, %select_n3A_1683, %select_n3A_1690 : vector<16xi1>, vector<16xi32>
    %gt3A_1705 = arith.cmpf ogt, %select_n3A_1696, %select_n3A_1703 : vector<16xf32>
    %eq3A_1706 = arith.cmpf oeq, %select_n3A_1696, %select_n3A_1703 : vector<16xf32>
    %lt3A_1707 = arith.cmpi slt, %select_n3A_1697, %select_n3A_1704 : vector<16xi32>
    %and3A_1708 = arith.andi %eq3A_1706, %lt3A_1707 : vector<16xi1>
    %or3A_1709 = arith.ori %gt3A_1705, %and3A_1708 : vector<16xi1>
    %select_n3A_1710 = arith.select %or3A_1709, %select_n3A_1696, %select_n3A_1703 : vector<16xi1>, vector<16xf32>
    %select_n3A_1711 = arith.select %or3A_1709, %select_n3A_1697, %select_n3A_1704 : vector<16xi1>, vector<16xi32>
    %eq3A_1712 = arith.cmpi eq, %add3A_3, %select_n3A_1711 : vector<16xi32>
    %jit3A_1713 = arith.constant 0xFF800000 : f32
    %broadcast_in_dim3A_1714 = vector.broadcast %jit3A_1713 : f32 to vector<16xf32>
    %select_n3A_1715 = arith.select %eq3A_1712, %broadcast_in_dim3A_1714, %select_n3A_1153 : vector<16xi1>, vector<16xf32>
    %eq3A_1716 = arith.cmpi eq, %add3A_6, %select_n3A_1711 : vector<16xi32>
    %jit3A_1717 = arith.constant 0xFF800000 : f32
    %broadcast_in_dim3A_1718 = vector.broadcast %jit3A_1717 : f32 to vector<16xf32>
    %select_n3A_1719 = arith.select %eq3A_1716, %broadcast_in_dim3A_1718, %select_n3A_1157 : vector<16xi1>, vector<16xf32>
    %eq3A_1720 = arith.cmpi eq, %add3A_9, %select_n3A_1711 : vector<16xi32>
    %jit3A_1721 = arith.constant 0xFF800000 : f32
    %broadcast_in_dim3A_1722 = vector.broadcast %jit3A_1721 : f32 to vector<16xf32>
    %select_n3A_1723 = arith.select %eq3A_1720, %broadcast_in_dim3A_1722, %select_n3A_1161 : vector<16xi1>, vector<16xf32>
    %eq3A_1724 = arith.cmpi eq, %add3A_12, %select_n3A_1711 : vector<16xi32>
    %jit3A_1725 = arith.constant 0xFF800000 : f32
    %broadcast_in_dim3A_1726 = vector.broadcast %jit3A_1725 : f32 to vector<16xf32>
    %select_n3A_1727 = arith.select %eq3A_1724, %broadcast_in_dim3A_1726, %select_n3A_1165 : vector<16xi1>, vector<16xf32>
    %eq3A_1728 = arith.cmpi eq, %add3A_15, %select_n3A_1711 : vector<16xi32>
    %jit3A_1729 = arith.constant 0xFF800000 : f32
    %broadcast_in_dim3A_1730 = vector.broadcast %jit3A_1729 : f32 to vector<16xf32>
    %select_n3A_1731 = arith.select %eq3A_1728, %broadcast_in_dim3A_1730, %select_n3A_1169 : vector<16xi1>, vector<16xf32>
    %eq3A_1732 = arith.cmpi eq, %add3A_18, %select_n3A_1711 : vector<16xi32>
    %jit3A_1733 = arith.constant 0xFF800000 : f32
    %broadcast_in_dim3A_1734 = vector.broadcast %jit3A_1733 : f32 to vector<16xf32>
    %select_n3A_1735 = arith.select %eq3A_1732, %broadcast_in_dim3A_1734, %select_n3A_1173 : vector<16xi1>, vector<16xf32>
    %eq3A_1736 = arith.cmpi eq, %add3A_21, %select_n3A_1711 : vector<16xi32>
    %jit3A_1737 = arith.constant 0xFF800000 : f32
    %broadcast_in_dim3A_1738 = vector.broadcast %jit3A_1737 : f32 to vector<16xf32>
    %select_n3A_1739 = arith.select %eq3A_1736, %broadcast_in_dim3A_1738, %select_n3A_1177 : vector<16xi1>, vector<16xf32>
    %eq3A_1740 = arith.cmpi eq, %add3A_24, %select_n3A_1711 : vector<16xi32>
    %jit3A_1741 = arith.constant 0xFF800000 : f32
    %broadcast_in_dim3A_1742 = vector.broadcast %jit3A_1741 : f32 to vector<16xf32>
    %select_n3A_1743 = arith.select %eq3A_1740, %broadcast_in_dim3A_1742, %select_n3A_1181 : vector<16xi1>, vector<16xf32>
    %eq3A_1744 = arith.cmpi eq, %add3A_27, %select_n3A_1711 : vector<16xi32>
    %jit3A_1745 = arith.constant 0xFF800000 : f32
    %broadcast_in_dim3A_1746 = vector.broadcast %jit3A_1745 : f32 to vector<16xf32>
    %select_n3A_1747 = arith.select %eq3A_1744, %broadcast_in_dim3A_1746, %select_n3A_1185 : vector<16xi1>, vector<16xf32>
    %eq3A_1748 = arith.cmpi eq, %add3A_30, %select_n3A_1711 : vector<16xi32>
    %jit3A_1749 = arith.constant 0xFF800000 : f32
    %broadcast_in_dim3A_1750 = vector.broadcast %jit3A_1749 : f32 to vector<16xf32>
    %select_n3A_1751 = arith.select %eq3A_1748, %broadcast_in_dim3A_1750, %select_n3A_1189 : vector<16xi1>, vector<16xf32>
    %eq3A_1752 = arith.cmpi eq, %add3A_33, %select_n3A_1711 : vector<16xi32>
    %jit3A_1753 = arith.constant 0xFF800000 : f32
    %broadcast_in_dim3A_1754 = vector.broadcast %jit3A_1753 : f32 to vector<16xf32>
    %select_n3A_1755 = arith.select %eq3A_1752, %broadcast_in_dim3A_1754, %select_n3A_1193 : vector<16xi1>, vector<16xf32>
    %eq3A_1756 = arith.cmpi eq, %add3A_36, %select_n3A_1711 : vector<16xi32>
    %jit3A_1757 = arith.constant 0xFF800000 : f32
    %broadcast_in_dim3A_1758 = vector.broadcast %jit3A_1757 : f32 to vector<16xf32>
    %select_n3A_1759 = arith.select %eq3A_1756, %broadcast_in_dim3A_1758, %select_n3A_1197 : vector<16xi1>, vector<16xf32>
    %eq3A_1760 = arith.cmpi eq, %add3A_39, %select_n3A_1711 : vector<16xi32>
    %jit3A_1761 = arith.constant 0xFF800000 : f32
    %broadcast_in_dim3A_1762 = vector.broadcast %jit3A_1761 : f32 to vector<16xf32>
    %select_n3A_1763 = arith.select %eq3A_1760, %broadcast_in_dim3A_1762, %select_n3A_1201 : vector<16xi1>, vector<16xf32>
    %eq3A_1764 = arith.cmpi eq, %add3A_42, %select_n3A_1711 : vector<16xi32>
    %jit3A_1765 = arith.constant 0xFF800000 : f32
    %broadcast_in_dim3A_1766 = vector.broadcast %jit3A_1765 : f32 to vector<16xf32>
    %select_n3A_1767 = arith.select %eq3A_1764, %broadcast_in_dim3A_1766, %select_n3A_1205 : vector<16xi1>, vector<16xf32>
    %eq3A_1768 = arith.cmpi eq, %add3A_45, %select_n3A_1711 : vector<16xi32>
    %jit3A_1769 = arith.constant 0xFF800000 : f32
    %broadcast_in_dim3A_1770 = vector.broadcast %jit3A_1769 : f32 to vector<16xf32>
    %select_n3A_1771 = arith.select %eq3A_1768, %broadcast_in_dim3A_1770, %select_n3A_1209 : vector<16xi1>, vector<16xf32>
    %eq3A_1772 = arith.cmpi eq, %add3A_48, %select_n3A_1711 : vector<16xi32>
    %jit3A_1773 = arith.constant 0xFF800000 : f32
    %broadcast_in_dim3A_1774 = vector.broadcast %jit3A_1773 : f32 to vector<16xf32>
    %select_n3A_1775 = arith.select %eq3A_1772, %broadcast_in_dim3A_1774, %select_n3A_1213 : vector<16xi1>, vector<16xf32>
    %eq3A_1776 = arith.cmpi eq, %add3A_51, %select_n3A_1711 : vector<16xi32>
    %jit3A_1777 = arith.constant 0xFF800000 : f32
    %broadcast_in_dim3A_1778 = vector.broadcast %jit3A_1777 : f32 to vector<16xf32>
    %select_n3A_1779 = arith.select %eq3A_1776, %broadcast_in_dim3A_1778, %select_n3A_1217 : vector<16xi1>, vector<16xf32>
    %eq3A_1780 = arith.cmpi eq, %add3A_54, %select_n3A_1711 : vector<16xi32>
    %jit3A_1781 = arith.constant 0xFF800000 : f32
    %broadcast_in_dim3A_1782 = vector.broadcast %jit3A_1781 : f32 to vector<16xf32>
    %select_n3A_1783 = arith.select %eq3A_1780, %broadcast_in_dim3A_1782, %select_n3A_1221 : vector<16xi1>, vector<16xf32>
    %eq3A_1784 = arith.cmpi eq, %add3A_57, %select_n3A_1711 : vector<16xi32>
    %jit3A_1785 = arith.constant 0xFF800000 : f32
    %broadcast_in_dim3A_1786 = vector.broadcast %jit3A_1785 : f32 to vector<16xf32>
    %select_n3A_1787 = arith.select %eq3A_1784, %broadcast_in_dim3A_1786, %select_n3A_1225 : vector<16xi1>, vector<16xf32>
    %eq3A_1788 = arith.cmpi eq, %add3A_60, %select_n3A_1711 : vector<16xi32>
    %jit3A_1789 = arith.constant 0xFF800000 : f32
    %broadcast_in_dim3A_1790 = vector.broadcast %jit3A_1789 : f32 to vector<16xf32>
    %select_n3A_1791 = arith.select %eq3A_1788, %broadcast_in_dim3A_1790, %select_n3A_1229 : vector<16xi1>, vector<16xf32>
    %eq3A_1792 = arith.cmpi eq, %add3A_63, %select_n3A_1711 : vector<16xi32>
    %jit3A_1793 = arith.constant 0xFF800000 : f32
    %broadcast_in_dim3A_1794 = vector.broadcast %jit3A_1793 : f32 to vector<16xf32>
    %select_n3A_1795 = arith.select %eq3A_1792, %broadcast_in_dim3A_1794, %select_n3A_1233 : vector<16xi1>, vector<16xf32>
    %eq3A_1796 = arith.cmpi eq, %add3A_66, %select_n3A_1711 : vector<16xi32>
    %jit3A_1797 = arith.constant 0xFF800000 : f32
    %broadcast_in_dim3A_1798 = vector.broadcast %jit3A_1797 : f32 to vector<16xf32>
    %select_n3A_1799 = arith.select %eq3A_1796, %broadcast_in_dim3A_1798, %select_n3A_1237 : vector<16xi1>, vector<16xf32>
    %eq3A_1800 = arith.cmpi eq, %add3A_69, %select_n3A_1711 : vector<16xi32>
    %jit3A_1801 = arith.constant 0xFF800000 : f32
    %broadcast_in_dim3A_1802 = vector.broadcast %jit3A_1801 : f32 to vector<16xf32>
    %select_n3A_1803 = arith.select %eq3A_1800, %broadcast_in_dim3A_1802, %select_n3A_1241 : vector<16xi1>, vector<16xf32>
    %eq3A_1804 = arith.cmpi eq, %add3A_72, %select_n3A_1711 : vector<16xi32>
    %jit3A_1805 = arith.constant 0xFF800000 : f32
    %broadcast_in_dim3A_1806 = vector.broadcast %jit3A_1805 : f32 to vector<16xf32>
    %select_n3A_1807 = arith.select %eq3A_1804, %broadcast_in_dim3A_1806, %select_n3A_1245 : vector<16xi1>, vector<16xf32>
    %eq3A_1808 = arith.cmpi eq, %add3A_75, %select_n3A_1711 : vector<16xi32>
    %jit3A_1809 = arith.constant 0xFF800000 : f32
    %broadcast_in_dim3A_1810 = vector.broadcast %jit3A_1809 : f32 to vector<16xf32>
    %select_n3A_1811 = arith.select %eq3A_1808, %broadcast_in_dim3A_1810, %select_n3A_1249 : vector<16xi1>, vector<16xf32>
    %eq3A_1812 = arith.cmpi eq, %add3A_78, %select_n3A_1711 : vector<16xi32>
    %jit3A_1813 = arith.constant 0xFF800000 : f32
    %broadcast_in_dim3A_1814 = vector.broadcast %jit3A_1813 : f32 to vector<16xf32>
    %select_n3A_1815 = arith.select %eq3A_1812, %broadcast_in_dim3A_1814, %select_n3A_1253 : vector<16xi1>, vector<16xf32>
    %eq3A_1816 = arith.cmpi eq, %add3A_81, %select_n3A_1711 : vector<16xi32>
    %jit3A_1817 = arith.constant 0xFF800000 : f32
    %broadcast_in_dim3A_1818 = vector.broadcast %jit3A_1817 : f32 to vector<16xf32>
    %select_n3A_1819 = arith.select %eq3A_1816, %broadcast_in_dim3A_1818, %select_n3A_1257 : vector<16xi1>, vector<16xf32>
    %eq3A_1820 = arith.cmpi eq, %add3A_84, %select_n3A_1711 : vector<16xi32>
    %jit3A_1821 = arith.constant 0xFF800000 : f32
    %broadcast_in_dim3A_1822 = vector.broadcast %jit3A_1821 : f32 to vector<16xf32>
    %select_n3A_1823 = arith.select %eq3A_1820, %broadcast_in_dim3A_1822, %select_n3A_1261 : vector<16xi1>, vector<16xf32>
    %eq3A_1824 = arith.cmpi eq, %add3A_87, %select_n3A_1711 : vector<16xi32>
    %jit3A_1825 = arith.constant 0xFF800000 : f32
    %broadcast_in_dim3A_1826 = vector.broadcast %jit3A_1825 : f32 to vector<16xf32>
    %select_n3A_1827 = arith.select %eq3A_1824, %broadcast_in_dim3A_1826, %select_n3A_1265 : vector<16xi1>, vector<16xf32>
    %eq3A_1828 = arith.cmpi eq, %add3A_90, %select_n3A_1711 : vector<16xi32>
    %jit3A_1829 = arith.constant 0xFF800000 : f32
    %broadcast_in_dim3A_1830 = vector.broadcast %jit3A_1829 : f32 to vector<16xf32>
    %select_n3A_1831 = arith.select %eq3A_1828, %broadcast_in_dim3A_1830, %select_n3A_1269 : vector<16xi1>, vector<16xf32>
    %eq3A_1832 = arith.cmpi eq, %add3A_93, %select_n3A_1711 : vector<16xi32>
    %jit3A_1833 = arith.constant 0xFF800000 : f32
    %broadcast_in_dim3A_1834 = vector.broadcast %jit3A_1833 : f32 to vector<16xf32>
    %select_n3A_1835 = arith.select %eq3A_1832, %broadcast_in_dim3A_1834, %select_n3A_1273 : vector<16xi1>, vector<16xf32>
    %eq3A_1836 = arith.cmpi eq, %add3A_96, %select_n3A_1711 : vector<16xi32>
    %jit3A_1837 = arith.constant 0xFF800000 : f32
    %broadcast_in_dim3A_1838 = vector.broadcast %jit3A_1837 : f32 to vector<16xf32>
    %select_n3A_1839 = arith.select %eq3A_1836, %broadcast_in_dim3A_1838, %select_n3A_1277 : vector<16xi1>, vector<16xf32>
    %eq3A_1840 = arith.cmpi eq, %add3A_99, %select_n3A_1711 : vector<16xi32>
    %jit3A_1841 = arith.constant 0xFF800000 : f32
    %broadcast_in_dim3A_1842 = vector.broadcast %jit3A_1841 : f32 to vector<16xf32>
    %select_n3A_1843 = arith.select %eq3A_1840, %broadcast_in_dim3A_1842, %select_n3A_1281 : vector<16xi1>, vector<16xf32>
    %eq3A_1844 = arith.cmpi eq, %add3A_102, %select_n3A_1711 : vector<16xi32>
    %jit3A_1845 = arith.constant 0xFF800000 : f32
    %broadcast_in_dim3A_1846 = vector.broadcast %jit3A_1845 : f32 to vector<16xf32>
    %select_n3A_1847 = arith.select %eq3A_1844, %broadcast_in_dim3A_1846, %select_n3A_1285 : vector<16xi1>, vector<16xf32>
    %eq3A_1848 = arith.cmpi eq, %add3A_105, %select_n3A_1711 : vector<16xi32>
    %jit3A_1849 = arith.constant 0xFF800000 : f32
    %broadcast_in_dim3A_1850 = vector.broadcast %jit3A_1849 : f32 to vector<16xf32>
    %select_n3A_1851 = arith.select %eq3A_1848, %broadcast_in_dim3A_1850, %select_n3A_1289 : vector<16xi1>, vector<16xf32>
    %eq3A_1852 = arith.cmpi eq, %add3A_108, %select_n3A_1711 : vector<16xi32>
    %jit3A_1853 = arith.constant 0xFF800000 : f32
    %broadcast_in_dim3A_1854 = vector.broadcast %jit3A_1853 : f32 to vector<16xf32>
    %select_n3A_1855 = arith.select %eq3A_1852, %broadcast_in_dim3A_1854, %select_n3A_1293 : vector<16xi1>, vector<16xf32>
    %gt3A_1856 = arith.cmpf ogt, %select_n3A_1715, %select_n3A_1719 : vector<16xf32>
    %eq3A_1857 = arith.cmpf oeq, %select_n3A_1715, %select_n3A_1719 : vector<16xf32>
    %lt3A_1858 = arith.cmpi slt, %add3A_3, %add3A_6 : vector<16xi32>
    %and3A_1859 = arith.andi %eq3A_1857, %lt3A_1858 : vector<16xi1>
    %or3A_1860 = arith.ori %gt3A_1856, %and3A_1859 : vector<16xi1>
    %select_n3A_1861 = arith.select %or3A_1860, %select_n3A_1715, %select_n3A_1719 : vector<16xi1>, vector<16xf32>
    %select_n3A_1862 = arith.select %or3A_1860, %add3A_3, %add3A_6 : vector<16xi1>, vector<16xi32>
    %gt3A_1863 = arith.cmpf ogt, %select_n3A_1723, %select_n3A_1727 : vector<16xf32>
    %eq3A_1864 = arith.cmpf oeq, %select_n3A_1723, %select_n3A_1727 : vector<16xf32>
    %lt3A_1865 = arith.cmpi slt, %add3A_9, %add3A_12 : vector<16xi32>
    %and3A_1866 = arith.andi %eq3A_1864, %lt3A_1865 : vector<16xi1>
    %or3A_1867 = arith.ori %gt3A_1863, %and3A_1866 : vector<16xi1>
    %select_n3A_1868 = arith.select %or3A_1867, %select_n3A_1723, %select_n3A_1727 : vector<16xi1>, vector<16xf32>
    %select_n3A_1869 = arith.select %or3A_1867, %add3A_9, %add3A_12 : vector<16xi1>, vector<16xi32>
    %gt3A_1870 = arith.cmpf ogt, %select_n3A_1731, %select_n3A_1735 : vector<16xf32>
    %eq3A_1871 = arith.cmpf oeq, %select_n3A_1731, %select_n3A_1735 : vector<16xf32>
    %lt3A_1872 = arith.cmpi slt, %add3A_15, %add3A_18 : vector<16xi32>
    %and3A_1873 = arith.andi %eq3A_1871, %lt3A_1872 : vector<16xi1>
    %or3A_1874 = arith.ori %gt3A_1870, %and3A_1873 : vector<16xi1>
    %select_n3A_1875 = arith.select %or3A_1874, %select_n3A_1731, %select_n3A_1735 : vector<16xi1>, vector<16xf32>
    %select_n3A_1876 = arith.select %or3A_1874, %add3A_15, %add3A_18 : vector<16xi1>, vector<16xi32>
    %gt3A_1877 = arith.cmpf ogt, %select_n3A_1739, %select_n3A_1743 : vector<16xf32>
    %eq3A_1878 = arith.cmpf oeq, %select_n3A_1739, %select_n3A_1743 : vector<16xf32>
    %lt3A_1879 = arith.cmpi slt, %add3A_21, %add3A_24 : vector<16xi32>
    %and3A_1880 = arith.andi %eq3A_1878, %lt3A_1879 : vector<16xi1>
    %or3A_1881 = arith.ori %gt3A_1877, %and3A_1880 : vector<16xi1>
    %select_n3A_1882 = arith.select %or3A_1881, %select_n3A_1739, %select_n3A_1743 : vector<16xi1>, vector<16xf32>
    %select_n3A_1883 = arith.select %or3A_1881, %add3A_21, %add3A_24 : vector<16xi1>, vector<16xi32>
    %gt3A_1884 = arith.cmpf ogt, %select_n3A_1747, %select_n3A_1751 : vector<16xf32>
    %eq3A_1885 = arith.cmpf oeq, %select_n3A_1747, %select_n3A_1751 : vector<16xf32>
    %lt3A_1886 = arith.cmpi slt, %add3A_27, %add3A_30 : vector<16xi32>
    %and3A_1887 = arith.andi %eq3A_1885, %lt3A_1886 : vector<16xi1>
    %or3A_1888 = arith.ori %gt3A_1884, %and3A_1887 : vector<16xi1>
    %select_n3A_1889 = arith.select %or3A_1888, %select_n3A_1747, %select_n3A_1751 : vector<16xi1>, vector<16xf32>
    %select_n3A_1890 = arith.select %or3A_1888, %add3A_27, %add3A_30 : vector<16xi1>, vector<16xi32>
    %gt3A_1891 = arith.cmpf ogt, %select_n3A_1755, %select_n3A_1759 : vector<16xf32>
    %eq3A_1892 = arith.cmpf oeq, %select_n3A_1755, %select_n3A_1759 : vector<16xf32>
    %lt3A_1893 = arith.cmpi slt, %add3A_33, %add3A_36 : vector<16xi32>
    %and3A_1894 = arith.andi %eq3A_1892, %lt3A_1893 : vector<16xi1>
    %or3A_1895 = arith.ori %gt3A_1891, %and3A_1894 : vector<16xi1>
    %select_n3A_1896 = arith.select %or3A_1895, %select_n3A_1755, %select_n3A_1759 : vector<16xi1>, vector<16xf32>
    %select_n3A_1897 = arith.select %or3A_1895, %add3A_33, %add3A_36 : vector<16xi1>, vector<16xi32>
    %gt3A_1898 = arith.cmpf ogt, %select_n3A_1763, %select_n3A_1767 : vector<16xf32>
    %eq3A_1899 = arith.cmpf oeq, %select_n3A_1763, %select_n3A_1767 : vector<16xf32>
    %lt3A_1900 = arith.cmpi slt, %add3A_39, %add3A_42 : vector<16xi32>
    %and3A_1901 = arith.andi %eq3A_1899, %lt3A_1900 : vector<16xi1>
    %or3A_1902 = arith.ori %gt3A_1898, %and3A_1901 : vector<16xi1>
    %select_n3A_1903 = arith.select %or3A_1902, %select_n3A_1763, %select_n3A_1767 : vector<16xi1>, vector<16xf32>
    %select_n3A_1904 = arith.select %or3A_1902, %add3A_39, %add3A_42 : vector<16xi1>, vector<16xi32>
    %gt3A_1905 = arith.cmpf ogt, %select_n3A_1771, %select_n3A_1775 : vector<16xf32>
    %eq3A_1906 = arith.cmpf oeq, %select_n3A_1771, %select_n3A_1775 : vector<16xf32>
    %lt3A_1907 = arith.cmpi slt, %add3A_45, %add3A_48 : vector<16xi32>
    %and3A_1908 = arith.andi %eq3A_1906, %lt3A_1907 : vector<16xi1>
    %or3A_1909 = arith.ori %gt3A_1905, %and3A_1908 : vector<16xi1>
    %select_n3A_1910 = arith.select %or3A_1909, %select_n3A_1771, %select_n3A_1775 : vector<16xi1>, vector<16xf32>
    %select_n3A_1911 = arith.select %or3A_1909, %add3A_45, %add3A_48 : vector<16xi1>, vector<16xi32>
    %gt3A_1912 = arith.cmpf ogt, %select_n3A_1779, %select_n3A_1783 : vector<16xf32>
    %eq3A_1913 = arith.cmpf oeq, %select_n3A_1779, %select_n3A_1783 : vector<16xf32>
    %lt3A_1914 = arith.cmpi slt, %add3A_51, %add3A_54 : vector<16xi32>
    %and3A_1915 = arith.andi %eq3A_1913, %lt3A_1914 : vector<16xi1>
    %or3A_1916 = arith.ori %gt3A_1912, %and3A_1915 : vector<16xi1>
    %select_n3A_1917 = arith.select %or3A_1916, %select_n3A_1779, %select_n3A_1783 : vector<16xi1>, vector<16xf32>
    %select_n3A_1918 = arith.select %or3A_1916, %add3A_51, %add3A_54 : vector<16xi1>, vector<16xi32>
    %gt3A_1919 = arith.cmpf ogt, %select_n3A_1787, %select_n3A_1791 : vector<16xf32>
    %eq3A_1920 = arith.cmpf oeq, %select_n3A_1787, %select_n3A_1791 : vector<16xf32>
    %lt3A_1921 = arith.cmpi slt, %add3A_57, %add3A_60 : vector<16xi32>
    %and3A_1922 = arith.andi %eq3A_1920, %lt3A_1921 : vector<16xi1>
    %or3A_1923 = arith.ori %gt3A_1919, %and3A_1922 : vector<16xi1>
    %select_n3A_1924 = arith.select %or3A_1923, %select_n3A_1787, %select_n3A_1791 : vector<16xi1>, vector<16xf32>
    %select_n3A_1925 = arith.select %or3A_1923, %add3A_57, %add3A_60 : vector<16xi1>, vector<16xi32>
    %gt3A_1926 = arith.cmpf ogt, %select_n3A_1795, %select_n3A_1799 : vector<16xf32>
    %eq3A_1927 = arith.cmpf oeq, %select_n3A_1795, %select_n3A_1799 : vector<16xf32>
    %lt3A_1928 = arith.cmpi slt, %add3A_63, %add3A_66 : vector<16xi32>
    %and3A_1929 = arith.andi %eq3A_1927, %lt3A_1928 : vector<16xi1>
    %or3A_1930 = arith.ori %gt3A_1926, %and3A_1929 : vector<16xi1>
    %select_n3A_1931 = arith.select %or3A_1930, %select_n3A_1795, %select_n3A_1799 : vector<16xi1>, vector<16xf32>
    %select_n3A_1932 = arith.select %or3A_1930, %add3A_63, %add3A_66 : vector<16xi1>, vector<16xi32>
    %gt3A_1933 = arith.cmpf ogt, %select_n3A_1803, %select_n3A_1807 : vector<16xf32>
    %eq3A_1934 = arith.cmpf oeq, %select_n3A_1803, %select_n3A_1807 : vector<16xf32>
    %lt3A_1935 = arith.cmpi slt, %add3A_69, %add3A_72 : vector<16xi32>
    %and3A_1936 = arith.andi %eq3A_1934, %lt3A_1935 : vector<16xi1>
    %or3A_1937 = arith.ori %gt3A_1933, %and3A_1936 : vector<16xi1>
    %select_n3A_1938 = arith.select %or3A_1937, %select_n3A_1803, %select_n3A_1807 : vector<16xi1>, vector<16xf32>
    %select_n3A_1939 = arith.select %or3A_1937, %add3A_69, %add3A_72 : vector<16xi1>, vector<16xi32>
    %gt3A_1940 = arith.cmpf ogt, %select_n3A_1811, %select_n3A_1815 : vector<16xf32>
    %eq3A_1941 = arith.cmpf oeq, %select_n3A_1811, %select_n3A_1815 : vector<16xf32>
    %lt3A_1942 = arith.cmpi slt, %add3A_75, %add3A_78 : vector<16xi32>
    %and3A_1943 = arith.andi %eq3A_1941, %lt3A_1942 : vector<16xi1>
    %or3A_1944 = arith.ori %gt3A_1940, %and3A_1943 : vector<16xi1>
    %select_n3A_1945 = arith.select %or3A_1944, %select_n3A_1811, %select_n3A_1815 : vector<16xi1>, vector<16xf32>
    %select_n3A_1946 = arith.select %or3A_1944, %add3A_75, %add3A_78 : vector<16xi1>, vector<16xi32>
    %gt3A_1947 = arith.cmpf ogt, %select_n3A_1819, %select_n3A_1823 : vector<16xf32>
    %eq3A_1948 = arith.cmpf oeq, %select_n3A_1819, %select_n3A_1823 : vector<16xf32>
    %lt3A_1949 = arith.cmpi slt, %add3A_81, %add3A_84 : vector<16xi32>
    %and3A_1950 = arith.andi %eq3A_1948, %lt3A_1949 : vector<16xi1>
    %or3A_1951 = arith.ori %gt3A_1947, %and3A_1950 : vector<16xi1>
    %select_n3A_1952 = arith.select %or3A_1951, %select_n3A_1819, %select_n3A_1823 : vector<16xi1>, vector<16xf32>
    %select_n3A_1953 = arith.select %or3A_1951, %add3A_81, %add3A_84 : vector<16xi1>, vector<16xi32>
    %gt3A_1954 = arith.cmpf ogt, %select_n3A_1827, %select_n3A_1831 : vector<16xf32>
    %eq3A_1955 = arith.cmpf oeq, %select_n3A_1827, %select_n3A_1831 : vector<16xf32>
    %lt3A_1956 = arith.cmpi slt, %add3A_87, %add3A_90 : vector<16xi32>
    %and3A_1957 = arith.andi %eq3A_1955, %lt3A_1956 : vector<16xi1>
    %or3A_1958 = arith.ori %gt3A_1954, %and3A_1957 : vector<16xi1>
    %select_n3A_1959 = arith.select %or3A_1958, %select_n3A_1827, %select_n3A_1831 : vector<16xi1>, vector<16xf32>
    %select_n3A_1960 = arith.select %or3A_1958, %add3A_87, %add3A_90 : vector<16xi1>, vector<16xi32>
    %gt3A_1961 = arith.cmpf ogt, %select_n3A_1835, %select_n3A_1839 : vector<16xf32>
    %eq3A_1962 = arith.cmpf oeq, %select_n3A_1835, %select_n3A_1839 : vector<16xf32>
    %lt3A_1963 = arith.cmpi slt, %add3A_93, %add3A_96 : vector<16xi32>
    %and3A_1964 = arith.andi %eq3A_1962, %lt3A_1963 : vector<16xi1>
    %or3A_1965 = arith.ori %gt3A_1961, %and3A_1964 : vector<16xi1>
    %select_n3A_1966 = arith.select %or3A_1965, %select_n3A_1835, %select_n3A_1839 : vector<16xi1>, vector<16xf32>
    %select_n3A_1967 = arith.select %or3A_1965, %add3A_93, %add3A_96 : vector<16xi1>, vector<16xi32>
    %gt3A_1968 = arith.cmpf ogt, %select_n3A_1843, %select_n3A_1847 : vector<16xf32>
    %eq3A_1969 = arith.cmpf oeq, %select_n3A_1843, %select_n3A_1847 : vector<16xf32>
    %lt3A_1970 = arith.cmpi slt, %add3A_99, %add3A_102 : vector<16xi32>
    %and3A_1971 = arith.andi %eq3A_1969, %lt3A_1970 : vector<16xi1>
    %or3A_1972 = arith.ori %gt3A_1968, %and3A_1971 : vector<16xi1>
    %select_n3A_1973 = arith.select %or3A_1972, %select_n3A_1843, %select_n3A_1847 : vector<16xi1>, vector<16xf32>
    %select_n3A_1974 = arith.select %or3A_1972, %add3A_99, %add3A_102 : vector<16xi1>, vector<16xi32>
    %gt3A_1975 = arith.cmpf ogt, %select_n3A_1851, %select_n3A_1855 : vector<16xf32>
    %eq3A_1976 = arith.cmpf oeq, %select_n3A_1851, %select_n3A_1855 : vector<16xf32>
    %lt3A_1977 = arith.cmpi slt, %add3A_105, %add3A_108 : vector<16xi32>
    %and3A_1978 = arith.andi %eq3A_1976, %lt3A_1977 : vector<16xi1>
    %or3A_1979 = arith.ori %gt3A_1975, %and3A_1978 : vector<16xi1>
    %select_n3A_1980 = arith.select %or3A_1979, %select_n3A_1851, %select_n3A_1855 : vector<16xi1>, vector<16xf32>
    %select_n3A_1981 = arith.select %or3A_1979, %add3A_105, %add3A_108 : vector<16xi1>, vector<16xi32>
    %gt3A_1982 = arith.cmpf ogt, %select_n3A_1861, %select_n3A_1868 : vector<16xf32>
    %eq3A_1983 = arith.cmpf oeq, %select_n3A_1861, %select_n3A_1868 : vector<16xf32>
    %lt3A_1984 = arith.cmpi slt, %select_n3A_1862, %select_n3A_1869 : vector<16xi32>
    %and3A_1985 = arith.andi %eq3A_1983, %lt3A_1984 : vector<16xi1>
    %or3A_1986 = arith.ori %gt3A_1982, %and3A_1985 : vector<16xi1>
    %select_n3A_1987 = arith.select %or3A_1986, %select_n3A_1861, %select_n3A_1868 : vector<16xi1>, vector<16xf32>
    %select_n3A_1988 = arith.select %or3A_1986, %select_n3A_1862, %select_n3A_1869 : vector<16xi1>, vector<16xi32>
    %gt3A_1989 = arith.cmpf ogt, %select_n3A_1875, %select_n3A_1882 : vector<16xf32>
    %eq3A_1990 = arith.cmpf oeq, %select_n3A_1875, %select_n3A_1882 : vector<16xf32>
    %lt3A_1991 = arith.cmpi slt, %select_n3A_1876, %select_n3A_1883 : vector<16xi32>
    %and3A_1992 = arith.andi %eq3A_1990, %lt3A_1991 : vector<16xi1>
    %or3A_1993 = arith.ori %gt3A_1989, %and3A_1992 : vector<16xi1>
    %select_n3A_1994 = arith.select %or3A_1993, %select_n3A_1875, %select_n3A_1882 : vector<16xi1>, vector<16xf32>
    %select_n3A_1995 = arith.select %or3A_1993, %select_n3A_1876, %select_n3A_1883 : vector<16xi1>, vector<16xi32>
    %gt3A_1996 = arith.cmpf ogt, %select_n3A_1889, %select_n3A_1896 : vector<16xf32>
    %eq3A_1997 = arith.cmpf oeq, %select_n3A_1889, %select_n3A_1896 : vector<16xf32>
    %lt3A_1998 = arith.cmpi slt, %select_n3A_1890, %select_n3A_1897 : vector<16xi32>
    %and3A_1999 = arith.andi %eq3A_1997, %lt3A_1998 : vector<16xi1>
    %or3A_2000 = arith.ori %gt3A_1996, %and3A_1999 : vector<16xi1>
    %select_n3A_2001 = arith.select %or3A_2000, %select_n3A_1889, %select_n3A_1896 : vector<16xi1>, vector<16xf32>
    %select_n3A_2002 = arith.select %or3A_2000, %select_n3A_1890, %select_n3A_1897 : vector<16xi1>, vector<16xi32>
    %gt3A_2003 = arith.cmpf ogt, %select_n3A_1903, %select_n3A_1910 : vector<16xf32>
    %eq3A_2004 = arith.cmpf oeq, %select_n3A_1903, %select_n3A_1910 : vector<16xf32>
    %lt3A_2005 = arith.cmpi slt, %select_n3A_1904, %select_n3A_1911 : vector<16xi32>
    %and3A_2006 = arith.andi %eq3A_2004, %lt3A_2005 : vector<16xi1>
    %or3A_2007 = arith.ori %gt3A_2003, %and3A_2006 : vector<16xi1>
    %select_n3A_2008 = arith.select %or3A_2007, %select_n3A_1903, %select_n3A_1910 : vector<16xi1>, vector<16xf32>
    %select_n3A_2009 = arith.select %or3A_2007, %select_n3A_1904, %select_n3A_1911 : vector<16xi1>, vector<16xi32>
    %gt3A_2010 = arith.cmpf ogt, %select_n3A_1917, %select_n3A_1924 : vector<16xf32>
    %eq3A_2011 = arith.cmpf oeq, %select_n3A_1917, %select_n3A_1924 : vector<16xf32>
    %lt3A_2012 = arith.cmpi slt, %select_n3A_1918, %select_n3A_1925 : vector<16xi32>
    %and3A_2013 = arith.andi %eq3A_2011, %lt3A_2012 : vector<16xi1>
    %or3A_2014 = arith.ori %gt3A_2010, %and3A_2013 : vector<16xi1>
    %select_n3A_2015 = arith.select %or3A_2014, %select_n3A_1917, %select_n3A_1924 : vector<16xi1>, vector<16xf32>
    %select_n3A_2016 = arith.select %or3A_2014, %select_n3A_1918, %select_n3A_1925 : vector<16xi1>, vector<16xi32>
    %gt3A_2017 = arith.cmpf ogt, %select_n3A_1931, %select_n3A_1938 : vector<16xf32>
    %eq3A_2018 = arith.cmpf oeq, %select_n3A_1931, %select_n3A_1938 : vector<16xf32>
    %lt3A_2019 = arith.cmpi slt, %select_n3A_1932, %select_n3A_1939 : vector<16xi32>
    %and3A_2020 = arith.andi %eq3A_2018, %lt3A_2019 : vector<16xi1>
    %or3A_2021 = arith.ori %gt3A_2017, %and3A_2020 : vector<16xi1>
    %select_n3A_2022 = arith.select %or3A_2021, %select_n3A_1931, %select_n3A_1938 : vector<16xi1>, vector<16xf32>
    %select_n3A_2023 = arith.select %or3A_2021, %select_n3A_1932, %select_n3A_1939 : vector<16xi1>, vector<16xi32>
    %gt3A_2024 = arith.cmpf ogt, %select_n3A_1945, %select_n3A_1952 : vector<16xf32>
    %eq3A_2025 = arith.cmpf oeq, %select_n3A_1945, %select_n3A_1952 : vector<16xf32>
    %lt3A_2026 = arith.cmpi slt, %select_n3A_1946, %select_n3A_1953 : vector<16xi32>
    %and3A_2027 = arith.andi %eq3A_2025, %lt3A_2026 : vector<16xi1>
    %or3A_2028 = arith.ori %gt3A_2024, %and3A_2027 : vector<16xi1>
    %select_n3A_2029 = arith.select %or3A_2028, %select_n3A_1945, %select_n3A_1952 : vector<16xi1>, vector<16xf32>
    %select_n3A_2030 = arith.select %or3A_2028, %select_n3A_1946, %select_n3A_1953 : vector<16xi1>, vector<16xi32>
    %gt3A_2031 = arith.cmpf ogt, %select_n3A_1959, %select_n3A_1966 : vector<16xf32>
    %eq3A_2032 = arith.cmpf oeq, %select_n3A_1959, %select_n3A_1966 : vector<16xf32>
    %lt3A_2033 = arith.cmpi slt, %select_n3A_1960, %select_n3A_1967 : vector<16xi32>
    %and3A_2034 = arith.andi %eq3A_2032, %lt3A_2033 : vector<16xi1>
    %or3A_2035 = arith.ori %gt3A_2031, %and3A_2034 : vector<16xi1>
    %select_n3A_2036 = arith.select %or3A_2035, %select_n3A_1959, %select_n3A_1966 : vector<16xi1>, vector<16xf32>
    %select_n3A_2037 = arith.select %or3A_2035, %select_n3A_1960, %select_n3A_1967 : vector<16xi1>, vector<16xi32>
    %gt3A_2038 = arith.cmpf ogt, %select_n3A_1973, %select_n3A_1980 : vector<16xf32>
    %eq3A_2039 = arith.cmpf oeq, %select_n3A_1973, %select_n3A_1980 : vector<16xf32>
    %lt3A_2040 = arith.cmpi slt, %select_n3A_1974, %select_n3A_1981 : vector<16xi32>
    %and3A_2041 = arith.andi %eq3A_2039, %lt3A_2040 : vector<16xi1>
    %or3A_2042 = arith.ori %gt3A_2038, %and3A_2041 : vector<16xi1>
    %select_n3A_2043 = arith.select %or3A_2042, %select_n3A_1973, %select_n3A_1980 : vector<16xi1>, vector<16xf32>
    %select_n3A_2044 = arith.select %or3A_2042, %select_n3A_1974, %select_n3A_1981 : vector<16xi1>, vector<16xi32>
    %gt3A_2045 = arith.cmpf ogt, %select_n3A_1987, %select_n3A_1994 : vector<16xf32>
    %eq3A_2046 = arith.cmpf oeq, %select_n3A_1987, %select_n3A_1994 : vector<16xf32>
    %lt3A_2047 = arith.cmpi slt, %select_n3A_1988, %select_n3A_1995 : vector<16xi32>
    %and3A_2048 = arith.andi %eq3A_2046, %lt3A_2047 : vector<16xi1>
    %or3A_2049 = arith.ori %gt3A_2045, %and3A_2048 : vector<16xi1>
    %select_n3A_2050 = arith.select %or3A_2049, %select_n3A_1987, %select_n3A_1994 : vector<16xi1>, vector<16xf32>
    %select_n3A_2051 = arith.select %or3A_2049, %select_n3A_1988, %select_n3A_1995 : vector<16xi1>, vector<16xi32>
    %gt3A_2052 = arith.cmpf ogt, %select_n3A_2001, %select_n3A_2008 : vector<16xf32>
    %eq3A_2053 = arith.cmpf oeq, %select_n3A_2001, %select_n3A_2008 : vector<16xf32>
    %lt3A_2054 = arith.cmpi slt, %select_n3A_2002, %select_n3A_2009 : vector<16xi32>
    %and3A_2055 = arith.andi %eq3A_2053, %lt3A_2054 : vector<16xi1>
    %or3A_2056 = arith.ori %gt3A_2052, %and3A_2055 : vector<16xi1>
    %select_n3A_2057 = arith.select %or3A_2056, %select_n3A_2001, %select_n3A_2008 : vector<16xi1>, vector<16xf32>
    %select_n3A_2058 = arith.select %or3A_2056, %select_n3A_2002, %select_n3A_2009 : vector<16xi1>, vector<16xi32>
    %gt3A_2059 = arith.cmpf ogt, %select_n3A_2015, %select_n3A_2022 : vector<16xf32>
    %eq3A_2060 = arith.cmpf oeq, %select_n3A_2015, %select_n3A_2022 : vector<16xf32>
    %lt3A_2061 = arith.cmpi slt, %select_n3A_2016, %select_n3A_2023 : vector<16xi32>
    %and3A_2062 = arith.andi %eq3A_2060, %lt3A_2061 : vector<16xi1>
    %or3A_2063 = arith.ori %gt3A_2059, %and3A_2062 : vector<16xi1>
    %select_n3A_2064 = arith.select %or3A_2063, %select_n3A_2015, %select_n3A_2022 : vector<16xi1>, vector<16xf32>
    %select_n3A_2065 = arith.select %or3A_2063, %select_n3A_2016, %select_n3A_2023 : vector<16xi1>, vector<16xi32>
    %gt3A_2066 = arith.cmpf ogt, %select_n3A_2029, %select_n3A_2036 : vector<16xf32>
    %eq3A_2067 = arith.cmpf oeq, %select_n3A_2029, %select_n3A_2036 : vector<16xf32>
    %lt3A_2068 = arith.cmpi slt, %select_n3A_2030, %select_n3A_2037 : vector<16xi32>
    %and3A_2069 = arith.andi %eq3A_2067, %lt3A_2068 : vector<16xi1>
    %or3A_2070 = arith.ori %gt3A_2066, %and3A_2069 : vector<16xi1>
    %select_n3A_2071 = arith.select %or3A_2070, %select_n3A_2029, %select_n3A_2036 : vector<16xi1>, vector<16xf32>
    %select_n3A_2072 = arith.select %or3A_2070, %select_n3A_2030, %select_n3A_2037 : vector<16xi1>, vector<16xi32>
    %gt3A_2073 = arith.cmpf ogt, %select_n3A_2050, %select_n3A_2057 : vector<16xf32>
    %eq3A_2074 = arith.cmpf oeq, %select_n3A_2050, %select_n3A_2057 : vector<16xf32>
    %lt3A_2075 = arith.cmpi slt, %select_n3A_2051, %select_n3A_2058 : vector<16xi32>
    %and3A_2076 = arith.andi %eq3A_2074, %lt3A_2075 : vector<16xi1>
    %or3A_2077 = arith.ori %gt3A_2073, %and3A_2076 : vector<16xi1>
    %select_n3A_2078 = arith.select %or3A_2077, %select_n3A_2050, %select_n3A_2057 : vector<16xi1>, vector<16xf32>
    %select_n3A_2079 = arith.select %or3A_2077, %select_n3A_2051, %select_n3A_2058 : vector<16xi1>, vector<16xi32>
    %gt3A_2080 = arith.cmpf ogt, %select_n3A_2064, %select_n3A_2071 : vector<16xf32>
    %eq3A_2081 = arith.cmpf oeq, %select_n3A_2064, %select_n3A_2071 : vector<16xf32>
    %lt3A_2082 = arith.cmpi slt, %select_n3A_2065, %select_n3A_2072 : vector<16xi32>
    %and3A_2083 = arith.andi %eq3A_2081, %lt3A_2082 : vector<16xi1>
    %or3A_2084 = arith.ori %gt3A_2080, %and3A_2083 : vector<16xi1>
    %select_n3A_2085 = arith.select %or3A_2084, %select_n3A_2064, %select_n3A_2071 : vector<16xi1>, vector<16xf32>
    %select_n3A_2086 = arith.select %or3A_2084, %select_n3A_2065, %select_n3A_2072 : vector<16xi1>, vector<16xi32>
    %gt3A_2087 = arith.cmpf ogt, %select_n3A_2078, %select_n3A_2085 : vector<16xf32>
    %eq3A_2088 = arith.cmpf oeq, %select_n3A_2078, %select_n3A_2085 : vector<16xf32>
    %lt3A_2089 = arith.cmpi slt, %select_n3A_2079, %select_n3A_2086 : vector<16xi32>
    %and3A_2090 = arith.andi %eq3A_2088, %lt3A_2089 : vector<16xi1>
    %or3A_2091 = arith.ori %gt3A_2087, %and3A_2090 : vector<16xi1>
    %select_n3A_2092 = arith.select %or3A_2091, %select_n3A_2078, %select_n3A_2085 : vector<16xi1>, vector<16xf32>
    %select_n3A_2093 = arith.select %or3A_2091, %select_n3A_2079, %select_n3A_2086 : vector<16xi1>, vector<16xi32>
    %gt3A_2094 = arith.cmpf ogt, %select_n3A_2092, %select_n3A_2043 : vector<16xf32>
    %eq3A_2095 = arith.cmpf oeq, %select_n3A_2092, %select_n3A_2043 : vector<16xf32>
    %lt3A_2096 = arith.cmpi slt, %select_n3A_2093, %select_n3A_2044 : vector<16xi32>
    %and3A_2097 = arith.andi %eq3A_2095, %lt3A_2096 : vector<16xi1>
    %or3A_2098 = arith.ori %gt3A_2094, %and3A_2097 : vector<16xi1>
    %select_n3A_2099 = arith.select %or3A_2098, %select_n3A_2092, %select_n3A_2043 : vector<16xi1>, vector<16xf32>
    %select_n3A_2100 = arith.select %or3A_2098, %select_n3A_2093, %select_n3A_2044 : vector<16xi1>, vector<16xi32>
    %swap3A_2101 = arith.constant 0 : index
    %swap3A_2102 = tpu.vector_load %arg7[%swap3A_2101] {strides = array<i32>} : memref<16xf32, #tpu.memory_space<vmem>>, vector<16xf32>,
    tpu.vector_store %arg7[%swap3A_2101], %select_n3A_2099 {strides = array<i32>} : memref<16xf32, #tpu.memory_space<vmem>>, vector<16xf32>,
    %swap3A_2103 = arith.constant 0 : index
    %swap3A_2104 = tpu.vector_load %arg8[%swap3A_2103] {strides = array<i32>} : memref<16xi32, #tpu.memory_space<vmem>>, vector<16xi32>,
    tpu.vector_store %arg8[%swap3A_2103], %select_n3A_2100 {strides = array<i32>} : memref<16xi32, #tpu.memory_space<vmem>>, vector<16xi32>,
    %broadcast_in_dim3A_2105 = arith.constant 0 : i32
    %broadcast_in_dim3A_2106 = vector.broadcast %broadcast_in_dim3A_2105 : i32 to vector<16xi32>
    %gather3A_2107 = tpu.vector_load_idx %arg7[%broadcast_in_dim3A_2106] : memref<16xf32, #tpu.memory_space<vmem>>[vector<16xi32>], vector<16xf32>,
    %gather3A_2108 = tpu.vector_load_idx %arg8[%broadcast_in_dim3A_2106] : memref<16xi32, #tpu.memory_space<vmem>>[vector<16xi32>], vector<16xi32>,
    %broadcast_in_dim3A_2109 = arith.constant 1 : i32
    %broadcast_in_dim3A_2110 = vector.broadcast %broadcast_in_dim3A_2109 : i32 to vector<16xi32>
    %gather3A_2111 = tpu.vector_load_idx %arg7[%broadcast_in_dim3A_2110] : memref<16xf32, #tpu.memory_space<vmem>>[vector<16xi32>], vector<16xf32>,
    %gather3A_2112 = tpu.vector_load_idx %arg8[%broadcast_in_dim3A_2110] : memref<16xi32, #tpu.memory_space<vmem>>[vector<16xi32>], vector<16xi32>,
    %broadcast_in_dim3A_2113 = arith.constant 2 : i32
    %broadcast_in_dim3A_2114 = vector.broadcast %broadcast_in_dim3A_2113 : i32 to vector<16xi32>
    %gather3A_2115 = tpu.vector_load_idx %arg7[%broadcast_in_dim3A_2114] : memref<16xf32, #tpu.memory_space<vmem>>[vector<16xi32>], vector<16xf32>,
    %gather3A_2116 = tpu.vector_load_idx %arg8[%broadcast_in_dim3A_2114] : memref<16xi32, #tpu.memory_space<vmem>>[vector<16xi32>], vector<16xi32>,
    %broadcast_in_dim3A_2117 = arith.constant 3 : i32
    %broadcast_in_dim3A_2118 = vector.broadcast %broadcast_in_dim3A_2117 : i32 to vector<16xi32>
    %gather3A_2119 = tpu.vector_load_idx %arg7[%broadcast_in_dim3A_2118] : memref<16xf32, #tpu.memory_space<vmem>>[vector<16xi32>], vector<16xf32>,
    %gather3A_2120 = tpu.vector_load_idx %arg8[%broadcast_in_dim3A_2118] : memref<16xi32, #tpu.memory_space<vmem>>[vector<16xi32>], vector<16xi32>,
    %broadcast_in_dim3A_2121 = arith.constant 4 : i32
    %broadcast_in_dim3A_2122 = vector.broadcast %broadcast_in_dim3A_2121 : i32 to vector<16xi32>
    %gather3A_2123 = tpu.vector_load_idx %arg7[%broadcast_in_dim3A_2122] : memref<16xf32, #tpu.memory_space<vmem>>[vector<16xi32>], vector<16xf32>,
    %gather3A_2124 = tpu.vector_load_idx %arg8[%broadcast_in_dim3A_2122] : memref<16xi32, #tpu.memory_space<vmem>>[vector<16xi32>], vector<16xi32>,
    %broadcast_in_dim3A_2125 = arith.constant 5 : i32
    %broadcast_in_dim3A_2126 = vector.broadcast %broadcast_in_dim3A_2125 : i32 to vector<16xi32>
    %gather3A_2127 = tpu.vector_load_idx %arg7[%broadcast_in_dim3A_2126] : memref<16xf32, #tpu.memory_space<vmem>>[vector<16xi32>], vector<16xf32>,
    %gather3A_2128 = tpu.vector_load_idx %arg8[%broadcast_in_dim3A_2126] : memref<16xi32, #tpu.memory_space<vmem>>[vector<16xi32>], vector<16xi32>,
    %broadcast_in_dim3A_2129 = arith.constant 6 : i32
    %broadcast_in_dim3A_2130 = vector.broadcast %broadcast_in_dim3A_2129 : i32 to vector<16xi32>
    %gather3A_2131 = tpu.vector_load_idx %arg7[%broadcast_in_dim3A_2130] : memref<16xf32, #tpu.memory_space<vmem>>[vector<16xi32>], vector<16xf32>,
    %gather3A_2132 = tpu.vector_load_idx %arg8[%broadcast_in_dim3A_2130] : memref<16xi32, #tpu.memory_space<vmem>>[vector<16xi32>], vector<16xi32>,
    %broadcast_in_dim3A_2133 = arith.constant 7 : i32
    %broadcast_in_dim3A_2134 = vector.broadcast %broadcast_in_dim3A_2133 : i32 to vector<16xi32>
    %gather3A_2135 = tpu.vector_load_idx %arg7[%broadcast_in_dim3A_2134] : memref<16xf32, #tpu.memory_space<vmem>>[vector<16xi32>], vector<16xf32>,
    %gather3A_2136 = tpu.vector_load_idx %arg8[%broadcast_in_dim3A_2134] : memref<16xi32, #tpu.memory_space<vmem>>[vector<16xi32>], vector<16xi32>,
    %broadcast_in_dim3A_2137 = arith.constant 8 : i32
    %broadcast_in_dim3A_2138 = vector.broadcast %broadcast_in_dim3A_2137 : i32 to vector<16xi32>
    %gather3A_2139 = tpu.vector_load_idx %arg7[%broadcast_in_dim3A_2138] : memref<16xf32, #tpu.memory_space<vmem>>[vector<16xi32>], vector<16xf32>,
    %gather3A_2140 = tpu.vector_load_idx %arg8[%broadcast_in_dim3A_2138] : memref<16xi32, #tpu.memory_space<vmem>>[vector<16xi32>], vector<16xi32>,
    %broadcast_in_dim3A_2141 = arith.constant 9 : i32
    %broadcast_in_dim3A_2142 = vector.broadcast %broadcast_in_dim3A_2141 : i32 to vector<16xi32>
    %gather3A_2143 = tpu.vector_load_idx %arg7[%broadcast_in_dim3A_2142] : memref<16xf32, #tpu.memory_space<vmem>>[vector<16xi32>], vector<16xf32>,
    %gather3A_2144 = tpu.vector_load_idx %arg8[%broadcast_in_dim3A_2142] : memref<16xi32, #tpu.memory_space<vmem>>[vector<16xi32>], vector<16xi32>,
    %broadcast_in_dim3A_2145 = arith.constant 10 : i32
    %broadcast_in_dim3A_2146 = vector.broadcast %broadcast_in_dim3A_2145 : i32 to vector<16xi32>
    %gather3A_2147 = tpu.vector_load_idx %arg7[%broadcast_in_dim3A_2146] : memref<16xf32, #tpu.memory_space<vmem>>[vector<16xi32>], vector<16xf32>,
    %gather3A_2148 = tpu.vector_load_idx %arg8[%broadcast_in_dim3A_2146] : memref<16xi32, #tpu.memory_space<vmem>>[vector<16xi32>], vector<16xi32>,
    %broadcast_in_dim3A_2149 = arith.constant 11 : i32
    %broadcast_in_dim3A_2150 = vector.broadcast %broadcast_in_dim3A_2149 : i32 to vector<16xi32>
    %gather3A_2151 = tpu.vector_load_idx %arg7[%broadcast_in_dim3A_2150] : memref<16xf32, #tpu.memory_space<vmem>>[vector<16xi32>], vector<16xf32>,
    %gather3A_2152 = tpu.vector_load_idx %arg8[%broadcast_in_dim3A_2150] : memref<16xi32, #tpu.memory_space<vmem>>[vector<16xi32>], vector<16xi32>,
    %broadcast_in_dim3A_2153 = arith.constant 12 : i32
    %broadcast_in_dim3A_2154 = vector.broadcast %broadcast_in_dim3A_2153 : i32 to vector<16xi32>
    %gather3A_2155 = tpu.vector_load_idx %arg7[%broadcast_in_dim3A_2154] : memref<16xf32, #tpu.memory_space<vmem>>[vector<16xi32>], vector<16xf32>,
    %gather3A_2156 = tpu.vector_load_idx %arg8[%broadcast_in_dim3A_2154] : memref<16xi32, #tpu.memory_space<vmem>>[vector<16xi32>], vector<16xi32>,
    %broadcast_in_dim3A_2157 = arith.constant 13 : i32
    %broadcast_in_dim3A_2158 = vector.broadcast %broadcast_in_dim3A_2157 : i32 to vector<16xi32>
    %gather3A_2159 = tpu.vector_load_idx %arg7[%broadcast_in_dim3A_2158] : memref<16xf32, #tpu.memory_space<vmem>>[vector<16xi32>], vector<16xf32>,
    %gather3A_2160 = tpu.vector_load_idx %arg8[%broadcast_in_dim3A_2158] : memref<16xi32, #tpu.memory_space<vmem>>[vector<16xi32>], vector<16xi32>,
    %broadcast_in_dim3A_2161 = arith.constant 14 : i32
    %broadcast_in_dim3A_2162 = vector.broadcast %broadcast_in_dim3A_2161 : i32 to vector<16xi32>
    %gather3A_2163 = tpu.vector_load_idx %arg7[%broadcast_in_dim3A_2162] : memref<16xf32, #tpu.memory_space<vmem>>[vector<16xi32>], vector<16xf32>,
    %gather3A_2164 = tpu.vector_load_idx %arg8[%broadcast_in_dim3A_2162] : memref<16xi32, #tpu.memory_space<vmem>>[vector<16xi32>], vector<16xi32>,
    %broadcast_in_dim3A_2165 = arith.constant 15 : i32
    %broadcast_in_dim3A_2166 = vector.broadcast %broadcast_in_dim3A_2165 : i32 to vector<16xi32>
    %gather3A_2167 = tpu.vector_load_idx %arg7[%broadcast_in_dim3A_2166] : memref<16xf32, #tpu.memory_space<vmem>>[vector<16xi32>], vector<16xf32>,
    %gather3A_2168 = tpu.vector_load_idx %arg8[%broadcast_in_dim3A_2166] : memref<16xi32, #tpu.memory_space<vmem>>[vector<16xi32>], vector<16xi32>,
    %gt3A_2169 = arith.cmpf ogt, %gather3A_2107, %gather3A_2111 : vector<16xf32>
    %eq3A_2170 = arith.cmpf oeq, %gather3A_2107, %gather3A_2111 : vector<16xf32>
    %lt3A_2171 = arith.cmpi slt, %gather3A_2108, %gather3A_2112 : vector<16xi32>
    %and3A_2172 = arith.andi %eq3A_2170, %lt3A_2171 : vector<16xi1>
    %or3A_2173 = arith.ori %gt3A_2169, %and3A_2172 : vector<16xi1>
    %select_n3A_2174 = arith.select %or3A_2173, %gather3A_2107, %gather3A_2111 : vector<16xi1>, vector<16xf32>
    %select_n3A_2175 = arith.select %or3A_2173, %gather3A_2108, %gather3A_2112 : vector<16xi1>, vector<16xi32>
    %gt3A_2176 = arith.cmpf ogt, %gather3A_2115, %gather3A_2119 : vector<16xf32>
    %eq3A_2177 = arith.cmpf oeq, %gather3A_2115, %gather3A_2119 : vector<16xf32>
    %lt3A_2178 = arith.cmpi slt, %gather3A_2116, %gather3A_2120 : vector<16xi32>
    %and3A_2179 = arith.andi %eq3A_2177, %lt3A_2178 : vector<16xi1>
    %or3A_2180 = arith.ori %gt3A_2176, %and3A_2179 : vector<16xi1>
    %select_n3A_2181 = arith.select %or3A_2180, %gather3A_2115, %gather3A_2119 : vector<16xi1>, vector<16xf32>
    %select_n3A_2182 = arith.select %or3A_2180, %gather3A_2116, %gather3A_2120 : vector<16xi1>, vector<16xi32>
    %gt3A_2183 = arith.cmpf ogt, %gather3A_2123, %gather3A_2127 : vector<16xf32>
    %eq3A_2184 = arith.cmpf oeq, %gather3A_2123, %gather3A_2127 : vector<16xf32>
    %lt3A_2185 = arith.cmpi slt, %gather3A_2124, %gather3A_2128 : vector<16xi32>
    %and3A_2186 = arith.andi %eq3A_2184, %lt3A_2185 : vector<16xi1>
    %or3A_2187 = arith.ori %gt3A_2183, %and3A_2186 : vector<16xi1>
    %select_n3A_2188 = arith.select %or3A_2187, %gather3A_2123, %gather3A_2127 : vector<16xi1>, vector<16xf32>
    %select_n3A_2189 = arith.select %or3A_2187, %gather3A_2124, %gather3A_2128 : vector<16xi1>, vector<16xi32>
    %gt3A_2190 = arith.cmpf ogt, %gather3A_2131, %gather3A_2135 : vector<16xf32>
    %eq3A_2191 = arith.cmpf oeq, %gather3A_2131, %gather3A_2135 : vector<16xf32>
    %lt3A_2192 = arith.cmpi slt, %gather3A_2132, %gather3A_2136 : vector<16xi32>
    %and3A_2193 = arith.andi %eq3A_2191, %lt3A_2192 : vector<16xi1>
    %or3A_2194 = arith.ori %gt3A_2190, %and3A_2193 : vector<16xi1>
    %select_n3A_2195 = arith.select %or3A_2194, %gather3A_2131, %gather3A_2135 : vector<16xi1>, vector<16xf32>
    %select_n3A_2196 = arith.select %or3A_2194, %gather3A_2132, %gather3A_2136 : vector<16xi1>, vector<16xi32>
    %gt3A_2197 = arith.cmpf ogt, %gather3A_2139, %gather3A_2143 : vector<16xf32>
    %eq3A_2198 = arith.cmpf oeq, %gather3A_2139, %gather3A_2143 : vector<16xf32>
    %lt3A_2199 = arith.cmpi slt, %gather3A_2140, %gather3A_2144 : vector<16xi32>
    %and3A_2200 = arith.andi %eq3A_2198, %lt3A_2199 : vector<16xi1>
    %or3A_2201 = arith.ori %gt3A_2197, %and3A_2200 : vector<16xi1>
    %select_n3A_2202 = arith.select %or3A_2201, %gather3A_2139, %gather3A_2143 : vector<16xi1>, vector<16xf32>
    %select_n3A_2203 = arith.select %or3A_2201, %gather3A_2140, %gather3A_2144 : vector<16xi1>, vector<16xi32>
    %gt3A_2204 = arith.cmpf ogt, %gather3A_2147, %gather3A_2151 : vector<16xf32>
    %eq3A_2205 = arith.cmpf oeq, %gather3A_2147, %gather3A_2151 : vector<16xf32>
    %lt3A_2206 = arith.cmpi slt, %gather3A_2148, %gather3A_2152 : vector<16xi32>
    %and3A_2207 = arith.andi %eq3A_2205, %lt3A_2206 : vector<16xi1>
    %or3A_2208 = arith.ori %gt3A_2204, %and3A_2207 : vector<16xi1>
    %select_n3A_2209 = arith.select %or3A_2208, %gather3A_2147, %gather3A_2151 : vector<16xi1>, vector<16xf32>
    %select_n3A_2210 = arith.select %or3A_2208, %gather3A_2148, %gather3A_2152 : vector<16xi1>, vector<16xi32>
    %gt3A_2211 = arith.cmpf ogt, %gather3A_2155, %gather3A_2159 : vector<16xf32>
    %eq3A_2212 = arith.cmpf oeq, %gather3A_2155, %gather3A_2159 : vector<16xf32>
    %lt3A_2213 = arith.cmpi slt, %gather3A_2156, %gather3A_2160 : vector<16xi32>
    %and3A_2214 = arith.andi %eq3A_2212, %lt3A_2213 : vector<16xi1>
    %or3A_2215 = arith.ori %gt3A_2211, %and3A_2214 : vector<16xi1>
    %select_n3A_2216 = arith.select %or3A_2215, %gather3A_2155, %gather3A_2159 : vector<16xi1>, vector<16xf32>
    %select_n3A_2217 = arith.select %or3A_2215, %gather3A_2156, %gather3A_2160 : vector<16xi1>, vector<16xi32>
    %gt3A_2218 = arith.cmpf ogt, %gather3A_2163, %gather3A_2167 : vector<16xf32>
    %eq3A_2219 = arith.cmpf oeq, %gather3A_2163, %gather3A_2167 : vector<16xf32>
    %lt3A_2220 = arith.cmpi slt, %gather3A_2164, %gather3A_2168 : vector<16xi32>
    %and3A_2221 = arith.andi %eq3A_2219, %lt3A_2220 : vector<16xi1>
    %or3A_2222 = arith.ori %gt3A_2218, %and3A_2221 : vector<16xi1>
    %select_n3A_2223 = arith.select %or3A_2222, %gather3A_2163, %gather3A_2167 : vector<16xi1>, vector<16xf32>
    %select_n3A_2224 = arith.select %or3A_2222, %gather3A_2164, %gather3A_2168 : vector<16xi1>, vector<16xi32>
    %gt3A_2225 = arith.cmpf ogt, %select_n3A_2174, %select_n3A_2181 : vector<16xf32>
    %eq3A_2226 = arith.cmpf oeq, %select_n3A_2174, %select_n3A_2181 : vector<16xf32>
    %lt3A_2227 = arith.cmpi slt, %select_n3A_2175, %select_n3A_2182 : vector<16xi32>
    %and3A_2228 = arith.andi %eq3A_2226, %lt3A_2227 : vector<16xi1>
    %or3A_2229 = arith.ori %gt3A_2225, %and3A_2228 : vector<16xi1>
    %select_n3A_2230 = arith.select %or3A_2229, %select_n3A_2174, %select_n3A_2181 : vector<16xi1>, vector<16xf32>
    %select_n3A_2231 = arith.select %or3A_2229, %select_n3A_2175, %select_n3A_2182 : vector<16xi1>, vector<16xi32>
    %gt3A_2232 = arith.cmpf ogt, %select_n3A_2188, %select_n3A_2195 : vector<16xf32>
    %eq3A_2233 = arith.cmpf oeq, %select_n3A_2188, %select_n3A_2195 : vector<16xf32>
    %lt3A_2234 = arith.cmpi slt, %select_n3A_2189, %select_n3A_2196 : vector<16xi32>
    %and3A_2235 = arith.andi %eq3A_2233, %lt3A_2234 : vector<16xi1>
    %or3A_2236 = arith.ori %gt3A_2232, %and3A_2235 : vector<16xi1>
    %select_n3A_2237 = arith.select %or3A_2236, %select_n3A_2188, %select_n3A_2195 : vector<16xi1>, vector<16xf32>
    %select_n3A_2238 = arith.select %or3A_2236, %select_n3A_2189, %select_n3A_2196 : vector<16xi1>, vector<16xi32>
    %gt3A_2239 = arith.cmpf ogt, %select_n3A_2202, %select_n3A_2209 : vector<16xf32>
    %eq3A_2240 = arith.cmpf oeq, %select_n3A_2202, %select_n3A_2209 : vector<16xf32>
    %lt3A_2241 = arith.cmpi slt, %select_n3A_2203, %select_n3A_2210 : vector<16xi32>
    %and3A_2242 = arith.andi %eq3A_2240, %lt3A_2241 : vector<16xi1>
    %or3A_2243 = arith.ori %gt3A_2239, %and3A_2242 : vector<16xi1>
    %select_n3A_2244 = arith.select %or3A_2243, %select_n3A_2202, %select_n3A_2209 : vector<16xi1>, vector<16xf32>
    %select_n3A_2245 = arith.select %or3A_2243, %select_n3A_2203, %select_n3A_2210 : vector<16xi1>, vector<16xi32>
    %gt3A_2246 = arith.cmpf ogt, %select_n3A_2216, %select_n3A_2223 : vector<16xf32>
    %eq3A_2247 = arith.cmpf oeq, %select_n3A_2216, %select_n3A_2223 : vector<16xf32>
    %lt3A_2248 = arith.cmpi slt, %select_n3A_2217, %select_n3A_2224 : vector<16xi32>
    %and3A_2249 = arith.andi %eq3A_2247, %lt3A_2248 : vector<16xi1>
    %or3A_2250 = arith.ori %gt3A_2246, %and3A_2249 : vector<16xi1>
    %select_n3A_2251 = arith.select %or3A_2250, %select_n3A_2216, %select_n3A_2223 : vector<16xi1>, vector<16xf32>
    %select_n3A_2252 = arith.select %or3A_2250, %select_n3A_2217, %select_n3A_2224 : vector<16xi1>, vector<16xi32>
    %gt3A_2253 = arith.cmpf ogt, %select_n3A_2230, %select_n3A_2237 : vector<16xf32>
    %eq3A_2254 = arith.cmpf oeq, %select_n3A_2230, %select_n3A_2237 : vector<16xf32>
    %lt3A_2255 = arith.cmpi slt, %select_n3A_2231, %select_n3A_2238 : vector<16xi32>
    %and3A_2256 = arith.andi %eq3A_2254, %lt3A_2255 : vector<16xi1>
    %or3A_2257 = arith.ori %gt3A_2253, %and3A_2256 : vector<16xi1>
    %select_n3A_2258 = arith.select %or3A_2257, %select_n3A_2230, %select_n3A_2237 : vector<16xi1>, vector<16xf32>
    %select_n3A_2259 = arith.select %or3A_2257, %select_n3A_2231, %select_n3A_2238 : vector<16xi1>, vector<16xi32>
    %gt3A_2260 = arith.cmpf ogt, %select_n3A_2244, %select_n3A_2251 : vector<16xf32>
    %eq3A_2261 = arith.cmpf oeq, %select_n3A_2244, %select_n3A_2251 : vector<16xf32>
    %lt3A_2262 = arith.cmpi slt, %select_n3A_2245, %select_n3A_2252 : vector<16xi32>
    %and3A_2263 = arith.andi %eq3A_2261, %lt3A_2262 : vector<16xi1>
    %or3A_2264 = arith.ori %gt3A_2260, %and3A_2263 : vector<16xi1>
    %select_n3A_2265 = arith.select %or3A_2264, %select_n3A_2244, %select_n3A_2251 : vector<16xi1>, vector<16xf32>
    %select_n3A_2266 = arith.select %or3A_2264, %select_n3A_2245, %select_n3A_2252 : vector<16xi1>, vector<16xi32>
    %gt3A_2267 = arith.cmpf ogt, %select_n3A_2258, %select_n3A_2265 : vector<16xf32>
    %eq3A_2268 = arith.cmpf oeq, %select_n3A_2258, %select_n3A_2265 : vector<16xf32>
    %lt3A_2269 = arith.cmpi slt, %select_n3A_2259, %select_n3A_2266 : vector<16xi32>
    %and3A_2270 = arith.andi %eq3A_2268, %lt3A_2269 : vector<16xi1>
    %or3A_2271 = arith.ori %gt3A_2267, %and3A_2270 : vector<16xi1>
    %select_n3A_2272 = arith.select %or3A_2271, %select_n3A_2258, %select_n3A_2265 : vector<16xi1>, vector<16xf32>
    %select_n3A_2273 = arith.select %or3A_2271, %select_n3A_2259, %select_n3A_2266 : vector<16xi1>, vector<16xi32>
    %eq3A_2274 = arith.cmpi eq, %add3A_3, %select_n3A_2273 : vector<16xi32>
    %jit3A_2275 = arith.constant 0xFF800000 : f32
    %broadcast_in_dim3A_2276 = vector.broadcast %jit3A_2275 : f32 to vector<16xf32>
    %select_n3A_2277 = arith.select %eq3A_2274, %broadcast_in_dim3A_2276, %select_n3A_1715 : vector<16xi1>, vector<16xf32>
    %eq3A_2278 = arith.cmpi eq, %add3A_6, %select_n3A_2273 : vector<16xi32>
    %jit3A_2279 = arith.constant 0xFF800000 : f32
    %broadcast_in_dim3A_2280 = vector.broadcast %jit3A_2279 : f32 to vector<16xf32>
    %select_n3A_2281 = arith.select %eq3A_2278, %broadcast_in_dim3A_2280, %select_n3A_1719 : vector<16xi1>, vector<16xf32>
    %eq3A_2282 = arith.cmpi eq, %add3A_9, %select_n3A_2273 : vector<16xi32>
    %jit3A_2283 = arith.constant 0xFF800000 : f32
    %broadcast_in_dim3A_2284 = vector.broadcast %jit3A_2283 : f32 to vector<16xf32>
    %select_n3A_2285 = arith.select %eq3A_2282, %broadcast_in_dim3A_2284, %select_n3A_1723 : vector<16xi1>, vector<16xf32>
    %eq3A_2286 = arith.cmpi eq, %add3A_12, %select_n3A_2273 : vector<16xi32>
    %jit3A_2287 = arith.constant 0xFF800000 : f32
    %broadcast_in_dim3A_2288 = vector.broadcast %jit3A_2287 : f32 to vector<16xf32>
    %select_n3A_2289 = arith.select %eq3A_2286, %broadcast_in_dim3A_2288, %select_n3A_1727 : vector<16xi1>, vector<16xf32>
    %eq3A_2290 = arith.cmpi eq, %add3A_15, %select_n3A_2273 : vector<16xi32>
    %jit3A_2291 = arith.constant 0xFF800000 : f32
    %broadcast_in_dim3A_2292 = vector.broadcast %jit3A_2291 : f32 to vector<16xf32>
    %select_n3A_2293 = arith.select %eq3A_2290, %broadcast_in_dim3A_2292, %select_n3A_1731 : vector<16xi1>, vector<16xf32>
    %eq3A_2294 = arith.cmpi eq, %add3A_18, %select_n3A_2273 : vector<16xi32>
    %jit3A_2295 = arith.constant 0xFF800000 : f32
    %broadcast_in_dim3A_2296 = vector.broadcast %jit3A_2295 : f32 to vector<16xf32>
    %select_n3A_2297 = arith.select %eq3A_2294, %broadcast_in_dim3A_2296, %select_n3A_1735 : vector<16xi1>, vector<16xf32>
    %eq3A_2298 = arith.cmpi eq, %add3A_21, %select_n3A_2273 : vector<16xi32>
    %jit3A_2299 = arith.constant 0xFF800000 : f32
    %broadcast_in_dim3A_2300 = vector.broadcast %jit3A_2299 : f32 to vector<16xf32>
    %select_n3A_2301 = arith.select %eq3A_2298, %broadcast_in_dim3A_2300, %select_n3A_1739 : vector<16xi1>, vector<16xf32>
    %eq3A_2302 = arith.cmpi eq, %add3A_24, %select_n3A_2273 : vector<16xi32>
    %jit3A_2303 = arith.constant 0xFF800000 : f32
    %broadcast_in_dim3A_2304 = vector.broadcast %jit3A_2303 : f32 to vector<16xf32>
    %select_n3A_2305 = arith.select %eq3A_2302, %broadcast_in_dim3A_2304, %select_n3A_1743 : vector<16xi1>, vector<16xf32>
    %eq3A_2306 = arith.cmpi eq, %add3A_27, %select_n3A_2273 : vector<16xi32>
    %jit3A_2307 = arith.constant 0xFF800000 : f32
    %broadcast_in_dim3A_2308 = vector.broadcast %jit3A_2307 : f32 to vector<16xf32>
    %select_n3A_2309 = arith.select %eq3A_2306, %broadcast_in_dim3A_2308, %select_n3A_1747 : vector<16xi1>, vector<16xf32>
    %eq3A_2310 = arith.cmpi eq, %add3A_30, %select_n3A_2273 : vector<16xi32>
    %jit3A_2311 = arith.constant 0xFF800000 : f32
    %broadcast_in_dim3A_2312 = vector.broadcast %jit3A_2311 : f32 to vector<16xf32>
    %select_n3A_2313 = arith.select %eq3A_2310, %broadcast_in_dim3A_2312, %select_n3A_1751 : vector<16xi1>, vector<16xf32>
    %eq3A_2314 = arith.cmpi eq, %add3A_33, %select_n3A_2273 : vector<16xi32>
    %jit3A_2315 = arith.constant 0xFF800000 : f32
    %broadcast_in_dim3A_2316 = vector.broadcast %jit3A_2315 : f32 to vector<16xf32>
    %select_n3A_2317 = arith.select %eq3A_2314, %broadcast_in_dim3A_2316, %select_n3A_1755 : vector<16xi1>, vector<16xf32>
    %eq3A_2318 = arith.cmpi eq, %add3A_36, %select_n3A_2273 : vector<16xi32>
    %jit3A_2319 = arith.constant 0xFF800000 : f32
    %broadcast_in_dim3A_2320 = vector.broadcast %jit3A_2319 : f32 to vector<16xf32>
    %select_n3A_2321 = arith.select %eq3A_2318, %broadcast_in_dim3A_2320, %select_n3A_1759 : vector<16xi1>, vector<16xf32>
    %eq3A_2322 = arith.cmpi eq, %add3A_39, %select_n3A_2273 : vector<16xi32>
    %jit3A_2323 = arith.constant 0xFF800000 : f32
    %broadcast_in_dim3A_2324 = vector.broadcast %jit3A_2323 : f32 to vector<16xf32>
    %select_n3A_2325 = arith.select %eq3A_2322, %broadcast_in_dim3A_2324, %select_n3A_1763 : vector<16xi1>, vector<16xf32>
    %eq3A_2326 = arith.cmpi eq, %add3A_42, %select_n3A_2273 : vector<16xi32>
    %jit3A_2327 = arith.constant 0xFF800000 : f32
    %broadcast_in_dim3A_2328 = vector.broadcast %jit3A_2327 : f32 to vector<16xf32>
    %select_n3A_2329 = arith.select %eq3A_2326, %broadcast_in_dim3A_2328, %select_n3A_1767 : vector<16xi1>, vector<16xf32>
    %eq3A_2330 = arith.cmpi eq, %add3A_45, %select_n3A_2273 : vector<16xi32>
    %jit3A_2331 = arith.constant 0xFF800000 : f32
    %broadcast_in_dim3A_2332 = vector.broadcast %jit3A_2331 : f32 to vector<16xf32>
    %select_n3A_2333 = arith.select %eq3A_2330, %broadcast_in_dim3A_2332, %select_n3A_1771 : vector<16xi1>, vector<16xf32>
    %eq3A_2334 = arith.cmpi eq, %add3A_48, %select_n3A_2273 : vector<16xi32>
    %jit3A_2335 = arith.constant 0xFF800000 : f32
    %broadcast_in_dim3A_2336 = vector.broadcast %jit3A_2335 : f32 to vector<16xf32>
    %select_n3A_2337 = arith.select %eq3A_2334, %broadcast_in_dim3A_2336, %select_n3A_1775 : vector<16xi1>, vector<16xf32>
    %eq3A_2338 = arith.cmpi eq, %add3A_51, %select_n3A_2273 : vector<16xi32>
    %jit3A_2339 = arith.constant 0xFF800000 : f32
    %broadcast_in_dim3A_2340 = vector.broadcast %jit3A_2339 : f32 to vector<16xf32>
    %select_n3A_2341 = arith.select %eq3A_2338, %broadcast_in_dim3A_2340, %select_n3A_1779 : vector<16xi1>, vector<16xf32>
    %eq3A_2342 = arith.cmpi eq, %add3A_54, %select_n3A_2273 : vector<16xi32>
    %jit3A_2343 = arith.constant 0xFF800000 : f32
    %broadcast_in_dim3A_2344 = vector.broadcast %jit3A_2343 : f32 to vector<16xf32>
    %select_n3A_2345 = arith.select %eq3A_2342, %broadcast_in_dim3A_2344, %select_n3A_1783 : vector<16xi1>, vector<16xf32>
    %eq3A_2346 = arith.cmpi eq, %add3A_57, %select_n3A_2273 : vector<16xi32>
    %jit3A_2347 = arith.constant 0xFF800000 : f32
    %broadcast_in_dim3A_2348 = vector.broadcast %jit3A_2347 : f32 to vector<16xf32>
    %select_n3A_2349 = arith.select %eq3A_2346, %broadcast_in_dim3A_2348, %select_n3A_1787 : vector<16xi1>, vector<16xf32>
    %eq3A_2350 = arith.cmpi eq, %add3A_60, %select_n3A_2273 : vector<16xi32>
    %jit3A_2351 = arith.constant 0xFF800000 : f32
    %broadcast_in_dim3A_2352 = vector.broadcast %jit3A_2351 : f32 to vector<16xf32>
    %select_n3A_2353 = arith.select %eq3A_2350, %broadcast_in_dim3A_2352, %select_n3A_1791 : vector<16xi1>, vector<16xf32>
    %eq3A_2354 = arith.cmpi eq, %add3A_63, %select_n3A_2273 : vector<16xi32>
    %jit3A_2355 = arith.constant 0xFF800000 : f32
    %broadcast_in_dim3A_2356 = vector.broadcast %jit3A_2355 : f32 to vector<16xf32>
    %select_n3A_2357 = arith.select %eq3A_2354, %broadcast_in_dim3A_2356, %select_n3A_1795 : vector<16xi1>, vector<16xf32>
    %eq3A_2358 = arith.cmpi eq, %add3A_66, %select_n3A_2273 : vector<16xi32>
    %jit3A_2359 = arith.constant 0xFF800000 : f32
    %broadcast_in_dim3A_2360 = vector.broadcast %jit3A_2359 : f32 to vector<16xf32>
    %select_n3A_2361 = arith.select %eq3A_2358, %broadcast_in_dim3A_2360, %select_n3A_1799 : vector<16xi1>, vector<16xf32>
    %eq3A_2362 = arith.cmpi eq, %add3A_69, %select_n3A_2273 : vector<16xi32>
    %jit3A_2363 = arith.constant 0xFF800000 : f32
    %broadcast_in_dim3A_2364 = vector.broadcast %jit3A_2363 : f32 to vector<16xf32>
    %select_n3A_2365 = arith.select %eq3A_2362, %broadcast_in_dim3A_2364, %select_n3A_1803 : vector<16xi1>, vector<16xf32>
    %eq3A_2366 = arith.cmpi eq, %add3A_72, %select_n3A_2273 : vector<16xi32>
    %jit3A_2367 = arith.constant 0xFF800000 : f32
    %broadcast_in_dim3A_2368 = vector.broadcast %jit3A_2367 : f32 to vector<16xf32>
    %select_n3A_2369 = arith.select %eq3A_2366, %broadcast_in_dim3A_2368, %select_n3A_1807 : vector<16xi1>, vector<16xf32>
    %eq3A_2370 = arith.cmpi eq, %add3A_75, %select_n3A_2273 : vector<16xi32>
    %jit3A_2371 = arith.constant 0xFF800000 : f32
    %broadcast_in_dim3A_2372 = vector.broadcast %jit3A_2371 : f32 to vector<16xf32>
    %select_n3A_2373 = arith.select %eq3A_2370, %broadcast_in_dim3A_2372, %select_n3A_1811 : vector<16xi1>, vector<16xf32>
    %eq3A_2374 = arith.cmpi eq, %add3A_78, %select_n3A_2273 : vector<16xi32>
    %jit3A_2375 = arith.constant 0xFF800000 : f32
    %broadcast_in_dim3A_2376 = vector.broadcast %jit3A_2375 : f32 to vector<16xf32>
    %select_n3A_2377 = arith.select %eq3A_2374, %broadcast_in_dim3A_2376, %select_n3A_1815 : vector<16xi1>, vector<16xf32>
    %eq3A_2378 = arith.cmpi eq, %add3A_81, %select_n3A_2273 : vector<16xi32>
    %jit3A_2379 = arith.constant 0xFF800000 : f32
    %broadcast_in_dim3A_2380 = vector.broadcast %jit3A_2379 : f32 to vector<16xf32>
    %select_n3A_2381 = arith.select %eq3A_2378, %broadcast_in_dim3A_2380, %select_n3A_1819 : vector<16xi1>, vector<16xf32>
    %eq3A_2382 = arith.cmpi eq, %add3A_84, %select_n3A_2273 : vector<16xi32>
    %jit3A_2383 = arith.constant 0xFF800000 : f32
    %broadcast_in_dim3A_2384 = vector.broadcast %jit3A_2383 : f32 to vector<16xf32>
    %select_n3A_2385 = arith.select %eq3A_2382, %broadcast_in_dim3A_2384, %select_n3A_1823 : vector<16xi1>, vector<16xf32>
    %eq3A_2386 = arith.cmpi eq, %add3A_87, %select_n3A_2273 : vector<16xi32>
    %jit3A_2387 = arith.constant 0xFF800000 : f32
    %broadcast_in_dim3A_2388 = vector.broadcast %jit3A_2387 : f32 to vector<16xf32>
    %select_n3A_2389 = arith.select %eq3A_2386, %broadcast_in_dim3A_2388, %select_n3A_1827 : vector<16xi1>, vector<16xf32>
    %eq3A_2390 = arith.cmpi eq, %add3A_90, %select_n3A_2273 : vector<16xi32>
    %jit3A_2391 = arith.constant 0xFF800000 : f32
    %broadcast_in_dim3A_2392 = vector.broadcast %jit3A_2391 : f32 to vector<16xf32>
    %select_n3A_2393 = arith.select %eq3A_2390, %broadcast_in_dim3A_2392, %select_n3A_1831 : vector<16xi1>, vector<16xf32>
    %eq3A_2394 = arith.cmpi eq, %add3A_93, %select_n3A_2273 : vector<16xi32>
    %jit3A_2395 = arith.constant 0xFF800000 : f32
    %broadcast_in_dim3A_2396 = vector.broadcast %jit3A_2395 : f32 to vector<16xf32>
    %select_n3A_2397 = arith.select %eq3A_2394, %broadcast_in_dim3A_2396, %select_n3A_1835 : vector<16xi1>, vector<16xf32>
    %eq3A_2398 = arith.cmpi eq, %add3A_96, %select_n3A_2273 : vector<16xi32>
    %jit3A_2399 = arith.constant 0xFF800000 : f32
    %broadcast_in_dim3A_2400 = vector.broadcast %jit3A_2399 : f32 to vector<16xf32>
    %select_n3A_2401 = arith.select %eq3A_2398, %broadcast_in_dim3A_2400, %select_n3A_1839 : vector<16xi1>, vector<16xf32>
    %eq3A_2402 = arith.cmpi eq, %add3A_99, %select_n3A_2273 : vector<16xi32>
    %jit3A_2403 = arith.constant 0xFF800000 : f32
    %broadcast_in_dim3A_2404 = vector.broadcast %jit3A_2403 : f32 to vector<16xf32>
    %select_n3A_2405 = arith.select %eq3A_2402, %broadcast_in_dim3A_2404, %select_n3A_1843 : vector<16xi1>, vector<16xf32>
    %eq3A_2406 = arith.cmpi eq, %add3A_102, %select_n3A_2273 : vector<16xi32>
    %jit3A_2407 = arith.constant 0xFF800000 : f32
    %broadcast_in_dim3A_2408 = vector.broadcast %jit3A_2407 : f32 to vector<16xf32>
    %select_n3A_2409 = arith.select %eq3A_2406, %broadcast_in_dim3A_2408, %select_n3A_1847 : vector<16xi1>, vector<16xf32>
    %eq3A_2410 = arith.cmpi eq, %add3A_105, %select_n3A_2273 : vector<16xi32>
    %jit3A_2411 = arith.constant 0xFF800000 : f32
    %broadcast_in_dim3A_2412 = vector.broadcast %jit3A_2411 : f32 to vector<16xf32>
    %select_n3A_2413 = arith.select %eq3A_2410, %broadcast_in_dim3A_2412, %select_n3A_1851 : vector<16xi1>, vector<16xf32>
    %eq3A_2414 = arith.cmpi eq, %add3A_108, %select_n3A_2273 : vector<16xi32>
    %jit3A_2415 = arith.constant 0xFF800000 : f32
    %broadcast_in_dim3A_2416 = vector.broadcast %jit3A_2415 : f32 to vector<16xf32>
    %select_n3A_2417 = arith.select %eq3A_2414, %broadcast_in_dim3A_2416, %select_n3A_1855 : vector<16xi1>, vector<16xf32>
    %gt3A_2418 = arith.cmpf ogt, %select_n3A_2277, %select_n3A_2281 : vector<16xf32>
    %eq3A_2419 = arith.cmpf oeq, %select_n3A_2277, %select_n3A_2281 : vector<16xf32>
    %lt3A_2420 = arith.cmpi slt, %add3A_3, %add3A_6 : vector<16xi32>
    %and3A_2421 = arith.andi %eq3A_2419, %lt3A_2420 : vector<16xi1>
    %or3A_2422 = arith.ori %gt3A_2418, %and3A_2421 : vector<16xi1>
    %select_n3A_2423 = arith.select %or3A_2422, %select_n3A_2277, %select_n3A_2281 : vector<16xi1>, vector<16xf32>
    %select_n3A_2424 = arith.select %or3A_2422, %add3A_3, %add3A_6 : vector<16xi1>, vector<16xi32>
    %gt3A_2425 = arith.cmpf ogt, %select_n3A_2285, %select_n3A_2289 : vector<16xf32>
    %eq3A_2426 = arith.cmpf oeq, %select_n3A_2285, %select_n3A_2289 : vector<16xf32>
    %lt3A_2427 = arith.cmpi slt, %add3A_9, %add3A_12 : vector<16xi32>
    %and3A_2428 = arith.andi %eq3A_2426, %lt3A_2427 : vector<16xi1>
    %or3A_2429 = arith.ori %gt3A_2425, %and3A_2428 : vector<16xi1>
    %select_n3A_2430 = arith.select %or3A_2429, %select_n3A_2285, %select_n3A_2289 : vector<16xi1>, vector<16xf32>
    %select_n3A_2431 = arith.select %or3A_2429, %add3A_9, %add3A_12 : vector<16xi1>, vector<16xi32>
    %gt3A_2432 = arith.cmpf ogt, %select_n3A_2293, %select_n3A_2297 : vector<16xf32>
    %eq3A_2433 = arith.cmpf oeq, %select_n3A_2293, %select_n3A_2297 : vector<16xf32>
    %lt3A_2434 = arith.cmpi slt, %add3A_15, %add3A_18 : vector<16xi32>
    %and3A_2435 = arith.andi %eq3A_2433, %lt3A_2434 : vector<16xi1>
    %or3A_2436 = arith.ori %gt3A_2432, %and3A_2435 : vector<16xi1>
    %select_n3A_2437 = arith.select %or3A_2436, %select_n3A_2293, %select_n3A_2297 : vector<16xi1>, vector<16xf32>
    %select_n3A_2438 = arith.select %or3A_2436, %add3A_15, %add3A_18 : vector<16xi1>, vector<16xi32>
    %gt3A_2439 = arith.cmpf ogt, %select_n3A_2301, %select_n3A_2305 : vector<16xf32>
    %eq3A_2440 = arith.cmpf oeq, %select_n3A_2301, %select_n3A_2305 : vector<16xf32>
    %lt3A_2441 = arith.cmpi slt, %add3A_21, %add3A_24 : vector<16xi32>
    %and3A_2442 = arith.andi %eq3A_2440, %lt3A_2441 : vector<16xi1>
    %or3A_2443 = arith.ori %gt3A_2439, %and3A_2442 : vector<16xi1>
    %select_n3A_2444 = arith.select %or3A_2443, %select_n3A_2301, %select_n3A_2305 : vector<16xi1>, vector<16xf32>
    %select_n3A_2445 = arith.select %or3A_2443, %add3A_21, %add3A_24 : vector<16xi1>, vector<16xi32>
    %gt3A_2446 = arith.cmpf ogt, %select_n3A_2309, %select_n3A_2313 : vector<16xf32>
    %eq3A_2447 = arith.cmpf oeq, %select_n3A_2309, %select_n3A_2313 : vector<16xf32>
    %lt3A_2448 = arith.cmpi slt, %add3A_27, %add3A_30 : vector<16xi32>
    %and3A_2449 = arith.andi %eq3A_2447, %lt3A_2448 : vector<16xi1>
    %or3A_2450 = arith.ori %gt3A_2446, %and3A_2449 : vector<16xi1>
    %select_n3A_2451 = arith.select %or3A_2450, %select_n3A_2309, %select_n3A_2313 : vector<16xi1>, vector<16xf32>
    %select_n3A_2452 = arith.select %or3A_2450, %add3A_27, %add3A_30 : vector<16xi1>, vector<16xi32>
    %gt3A_2453 = arith.cmpf ogt, %select_n3A_2317, %select_n3A_2321 : vector<16xf32>
    %eq3A_2454 = arith.cmpf oeq, %select_n3A_2317, %select_n3A_2321 : vector<16xf32>
    %lt3A_2455 = arith.cmpi slt, %add3A_33, %add3A_36 : vector<16xi32>
    %and3A_2456 = arith.andi %eq3A_2454, %lt3A_2455 : vector<16xi1>
    %or3A_2457 = arith.ori %gt3A_2453, %and3A_2456 : vector<16xi1>
    %select_n3A_2458 = arith.select %or3A_2457, %select_n3A_2317, %select_n3A_2321 : vector<16xi1>, vector<16xf32>
    %select_n3A_2459 = arith.select %or3A_2457, %add3A_33, %add3A_36 : vector<16xi1>, vector<16xi32>
    %gt3A_2460 = arith.cmpf ogt, %select_n3A_2325, %select_n3A_2329 : vector<16xf32>
    %eq3A_2461 = arith.cmpf oeq, %select_n3A_2325, %select_n3A_2329 : vector<16xf32>
    %lt3A_2462 = arith.cmpi slt, %add3A_39, %add3A_42 : vector<16xi32>
    %and3A_2463 = arith.andi %eq3A_2461, %lt3A_2462 : vector<16xi1>
    %or3A_2464 = arith.ori %gt3A_2460, %and3A_2463 : vector<16xi1>
    %select_n3A_2465 = arith.select %or3A_2464, %select_n3A_2325, %select_n3A_2329 : vector<16xi1>, vector<16xf32>
    %select_n3A_2466 = arith.select %or3A_2464, %add3A_39, %add3A_42 : vector<16xi1>, vector<16xi32>
    %gt3A_2467 = arith.cmpf ogt, %select_n3A_2333, %select_n3A_2337 : vector<16xf32>
    %eq3A_2468 = arith.cmpf oeq, %select_n3A_2333, %select_n3A_2337 : vector<16xf32>
    %lt3A_2469 = arith.cmpi slt, %add3A_45, %add3A_48 : vector<16xi32>
    %and3A_2470 = arith.andi %eq3A_2468, %lt3A_2469 : vector<16xi1>
    %or3A_2471 = arith.ori %gt3A_2467, %and3A_2470 : vector<16xi1>
    %select_n3A_2472 = arith.select %or3A_2471, %select_n3A_2333, %select_n3A_2337 : vector<16xi1>, vector<16xf32>
    %select_n3A_2473 = arith.select %or3A_2471, %add3A_45, %add3A_48 : vector<16xi1>, vector<16xi32>
    %gt3A_2474 = arith.cmpf ogt, %select_n3A_2341, %select_n3A_2345 : vector<16xf32>
    %eq3A_2475 = arith.cmpf oeq, %select_n3A_2341, %select_n3A_2345 : vector<16xf32>
    %lt3A_2476 = arith.cmpi slt, %add3A_51, %add3A_54 : vector<16xi32>
    %and3A_2477 = arith.andi %eq3A_2475, %lt3A_2476 : vector<16xi1>
    %or3A_2478 = arith.ori %gt3A_2474, %and3A_2477 : vector<16xi1>
    %select_n3A_2479 = arith.select %or3A_2478, %select_n3A_2341, %select_n3A_2345 : vector<16xi1>, vector<16xf32>
    %select_n3A_2480 = arith.select %or3A_2478, %add3A_51, %add3A_54 : vector<16xi1>, vector<16xi32>
    %gt3A_2481 = arith.cmpf ogt, %select_n3A_2349, %select_n3A_2353 : vector<16xf32>
    %eq3A_2482 = arith.cmpf oeq, %select_n3A_2349, %select_n3A_2353 : vector<16xf32>
    %lt3A_2483 = arith.cmpi slt, %add3A_57, %add3A_60 : vector<16xi32>
    %and3A_2484 = arith.andi %eq3A_2482, %lt3A_2483 : vector<16xi1>
    %or3A_2485 = arith.ori %gt3A_2481, %and3A_2484 : vector<16xi1>
    %select_n3A_2486 = arith.select %or3A_2485, %select_n3A_2349, %select_n3A_2353 : vector<16xi1>, vector<16xf32>
    %select_n3A_2487 = arith.select %or3A_2485, %add3A_57, %add3A_60 : vector<16xi1>, vector<16xi32>
    %gt3A_2488 = arith.cmpf ogt, %select_n3A_2357, %select_n3A_2361 : vector<16xf32>
    %eq3A_2489 = arith.cmpf oeq, %select_n3A_2357, %select_n3A_2361 : vector<16xf32>
    %lt3A_2490 = arith.cmpi slt, %add3A_63, %add3A_66 : vector<16xi32>
    %and3A_2491 = arith.andi %eq3A_2489, %lt3A_2490 : vector<16xi1>
    %or3A_2492 = arith.ori %gt3A_2488, %and3A_2491 : vector<16xi1>
    %select_n3A_2493 = arith.select %or3A_2492, %select_n3A_2357, %select_n3A_2361 : vector<16xi1>, vector<16xf32>
    %select_n3A_2494 = arith.select %or3A_2492, %add3A_63, %add3A_66 : vector<16xi1>, vector<16xi32>
    %gt3A_2495 = arith.cmpf ogt, %select_n3A_2365, %select_n3A_2369 : vector<16xf32>
    %eq3A_2496 = arith.cmpf oeq, %select_n3A_2365, %select_n3A_2369 : vector<16xf32>
    %lt3A_2497 = arith.cmpi slt, %add3A_69, %add3A_72 : vector<16xi32>
    %and3A_2498 = arith.andi %eq3A_2496, %lt3A_2497 : vector<16xi1>
    %or3A_2499 = arith.ori %gt3A_2495, %and3A_2498 : vector<16xi1>
    %select_n3A_2500 = arith.select %or3A_2499, %select_n3A_2365, %select_n3A_2369 : vector<16xi1>, vector<16xf32>
    %select_n3A_2501 = arith.select %or3A_2499, %add3A_69, %add3A_72 : vector<16xi1>, vector<16xi32>
    %gt3A_2502 = arith.cmpf ogt, %select_n3A_2373, %select_n3A_2377 : vector<16xf32>
    %eq3A_2503 = arith.cmpf oeq, %select_n3A_2373, %select_n3A_2377 : vector<16xf32>
    %lt3A_2504 = arith.cmpi slt, %add3A_75, %add3A_78 : vector<16xi32>
    %and3A_2505 = arith.andi %eq3A_2503, %lt3A_2504 : vector<16xi1>
    %or3A_2506 = arith.ori %gt3A_2502, %and3A_2505 : vector<16xi1>
    %select_n3A_2507 = arith.select %or3A_2506, %select_n3A_2373, %select_n3A_2377 : vector<16xi1>, vector<16xf32>
    %select_n3A_2508 = arith.select %or3A_2506, %add3A_75, %add3A_78 : vector<16xi1>, vector<16xi32>
    %gt3A_2509 = arith.cmpf ogt, %select_n3A_2381, %select_n3A_2385 : vector<16xf32>
    %eq3A_2510 = arith.cmpf oeq, %select_n3A_2381, %select_n3A_2385 : vector<16xf32>
    %lt3A_2511 = arith.cmpi slt, %add3A_81, %add3A_84 : vector<16xi32>
    %and3A_2512 = arith.andi %eq3A_2510, %lt3A_2511 : vector<16xi1>
    %or3A_2513 = arith.ori %gt3A_2509, %and3A_2512 : vector<16xi1>
    %select_n3A_2514 = arith.select %or3A_2513, %select_n3A_2381, %select_n3A_2385 : vector<16xi1>, vector<16xf32>
    %select_n3A_2515 = arith.select %or3A_2513, %add3A_81, %add3A_84 : vector<16xi1>, vector<16xi32>
    %gt3A_2516 = arith.cmpf ogt, %select_n3A_2389, %select_n3A_2393 : vector<16xf32>
    %eq3A_2517 = arith.cmpf oeq, %select_n3A_2389, %select_n3A_2393 : vector<16xf32>
    %lt3A_2518 = arith.cmpi slt, %add3A_87, %add3A_90 : vector<16xi32>
    %and3A_2519 = arith.andi %eq3A_2517, %lt3A_2518 : vector<16xi1>
    %or3A_2520 = arith.ori %gt3A_2516, %and3A_2519 : vector<16xi1>
    %select_n3A_2521 = arith.select %or3A_2520, %select_n3A_2389, %select_n3A_2393 : vector<16xi1>, vector<16xf32>
    %select_n3A_2522 = arith.select %or3A_2520, %add3A_87, %add3A_90 : vector<16xi1>, vector<16xi32>
    %gt3A_2523 = arith.cmpf ogt, %select_n3A_2397, %select_n3A_2401 : vector<16xf32>
    %eq3A_2524 = arith.cmpf oeq, %select_n3A_2397, %select_n3A_2401 : vector<16xf32>
    %lt3A_2525 = arith.cmpi slt, %add3A_93, %add3A_96 : vector<16xi32>
    %and3A_2526 = arith.andi %eq3A_2524, %lt3A_2525 : vector<16xi1>
    %or3A_2527 = arith.ori %gt3A_2523, %and3A_2526 : vector<16xi1>
    %select_n3A_2528 = arith.select %or3A_2527, %select_n3A_2397, %select_n3A_2401 : vector<16xi1>, vector<16xf32>
    %select_n3A_2529 = arith.select %or3A_2527, %add3A_93, %add3A_96 : vector<16xi1>, vector<16xi32>
    %gt3A_2530 = arith.cmpf ogt, %select_n3A_2405, %select_n3A_2409 : vector<16xf32>
    %eq3A_2531 = arith.cmpf oeq, %select_n3A_2405, %select_n3A_2409 : vector<16xf32>
    %lt3A_2532 = arith.cmpi slt, %add3A_99, %add3A_102 : vector<16xi32>
    %and3A_2533 = arith.andi %eq3A_2531, %lt3A_2532 : vector<16xi1>
    %or3A_2534 = arith.ori %gt3A_2530, %and3A_2533 : vector<16xi1>
    %select_n3A_2535 = arith.select %or3A_2534, %select_n3A_2405, %select_n3A_2409 : vector<16xi1>, vector<16xf32>
    %select_n3A_2536 = arith.select %or3A_2534, %add3A_99, %add3A_102 : vector<16xi1>, vector<16xi32>
    %gt3A_2537 = arith.cmpf ogt, %select_n3A_2413, %select_n3A_2417 : vector<16xf32>
    %eq3A_2538 = arith.cmpf oeq, %select_n3A_2413, %select_n3A_2417 : vector<16xf32>
    %lt3A_2539 = arith.cmpi slt, %add3A_105, %add3A_108 : vector<16xi32>
    %and3A_2540 = arith.andi %eq3A_2538, %lt3A_2539 : vector<16xi1>
    %or3A_2541 = arith.ori %gt3A_2537, %and3A_2540 : vector<16xi1>
    %select_n3A_2542 = arith.select %or3A_2541, %select_n3A_2413, %select_n3A_2417 : vector<16xi1>, vector<16xf32>
    %select_n3A_2543 = arith.select %or3A_2541, %add3A_105, %add3A_108 : vector<16xi1>, vector<16xi32>
    %gt3A_2544 = arith.cmpf ogt, %select_n3A_2423, %select_n3A_2430 : vector<16xf32>
    %eq3A_2545 = arith.cmpf oeq, %select_n3A_2423, %select_n3A_2430 : vector<16xf32>
    %lt3A_2546 = arith.cmpi slt, %select_n3A_2424, %select_n3A_2431 : vector<16xi32>
    %and3A_2547 = arith.andi %eq3A_2545, %lt3A_2546 : vector<16xi1>
    %or3A_2548 = arith.ori %gt3A_2544, %and3A_2547 : vector<16xi1>
    %select_n3A_2549 = arith.select %or3A_2548, %select_n3A_2423, %select_n3A_2430 : vector<16xi1>, vector<16xf32>
    %select_n3A_2550 = arith.select %or3A_2548, %select_n3A_2424, %select_n3A_2431 : vector<16xi1>, vector<16xi32>
    %gt3A_2551 = arith.cmpf ogt, %select_n3A_2437, %select_n3A_2444 : vector<16xf32>
    %eq3A_2552 = arith.cmpf oeq, %select_n3A_2437, %select_n3A_2444 : vector<16xf32>
    %lt3A_2553 = arith.cmpi slt, %select_n3A_2438, %select_n3A_2445 : vector<16xi32>
    %and3A_2554 = arith.andi %eq3A_2552, %lt3A_2553 : vector<16xi1>
    %or3A_2555 = arith.ori %gt3A_2551, %and3A_2554 : vector<16xi1>
    %select_n3A_2556 = arith.select %or3A_2555, %select_n3A_2437, %select_n3A_2444 : vector<16xi1>, vector<16xf32>
    %select_n3A_2557 = arith.select %or3A_2555, %select_n3A_2438, %select_n3A_2445 : vector<16xi1>, vector<16xi32>
    %gt3A_2558 = arith.cmpf ogt, %select_n3A_2451, %select_n3A_2458 : vector<16xf32>
    %eq3A_2559 = arith.cmpf oeq, %select_n3A_2451, %select_n3A_2458 : vector<16xf32>
    %lt3A_2560 = arith.cmpi slt, %select_n3A_2452, %select_n3A_2459 : vector<16xi32>
    %and3A_2561 = arith.andi %eq3A_2559, %lt3A_2560 : vector<16xi1>
    %or3A_2562 = arith.ori %gt3A_2558, %and3A_2561 : vector<16xi1>
    %select_n3A_2563 = arith.select %or3A_2562, %select_n3A_2451, %select_n3A_2458 : vector<16xi1>, vector<16xf32>
    %select_n3A_2564 = arith.select %or3A_2562, %select_n3A_2452, %select_n3A_2459 : vector<16xi1>, vector<16xi32>
    %gt3A_2565 = arith.cmpf ogt, %select_n3A_2465, %select_n3A_2472 : vector<16xf32>
    %eq3A_2566 = arith.cmpf oeq, %select_n3A_2465, %select_n3A_2472 : vector<16xf32>
    %lt3A_2567 = arith.cmpi slt, %select_n3A_2466, %select_n3A_2473 : vector<16xi32>
    %and3A_2568 = arith.andi %eq3A_2566, %lt3A_2567 : vector<16xi1>
    %or3A_2569 = arith.ori %gt3A_2565, %and3A_2568 : vector<16xi1>
    %select_n3A_2570 = arith.select %or3A_2569, %select_n3A_2465, %select_n3A_2472 : vector<16xi1>, vector<16xf32>
    %select_n3A_2571 = arith.select %or3A_2569, %select_n3A_2466, %select_n3A_2473 : vector<16xi1>, vector<16xi32>
    %gt3A_2572 = arith.cmpf ogt, %select_n3A_2479, %select_n3A_2486 : vector<16xf32>
    %eq3A_2573 = arith.cmpf oeq, %select_n3A_2479, %select_n3A_2486 : vector<16xf32>
    %lt3A_2574 = arith.cmpi slt, %select_n3A_2480, %select_n3A_2487 : vector<16xi32>
    %and3A_2575 = arith.andi %eq3A_2573, %lt3A_2574 : vector<16xi1>
    %or3A_2576 = arith.ori %gt3A_2572, %and3A_2575 : vector<16xi1>
    %select_n3A_2577 = arith.select %or3A_2576, %select_n3A_2479, %select_n3A_2486 : vector<16xi1>, vector<16xf32>
    %select_n3A_2578 = arith.select %or3A_2576, %select_n3A_2480, %select_n3A_2487 : vector<16xi1>, vector<16xi32>
    %gt3A_2579 = arith.cmpf ogt, %select_n3A_2493, %select_n3A_2500 : vector<16xf32>
    %eq3A_2580 = arith.cmpf oeq, %select_n3A_2493, %select_n3A_2500 : vector<16xf32>
    %lt3A_2581 = arith.cmpi slt, %select_n3A_2494, %select_n3A_2501 : vector<16xi32>
    %and3A_2582 = arith.andi %eq3A_2580, %lt3A_2581 : vector<16xi1>
    %or3A_2583 = arith.ori %gt3A_2579, %and3A_2582 : vector<16xi1>
    %select_n3A_2584 = arith.select %or3A_2583, %select_n3A_2493, %select_n3A_2500 : vector<16xi1>, vector<16xf32>
    %select_n3A_2585 = arith.select %or3A_2583, %select_n3A_2494, %select_n3A_2501 : vector<16xi1>, vector<16xi32>
    %gt3A_2586 = arith.cmpf ogt, %select_n3A_2507, %select_n3A_2514 : vector<16xf32>
    %eq3A_2587 = arith.cmpf oeq, %select_n3A_2507, %select_n3A_2514 : vector<16xf32>
    %lt3A_2588 = arith.cmpi slt, %select_n3A_2508, %select_n3A_2515 : vector<16xi32>
    %and3A_2589 = arith.andi %eq3A_2587, %lt3A_2588 : vector<16xi1>
    %or3A_2590 = arith.ori %gt3A_2586, %and3A_2589 : vector<16xi1>
    %select_n3A_2591 = arith.select %or3A_2590, %select_n3A_2507, %select_n3A_2514 : vector<16xi1>, vector<16xf32>
    %select_n3A_2592 = arith.select %or3A_2590, %select_n3A_2508, %select_n3A_2515 : vector<16xi1>, vector<16xi32>
    %gt3A_2593 = arith.cmpf ogt, %select_n3A_2521, %select_n3A_2528 : vector<16xf32>
    %eq3A_2594 = arith.cmpf oeq, %select_n3A_2521, %select_n3A_2528 : vector<16xf32>
    %lt3A_2595 = arith.cmpi slt, %select_n3A_2522, %select_n3A_2529 : vector<16xi32>
    %and3A_2596 = arith.andi %eq3A_2594, %lt3A_2595 : vector<16xi1>
    %or3A_2597 = arith.ori %gt3A_2593, %and3A_2596 : vector<16xi1>
    %select_n3A_2598 = arith.select %or3A_2597, %select_n3A_2521, %select_n3A_2528 : vector<16xi1>, vector<16xf32>
    %select_n3A_2599 = arith.select %or3A_2597, %select_n3A_2522, %select_n3A_2529 : vector<16xi1>, vector<16xi32>
    %gt3A_2600 = arith.cmpf ogt, %select_n3A_2535, %select_n3A_2542 : vector<16xf32>
    %eq3A_2601 = arith.cmpf oeq, %select_n3A_2535, %select_n3A_2542 : vector<16xf32>
    %lt3A_2602 = arith.cmpi slt, %select_n3A_2536, %select_n3A_2543 : vector<16xi32>
    %and3A_2603 = arith.andi %eq3A_2601, %lt3A_2602 : vector<16xi1>
    %or3A_2604 = arith.ori %gt3A_2600, %and3A_2603 : vector<16xi1>
    %select_n3A_2605 = arith.select %or3A_2604, %select_n3A_2535, %select_n3A_2542 : vector<16xi1>, vector<16xf32>
    %select_n3A_2606 = arith.select %or3A_2604, %select_n3A_2536, %select_n3A_2543 : vector<16xi1>, vector<16xi32>
    %gt3A_2607 = arith.cmpf ogt, %select_n3A_2549, %select_n3A_2556 : vector<16xf32>
    %eq3A_2608 = arith.cmpf oeq, %select_n3A_2549, %select_n3A_2556 : vector<16xf32>
    %lt3A_2609 = arith.cmpi slt, %select_n3A_2550, %select_n3A_2557 : vector<16xi32>
    %and3A_2610 = arith.andi %eq3A_2608, %lt3A_2609 : vector<16xi1>
    %or3A_2611 = arith.ori %gt3A_2607, %and3A_2610 : vector<16xi1>
    %select_n3A_2612 = arith.select %or3A_2611, %select_n3A_2549, %select_n3A_2556 : vector<16xi1>, vector<16xf32>
    %select_n3A_2613 = arith.select %or3A_2611, %select_n3A_2550, %select_n3A_2557 : vector<16xi1>, vector<16xi32>
    %gt3A_2614 = arith.cmpf ogt, %select_n3A_2563, %select_n3A_2570 : vector<16xf32>
    %eq3A_2615 = arith.cmpf oeq, %select_n3A_2563, %select_n3A_2570 : vector<16xf32>
    %lt3A_2616 = arith.cmpi slt, %select_n3A_2564, %select_n3A_2571 : vector<16xi32>
    %and3A_2617 = arith.andi %eq3A_2615, %lt3A_2616 : vector<16xi1>
    %or3A_2618 = arith.ori %gt3A_2614, %and3A_2617 : vector<16xi1>
    %select_n3A_2619 = arith.select %or3A_2618, %select_n3A_2563, %select_n3A_2570 : vector<16xi1>, vector<16xf32>
    %select_n3A_2620 = arith.select %or3A_2618, %select_n3A_2564, %select_n3A_2571 : vector<16xi1>, vector<16xi32>
    %gt3A_2621 = arith.cmpf ogt, %select_n3A_2577, %select_n3A_2584 : vector<16xf32>
    %eq3A_2622 = arith.cmpf oeq, %select_n3A_2577, %select_n3A_2584 : vector<16xf32>
    %lt3A_2623 = arith.cmpi slt, %select_n3A_2578, %select_n3A_2585 : vector<16xi32>
    %and3A_2624 = arith.andi %eq3A_2622, %lt3A_2623 : vector<16xi1>
    %or3A_2625 = arith.ori %gt3A_2621, %and3A_2624 : vector<16xi1>
    %select_n3A_2626 = arith.select %or3A_2625, %select_n3A_2577, %select_n3A_2584 : vector<16xi1>, vector<16xf32>
    %select_n3A_2627 = arith.select %or3A_2625, %select_n3A_2578, %select_n3A_2585 : vector<16xi1>, vector<16xi32>
    %gt3A_2628 = arith.cmpf ogt, %select_n3A_2591, %select_n3A_2598 : vector<16xf32>
    %eq3A_2629 = arith.cmpf oeq, %select_n3A_2591, %select_n3A_2598 : vector<16xf32>
    %lt3A_2630 = arith.cmpi slt, %select_n3A_2592, %select_n3A_2599 : vector<16xi32>
    %and3A_2631 = arith.andi %eq3A_2629, %lt3A_2630 : vector<16xi1>
    %or3A_2632 = arith.ori %gt3A_2628, %and3A_2631 : vector<16xi1>
    %select_n3A_2633 = arith.select %or3A_2632, %select_n3A_2591, %select_n3A_2598 : vector<16xi1>, vector<16xf32>
    %select_n3A_2634 = arith.select %or3A_2632, %select_n3A_2592, %select_n3A_2599 : vector<16xi1>, vector<16xi32>
    %gt3A_2635 = arith.cmpf ogt, %select_n3A_2612, %select_n3A_2619 : vector<16xf32>
    %eq3A_2636 = arith.cmpf oeq, %select_n3A_2612, %select_n3A_2619 : vector<16xf32>
    %lt3A_2637 = arith.cmpi slt, %select_n3A_2613, %select_n3A_2620 : vector<16xi32>
    %and3A_2638 = arith.andi %eq3A_2636, %lt3A_2637 : vector<16xi1>
    %or3A_2639 = arith.ori %gt3A_2635, %and3A_2638 : vector<16xi1>
    %select_n3A_2640 = arith.select %or3A_2639, %select_n3A_2612, %select_n3A_2619 : vector<16xi1>, vector<16xf32>
    %select_n3A_2641 = arith.select %or3A_2639, %select_n3A_2613, %select_n3A_2620 : vector<16xi1>, vector<16xi32>
    %gt3A_2642 = arith.cmpf ogt, %select_n3A_2626, %select_n3A_2633 : vector<16xf32>
    %eq3A_2643 = arith.cmpf oeq, %select_n3A_2626, %select_n3A_2633 : vector<16xf32>
    %lt3A_2644 = arith.cmpi slt, %select_n3A_2627, %select_n3A_2634 : vector<16xi32>
    %and3A_2645 = arith.andi %eq3A_2643, %lt3A_2644 : vector<16xi1>
    %or3A_2646 = arith.ori %gt3A_2642, %and3A_2645 : vector<16xi1>
    %select_n3A_2647 = arith.select %or3A_2646, %select_n3A_2626, %select_n3A_2633 : vector<16xi1>, vector<16xf32>
    %select_n3A_2648 = arith.select %or3A_2646, %select_n3A_2627, %select_n3A_2634 : vector<16xi1>, vector<16xi32>
    %gt3A_2649 = arith.cmpf ogt, %select_n3A_2640, %select_n3A_2647 : vector<16xf32>
    %eq3A_2650 = arith.cmpf oeq, %select_n3A_2640, %select_n3A_2647 : vector<16xf32>
    %lt3A_2651 = arith.cmpi slt, %select_n3A_2641, %select_n3A_2648 : vector<16xi32>
    %and3A_2652 = arith.andi %eq3A_2650, %lt3A_2651 : vector<16xi1>
    %or3A_2653 = arith.ori %gt3A_2649, %and3A_2652 : vector<16xi1>
    %select_n3A_2654 = arith.select %or3A_2653, %select_n3A_2640, %select_n3A_2647 : vector<16xi1>, vector<16xf32>
    %select_n3A_2655 = arith.select %or3A_2653, %select_n3A_2641, %select_n3A_2648 : vector<16xi1>, vector<16xi32>
    %gt3A_2656 = arith.cmpf ogt, %select_n3A_2654, %select_n3A_2605 : vector<16xf32>
    %eq3A_2657 = arith.cmpf oeq, %select_n3A_2654, %select_n3A_2605 : vector<16xf32>
    %lt3A_2658 = arith.cmpi slt, %select_n3A_2655, %select_n3A_2606 : vector<16xi32>
    %and3A_2659 = arith.andi %eq3A_2657, %lt3A_2658 : vector<16xi1>
    %or3A_2660 = arith.ori %gt3A_2656, %and3A_2659 : vector<16xi1>
    %select_n3A_2661 = arith.select %or3A_2660, %select_n3A_2654, %select_n3A_2605 : vector<16xi1>, vector<16xf32>
    %select_n3A_2662 = arith.select %or3A_2660, %select_n3A_2655, %select_n3A_2606 : vector<16xi1>, vector<16xi32>
    %swap3A_2663 = arith.constant 0 : index
    %swap3A_2664 = tpu.vector_load %arg7[%swap3A_2663] {strides = array<i32>} : memref<16xf32, #tpu.memory_space<vmem>>, vector<16xf32>,
    tpu.vector_store %arg7[%swap3A_2663], %select_n3A_2661 {strides = array<i32>} : memref<16xf32, #tpu.memory_space<vmem>>, vector<16xf32>,
    %swap3A_2665 = arith.constant 0 : index
    %swap3A_2666 = tpu.vector_load %arg8[%swap3A_2665] {strides = array<i32>} : memref<16xi32, #tpu.memory_space<vmem>>, vector<16xi32>,
    tpu.vector_store %arg8[%swap3A_2665], %select_n3A_2662 {strides = array<i32>} : memref<16xi32, #tpu.memory_space<vmem>>, vector<16xi32>,
    %broadcast_in_dim3A_2667 = arith.constant 0 : i32
    %broadcast_in_dim3A_2668 = vector.broadcast %broadcast_in_dim3A_2667 : i32 to vector<16xi32>
    %gather3A_2669 = tpu.vector_load_idx %arg7[%broadcast_in_dim3A_2668] : memref<16xf32, #tpu.memory_space<vmem>>[vector<16xi32>], vector<16xf32>,
    %gather3A_2670 = tpu.vector_load_idx %arg8[%broadcast_in_dim3A_2668] : memref<16xi32, #tpu.memory_space<vmem>>[vector<16xi32>], vector<16xi32>,
    %broadcast_in_dim3A_2671 = arith.constant 1 : i32
    %broadcast_in_dim3A_2672 = vector.broadcast %broadcast_in_dim3A_2671 : i32 to vector<16xi32>
    %gather3A_2673 = tpu.vector_load_idx %arg7[%broadcast_in_dim3A_2672] : memref<16xf32, #tpu.memory_space<vmem>>[vector<16xi32>], vector<16xf32>,
    %gather3A_2674 = tpu.vector_load_idx %arg8[%broadcast_in_dim3A_2672] : memref<16xi32, #tpu.memory_space<vmem>>[vector<16xi32>], vector<16xi32>,
    %broadcast_in_dim3A_2675 = arith.constant 2 : i32
    %broadcast_in_dim3A_2676 = vector.broadcast %broadcast_in_dim3A_2675 : i32 to vector<16xi32>
    %gather3A_2677 = tpu.vector_load_idx %arg7[%broadcast_in_dim3A_2676] : memref<16xf32, #tpu.memory_space<vmem>>[vector<16xi32>], vector<16xf32>,
    %gather3A_2678 = tpu.vector_load_idx %arg8[%broadcast_in_dim3A_2676] : memref<16xi32, #tpu.memory_space<vmem>>[vector<16xi32>], vector<16xi32>,
    %broadcast_in_dim3A_2679 = arith.constant 3 : i32
    %broadcast_in_dim3A_2680 = vector.broadcast %broadcast_in_dim3A_2679 : i32 to vector<16xi32>
    %gather3A_2681 = tpu.vector_load_idx %arg7[%broadcast_in_dim3A_2680] : memref<16xf32, #tpu.memory_space<vmem>>[vector<16xi32>], vector<16xf32>,
    %gather3A_2682 = tpu.vector_load_idx %arg8[%broadcast_in_dim3A_2680] : memref<16xi32, #tpu.memory_space<vmem>>[vector<16xi32>], vector<16xi32>,
    %broadcast_in_dim3A_2683 = arith.constant 4 : i32
    %broadcast_in_dim3A_2684 = vector.broadcast %broadcast_in_dim3A_2683 : i32 to vector<16xi32>
    %gather3A_2685 = tpu.vector_load_idx %arg7[%broadcast_in_dim3A_2684] : memref<16xf32, #tpu.memory_space<vmem>>[vector<16xi32>], vector<16xf32>,
    %gather3A_2686 = tpu.vector_load_idx %arg8[%broadcast_in_dim3A_2684] : memref<16xi32, #tpu.memory_space<vmem>>[vector<16xi32>], vector<16xi32>,
    %broadcast_in_dim3A_2687 = arith.constant 5 : i32
    %broadcast_in_dim3A_2688 = vector.broadcast %broadcast_in_dim3A_2687 : i32 to vector<16xi32>
    %gather3A_2689 = tpu.vector_load_idx %arg7[%broadcast_in_dim3A_2688] : memref<16xf32, #tpu.memory_space<vmem>>[vector<16xi32>], vector<16xf32>,
    %gather3A_2690 = tpu.vector_load_idx %arg8[%broadcast_in_dim3A_2688] : memref<16xi32, #tpu.memory_space<vmem>>[vector<16xi32>], vector<16xi32>,
    %broadcast_in_dim3A_2691 = arith.constant 6 : i32
    %broadcast_in_dim3A_2692 = vector.broadcast %broadcast_in_dim3A_2691 : i32 to vector<16xi32>
    %gather3A_2693 = tpu.vector_load_idx %arg7[%broadcast_in_dim3A_2692] : memref<16xf32, #tpu.memory_space<vmem>>[vector<16xi32>], vector<16xf32>,
    %gather3A_2694 = tpu.vector_load_idx %arg8[%broadcast_in_dim3A_2692] : memref<16xi32, #tpu.memory_space<vmem>>[vector<16xi32>], vector<16xi32>,
    %broadcast_in_dim3A_2695 = arith.constant 7 : i32
    %broadcast_in_dim3A_2696 = vector.broadcast %broadcast_in_dim3A_2695 : i32 to vector<16xi32>
    %gather3A_2697 = tpu.vector_load_idx %arg7[%broadcast_in_dim3A_2696] : memref<16xf32, #tpu.memory_space<vmem>>[vector<16xi32>], vector<16xf32>,
    %gather3A_2698 = tpu.vector_load_idx %arg8[%broadcast_in_dim3A_2696] : memref<16xi32, #tpu.memory_space<vmem>>[vector<16xi32>], vector<16xi32>,
    %broadcast_in_dim3A_2699 = arith.constant 8 : i32
    %broadcast_in_dim3A_2700 = vector.broadcast %broadcast_in_dim3A_2699 : i32 to vector<16xi32>
    %gather3A_2701 = tpu.vector_load_idx %arg7[%broadcast_in_dim3A_2700] : memref<16xf32, #tpu.memory_space<vmem>>[vector<16xi32>], vector<16xf32>,
    %gather3A_2702 = tpu.vector_load_idx %arg8[%broadcast_in_dim3A_2700] : memref<16xi32, #tpu.memory_space<vmem>>[vector<16xi32>], vector<16xi32>,
    %broadcast_in_dim3A_2703 = arith.constant 9 : i32
    %broadcast_in_dim3A_2704 = vector.broadcast %broadcast_in_dim3A_2703 : i32 to vector<16xi32>
    %gather3A_2705 = tpu.vector_load_idx %arg7[%broadcast_in_dim3A_2704] : memref<16xf32, #tpu.memory_space<vmem>>[vector<16xi32>], vector<16xf32>,
    %gather3A_2706 = tpu.vector_load_idx %arg8[%broadcast_in_dim3A_2704] : memref<16xi32, #tpu.memory_space<vmem>>[vector<16xi32>], vector<16xi32>,
    %broadcast_in_dim3A_2707 = arith.constant 10 : i32
    %broadcast_in_dim3A_2708 = vector.broadcast %broadcast_in_dim3A_2707 : i32 to vector<16xi32>
    %gather3A_2709 = tpu.vector_load_idx %arg7[%broadcast_in_dim3A_2708] : memref<16xf32, #tpu.memory_space<vmem>>[vector<16xi32>], vector<16xf32>,
    %gather3A_2710 = tpu.vector_load_idx %arg8[%broadcast_in_dim3A_2708] : memref<16xi32, #tpu.memory_space<vmem>>[vector<16xi32>], vector<16xi32>,
    %broadcast_in_dim3A_2711 = arith.constant 11 : i32
    %broadcast_in_dim3A_2712 = vector.broadcast %broadcast_in_dim3A_2711 : i32 to vector<16xi32>
    %gather3A_2713 = tpu.vector_load_idx %arg7[%broadcast_in_dim3A_2712] : memref<16xf32, #tpu.memory_space<vmem>>[vector<16xi32>], vector<16xf32>,
    %gather3A_2714 = tpu.vector_load_idx %arg8[%broadcast_in_dim3A_2712] : memref<16xi32, #tpu.memory_space<vmem>>[vector<16xi32>], vector<16xi32>,
    %broadcast_in_dim3A_2715 = arith.constant 12 : i32
    %broadcast_in_dim3A_2716 = vector.broadcast %broadcast_in_dim3A_2715 : i32 to vector<16xi32>
    %gather3A_2717 = tpu.vector_load_idx %arg7[%broadcast_in_dim3A_2716] : memref<16xf32, #tpu.memory_space<vmem>>[vector<16xi32>], vector<16xf32>,
    %gather3A_2718 = tpu.vector_load_idx %arg8[%broadcast_in_dim3A_2716] : memref<16xi32, #tpu.memory_space<vmem>>[vector<16xi32>], vector<16xi32>,
    %broadcast_in_dim3A_2719 = arith.constant 13 : i32
    %broadcast_in_dim3A_2720 = vector.broadcast %broadcast_in_dim3A_2719 : i32 to vector<16xi32>
    %gather3A_2721 = tpu.vector_load_idx %arg7[%broadcast_in_dim3A_2720] : memref<16xf32, #tpu.memory_space<vmem>>[vector<16xi32>], vector<16xf32>,
    %gather3A_2722 = tpu.vector_load_idx %arg8[%broadcast_in_dim3A_2720] : memref<16xi32, #tpu.memory_space<vmem>>[vector<16xi32>], vector<16xi32>,
    %broadcast_in_dim3A_2723 = arith.constant 14 : i32
    %broadcast_in_dim3A_2724 = vector.broadcast %broadcast_in_dim3A_2723 : i32 to vector<16xi32>
    %gather3A_2725 = tpu.vector_load_idx %arg7[%broadcast_in_dim3A_2724] : memref<16xf32, #tpu.memory_space<vmem>>[vector<16xi32>], vector<16xf32>,
    %gather3A_2726 = tpu.vector_load_idx %arg8[%broadcast_in_dim3A_2724] : memref<16xi32, #tpu.memory_space<vmem>>[vector<16xi32>], vector<16xi32>,
    %broadcast_in_dim3A_2727 = arith.constant 15 : i32
    %broadcast_in_dim3A_2728 = vector.broadcast %broadcast_in_dim3A_2727 : i32 to vector<16xi32>
    %gather3A_2729 = tpu.vector_load_idx %arg7[%broadcast_in_dim3A_2728] : memref<16xf32, #tpu.memory_space<vmem>>[vector<16xi32>], vector<16xf32>,
    %gather3A_2730 = tpu.vector_load_idx %arg8[%broadcast_in_dim3A_2728] : memref<16xi32, #tpu.memory_space<vmem>>[vector<16xi32>], vector<16xi32>,
    %gt3A_2731 = arith.cmpf ogt, %gather3A_2669, %gather3A_2673 : vector<16xf32>
    %eq3A_2732 = arith.cmpf oeq, %gather3A_2669, %gather3A_2673 : vector<16xf32>
    %lt3A_2733 = arith.cmpi slt, %gather3A_2670, %gather3A_2674 : vector<16xi32>
    %and3A_2734 = arith.andi %eq3A_2732, %lt3A_2733 : vector<16xi1>
    %or3A_2735 = arith.ori %gt3A_2731, %and3A_2734 : vector<16xi1>
    %select_n3A_2736 = arith.select %or3A_2735, %gather3A_2669, %gather3A_2673 : vector<16xi1>, vector<16xf32>
    %select_n3A_2737 = arith.select %or3A_2735, %gather3A_2670, %gather3A_2674 : vector<16xi1>, vector<16xi32>
    %gt3A_2738 = arith.cmpf ogt, %gather3A_2677, %gather3A_2681 : vector<16xf32>
    %eq3A_2739 = arith.cmpf oeq, %gather3A_2677, %gather3A_2681 : vector<16xf32>
    %lt3A_2740 = arith.cmpi slt, %gather3A_2678, %gather3A_2682 : vector<16xi32>
    %and3A_2741 = arith.andi %eq3A_2739, %lt3A_2740 : vector<16xi1>
    %or3A_2742 = arith.ori %gt3A_2738, %and3A_2741 : vector<16xi1>
    %select_n3A_2743 = arith.select %or3A_2742, %gather3A_2677, %gather3A_2681 : vector<16xi1>, vector<16xf32>
    %select_n3A_2744 = arith.select %or3A_2742, %gather3A_2678, %gather3A_2682 : vector<16xi1>, vector<16xi32>
    %gt3A_2745 = arith.cmpf ogt, %gather3A_2685, %gather3A_2689 : vector<16xf32>
    %eq3A_2746 = arith.cmpf oeq, %gather3A_2685, %gather3A_2689 : vector<16xf32>
    %lt3A_2747 = arith.cmpi slt, %gather3A_2686, %gather3A_2690 : vector<16xi32>
    %and3A_2748 = arith.andi %eq3A_2746, %lt3A_2747 : vector<16xi1>
    %or3A_2749 = arith.ori %gt3A_2745, %and3A_2748 : vector<16xi1>
    %select_n3A_2750 = arith.select %or3A_2749, %gather3A_2685, %gather3A_2689 : vector<16xi1>, vector<16xf32>
    %select_n3A_2751 = arith.select %or3A_2749, %gather3A_2686, %gather3A_2690 : vector<16xi1>, vector<16xi32>
    %gt3A_2752 = arith.cmpf ogt, %gather3A_2693, %gather3A_2697 : vector<16xf32>
    %eq3A_2753 = arith.cmpf oeq, %gather3A_2693, %gather3A_2697 : vector<16xf32>
    %lt3A_2754 = arith.cmpi slt, %gather3A_2694, %gather3A_2698 : vector<16xi32>
    %and3A_2755 = arith.andi %eq3A_2753, %lt3A_2754 : vector<16xi1>
    %or3A_2756 = arith.ori %gt3A_2752, %and3A_2755 : vector<16xi1>
    %select_n3A_2757 = arith.select %or3A_2756, %gather3A_2693, %gather3A_2697 : vector<16xi1>, vector<16xf32>
    %select_n3A_2758 = arith.select %or3A_2756, %gather3A_2694, %gather3A_2698 : vector<16xi1>, vector<16xi32>
    %gt3A_2759 = arith.cmpf ogt, %gather3A_2701, %gather3A_2705 : vector<16xf32>
    %eq3A_2760 = arith.cmpf oeq, %gather3A_2701, %gather3A_2705 : vector<16xf32>
    %lt3A_2761 = arith.cmpi slt, %gather3A_2702, %gather3A_2706 : vector<16xi32>
    %and3A_2762 = arith.andi %eq3A_2760, %lt3A_2761 : vector<16xi1>
    %or3A_2763 = arith.ori %gt3A_2759, %and3A_2762 : vector<16xi1>
    %select_n3A_2764 = arith.select %or3A_2763, %gather3A_2701, %gather3A_2705 : vector<16xi1>, vector<16xf32>
    %select_n3A_2765 = arith.select %or3A_2763, %gather3A_2702, %gather3A_2706 : vector<16xi1>, vector<16xi32>
    %gt3A_2766 = arith.cmpf ogt, %gather3A_2709, %gather3A_2713 : vector<16xf32>
    %eq3A_2767 = arith.cmpf oeq, %gather3A_2709, %gather3A_2713 : vector<16xf32>
    %lt3A_2768 = arith.cmpi slt, %gather3A_2710, %gather3A_2714 : vector<16xi32>
    %and3A_2769 = arith.andi %eq3A_2767, %lt3A_2768 : vector<16xi1>
    %or3A_2770 = arith.ori %gt3A_2766, %and3A_2769 : vector<16xi1>
    %select_n3A_2771 = arith.select %or3A_2770, %gather3A_2709, %gather3A_2713 : vector<16xi1>, vector<16xf32>
    %select_n3A_2772 = arith.select %or3A_2770, %gather3A_2710, %gather3A_2714 : vector<16xi1>, vector<16xi32>
    %gt3A_2773 = arith.cmpf ogt, %gather3A_2717, %gather3A_2721 : vector<16xf32>
    %eq3A_2774 = arith.cmpf oeq, %gather3A_2717, %gather3A_2721 : vector<16xf32>
    %lt3A_2775 = arith.cmpi slt, %gather3A_2718, %gather3A_2722 : vector<16xi32>
    %and3A_2776 = arith.andi %eq3A_2774, %lt3A_2775 : vector<16xi1>
    %or3A_2777 = arith.ori %gt3A_2773, %and3A_2776 : vector<16xi1>
    %select_n3A_2778 = arith.select %or3A_2777, %gather3A_2717, %gather3A_2721 : vector<16xi1>, vector<16xf32>
    %select_n3A_2779 = arith.select %or3A_2777, %gather3A_2718, %gather3A_2722 : vector<16xi1>, vector<16xi32>
    %gt3A_2780 = arith.cmpf ogt, %gather3A_2725, %gather3A_2729 : vector<16xf32>
    %eq3A_2781 = arith.cmpf oeq, %gather3A_2725, %gather3A_2729 : vector<16xf32>
    %lt3A_2782 = arith.cmpi slt, %gather3A_2726, %gather3A_2730 : vector<16xi32>
    %and3A_2783 = arith.andi %eq3A_2781, %lt3A_2782 : vector<16xi1>
    %or3A_2784 = arith.ori %gt3A_2780, %and3A_2783 : vector<16xi1>
    %select_n3A_2785 = arith.select %or3A_2784, %gather3A_2725, %gather3A_2729 : vector<16xi1>, vector<16xf32>
    %select_n3A_2786 = arith.select %or3A_2784, %gather3A_2726, %gather3A_2730 : vector<16xi1>, vector<16xi32>
    %gt3A_2787 = arith.cmpf ogt, %select_n3A_2736, %select_n3A_2743 : vector<16xf32>
    %eq3A_2788 = arith.cmpf oeq, %select_n3A_2736, %select_n3A_2743 : vector<16xf32>
    %lt3A_2789 = arith.cmpi slt, %select_n3A_2737, %select_n3A_2744 : vector<16xi32>
    %and3A_2790 = arith.andi %eq3A_2788, %lt3A_2789 : vector<16xi1>
    %or3A_2791 = arith.ori %gt3A_2787, %and3A_2790 : vector<16xi1>
    %select_n3A_2792 = arith.select %or3A_2791, %select_n3A_2736, %select_n3A_2743 : vector<16xi1>, vector<16xf32>
    %select_n3A_2793 = arith.select %or3A_2791, %select_n3A_2737, %select_n3A_2744 : vector<16xi1>, vector<16xi32>
    %gt3A_2794 = arith.cmpf ogt, %select_n3A_2750, %select_n3A_2757 : vector<16xf32>
    %eq3A_2795 = arith.cmpf oeq, %select_n3A_2750, %select_n3A_2757 : vector<16xf32>
    %lt3A_2796 = arith.cmpi slt, %select_n3A_2751, %select_n3A_2758 : vector<16xi32>
    %and3A_2797 = arith.andi %eq3A_2795, %lt3A_2796 : vector<16xi1>
    %or3A_2798 = arith.ori %gt3A_2794, %and3A_2797 : vector<16xi1>
    %select_n3A_2799 = arith.select %or3A_2798, %select_n3A_2750, %select_n3A_2757 : vector<16xi1>, vector<16xf32>
    %select_n3A_2800 = arith.select %or3A_2798, %select_n3A_2751, %select_n3A_2758 : vector<16xi1>, vector<16xi32>
    %gt3A_2801 = arith.cmpf ogt, %select_n3A_2764, %select_n3A_2771 : vector<16xf32>
    %eq3A_2802 = arith.cmpf oeq, %select_n3A_2764, %select_n3A_2771 : vector<16xf32>
    %lt3A_2803 = arith.cmpi slt, %select_n3A_2765, %select_n3A_2772 : vector<16xi32>
    %and3A_2804 = arith.andi %eq3A_2802, %lt3A_2803 : vector<16xi1>
    %or3A_2805 = arith.ori %gt3A_2801, %and3A_2804 : vector<16xi1>
    %select_n3A_2806 = arith.select %or3A_2805, %select_n3A_2764, %select_n3A_2771 : vector<16xi1>, vector<16xf32>
    %select_n3A_2807 = arith.select %or3A_2805, %select_n3A_2765, %select_n3A_2772 : vector<16xi1>, vector<16xi32>
    %gt3A_2808 = arith.cmpf ogt, %select_n3A_2778, %select_n3A_2785 : vector<16xf32>
    %eq3A_2809 = arith.cmpf oeq, %select_n3A_2778, %select_n3A_2785 : vector<16xf32>
    %lt3A_2810 = arith.cmpi slt, %select_n3A_2779, %select_n3A_2786 : vector<16xi32>
    %and3A_2811 = arith.andi %eq3A_2809, %lt3A_2810 : vector<16xi1>
    %or3A_2812 = arith.ori %gt3A_2808, %and3A_2811 : vector<16xi1>
    %select_n3A_2813 = arith.select %or3A_2812, %select_n3A_2778, %select_n3A_2785 : vector<16xi1>, vector<16xf32>
    %select_n3A_2814 = arith.select %or3A_2812, %select_n3A_2779, %select_n3A_2786 : vector<16xi1>, vector<16xi32>
    %gt3A_2815 = arith.cmpf ogt, %select_n3A_2792, %select_n3A_2799 : vector<16xf32>
    %eq3A_2816 = arith.cmpf oeq, %select_n3A_2792, %select_n3A_2799 : vector<16xf32>
    %lt3A_2817 = arith.cmpi slt, %select_n3A_2793, %select_n3A_2800 : vector<16xi32>
    %and3A_2818 = arith.andi %eq3A_2816, %lt3A_2817 : vector<16xi1>
    %or3A_2819 = arith.ori %gt3A_2815, %and3A_2818 : vector<16xi1>
    %select_n3A_2820 = arith.select %or3A_2819, %select_n3A_2792, %select_n3A_2799 : vector<16xi1>, vector<16xf32>
    %select_n3A_2821 = arith.select %or3A_2819, %select_n3A_2793, %select_n3A_2800 : vector<16xi1>, vector<16xi32>
    %gt3A_2822 = arith.cmpf ogt, %select_n3A_2806, %select_n3A_2813 : vector<16xf32>
    %eq3A_2823 = arith.cmpf oeq, %select_n3A_2806, %select_n3A_2813 : vector<16xf32>
    %lt3A_2824 = arith.cmpi slt, %select_n3A_2807, %select_n3A_2814 : vector<16xi32>
    %and3A_2825 = arith.andi %eq3A_2823, %lt3A_2824 : vector<16xi1>
    %or3A_2826 = arith.ori %gt3A_2822, %and3A_2825 : vector<16xi1>
    %select_n3A_2827 = arith.select %or3A_2826, %select_n3A_2806, %select_n3A_2813 : vector<16xi1>, vector<16xf32>
    %select_n3A_2828 = arith.select %or3A_2826, %select_n3A_2807, %select_n3A_2814 : vector<16xi1>, vector<16xi32>
    %gt3A_2829 = arith.cmpf ogt, %select_n3A_2820, %select_n3A_2827 : vector<16xf32>
    %eq3A_2830 = arith.cmpf oeq, %select_n3A_2820, %select_n3A_2827 : vector<16xf32>
    %lt3A_2831 = arith.cmpi slt, %select_n3A_2821, %select_n3A_2828 : vector<16xi32>
    %and3A_2832 = arith.andi %eq3A_2830, %lt3A_2831 : vector<16xi1>
    %or3A_2833 = arith.ori %gt3A_2829, %and3A_2832 : vector<16xi1>
    %select_n3A_2834 = arith.select %or3A_2833, %select_n3A_2820, %select_n3A_2827 : vector<16xi1>, vector<16xf32>
    %select_n3A_2835 = arith.select %or3A_2833, %select_n3A_2821, %select_n3A_2828 : vector<16xi1>, vector<16xi32>
    %broadcast_in_dim3A_2836 = arith.constant 0 : i32
    %broadcast_in_dim3A_2837 = vector.broadcast %broadcast_in_dim3A_2836 : i32 to vector<16xi32>
    %eq3A_2838 = arith.constant 0 : i32
    %eq3A_2839 = vector.broadcast %eq3A_2838 : i32 to vector<16xi32>
    %eq3A_2840 = arith.cmpi eq, %iota3A, %eq3A_2839 : vector<16xi32>
    %mul3A_2841 = arith.constant 576 : i32
    %mul3A_2842 = arith.muli %add3A, %mul3A_2841 : i32
    %add3A_2843 = vector.broadcast %mul3A_2842 : i32 to vector<16xi32>
    %add3A_2844 = arith.addi %add3A_2843, %select_n3A_588 : vector<16xi32>
    %select_n3A_2845 = arith.select %eq3A_2840, %add3A_2844, %broadcast_in_dim3A_2837 : vector<16xi1>, vector<16xi32>
    %eq3A_2846 = arith.constant 1 : i32
    %eq3A_2847 = vector.broadcast %eq3A_2846 : i32 to vector<16xi32>
    %eq3A_2848 = arith.cmpi eq, %iota3A, %eq3A_2847 : vector<16xi32>
    %mul3A_2849 = arith.constant 576 : i32
    %mul3A_2850 = arith.muli %add3A, %mul3A_2849 : i32
    %add3A_2851 = vector.broadcast %mul3A_2850 : i32 to vector<16xi32>
    %add3A_2852 = arith.addi %add3A_2851, %select_n3A_1149 : vector<16xi32>
    %select_n3A_2853 = arith.select %eq3A_2848, %add3A_2852, %select_n3A_2845 : vector<16xi1>, vector<16xi32>
    %eq3A_2854 = arith.constant 2 : i32
    %eq3A_2855 = vector.broadcast %eq3A_2854 : i32 to vector<16xi32>
    %eq3A_2856 = arith.cmpi eq, %iota3A, %eq3A_2855 : vector<16xi32>
    %mul3A_2857 = arith.constant 576 : i32
    %mul3A_2858 = arith.muli %add3A, %mul3A_2857 : i32
    %add3A_2859 = vector.broadcast %mul3A_2858 : i32 to vector<16xi32>
    %add3A_2860 = arith.addi %add3A_2859, %select_n3A_1711 : vector<16xi32>
    %select_n3A_2861 = arith.select %eq3A_2856, %add3A_2860, %select_n3A_2853 : vector<16xi1>, vector<16xi32>
    %eq3A_2862 = arith.constant 3 : i32
    %eq3A_2863 = vector.broadcast %eq3A_2862 : i32 to vector<16xi32>
    %eq3A_2864 = arith.cmpi eq, %iota3A, %eq3A_2863 : vector<16xi32>
    %mul3A_2865 = arith.constant 576 : i32
    %mul3A_2866 = arith.muli %add3A, %mul3A_2865 : i32
    %add3A_2867 = vector.broadcast %mul3A_2866 : i32 to vector<16xi32>
    %add3A_2868 = arith.addi %add3A_2867, %select_n3A_2273 : vector<16xi32>
    %select_n3A_2869 = arith.select %eq3A_2864, %add3A_2868, %select_n3A_2861 : vector<16xi1>, vector<16xi32>
    %eq3A_2870 = arith.constant 4 : i32
    %eq3A_2871 = vector.broadcast %eq3A_2870 : i32 to vector<16xi32>
    %eq3A_2872 = arith.cmpi eq, %iota3A, %eq3A_2871 : vector<16xi32>
    %mul3A_2873 = arith.constant 576 : i32
    %mul3A_2874 = arith.muli %add3A, %mul3A_2873 : i32
    %add3A_2875 = vector.broadcast %mul3A_2874 : i32 to vector<16xi32>
    %add3A_2876 = arith.addi %add3A_2875, %select_n3A_2835 : vector<16xi32>
    %select_n3A_2877 = arith.select %eq3A_2872, %add3A_2876, %select_n3A_2869 : vector<16xi1>, vector<16xi32>
    %swap3A_2878 = arith.constant 0 : index
    %swap3A_2879 = tpu.vector_load %arg6[%swap3A_2878] {strides = array<i32>} : memref<16xi32, #tpu.memory_space<vmem>>, vector<16xi32>,
    tpu.vector_store %arg6[%swap3A_2878], %select_n3A_2877 {strides = array<i32>} : memref<16xi32, #tpu.memory_space<vmem>>, vector<16xi32>,
    %dma_start3A = arith.constant 0 : i32
    %dma_start3A_2880 = tpu.memref_slice %arg6[%dma_start3A] : memref<16xi32, #tpu.memory_space<vmem>> -> memref<8xi32, #tpu.memory_space<vmem>>
    %dma_start3A_2881 = arith.constant 0 : i32
    %dma_start3A_2882 = arith.constant 0 : i32
    %dma_start3A_2883 = tpu.memref_slice %arg3[%dma_start3A_2881, %dma_start3A_2882] : memref<18432x2560xf32, #tpu.memory_space<hbm>> -> memref<18432x2560xf32, #tpu.memory_space<hbm>>
    tpu.enqueue_indirect_dma source(%dma_start3A_2883 : memref<18432x2560xf32, #tpu.memory_space<hbm>>) target(%arg9 : memref<8x2560xf32, #tpu.memory_space<vmem>>) offsets(%dma_start3A_2880 : memref<8xi32, #tpu.memory_space<vmem>>) semaphore(%arg10 : memref<!tpu.dma_semaphore, #tpu.memory_space<semaphore_mem>>)
    %dma_wait3A = arith.constant 0 : i32
    %dma_wait3A_2884 = tpu.memref_slice %arg6[%dma_wait3A] : memref<16xi32, #tpu.memory_space<vmem>> -> memref<8xi32, #tpu.memory_space<vmem>>
    %dma_wait3A_2885 = arith.constant 0 : i32
    %dma_wait3A_2886 = arith.constant 0 : i32
    %dma_wait3A_2887 = tpu.memref_slice %arg3[%dma_wait3A_2885, %dma_wait3A_2886] : memref<18432x2560xf32, #tpu.memory_space<hbm>> -> memref<18432x2560xf32, #tpu.memory_space<hbm>>
    tpu.wait_indirect_dma semaphore(%arg10 : memref<!tpu.dma_semaphore, #tpu.memory_space<semaphore_mem>>) src(%dma_wait3A_2887 : memref<18432x2560xf32, #tpu.memory_space<hbm>>) dst(%arg9 : memref<8x2560xf32, #tpu.memory_space<vmem>>)
    %mul3A_2888 = arith.constant 8 : i32
    %mul3A_2889 = arith.muli %add3A, %mul3A_2888 : i32
    "tpu.region"() ({
      %run_scoped3A = tpu.sem_alloc : memref<!tpu.dma_semaphore, #tpu.memory_space<semaphore_mem>>
      %dma_start3A_2890 = arith.constant 0 : i32
      %dma_start3A_2891 = tpu.memref_slice %arg4[%mul3A_2889, %dma_start3A_2890] : memref<256x2560xf32, #tpu.memory_space<hbm>> -> memref<8x2560xf32, #tpu.memory_space<hbm>>
      %dma_start3A_2892 = arith.constant 0 : i32
      %dma_start3A_2893 = tpu.memref_slice %arg4[%mul3A_2889, %dma_start3A_2892] : memref<256x2560xf32, #tpu.memory_space<hbm>> -> memref<8x2560xf32, #tpu.memory_space<hbm>>
      tpu.enqueue_dma source(%arg9 : memref<8x2560xf32, #tpu.memory_space<vmem>>) target(%dma_start3A_2893 : memref<8x2560xf32, #tpu.memory_space<hbm>>) target_semaphore(%run_scoped3A : memref<!tpu.dma_semaphore, #tpu.memory_space<semaphore_mem>>)
      %dma_wait3A_2894 = arith.constant 0 : i32
      %dma_wait3A_2895 = tpu.memref_slice %arg4[%mul3A_2889, %dma_wait3A_2894] : memref<256x2560xf32, #tpu.memory_space<hbm>> -> memref<8x2560xf32, #tpu.memory_space<hbm>>
      %dma_wait3A_2896 = arith.constant 0 : i32
      %dma_wait3A_2897 = tpu.memref_slice %arg4[%mul3A_2889, %dma_wait3A_2896] : memref<256x2560xf32, #tpu.memory_space<hbm>> -> memref<8x2560xf32, #tpu.memory_space<hbm>>
      tpu.wait_dma2 semaphore(%run_scoped3A : memref<!tpu.dma_semaphore, #tpu.memory_space<semaphore_mem>>) src(%arg9 : memref<8x2560xf32, #tpu.memory_space<vmem>>) dst(%dma_wait3A_2897 : memref<8x2560xf32, #tpu.memory_space<hbm>>)
      tpu.yield
    }) : () -> ()
    return
  }
}

module attributes {stable_mosaic.version = 14 : i64} {
  func.func @_conf_kernel(%arg0: i32, %arg1: memref<1x576x2560xf32, #tpu.memory_space<vmem>>, %arg2: memref<2560x1024xf32, #tpu.memory_space<vmem>>, %arg3: memref<1x1024xf32, #tpu.memory_space<vmem>>, %arg4: memref<1x1024xf32, #tpu.memory_space<vmem>>, %arg5: memref<1x1xf32, #tpu.memory_space<vmem>>, %arg6: memref<1x1x576xf32, #tpu.memory_space<vmem>>) attributes {dimension_semantics = [#tpu.dimension_semantics<arbitrary>], iteration_bounds = array<i64: 32>, scalar_prefetch = 0 : i64, scratch_operands = 0 : i64, tpu.core_type = #tpu.core_type<tc>, window_params = [{transform_indices = @transform_0, window_bounds = array<i64: 1, 576, 2560>}, {pipeline_mode = #tpu.pipeline_mode<synchronous>, transform_indices = @transform_1, window_bounds = array<i64: 2560, 1024>}, {pipeline_mode = #tpu.pipeline_mode<synchronous>, transform_indices = @transform_2, window_bounds = array<i64: 1, 1024>}, {pipeline_mode = #tpu.pipeline_mode<synchronous>, transform_indices = @transform_3, window_bounds = array<i64: 1, 1024>}, {pipeline_mode = #tpu.pipeline_mode<synchronous>, transform_indices = @transform_4, window_bounds = array<i64: 1, 1>}, {transform_indices = @transform_5, window_bounds = array<i64: 1, 1, 576>}]} {
    %get3A = arith.constant 0 : index
    %get3A_0 = arith.constant 0 : index
    %get3A_1 = arith.constant 0 : index
    %get3A_2 = vector.load %arg1[%get3A, %get3A_0, %get3A_1] : memref<1x576x2560xf32, #tpu.memory_space<vmem>>, vector<1x576x2560xf32>
    %reshape3A = vector.shape_cast %get3A_2 : vector<1x576x2560xf32> to vector<576x2560xf32>
    %get3A_3 = arith.constant 0 : index
    %get3A_4 = arith.constant 0 : index
    %get3A_5 = vector.load %arg2[%get3A_3, %get3A_4] : memref<2560x1024xf32, #tpu.memory_space<vmem>>, vector<2560x1024xf32>
    %dot_general3A = arith.constant dense<0.000000e+00> : vector<576x1024xf32>
    %dot_general3A_6 = tpu.matmul %reshape3A, %get3A_5, %dot_general3A {dimension_numbers = #tpu.dot_dimension_numbers<[1], [0], [0], [1], [0, 0, 1, 1], [], []>, transpose_lhs_hint = false} : vector<576x2560xf32>, vector<2560x1024xf32>, vector<576x1024xf32> -> vector<576x1024xf32>
    %get3A_7 = arith.constant 0 : index
    %get3A_8 = arith.constant 0 : index
    %get3A_9 = vector.load %arg3[%get3A_7, %get3A_8] : memref<1x1024xf32, #tpu.memory_space<vmem>>, vector<1x1024xf32>
    %add3A = vector.broadcast %get3A_9 : vector<1x1024xf32> to vector<576x1024xf32>
    %add3A_10 = arith.addf %dot_general3A_6, %add3A : vector<576x1024xf32>
    %mul3A = arith.constant 5.000000e-01 : f32
    %mul3A_11 = vector.broadcast %mul3A : f32 to vector<576x1024xf32>
    %mul3A_12 = arith.mulf %mul3A_11, %add3A_10 : vector<576x1024xf32>
    %mul3A_13 = arith.constant 0.707106769 : f32
    %mul3A_14 = vector.broadcast %mul3A_13 : f32 to vector<576x1024xf32>
    %mul3A_15 = arith.mulf %add3A_10, %mul3A_14 : vector<576x1024xf32>
    %erf3A = math.erf %mul3A_15 : vector<576x1024xf32>
    %add3A_16 = arith.constant 1.000000e+00 : f32
    %add3A_17 = vector.broadcast %add3A_16 : f32 to vector<576x1024xf32>
    %add3A_18 = arith.addf %add3A_17, %erf3A : vector<576x1024xf32>
    %mul3A_19 = arith.mulf %mul3A_12, %add3A_18 : vector<576x1024xf32>
    %get3A_20 = arith.constant 0 : index
    %get3A_21 = arith.constant 0 : index
    %get3A_22 = vector.load %arg4[%get3A_20, %get3A_21] : memref<1x1024xf32, #tpu.memory_space<vmem>>, vector<1x1024xf32>
    %dot_general3A_23 = arith.constant dense<0.000000e+00> : vector<1x576xf32>
    %dot_general3A_24 = tpu.matmul %get3A_22, %mul3A_19, %dot_general3A_23 {dimension_numbers = #tpu.dot_dimension_numbers<[1], [1], [0], [0], [0, 0, 1, 0], [], []>, transpose_lhs_hint = false} : vector<1x1024xf32>, vector<576x1024xf32>, vector<1x576xf32> -> vector<1x576xf32>
    %get3A_25 = arith.constant 0 : index
    %get3A_26 = arith.constant 0 : index
    %get3A_27 = vector.load %arg5[%get3A_25, %get3A_26] : memref<1x1xf32, #tpu.memory_space<vmem>>, vector<1x1xf32>
    %add3A_28 = vector.broadcast %get3A_27 : vector<1x1xf32> to vector<1x576xf32>
    %add3A_29 = arith.addf %dot_general3A_24, %add3A_28 : vector<1x576xf32>
    %swap3A = arith.constant 0 : index
    %swap3A_30 = arith.constant 0 : index
    %swap3A_31 = arith.constant 0 : index
    %swap3A_32 = vector.load %arg6[%swap3A, %swap3A_30, %swap3A_31] : memref<1x1x576xf32, #tpu.memory_space<vmem>>, vector<1x1x576xf32>
    %swap3A_33 = vector.shape_cast %swap3A_32 : vector<1x1x576xf32> to vector<1x576xf32>
    %swap3A_34 = vector.shape_cast %add3A_29 : vector<1x576xf32> to vector<1x1x576xf32>
    tpu.vector_store %arg6[%swap3A, %swap3A_30, %swap3A_31], %swap3A_34 {strides = array<i32>} : memref<1x1x576xf32, #tpu.memory_space<vmem>>, vector<1x1x576xf32>,
    return
  }
  func.func @transform_0(%arg0: i32) -> (i32, i32, i32) {
    %c0_i32 = arith.constant 0 : i32
    %c0_i32_0 = arith.constant 0 : i32
    %c0_i32_1 = arith.constant 0 : i32
    return %arg0, %c0_i32, %c0_i32_0 : i32, i32, i32
  }
  func.func @transform_1(%arg0: i32) -> (i32, i32) {
    %c0_i32 = arith.constant 0 : i32
    %c0_i32_0 = arith.constant 0 : i32
    %c0_i32_1 = arith.constant 0 : i32
    return %c0_i32, %c0_i32_0 : i32, i32
  }
  func.func @transform_2(%arg0: i32) -> (i32, i32) {
    %c0_i32 = arith.constant 0 : i32
    %c0_i32_0 = arith.constant 0 : i32
    %c0_i32_1 = arith.constant 0 : i32
    return %c0_i32, %c0_i32_0 : i32, i32
  }
  func.func @transform_3(%arg0: i32) -> (i32, i32) {
    %c0_i32 = arith.constant 0 : i32
    %c0_i32_0 = arith.constant 0 : i32
    %c0_i32_1 = arith.constant 0 : i32
    return %c0_i32, %c0_i32_0 : i32, i32
  }
  func.func @transform_4(%arg0: i32) -> (i32, i32) {
    %c0_i32 = arith.constant 0 : i32
    %c0_i32_0 = arith.constant 0 : i32
    %c0_i32_1 = arith.constant 0 : i32
    return %c0_i32, %c0_i32_0 : i32, i32
  }
  func.func @transform_5(%arg0: i32) -> (i32, i32, i32) {
    %c0_i32 = arith.constant 0 : i32
    %c0_i32_0 = arith.constant 0 : i32
    %c0_i32_1 = arith.constant 0 : i32
    return %arg0, %c0_i32, %c0_i32_0 : i32, i32, i32
  }
}

module attributes {stable_mosaic.version = 14 : i64} {
  func.func @_finish_kernel(%arg0: memref<256x2560xf32, #tpu.memory_space<vmem>>, %arg1: memref<2560x1024xf32, #tpu.memory_space<vmem>>, %arg2: memref<1x1024xf32, #tpu.memory_space<vmem>>, %arg3: memref<1024x512xf32, #tpu.memory_space<vmem>>, %arg4: memref<1x512xf32, #tpu.memory_space<vmem>>, %arg5: memref<16x512xf32, #tpu.memory_space<vmem>>, %arg6: memref<1024x512xf32, #tpu.memory_space<vmem>>, %arg7: memref<1x512xf32, #tpu.memory_space<vmem>>, %arg8: memref<512x2560xf32, #tpu.memory_space<vmem>>, %arg9: memref<1x2560xf32, #tpu.memory_space<vmem>>, %arg10: memref<16x2560xf32, #tpu.memory_space<vmem>>) attributes {dimension_semantics = [], scalar_prefetch = 0 : i64, scratch_operands = 0 : i64, tpu.core_type = #tpu.core_type<tc>} {
    %get3A = arith.constant 0 : index
    %get3A_0 = arith.constant 0 : index
    %get3A_1 = vector.load %arg0[%get3A, %get3A_0] : memref<256x2560xf32, #tpu.memory_space<vmem>>, vector<256x2560xf32>
    %get3A_2 = arith.constant 0 : index
    %get3A_3 = arith.constant 0 : index
    %get3A_4 = vector.load %arg1[%get3A_2, %get3A_3] : memref<2560x1024xf32, #tpu.memory_space<vmem>>, vector<2560x1024xf32>
    %dot_general3A = arith.constant dense<0.000000e+00> : vector<256x1024xf32>
    %dot_general3A_5 = tpu.matmul %get3A_1, %get3A_4, %dot_general3A {dimension_numbers = #tpu.dot_dimension_numbers<[1], [0], [0], [1], [0, 0, 1, 1], [], []>, transpose_lhs_hint = false} : vector<256x2560xf32>, vector<2560x1024xf32>, vector<256x1024xf32> -> vector<256x1024xf32>
    %get3A_6 = arith.constant 0 : index
    %get3A_7 = arith.constant 0 : index
    %get3A_8 = vector.load %arg2[%get3A_6, %get3A_7] : memref<1x1024xf32, #tpu.memory_space<vmem>>, vector<1x1024xf32>
    %add3A = vector.broadcast %get3A_8 : vector<1x1024xf32> to vector<256x1024xf32>
    %add3A_9 = arith.addf %dot_general3A_5, %add3A : vector<256x1024xf32>
    %mul3A = arith.constant 5.000000e-01 : f32
    %mul3A_10 = vector.broadcast %mul3A : f32 to vector<256x1024xf32>
    %mul3A_11 = arith.mulf %mul3A_10, %add3A_9 : vector<256x1024xf32>
    %mul3A_12 = arith.constant 0.707106769 : f32
    %mul3A_13 = vector.broadcast %mul3A_12 : f32 to vector<256x1024xf32>
    %mul3A_14 = arith.mulf %add3A_9, %mul3A_13 : vector<256x1024xf32>
    %erf3A = math.erf %mul3A_14 : vector<256x1024xf32>
    %add3A_15 = arith.constant 1.000000e+00 : f32
    %add3A_16 = vector.broadcast %add3A_15 : f32 to vector<256x1024xf32>
    %add3A_17 = arith.addf %add3A_16, %erf3A : vector<256x1024xf32>
    %mul3A_18 = arith.mulf %mul3A_11, %add3A_17 : vector<256x1024xf32>
    %get3A_19 = arith.constant 0 : index
    %get3A_20 = arith.constant 0 : index
    %get3A_21 = vector.load %arg3[%get3A_19, %get3A_20] : memref<1024x512xf32, #tpu.memory_space<vmem>>, vector<1024x512xf32>
    %dot_general3A_22 = arith.constant dense<0.000000e+00> : vector<256x512xf32>
    %dot_general3A_23 = tpu.matmul %mul3A_18, %get3A_21, %dot_general3A_22 {dimension_numbers = #tpu.dot_dimension_numbers<[1], [0], [0], [1], [0, 0, 1, 1], [], []>, transpose_lhs_hint = false} : vector<256x1024xf32>, vector<1024x512xf32>, vector<256x512xf32> -> vector<256x512xf32>
    %get3A_24 = arith.constant 0 : index
    %get3A_25 = arith.constant 0 : index
    %get3A_26 = vector.load %arg4[%get3A_24, %get3A_25] : memref<1x512xf32, #tpu.memory_space<vmem>>, vector<1x512xf32>
    %add3A_27 = vector.broadcast %get3A_26 : vector<1x512xf32> to vector<256x512xf32>
    %add3A_28 = arith.addf %dot_general3A_23, %add3A_27 : vector<256x512xf32>
    %mul3A_29 = arith.mulf %add3A_28, %add3A_28 : vector<256x512xf32>
    %reduce_sum3A = arith.constant dense<0.000000e+00> : vector<256xf32>
    %reduce_sum3A_30 = vector.multi_reduction <add>, %mul3A_29, %reduce_sum3A [1] : vector<256x512xf32> to vector<256xf32>
    %broadcast_in_dim3A = vector.shape_cast %reduce_sum3A_30 : vector<256xf32> to vector<256x1xf32>
    %sqrt3A = math.sqrt %broadcast_in_dim3A : vector<256x1xf32>
    %add3A_31 = arith.constant 9.99999996E-13 : f32
    %add3A_32 = vector.broadcast %add3A_31 : f32 to vector<256x1xf32>
    %add3A_33 = arith.addf %sqrt3A, %add3A_32 : vector<256x1xf32>
    %div3A = vector.broadcast %add3A_33 : vector<256x1xf32> to vector<256x512xf32>
    %div3A_34 = arith.divf %add3A_28, %div3A : vector<256x512xf32>
    %get3A_35 = arith.constant 0 : index
    %get3A_36 = arith.constant 0 : index
    %get3A_37 = vector.load %arg5[%get3A_35, %get3A_36] : memref<16x512xf32, #tpu.memory_space<vmem>>, vector<16x512xf32>
    %mul3A_38 = arith.mulf %get3A_37, %get3A_37 : vector<16x512xf32>
    %reduce_sum3A_39 = arith.constant dense<0.000000e+00> : vector<16xf32>
    %reduce_sum3A_40 = vector.multi_reduction <add>, %mul3A_38, %reduce_sum3A_39 [1] : vector<16x512xf32> to vector<16xf32>
    %broadcast_in_dim3A_41 = vector.shape_cast %reduce_sum3A_40 : vector<16xf32> to vector<16x1xf32>
    %sqrt3A_42 = math.sqrt %broadcast_in_dim3A_41 : vector<16x1xf32>
    %add3A_43 = arith.constant 9.99999996E-13 : f32
    %add3A_44 = vector.broadcast %add3A_43 : f32 to vector<16x1xf32>
    %add3A_45 = arith.addf %sqrt3A_42, %add3A_44 : vector<16x1xf32>
    %div3A_46 = vector.broadcast %add3A_45 : vector<16x1xf32> to vector<16x512xf32>
    %div3A_47 = arith.divf %get3A_37, %div3A_46 : vector<16x512xf32>
    %dot_general3A_48 = arith.constant dense<0.000000e+00> : vector<256x16xf32>
    %dot_general3A_49 = tpu.matmul %div3A_34, %div3A_47, %dot_general3A_48 {dimension_numbers = #tpu.dot_dimension_numbers<[1], [1], [0], [0], [0, 0, 1, 0], [], []>, transpose_lhs_hint = false} : vector<256x512xf32>, vector<16x512xf32>, vector<256x16xf32> -> vector<256x16xf32>
    %reduce_max3A = arith.constant dense<0xFF800000> : vector<256xf32>
    %reduce_max3A_50 = vector.multi_reduction <maximumf>, %dot_general3A_49, %reduce_max3A [1] : vector<256x16xf32> to vector<256xf32>
    %broadcast_in_dim3A_51 = vector.shape_cast %reduce_max3A_50 : vector<256xf32> to vector<256x1xf32>
    %iota3A = tpu.iota {dimensions = array<i32: 1>} : vector<256x16xi32>
    %eq3A = vector.broadcast %broadcast_in_dim3A_51 : vector<256x1xf32> to vector<256x16xf32>
    %eq3A_52 = arith.cmpf oeq, %dot_general3A_49, %eq3A : vector<256x16xf32>
    %jit3A = arith.constant 16 : i32
    %broadcast_in_dim3A_53 = vector.broadcast %jit3A : i32 to vector<256x16xi32>
    %select_n3A = arith.select %eq3A_52, %iota3A, %broadcast_in_dim3A_53 : vector<256x16xi1>, vector<256x16xi32>
    %reduce_min3A = arith.constant dense<2147483647> : vector<256xi32>
    %reduce_min3A_54 = vector.multi_reduction <minsi>, %select_n3A, %reduce_min3A [1] : vector<256x16xi32> to vector<256xi32>
    %broadcast_in_dim3A_55 = vector.shape_cast %reduce_min3A_54 : vector<256xi32> to vector<256x1xi32>
    %eq3A_56 = vector.broadcast %broadcast_in_dim3A_55 : vector<256x1xi32> to vector<256x16xi32>
    %eq3A_57 = arith.cmpi eq, %iota3A, %eq3A_56 : vector<256x16xi32>
    %jit3A_58 = arith.constant 1.000000e+00 : f32
    %jit3A_59 = arith.constant 0.000000e+00 : f32
    %broadcast_in_dim3A_60 = vector.broadcast %jit3A_58 : f32 to vector<256x16xf32>
    %broadcast_in_dim3A_61 = vector.broadcast %jit3A_59 : f32 to vector<256x16xf32>
    %select_n3A_62 = arith.select %eq3A_57, %broadcast_in_dim3A_60, %broadcast_in_dim3A_61 : vector<256x16xi1>, vector<256x16xf32>
    %dot_general3A_63 = arith.constant dense<0.000000e+00> : vector<256x512xf32>
    %dot_general3A_64 = tpu.matmul %select_n3A_62, %get3A_37, %dot_general3A_63 {dimension_numbers = #tpu.dot_dimension_numbers<[1], [0], [0], [1], [0, 0, 1, 1], [], []>, precision = #tpu.contract_precision<fp32>, transpose_lhs_hint = false} : vector<256x16xf32>, vector<16x512xf32>, vector<256x512xf32> -> vector<256x512xf32>
    %concatenate3A = tpu.concatenate %dot_general3A_64, %add3A_28 in 1 : vector<256x512xf32>, vector<256x512xf32> -> vector<256x1024xf32>
    %get3A_65 = arith.constant 0 : index
    %get3A_66 = arith.constant 0 : index
    %get3A_67 = vector.load %arg6[%get3A_65, %get3A_66] : memref<1024x512xf32, #tpu.memory_space<vmem>>, vector<1024x512xf32>
    %dot_general3A_68 = arith.constant dense<0.000000e+00> : vector<256x512xf32>
    %dot_general3A_69 = tpu.matmul %concatenate3A, %get3A_67, %dot_general3A_68 {dimension_numbers = #tpu.dot_dimension_numbers<[1], [0], [0], [1], [0, 0, 1, 1], [], []>, transpose_lhs_hint = false} : vector<256x1024xf32>, vector<1024x512xf32>, vector<256x512xf32> -> vector<256x512xf32>
    %get3A_70 = arith.constant 0 : index
    %get3A_71 = arith.constant 0 : index
    %get3A_72 = vector.load %arg7[%get3A_70, %get3A_71] : memref<1x512xf32, #tpu.memory_space<vmem>>, vector<1x512xf32>
    %add3A_73 = vector.broadcast %get3A_72 : vector<1x512xf32> to vector<256x512xf32>
    %add3A_74 = arith.addf %dot_general3A_69, %add3A_73 : vector<256x512xf32>
    %logistic3A = arith.negf %add3A_74 : vector<256x512xf32>
    %logistic3A_75 = math.exp %logistic3A : vector<256x512xf32>
    %logistic3A_76 = arith.constant 1.000000e+00 : f32
    %logistic3A_77 = vector.broadcast %logistic3A_76 : f32 to vector<256x512xf32>
    %logistic3A_78 = arith.addf %logistic3A_77, %logistic3A_75 : vector<256x512xf32>
    %logistic3A_79 = arith.divf %logistic3A_77, %logistic3A_78 : vector<256x512xf32>
    %mul3A_80 = arith.mulf %logistic3A_79, %add3A_28 : vector<256x512xf32>
    %sub3A = arith.constant 1.000000e+00 : f32
    %sub3A_81 = vector.broadcast %sub3A : f32 to vector<256x512xf32>
    %sub3A_82 = arith.subf %sub3A_81, %logistic3A_79 : vector<256x512xf32>
    %mul3A_83 = arith.mulf %sub3A_82, %dot_general3A_64 : vector<256x512xf32>
    %add3A_84 = arith.addf %mul3A_80, %mul3A_83 : vector<256x512xf32>
    %gt3A = arith.constant 0.699999988 : f32
    %gt3A_85 = vector.broadcast %gt3A : f32 to vector<256x1xf32>
    %gt3A_86 = arith.cmpf ogt, %broadcast_in_dim3A_51, %gt3A_85 : vector<256x1xf32>
    %broadcast_in_dim3A_87 = vector.shape_cast %gt3A_86 : vector<256x1xi1> to vector<256x1xi1>
    %broadcast_in_dim3A_88 = vector.broadcast %broadcast_in_dim3A_87 : vector<256x1xi1> to vector<256x512xi1>
    %select_n3A_89 = arith.select %broadcast_in_dim3A_88, %add3A_84, %dot_general3A_64 : vector<256x512xi1>, vector<256x512xf32>
    %iota3A_90 = tpu.iota {dimensions = array<i32: 0>} : vector<256x1xi32>
    %jit3A_91 = arith.constant 8 : i32
    %div3A_92 = vector.broadcast %jit3A_91 : i32 to vector<256x1xi32>
    %div3A_93 = arith.divsi %iota3A_90, %div3A_92 : vector<256x1xi32>
    %sign3A = arith.constant 0 : i32
    %sign3A_94 = vector.broadcast %sign3A : i32 to vector<256x1xi32>
    %sign3A_95 = arith.cmpi sgt, %iota3A_90, %sign3A_94 : vector<256x1xi32>
    %sign3A_96 = arith.extui %sign3A_95 : vector<256x1xi1> to vector<256x1xi32>
    %sign3A_97 = arith.constant 0 : i32
    %sign3A_98 = vector.broadcast %sign3A_97 : i32 to vector<256x1xi32>
    %sign3A_99 = arith.cmpi slt, %iota3A_90, %sign3A_98 : vector<256x1xi32>
    %sign3A_100 = arith.extui %sign3A_99 : vector<256x1xi1> to vector<256x1xi32>
    %sign3A_101 = arith.subi %sign3A_96, %sign3A_100 : vector<256x1xi32>
    %sign3A_102 = arith.constant 0 : i32
    %sign3A_103 = arith.cmpi sgt, %jit3A_91, %sign3A_102 : i32
    %sign3A_104 = arith.extui %sign3A_103 : i1 to i32
    %sign3A_105 = arith.constant 0 : i32
    %sign3A_106 = arith.cmpi slt, %jit3A_91, %sign3A_105 : i32
    %sign3A_107 = arith.extui %sign3A_106 : i1 to i32
    %sign3A_108 = arith.subi %sign3A_104, %sign3A_107 : i32
    %ne3A = vector.broadcast %sign3A_108 : i32 to vector<256x1xi32>
    %ne3A_109 = arith.cmpi ne, %sign3A_101, %ne3A : vector<256x1xi32>
    %rem3A = vector.broadcast %jit3A_91 : i32 to vector<256x1xi32>
    %rem3A_110 = arith.remsi %iota3A_90, %rem3A : vector<256x1xi32>
    %ne3A_111 = arith.constant 0 : i32
    %ne3A_112 = vector.broadcast %ne3A_111 : i32 to vector<256x1xi32>
    %ne3A_113 = arith.cmpi ne, %rem3A_110, %ne3A_112 : vector<256x1xi32>
    %and3A = arith.andi %ne3A_109, %ne3A_113 : vector<256x1xi1>
    %sub3A_114 = arith.constant 1 : i32
    %sub3A_115 = vector.broadcast %sub3A_114 : i32 to vector<256x1xi32>
    %sub3A_116 = arith.subi %div3A_93, %sub3A_115 : vector<256x1xi32>
    %select_n3A_117 = arith.select %and3A, %sub3A_116, %div3A_93 : vector<256x1xi1>, vector<256x1xi32>
    %jit3A_118 = arith.constant 8 : i32
    %eq3A_119 = arith.constant 0 : i32
    %eq3A_120 = arith.cmpi eq, %jit3A_118, %eq3A_119 : i32
    %jit3A_121 = arith.constant 1 : i32
    %select_n3A_122 = arith.select %eq3A_120, %jit3A_121, %jit3A_118 : i32
    %rem3A_123 = vector.broadcast %select_n3A_122 : i32 to vector<256x1xi32>
    %rem3A_124 = arith.remsi %iota3A_90, %rem3A_123 : vector<256x1xi32>
    %ne3A_125 = arith.constant 0 : i32
    %ne3A_126 = vector.broadcast %ne3A_125 : i32 to vector<256x1xi32>
    %ne3A_127 = arith.cmpi ne, %rem3A_124, %ne3A_126 : vector<256x1xi32>
    %lt3A = arith.constant 0 : i32
    %lt3A_128 = vector.broadcast %lt3A : i32 to vector<256x1xi32>
    %lt3A_129 = arith.cmpi slt, %rem3A_124, %lt3A_128 : vector<256x1xi32>
    %lt3A_130 = arith.constant 0 : i32
    %lt3A_131 = arith.cmpi slt, %select_n3A_122, %lt3A_130 : i32
    %ne3A_132 = vector.broadcast %lt3A_131 : i1 to vector<256x1xi1>
    %ne3A_133 = vector.broadcast %ne3A_132 : vector<256x1xi1> to vector<256x1xi1>
    %ne3A_134 = arith.xori %lt3A_129, %ne3A_133 : vector<256x1xi1>
    %and3A_135 = arith.andi %ne3A_134, %ne3A_127 : vector<256x1xi1>
    %add3A_136 = vector.broadcast %select_n3A_122 : i32 to vector<256x1xi32>
    %add3A_137 = arith.addi %rem3A_124, %add3A_136 : vector<256x1xi32>
    %select_n3A_138 = arith.select %and3A_135, %add3A_137, %rem3A_124 : vector<256x1xi1>, vector<256x1xi32>
    %lt3A_139 = arith.constant 5 : i32
    %lt3A_140 = vector.broadcast %lt3A_139 : i32 to vector<256x1xi32>
    %lt3A_141 = arith.cmpi slt, %select_n3A_138, %lt3A_140 : vector<256x1xi32>
    %mul3A_142 = arith.constant 5 : i32
    %mul3A_143 = vector.broadcast %mul3A_142 : i32 to vector<256x1xi32>
    %mul3A_144 = arith.muli %select_n3A_117, %mul3A_143 : vector<256x1xi32>
    %add3A_145 = arith.constant 1 : i32
    %add3A_146 = vector.broadcast %add3A_145 : i32 to vector<256x1xi32>
    %add3A_147 = arith.addi %add3A_146, %mul3A_144 : vector<256x1xi32>
    %add3A_148 = arith.addi %add3A_147, %select_n3A_138 : vector<256x1xi32>
    %jit3A_149 = arith.constant -1 : i32
    %broadcast_in_dim3A_150 = vector.broadcast %jit3A_149 : i32 to vector<256x1xi32>
    %select_n3A_151 = arith.select %lt3A_141, %add3A_148, %broadcast_in_dim3A_150 : vector<256x1xi1>, vector<256x1xi32>
    %eq3A_152 = vector.broadcast %broadcast_in_dim3A_55 : vector<256x1xi32> to vector<256x16xi32>
    %eq3A_153 = arith.cmpi eq, %iota3A, %eq3A_152 : vector<256x16xi32>
    %and3A_154 = vector.broadcast %lt3A_141 : vector<256x1xi1> to vector<256x16xi1>
    %and3A_155 = arith.andi %eq3A_153, %and3A_154 : vector<256x16xi1>
    %jit3A_156 = arith.constant -1 : i32
    %broadcast_in_dim3A_157 = vector.shape_cast %select_n3A_151 : vector<256x1xi32> to vector<256x1xi32>
    %broadcast_in_dim3A_158 = vector.broadcast %broadcast_in_dim3A_157 : vector<256x1xi32> to vector<256x16xi32>
    %broadcast_in_dim3A_159 = vector.broadcast %jit3A_156 : i32 to vector<256x16xi32>
    %select_n3A_160 = arith.select %and3A_155, %broadcast_in_dim3A_158, %broadcast_in_dim3A_159 : vector<256x16xi1>, vector<256x16xi32>
    %iota3A_161 = tpu.iota {dimensions = array<i32: 0>} : vector<16x16xi32>
    %iota3A_162 = tpu.iota {dimensions = array<i32: 1>} : vector<16x16xi32>
    %eq3A_163 = arith.cmpi eq, %iota3A_161, %iota3A_162 : vector<16x16xi32>
    %jit3A_164 = arith.constant 0 : i32
    %jit3A_165 = arith.constant -1 : i32
    %broadcast_in_dim3A_166 = vector.broadcast %jit3A_164 : i32 to vector<16x16xi32>
    %broadcast_in_dim3A_167 = vector.broadcast %jit3A_165 : i32 to vector<16x16xi32>
    %select_n3A_168 = arith.select %eq3A_163, %broadcast_in_dim3A_166, %broadcast_in_dim3A_167 : vector<16x16xi1>, vector<16x16xi32>
    %concatenate3A_169 = tpu.concatenate %select_n3A_160, %select_n3A_168 in 0 : vector<256x16xi32>, vector<16x16xi32> -> vector<272x16xi32>
    %concatenate3A_170 = tpu.concatenate %select_n3A_89, %get3A_37 in 0 : vector<256x512xf32>, vector<16x512xf32> -> vector<272x512xf32>
    %reduce_max3A_171 = arith.constant dense<-2147483648> : vector<16xi32>
    %reduce_max3A_172 = vector.multi_reduction <maxsi>, %concatenate3A_169, %reduce_max3A_171 [0] : vector<272x16xi32> to vector<16xi32>
    %broadcast_in_dim3A_173 = vector.shape_cast %reduce_max3A_172 : vector<16xi32> to vector<1x16xi32>
    %eq3A_174 = vector.broadcast %broadcast_in_dim3A_173 : vector<1x16xi32> to vector<272x16xi32>
    %eq3A_175 = arith.cmpi eq, %concatenate3A_169, %eq3A_174 : vector<272x16xi32>
    %jit3A_176 = arith.constant 1.000000e+00 : f32
    %jit3A_177 = arith.constant 0.000000e+00 : f32
    %broadcast_in_dim3A_178 = vector.broadcast %jit3A_176 : f32 to vector<272x16xf32>
    %broadcast_in_dim3A_179 = vector.broadcast %jit3A_177 : f32 to vector<272x16xf32>
    %select_n3A_180 = arith.select %eq3A_175, %broadcast_in_dim3A_178, %broadcast_in_dim3A_179 : vector<272x16xi1>, vector<272x16xf32>
    %dot_general3A_181 = arith.constant dense<0.000000e+00> : vector<16x512xf32>
    %dot_general3A_182 = tpu.matmul %select_n3A_180, %concatenate3A_170, %dot_general3A_181 {dimension_numbers = #tpu.dot_dimension_numbers<[0], [0], [1], [1], [0, 1, 1, 1], [], []>, precision = #tpu.contract_precision<fp32>, transpose_lhs_hint = false} : vector<272x16xf32>, vector<272x512xf32>, vector<16x512xf32> -> vector<16x512xf32>
    %get3A_183 = arith.constant 0 : index
    %get3A_184 = arith.constant 0 : index
    %get3A_185 = vector.load %arg8[%get3A_183, %get3A_184] : memref<512x2560xf32, #tpu.memory_space<vmem>>, vector<512x2560xf32>
    %dot_general3A_186 = arith.constant dense<0.000000e+00> : vector<16x2560xf32>
    %dot_general3A_187 = tpu.matmul %dot_general3A_182, %get3A_185, %dot_general3A_186 {dimension_numbers = #tpu.dot_dimension_numbers<[1], [0], [0], [1], [0, 0, 1, 1], [], []>, transpose_lhs_hint = false} : vector<16x512xf32>, vector<512x2560xf32>, vector<16x2560xf32> -> vector<16x2560xf32>
    %get3A_188 = arith.constant 0 : index
    %get3A_189 = arith.constant 0 : index
    %get3A_190 = vector.load %arg9[%get3A_188, %get3A_189] : memref<1x2560xf32, #tpu.memory_space<vmem>>, vector<1x2560xf32>
    %add3A_191 = vector.broadcast %get3A_190 : vector<1x2560xf32> to vector<16x2560xf32>
    %add3A_192 = arith.addf %dot_general3A_187, %add3A_191 : vector<16x2560xf32>
    %swap3A = arith.constant 0 : index
    %swap3A_193 = arith.constant 0 : index
    %swap3A_194 = vector.load %arg10[%swap3A, %swap3A_193] : memref<16x2560xf32, #tpu.memory_space<vmem>>, vector<16x2560xf32>
    tpu.vector_store %arg10[%swap3A, %swap3A_193], %add3A_192 {strides = array<i32>} : memref<16x2560xf32, #tpu.memory_space<vmem>>, vector<16x2560xf32>,
    return
  }
}

</mosaic_0001>

<sc_bundles>
// kernel: kernel.5.cloned.1.call-start
scs
__scs_entry_jumppad:
0x0: {  	(pc) =	sbr.rel $0x88, $3  }
0x1: {  	(tag) =	ssettag $0x0;
	lr =	simm.s32 $0x1  }
0x2: {  	[smem:$0x3F97] =	sst lr;
	_ =	strace $0xD0000000  }
0x3: {  	_ = 	snop  }
0x4: {  	_ = 	snop  }
0x5: {  	_ = 	snop  }
0x6: {  	_ = 	snop  }
0x7: {  	_ = 	snop  }
__scs_overlays_trampoline_lowered:
0x8: {  	[smem:$0x3FA6] =	sst s0  }
0x9: {  	[smem:$0x3FA7] =	sst s1  }
0xa: {  	[smem:$0x3FA8] =	sst s2  }
0xb: {  	[smem:$0x3FA9] =	sst s3  }
0xc: {  	[smem:$0x3FAA] =	sst s4  }
0xd: {  	[smem:$0x3FAB] =	sst s5  }
0xe: {  	[smem:$0x3FAC] =	sst s6  }
0xf: {  	[smem:$0x3FAD] =	sst s7  }
0x10: {  	[smem:$0x3FAE] =	sst s8  }
0x11: {  	[smem:$0x3FAF] =	sst s9;
	s0 =	simm.s32 @!p0 $0x0  }
0x12: {  	s1 =	sld [smem:$0x3F95];
	s0 =	simm.s32 @p0 $0x1  }
0x13: {  	[smem:$0x3FB0] =	sst s0;
	s0 =	simm.s32 @!p1 $0x0  }
0x14: {  	s2 =	sld [smem:$0x3F94];
	s0 =	simm.s32 @p1 $0x1  }
0x15: {  	[smem:$0x3FB1] =	sst s0;
	s0 =	simm.s32 @!p2 $0x0  }
0x16: {  	s3 =	sld [smem:$0x3FDB];
	s0 =	simm.s32 @p2 $0x1  }
0x17: {  	s4 =	simm.s32 $0x1BF5;
	[smem:$0x3FB3] =	sst s0  }
0x18: {  	s0 =	sld [smem:$0x3F96];
	_ =	swait.ge [sflag:s4], $0x0  }
0x19: {  	s7 =	sld [smem:$0x3F97]  }
0x1a: {  	s8 =	sadd.s32 $0xFFFFE003, lr  }
0x1b: {  	s9 =	sadd.s32 $0xFFFFFEF7, lr;
	s5 =	simm.s32 $0xFFFFFFFF;
	p2 =	slt.u32 s8, $0xFFFFF086  }
0x1c: {  	p1 =	slt.u32 s9, $0xF7A;
	s5 =	simm.s32 @!p2 $0x0  }
0x1d: {  	s5 =	simm.s32 @p1 $0x1;
	p0 =	seq.s32 s7, s2  }
0x1e: {  	s7 =	smul.u32 @!p0 $0xF7A, s2;
	p2 =	seq.s32 @!p0 s5, $0x0  }
0x1f: {  	s9 =	smul.u32 $0xF7A, s1;
	s8 =	simm.s32 @!p0 $0x1BF5;
	p2 =	por !p2, p0  }
0x20: {  	[sflag:s8] =	ssyncset.s32 @!p0 $0xFFFFF086;
	s6 =	sadd.s32 @!p0 s3, s7;
	s7 =	simm.s32 @!p0 $0x108  }
0x21: {  	s3 =	sadd.s32 s3, s9;
	s6 =	sadd.s32 @!p0 $0x88, s6;
	s7 =	simm.s32 @p2 $0x1082  }
0x22: {  	[simem:s7], [sflag:s8] =	dma.local @!p0 [hbm:s6], $0xF7A  }
0x23: {  	s9 =	sor.u32 $0xD0000000, s2;
	s6 =	simm.s32 $0x108;
	_ =	swait.ge @!p0 [sflag:s8], $0x0  }
0x24: {  	s3 =	sadd.s32 $0x88, s3;
	s6 =	simm.s32 @!p1 $0x1082;
	[sflag:s4] =	ssyncset.s32 $0xFFFFF086  }
0x25: {  	[simem:s6], [sflag:s4] =	dma.local [hbm:s3], $0xF7A  }
0x26: {  	[smem:$0x3F97] =	sst s1;
	(tag) =	ssettag s2;
	_ =	strace s9  }
0x27: {  	s1 =	sld [smem:$0x3FA7]  }
0x28: {  	s2 =	sld [smem:$0x3FA8]  }
0x29: {  	s4 =	sld [smem:$0x3FAA]  }
0x2a: {  	p0 =	seq.s32 s5, $0x0;
	s5 =	sld [smem:$0x3FAB]  }
0x2b: {  	s6 =	sld [smem:$0x3FAC]  }
0x2c: {  	s7 =	sld [smem:$0x3FAD]  }
0x2d: {  	s3 =	simm.s32 $0x108;
	s8 =	sld [smem:$0x3FAE]  }
0x2e: {  	s3 =	simm.s32 @!p0 $0x1082;
	s9 =	sld [smem:$0x3FAF]  }
0x2f: {  	lr =	sadd.s32 s0, s3;
	s0 =	sld [smem:$0x3FA6]  }
0x30: {  	s3 =	sld [smem:$0x3FA9]  }
0x31: {  	[smem:$0x3FB2] =	sst s10  }
0x32: {  	s10 =	sld [smem:$0x3FB0];
	_ =	sdelay $0x3  }
0x33: {  	p0 =	seq.s32 s10, $0x1;
	s10 =	sld [smem:$0x3FB2];
	_ =	sdelay $0x3  }
0x34: {  	[smem:$0x3FB2] =	sst s10  }
0x35: {  	s10 =	sld [smem:$0x3FB1];
	_ =	sdelay $0x3  }
0x36: {  	p1 =	seq.s32 s10, $0x1;
	s10 =	sld [smem:$0x3FB2];
	_ =	sdelay $0x3  }
0x37: {  	[smem:$0x3FB2] =	sst s10  }
0x38: {  	s10 =	sld [smem:$0x3FB3]  }
0x39: {  	_ = 	snop;
	(pc) =	sbr.ind lr, $3  }
0x3a: {  	_ = 	snop  }
0x3b: {  	_ = 	snop  }
0x3c: {  	p2 =	seq.s32 s10, $0x1;
	s10 =	sld [smem:$0x3FB2]  }
0x3d: {  	_ =	shalt  }
0x3e: {  	_ =	shalt  }
0x3f: {  	_ =	shalt  }
0x40: {  	_ =	shalt  }
0x41: {  	_ =	shalt  }
0x42: {  	_ =	shalt  }
0x43: {  	_ =	shalt  }
0x44: {  	_ =	shalt  }
0x45: {  	_ =	shalt  }
0x46: {  	_ =	shalt  }
0x47: {  	_ =	shalt  }
0x48: {  	_ =	shalt  }
0x49: {  	_ =	shalt  }
0x4a: {  	_ =	shalt  }
0x4b: {  	_ =	shalt  }
0x4c: {  	_ =	shalt  }
0x4d: {  	_ =	shalt  }
0x4e: {  	_ =	shalt  }
0x4f: {  	_ =	shalt  }
0x50: {  	_ =	shalt  }
0x51: {  	_ =	shalt  }
0x52: {  	_ =	shalt  }
0x53: {  	_ =	shalt  }
0x54: {  	_ =	shalt  }
0x55: {  	_ =	shalt  }
0x56: {  	_ =	shalt  }
0x57: {  	_ =	shalt  }
0x58: {  	_ =	shalt  }
0x59: {  	_ =	shalt  }
0x5a: {  	_ =	shalt  }
0x5b: {  	_ =	shalt  }
0x5c: {  	_ =	shalt  }
0x5d: {  	_ =	shalt  }
0x5e: {  	_ =	shalt  }
0x5f: {  	_ =	shalt  }
0x60: {  	_ =	shalt  }
0x61: {  	_ =	shalt  }
0x62: {  	_ =	shalt  }
0x63: {  	_ =	shalt  }
0x64: {  	_ =	shalt  }
0x65: {  	_ =	shalt  }
0x66: {  	_ =	shalt  }
0x67: {  	_ =	shalt  }
0x68: {  	_ =	shalt  }
0x69: {  	_ =	shalt  }
0x6a: {  	_ =	shalt  }
0x6b: {  	_ =	shalt  }
0x6c: {  	_ =	shalt  }
0x6d: {  	_ =	shalt  }
0x6e: {  	_ =	shalt  }
0x6f: {  	_ =	shalt  }
0x70: {  	_ =	shalt  }
0x71: {  	_ =	shalt  }
0x72: {  	_ =	shalt  }
0x73: {  	_ =	shalt  }
0x74: {  	_ =	shalt  }
0x75: {  	_ =	shalt  }
0x76: {  	_ =	shalt  }
0x77: {  	_ =	shalt  }
0x78: {  	_ =	shalt  }
0x79: {  	_ =	shalt  }
0x7a: {  	_ =	shalt  }
0x7b: {  	_ =	shalt  }
0x7c: {  	_ =	shalt  }
0x7d: {  	_ =	shalt  }
0x7e: {  	_ =	shalt  }
0x7f: {  	_ =	shalt  }
0x80: {  	_ =	shalt  }
0x81: {  	_ =	shalt  }
0x82: {  	_ =	shalt  }
0x83: {  	_ =	shalt  }
0x84: {  	_ =	shalt  }
0x85: {  	_ =	shalt  }
0x86: {  	_ =	shalt  }
0x87: {  	_ =	shalt  }
.Lfunc_end0:
.L_simem_size_0:
called_computation_lowered:
.L_overlay_start_0:
0x88: {  	s2 =	sld [smem:$0x3FD9]  }
0x89: {  	s3 =	sld [smem:$0x3FFE];
	_ =	sdelay $0x1  }
0x8a: {  	s1 =	srdreg.scid  }
0x8b: {  	s0 =	sand.u32 $0x1, s1  }
0x8c: {  	s17 =	sshll.u32 s0, $0xA;
	s2 =	sadd.s32 s3, s2  }
0x8d: {  	s2 =	sadd.s32 s2, s17  }
0x8e: {  	[smem:$0x3FBE] =	sst s2  }
0x8f: {  	_ = 	snop  }
0x90: {  	s2 =	sld [smem:$0x3FC9]  }
0x91: {  	s18 =	sld [smem:$0x3FD0];
	(tm) =	ssettm $0x1  }
0x92: {  	s4 =	sld [smem:$0x3FFB];
	_ =	sdelay $0x3  }
0x93: {  	_ =	strace s4  }
0x94: {  	s4 =	sld [smem:$0x3FFC];
	_ =	sdelay $0x3  }
0x95: {  	_ =	strace s4  }
0x96: {  	s4 =	sld [smem:$0x3FFD];
	_ =	sdelay $0x3  }
0x97: {  	_ =	strace s4  }
0x98: {  	_ =	strace $0x8FFFFFFF  }
0x99: {  	s19 =	sld [smem:$0x3FDB];
	_ =	sdelay $0x1  }
0x9a: {  	s5 =	simm.s32 $_scs_section_size  }
0x9b: {  	s6 =	simm.s32 $_size__tile_overlayer_lowered;
	s7 =	simm.s32 $_tile_overlayer_lowered  }
0x9c: {  	s22 =	simm.s32 $0x1BFF;
	s21 =	sshll.u32 s7, $0x1;
	s4 =	sadd.s32 s5, s19  }
0x9d: {  	s8 =	simm.s32 $0x0;
	s20 =	sshll.u32 s6, $0x1;
	s6 =	sadd.s32 s21, s4  }
0x9e: {  	[timem:s8], [sflag:s22] =	dma.local [hbm:s6], s20  }
0x9f: {  	_ =	swait.ge [sflag:s22], s20  }
0xa0: {  	s5 =	ssub.s32 $0x0, s20;
	[sflag:s22] =	ssyncset.done $0x0  }
0xa1: {  	[sflag:s22] =	ssyncadd.s32 s5;
	_ =	sdelay $0x1  }
0xa2: {  	s23 =	simm.s32 $0x1B8B  }
0xa3: {  	_ =	swait.ge [sflag:s23], $0x1  }
0xa4: {  	[sflag:s23] =	ssyncset.done $0x0  }
0xa5: {  	s25 =	simm.s32 $0x1B8E;
	s24 =	sld [smem:$0x3FFE];
	[sflag:s23] =	ssyncadd.s32 $0xFFFFFFFF  }
0xa6: {  	s26 =	simm.s32 $execute0_lowered;
	[smem:$0x3FD2] =	sst s25  }
0xa7: {  	s6 =	sshll.u32 s26, $0x1;
	_ =	strace $0x80000046;
	[dreg:$0x1] =	wrdreg $0xFFFFFFFF  }
0xa8: {  	s28 =	simm.s32 $_size_execute0_lowered;
	s4 =	sadd.s32 s4, s6;
	[dreg:$0x0] =	wrdreg $0x0  }
0xa9: {  	s6 =	sshll.u32 s28, $0x1;
	[dreg:$0x2] =	wrdreg s4  }
0xaa: {  	[dreg:$0x3] =	wrdreg s6  }
0xab: {  	[dreg:$0x4] =	wrdreg $0xC0  }
0xac: {  	_ =	task [dreg:s8], $0x5FFFF  }
0xad: {  	[dreg:$0x1] =	wrdreg $0xFFFFFFFF  }
0xae: {  	[dreg:$0x0] =	wrdreg $0x60  }
0xaf: {  	[dreg:$0x2] =	wrdreg s18  }
0xb0: {  	[dreg:$0x3] =	wrdreg s2  }
0xb1: {  	[dreg:$0x4] =	wrdreg s24  }
0xb2: {  	[dreg:$0x5] =	wrdreg $0x9  }
0xb3: {  	_ =	task.clear_ibuf [dreg:s8], $0x6FFFF;
	_ =	strace $0x90000046  }
0xb4: {  	s29 =	simm.s32 $0x9;
	_ =	strace $0x80000048  }
0xb5: {  	_ =	swait.ge [sflag:s29], $0x1  }
0xb6: {  	[sflag:s29] =	ssyncadd.s32 $0xFFFFFFFF  }
0xb7: {  	_ =	strace $0x90000048  }
0xb8: {  	_ =	sfence  }
0xb9: {  	s30 =	sld [smem:$0x0];
	_ =	sdelay $0x2  }
0xba: {  	s31 =	sshll.u32 s1, $0xD;
	s1 =	sshrl.u32 s1, $0x2  }
0xbb: {  	s3 =	sand.u32 $0x4000, s31;
	s1 =	sadd.s32 s1, s30  }
0xbc: {  	s0 =	sor.u32 s3, s0;
	s1 =	sshll.u32 s1, $0x11  }
0xbd: {  	s0 =	sor.u32 s1, s0  }
0xbe: {  	s0 =	sadd.s32 $0x8F2B, s0  }
0xbf: {  	[sflag:s0] =	ssyncadd.remote.s32 $0x1  }
0xc0: {  	_ =	sfence.sel $0xFFFF  }
0xc1: {  	[dreg:$0x0] =	wrdreg $0xFFFFFFFF;
	(pc) =	sbr.abs _section_cstart, $3  }
0xc2: {  	[dreg:$0x1] =	wrdreg $0xFFFFFFFF  }
0xc3: {  	_ =	task.clear_ibuf [dreg:s8], $0x2FFFF;
	_ =	strace $0x9FFFFFFF  }
0xc4: {  	(tm) =	ssettm $0x7FFFFFFF  }
0xc5: {  	_ =	shalt  }
tec
execute0_lowered:
.L_overlay_start_1:
0x0: {  	(tag) =	ssettag $0x1  }
0x1: {  	v1 =	vlaneseq.u32  }
0x2: {  	v28 =	vor.u32 $0x10, v1  }
0x3: {  	v29 =	vor.u32 $0x30, v1;
	[tilespmem:$0x1FDB0] =	vst v28  }
0x4: {  	v30 =	vor.u32 $0x20, v1;
	[tilespmem:$0x1FDC0] =	vst v29  }
0x5: {  	v31 =	vor.u32 $0x50, v1;
	[tilespmem:$0x1FDD0] =	vst v30  }
0x6: {  	v32 =	vor.u32 $0x40, v1;
	[tilespmem:$0x1FDE0] =	vst v31  }
0x7: {  	v33 =	vor.u32 $0x70, v1;
	[tilespmem:$0x1FDF0] =	vst v32  }
0x8: {  	v34 =	vor.u32 $0x60, v1;
	[tilespmem:$0x1FE00] =	vst v33  }
0x9: {  	v35 =	vor.u32 $0x90, v1;
	[tilespmem:$0x1FE10] =	vst v34  }
0xa: {  	v36 =	vor.u32 $0x80, v1;
	[tilespmem:$0x1FE20] =	vst v35  }
0xb: {  	v37 =	vor.u32 $0xB0, v1;
	[tilespmem:$0x1FE30] =	vst v36  }
0xc: {  	v38 =	vor.u32 $0xA0, v1;
	[tilespmem:$0x1FE40] =	vst v37  }
0xd: {  	v39 =	vor.u32 $0xD0, v1;
	[tilespmem:$0x1FE50] =	vst v38  }
0xe: {  	v40 =	vor.u32 $0xC0, v1;
	[tilespmem:$0x1FE60] =	vst v39  }
0xf: {  	v41 =	vor.u32 $0xF0, v1;
	[tilespmem:$0x1FE70] =	vst v40  }
0x10: {  	v42 =	vor.u32 $0xE0, v1;
	[tilespmem:$0x1FE80] =	vst v41  }
0x11: {  	v43 =	vor.u32 $0x110, v1;
	[tilespmem:$0x1FE90] =	vst v42  }
0x12: {  	v44 =	vor.u32 $0x100, v1;
	[tilespmem:$0x1FEA0] =	vst v43  }
0x13: {  	v45 =	vor.u32 $0x130, v1;
	[tilespmem:$0x1FEB0] =	vst v44  }
0x14: {  	v46 =	vor.u32 $0x120, v1;
	[tilespmem:$0x1FEC0] =	vst v45  }
0x15: {  	v47 =	vor.u32 $0x150, v1;
	[tilespmem:$0x1FED0] =	vst v46  }
0x16: {  	v48 =	vor.u32 $0x140, v1;
	[tilespmem:$0x1FEE0] =	vst v47  }
0x17: {  	s1 =	srdreg.scid;
	s0 =	stileid.u32;
	v49 =	vor.u32 $0x170, v1;
	[tilespmem:$0x1FEF0] =	vst v48  }
0x18: {  	s6 =	rddreg [dreg:$0x0];
	s4 =	sand.u32 $0x1, s1;
	s25 =	sshll.u32 s0, $0x1;
	v50 =	vor.u32 $0x160, v1;
	[tilespmem:$0x1FF00] =	vst v49  }
0x19: {  	s7 =	rddreg [dreg:$0x2];
	v51 =	vor.u32 $0x190, v1;
	s5 =	sor.u32 s4, s25;
	[tilespmem:$0x1FF10] =	vst v50  }
0x1a: {  	s2 =	rddreg [dreg:$0x3];
	v52 =	vor.u32 $0x180, v1;
	[tilespmem:$0x1FF20] =	vst v51;
	s1 =	smul.u32 $0x240, s5  }
0x1b: {  	s3 =	simm.s32 $0x0;
	s16 =	simm.s32 $0x80;
	s17 =	simm.s32 $0x400;
	v53 =	vor.u32 $0x1B0, v1;
	[tilespmem:$0x1FF30] =	vst v52  }
0x1c: {  	s18 =	simm.s32 $0x2;
	s19 =	simm.s32 $0x300;
	s20 =	simm.s32 $0x380;
	[tilespmem:$0x1FF40] =	vst v53;
	v0 =	vmov s1  }
0x1d: {  	s21 =	simm.s32 $0xC00;
	s22 =	simm.s32 $0x1400;
	[smem:$0x7FF] =	sst s3;
	v54 =	vor.u32 $0x1A0, v1;
	[tilespmem:$0x1FDA0] =	vst v0  }
0x1e: {  	s23 =	simm.s32 $0x1C00;
	v55 =	vor.u32 $0x1D0, v1;
	s1 =	rddreg [dreg:$0x1];
	_ =	strace $0x80000047;
	[tilespmem:$0x1FF50] =	vst v54  }
0x1f: {  	s24 =	simm.s32 $0x2400;
	s28 =	simm.s32 $0x3C00;
	s29 =	simm.s32 $0x4400;
	v56 =	vor.u32 $0x1C0, v1;
	[tilespmem:$0x1FF60] =	vst v55  }
0x20: {  	s30 =	simm.s32 $0x4C00;
	s31 =	simm.s32 $0x1;
	s8 =	sshrl.u32 s0, $0x2;
	v57 =	vor.u32 $0x1F0, v1;
	[tilespmem:$0x1FF70] =	vst v56  }
0x21: {  	v58 =	vor.u32 $0x1E0, v1;
	s8 =	smul.u32 $0x1400, s8;
	s4 =	ssub.s32 $0x2, s4;
	s9 =	sshll.u32 s5, $0x7;
	[tilespmem:$0x1FF80] =	vst v57  }
0x22: {  	v59 =	vor.u32 $0x210, v1;
	s5 =	smul.u32 $0xA00, s5;
	s10 =	sshrl.u32 s4, $0x1;
	s9 =	sand.u32 $0x380, s9;
	[tilespmem:$0x1FF90] =	vst v58  }
0x23: {  	v60 =	vor.u32 $0x200, v1;
	s25 =	simm.s32 $0x2C00;
	s15 =	ssub.s32 s4, s10;
	s8 =	sor.u32 s8, s9;
	[tilespmem:$0x1FFA0] =	vst v59  }
0x24: {  	v61 =	vor.u32 $0x230, v1;
	s14 =	sadd.s32 s5, s7;
	s15 =	smax.u32 s15, $0x1;
	s26 =	sshrl.u32 s8, $0x3;
	[tilespmem:$0x1FFB0] =	vst v60  }
0x25: {  	v62 =	vor.u32 $0x220, v1;
	v63 =	vshrl.u32 v1, $0x3;
	s5 =	sadd.s32 $0x100, s1;
	s7 =	sadd.s32 $0x300, s1;
	s8 =	sadd.s32 $0x400, s1;
	[tilespmem:$0x1FFC0] =	vst v61  }
0x26: {  	v1 =	vand.u32 $0x7, v1;
	s9 =	sadd.s32 $0x500, s1;
	s10 =	sadd.s32 $0x600, s1;
	s11 =	sadd.s32 $0x700, s1;
	v0 =	vmul.u32 $0x8, v63;
	[tilespmem:$0x1FFD0] =	vst v62  }
0x27: {  	vm0 =	vmmov $0xffff;
	s12 =	sadd.s32 $0x800, s1;
	s13 =	sadd.s32 $0x900, s1;
	s14 =	sadd.s32 $0x1C00, s14;
	[tilespmem:$0x1FFE0] =	vst v1  }
0x28: {  	vm1 =	vmmov $0x1;
	vm4 =	vcmask $0xB14;
	vm5 =	vcmask $0xF14;
	s4 =	sadd.s32 s6, s26;
	s6 =	sadd.s32 $0x200, s1;
	s26 =	simm.s32 $0x3400;
	[tilespmem:$0x1FFF0] =	vst v0  }
.LBB2_1:
0x29: {  	[tilespmem:s3], [sflag:$0x2] =	stream.strided.gather [hbm4b:s4+s16], $0x280, s17, s16, $0x38;
	[tilespmem:$0x5400] =	vst v63  }
0x2a: {  	_ =	swait.ge [sflag:s18], $0x280  }
0x2b: {  	v1 =	vld [tilespmem:$0x1FDB0]  }
0x2c: {  	v32 =	vld [tilespmem:$0x1FDC0]  }
0x2d: {  	v18 =	vld [tilespmem:$0x1FDD0]  }
0x2e: {  	v33 =	vld [tilespmem:$0x1FDE0]  }
0x2f: {  	v20 =	vld [tilespmem:$0x1FDF0]  }
0x30: {  	v55 =	vld [tilespmem:$0x1FE00]  }
0x31: {  	v17 =	vld [tilespmem:$0x1FE10]  }
0x32: {  	v48 =	vld [tilespmem:$0x1FE20]  }
0x33: {  	v49 =	vld [tilespmem:$0x1FE30]  }
0x34: {  	v50 =	vld [tilespmem:$0x1FE40]  }
0x35: {  	v51 =	vld [tilespmem:$0x1FE50]  }
0x36: {  	v52 =	vld [tilespmem:$0x1FE60]  }
0x37: {  	v53 =	vld [tilespmem:$0x1FE70]  }
0x38: {  	v54 =	vld [tilespmem:$0x1FE80]  }
0x39: {  	v56 =	vld [tilespmem:$0x1FE90]  }
0x3a: {  	v57 =	vld [tilespmem:$0x1FEA0]  }
0x3b: {  	v11 =	vld [tilespmem:$0x1FEB0]  }
0x3c: {  	v58 =	vld [tilespmem:$0x1FEC0]  }
0x3d: {  	v59 =	vld [tilespmem:$0x1FED0]  }
0x3e: {  	v60 =	vld [tilespmem:$0x1FEE0]  }
0x3f: {  	[sflag:s18] =	ssyncset.done $0x0;
	v63 =	vld [tilespmem:$0x1FEF0]  }
0x40: {  	v26 =	vld [tilespmem:$0x1FF60];
	[sflag:s18] =	ssyncadd.s32 $0xFFFFFD80  }
0x41: {  	v2 =	vld [tilespmem:$0x0]  }
0x42: {  	v4 =	vld [tilespmem:$0x10]  }
0x43: {  	v5 =	vld [tilespmem:$0x20]  }
0x44: {  	v3 =	vld [tilespmem:$0x30]  }
0x45: {  	v7 =	vld [tilespmem:$0x40]  }
0x46: {  	v8 =	vld [tilespmem:$0x50]  }
0x47: {  	v6 =	vld [tilespmem:$0x60]  }
0x48: {  	v10 =	vld [tilespmem:$0x70]  }
0x49: {  	v9 =	vld [tilespmem:$0x80]  }
0x4a: {  	v15 =	vld [tilespmem:$0x90]  }
0x4b: {  	v19 =	vld [tilespmem:$0xA0]  }
0x4c: {  	v27 =	vld [tilespmem:$0xB0]  }
0x4d: {  	v25 =	vld [tilespmem:$0xC0]  }
0x4e: {  	v13 =	vld [tilespmem:$0xD0]  }
0x4f: {  	v29 =	vld [tilespmem:$0xE0]  }
0x50: {  	v30 =	vld [tilespmem:$0xF0]  }
0x51: {  	v28 =	vld [tilespmem:$0x100]  }
0x52: {  	v16 =	vld [tilespmem:$0x110]  }
0x53: {  	v21 =	vld [tilespmem:$0x120]  }
0x54: {  	v61 =	vld [tilespmem:$0x130]  }
0x55: {  	v62 =	vld [tilespmem:$0x140];
	vm2 =	vge.f32 v2, v4  }
0x56: {  	v0 =	vlaneseq.u32;
	v12 =	vld [tilespmem:$0x150];
	vm6 =	vge.f32 v5, v3;
	v37 =	vsel vm2, v2, v4  }
0x57: {  	v14 =	vld [tilespmem:$0x160];
	v38 =	vsel vm2, v0, v1;
	v39 =	vsel vm6, v5, v3;
	vm2 =	vge.f32 v7, v8  }
0x58: {  	v22 =	vld [tilespmem:$0x170];
	v34 =	vmovc v19;
	v40 =	vsel vm6, v18, v32;
	vm6 =	vge.f32 v6, v10;
	v41 =	vsel vm2, v7, v8  }
0x59: {  	v35 =	vld [tilespmem:$0x180];
	[tilespmem:$0x1F6A0] =	vst v19;
	v42 =	vsel vm2, v20, v33;
	v43 =	vsel vm6, v6, v10;
	vm2 =	vge.f32 v9, v15  }
0x5a: {  	v24 =	vld [tilespmem:$0x190];
	v36 =	vmovc v27;
	v44 =	vsel vm6, v17, v55;
	vm6 =	vge.f32 v19, v27;
	v45 =	vsel vm2, v9, v15  }
0x5b: {  	v23 =	vld [tilespmem:$0x1A0];
	[tilespmem:$0x1F6B0] =	vst v27;
	v46 =	vsel vm2, v49, v48;
	v47 =	vsel vm6, v34, v36;
	vm2 =	vge.f32 v25, v13  }
0x5c: {  	v19 =	vmovc v49;
	v27 =	vld [tilespmem:$0x1B0];
	v48 =	vsel vm6, v51, v50;
	vm6 =	vge.f32 v29, v30;
	v49 =	vsel vm2, v25, v13  }
0x5d: {  	[tilespmem:$0x1F6C0] =	vst v13;
	v50 =	vsel vm2, v53, v52;
	v51 =	vsel vm6, v29, v30;
	v13 =	vld [tilespmem:$0x1C0];
	vm2 =	vge.f32 v28, v16  }
0x5e: {  	[tilespmem:$0x1F6D0] =	vst v29;
	v53 =	vsel vm6, v56, v54;
	vm6 =	vge.f32 v21, v61;
	v29 =	vld [tilespmem:$0x1D0];
	v54 =	vsel vm2, v28, v16  }
0x5f: {  	[tilespmem:$0x1F6F0] =	vst v16;
	v56 =	vsel vm2, v11, v57;
	v57 =	vsel vm6, v21, v61;
	vm2 =	vge.f32 v62, v12;
	v16 =	vld [tilespmem:$0x1FF20]  }
0x60: {  	[tilespmem:$0x1F700] =	vst v12;
	v58 =	vsel vm6, v59, v58;
	vm6 =	vge.f32 v14, v22;
	v59 =	vsel vm2, v62, v12;
	v12 =	vld [tilespmem:$0x1FF00]  }
0x61: {  	[tilespmem:$0x1F710] =	vst v14;
	v31 =	vsel vm6, v14, v22;
	v14 =	vld [tilespmem:$0x1FF10]  }
0x62: {  	[tilespmem:$0x1F720] =	vst v22;
	v22 =	vld [tilespmem:$0x1FF30]  }
0x63: {  	v60 =	vsel vm2, v63, v60;
	vm2 =	vge.f32 v35, v24;
	v63 =	vld [tilespmem:$0x1FF40]  }
0x64: {  	[tilespmem:$0x1F740] =	vst v24;
	v33 =	vsel vm2, v35, v24;
	v24 =	vld [tilespmem:$0x1FF50]  }
0x65: {  	v52 =	vld [tilespmem:$0x1F0]  }
0x66: {  	v11 =	vld [tilespmem:$0x1E0]  }
0x67: {  	[tilespmem:$0x1F6E0] =	vst v30;
	v30 =	vmov v21;
	v21 =	vld [tilespmem:$0x200]  }
0x68: {  	v32 =	vsel vm6, v14, v12;
	vm6 =	vge.f32 v23, v27;
	v14 =	vld [tilespmem:$0x210];
	v34 =	vsel vm2, v22, v16  }
0x69: {  	[tilespmem:$0x1F730] =	vst v35;
	v22 =	vld [tilespmem:$0x1FF80];
	v35 =	vsel vm6, v23, v27;
	v36 =	vsel vm6, v24, v63;
	vm6 =	vge.f32 v37, v39  }
0x6a: {  	v38 =	vsel vm6, v38, v40;
	v40 =	vld [tilespmem:$0x1FF70]  }
0x6b: {  	v24 =	vld [tilespmem:$0x1FF90]  }
0x6c: {  	v12 =	vld [tilespmem:$0x220];
	v37 =	vsel vm6, v37, v39;
	vm6 =	vge.f32 v41, v43  }
0x6d: {  	v16 =	vld [tilespmem:$0x230];
	v41 =	vsel vm6, v41, v43;
	v42 =	vsel vm6, v42, v44;
	vm6 =	vge.f32 v45, v47  }
0x6e: {  	vm7 =	vge.f32 v54, v57;
	vm2 =	vge.f32 v13, v29;
	v46 =	vsel vm6, v46, v48;
	v48 =	vld [tilespmem:$0x1FFB0]  }
0x6f: {  	v39 =	vsel vm2, v13, v29;
	v40 =	vsel vm2, v40, v26;
	vm2 =	vge.f32 v11, v52;
	v26 =	vld [tilespmem:$0x1FFA0]  }
0x70: {  	v54 =	vsel vm7, v54, v57;
	v44 =	vsel vm2, v24, v22;
	v22 =	vld [tilespmem:$0x1FFC0]  }
0x71: {  	v56 =	vsel vm7, v56, v58;
	v45 =	vsel vm6, v45, v47;
	vm6 =	vge.f32 v49, v51;
	v24 =	vld [tilespmem:$0x1FFD0]  }
0x72: {  	v49 =	vsel vm6, v49, v51;
	v50 =	vsel vm6, v50, v53;
	vm6 =	vge.f32 v33, v35  }
0x73: {  	v58 =	vimm.s32 $0x1;
	v33 =	vsel vm6, v33, v35;
	v34 =	vsel vm6, v34, v36  }
0x74: {  	vm6 =	vge.f32 v37, v41;
	v43 =	vsel vm2, v11, v52;
	vm2 =	vge.f32 v21, v14  }
0x75: {  	v47 =	vsel vm2, v21, v14;
	v48 =	vsel vm2, v48, v26;
	vm2 =	vge.f32 v12, v16  }
0x76: {  	[tilespmem:$0x1F760] =	vst v16;
	v16 =	vsel vm2, v12, v16;
	v26 =	vsel vm2, v24, v22;
	vm2 =	vge.f32 v59, v31  }
0x77: {  	v31 =	vsel vm2, v59, v31;
	v32 =	vsel vm2, v60, v32;
	vm2 =	vge.f32 v39, v43  }
0x78: {  	v37 =	vsel vm6, v37, v41;
	v43 =	vsel vm2, v39, v43;
	v44 =	vsel vm2, v40, v44  }
0x79: {  	vm2 =	vge.f32 v45, v49;
	vm7 =	vge.f32 v54, v31;
	vm8 =	vge.f32 v33, v43  }
0x7a: {  	v45 =	vsel vm2, v45, v49;
	v31 =	vsel vm7, v54, v31;
	v33 =	vsel vm8, v33, v43  }
0x7b: {  	v51 =	vsel vm6, v38, v42;
	vm10 =	vge.f32 v37, v45;
	vm11 =	vge.f32 v31, v33  }
0x7c: {  	vm9 =	vge.f32 v47, v16;
	v37 =	vsel vm10, v37, v45;
	v31 =	vsel vm11, v31, v33  }
0x7d: {  	v49 =	vsel vm9, v47, v16;
	v54 =	vsel vm2, v46, v50;
	vm2 =	vge.f32 v37, v31  }
0x7e: {  	v32 =	vsel vm7, v56, v32;
	v34 =	vsel vm8, v34, v44;
	v31 =	vsel vm2, v37, v31  }
0x7f: {  	v33 =	vsel vm10, v51, v54;
	v32 =	vsel vm11, v32, v34;
	vm6 =	vge.f32 v31, v49  }
0x80: {  	v57 =	vsel vm9, v48, v26;
	v32 =	vsel vm2, v33, v32;
	v31 =	vsel vm6, v31, v49  }
0x81: {  	v32 =	vsel vm6, v32, v57;
	[tilespmem:$0x300] =	vst v31  }
0x82: {  	v59 =	vimm.s32 $0x2;
	[tilespmem:$0x380] =	vst v32  }
0x83: {  	v31 =	vld.msk [tilespmem:s19+$0x0], $0xffff  }
0x84: {  	v60 =	vimm.s32 $0x3;
	v32 =	vld.msk [tilespmem:s20+$0x0], $0xffff  }
0x85: {  	v33 =	vld.idx.msk [tilespmem:v58+s19+$0x0], $0xffff  }
0x86: {  	[tilespmem:$0x1F750] =	vst v12;
	v12 =	vimm.s32 $0x4;
	v34 =	vld.idx.msk [tilespmem:v58+s20+$0x0], $0xffff  }
0x87: {  	v35 =	vld.idx.msk [tilespmem:v59+s19+$0x0], $0xffff  }
0x88: {  	v16 =	vimm.s32 $0x5;
	v36 =	vld.idx.msk [tilespmem:v59+s20+$0x0], $0xffff  }
0x89: {  	v37 =	vld.idx.msk [tilespmem:v60+s19+$0x0], $0xffff  }
0x8a: {  	v22 =	vimm.s32 $0x6;
	v38 =	vld.idx.msk [tilespmem:v60+s20+$0x0], $0xffff  }
0x8b: {  	v39 =	vld.idx.msk [tilespmem:v12+s19+$0x0], $0xffff  }
0x8c: {  	v24 =	vimm.s32 $0x7;
	v40 =	vld.idx.msk [tilespmem:v12+s20+$0x0], $0xffff  }
0x8d: {  	v41 =	vld.idx.msk [tilespmem:v16+s19+$0x0], $0xffff  }
0x8e: {  	v57 =	vimm.s32 $0x8;
	v42 =	vld.idx.msk [tilespmem:v16+s20+$0x0], $0xffff  }
0x8f: {  	v43 =	vld.idx.msk [tilespmem:v22+s19+$0x0], $0xffff  }
0x90: {  	v44 =	vld.idx.msk [tilespmem:v22+s20+$0x0], $0xffff;
	v58 =	vimm.s32 $0x9  }
0x91: {  	v26 =	vld.idx.msk [tilespmem:v24+s19+$0x0], $0xffff  }
0x92: {  	v46 =	vld.idx.msk [tilespmem:v24+s20+$0x0], $0xffff;
	v59 =	vimm.s32 $0xA  }
0x93: {  	v47 =	vld.idx.msk [tilespmem:v57+s19+$0x0], $0xffff  }
0x94: {  	v60 =	vimm.s32 $0xB;
	v12 =	vimm.s32 $0xC;
	v48 =	vld.idx.msk [tilespmem:v57+s20+$0x0], $0xffff  }
0x95: {  	v16 =	vimm.s32 $0xD;
	v22 =	vimm.s32 $0xE;
	v49 =	vld.idx.msk [tilespmem:v58+s19+$0x0], $0xffff;
	vm2 =	vgt.f32 v31, v33  }
0x96: {  	v50 =	vld.idx.msk [tilespmem:v58+s20+$0x0], $0xffff;
	vm6 =	veq.f32 v31, v33;
	vm7 =	vlt.s32 v32, v34;
	vm12 =	vlt.s32 v36, v38  }
0x97: {  	v51 =	vld.idx.msk [tilespmem:v59+s19+$0x0], $0xffff;
	vm13 =	vlt.s32 v40, v42;
	vm14 =	veq.f32 v43, v26;
	vm15 =	vlt.s32 v44, v46  }
0x98: {  	v53 =	vld.idx.msk [tilespmem:v59+s20+$0x0], $0xffff;
	v59 =	vimm.s32 $0xF;
	vm6 =	vmand vm6, vm7;
	vm7 =	veq.f32 v35, v37  }
0x99: {  	v54 =	vld.idx.msk [tilespmem:v60+s19+$0x0], $0xffff;
	vm9 =	vmand vm14, vm15;
	vm2 =	vmor vm2, vm6;
	vm6 =	vgt.f32 v35, v37  }
0x9a: {  	v56 =	vld.idx.msk [tilespmem:v60+s20+$0x0], $0xffff;
	vm7 =	vmand vm7, vm12;
	vm12 =	vgt.f32 v43, v26;
	v31 =	vsel vm2, v31, v33  }
0x9b: {  	v57 =	vld.idx.msk [tilespmem:v12+s19+$0x0], $0xffff;
	v32 =	vsel vm2, v32, v34;
	vm2 =	vmor vm6, vm7;
	vm7 =	veq.f32 v39, v41  }
0x9c: {  	v24 =	vld.idx.msk [tilespmem:v22+s19+$0x0], $0xffff;
	vm6 =	vgt.f32 v39, v41;
	v34 =	vsel vm2, v35, v37;
	vm7 =	vmand vm7, vm13  }
0x9d: {  	v33 =	vld.idx.msk [tilespmem:v12+s20+$0x0], $0xffff;
	v36 =	vsel vm2, v36, v38;
	vm2 =	vmor vm6, vm7;
	vm6 =	vmor vm12, vm9  }
0x9e: {  	v35 =	vld.idx.msk [tilespmem:v16+s19+$0x0], $0xffff;
	vm7 =	veq.f32 v47, v49;
	vm13 =	vlt.s32 v48, v50;
	vm14 =	veq.f32 v51, v54  }
0x9f: {  	v37 =	vld.idx.msk [tilespmem:v16+s20+$0x0], $0xffff;
	vm15 =	vlt.s32 v53, v56;
	v39 =	vsel vm2, v39, v41;
	v40 =	vsel vm2, v40, v42  }
0xa0: {  	v38 =	vld.idx.msk [tilespmem:v22+s20+$0x0], $0xffff;
	v26 =	vsel vm6, v43, v26;
	vm2 =	vgt.f32 v47, v49;
	vm7 =	vmand vm7, vm13  }
0xa1: {  	v60 =	vld.idx.msk [tilespmem:v59+s19+$0x0], $0xffff;
	vm8 =	vmand vm14, vm15;
	v44 =	vsel vm6, v44, v46;
	vm13 =	vlt.s32 v32, v36  }
0xa2: {  	v0 =	vld.idx.msk [tilespmem:v59+s20+$0x0], $0xffff;
	vm2 =	vmor vm2, vm7;
	vm7 =	vgt.f32 v51, v54;
	vm14 =	veq.f32 v39, v26  }
0xa3: {  	vm15 =	vlt.s32 v40, v44;
	v1 =	vsel vm2, v47, v49;
	vm6 =	vmor vm7, vm8  }
0xa4: {  	v12 =	vsel vm2, v48, v50;
	vm9 =	vmand vm14, vm15;
	v16 =	vsel vm6, v51, v54  }
0xa5: {  	v22 =	vsel vm6, v53, v56;
	vm6 =	veq.f32 v57, v35;
	vm7 =	vlt.s32 v33, v37  }
0xa6: {  	vm2 =	vgt.f32 v57, v35;
	vm6 =	vmand vm6, vm7;
	vm7 =	veq.f32 v24, v60  }
0xa7: {  	vm12 =	vlt.s32 v38, v0;
	vm2 =	vmor vm2, vm6;
	vm6 =	vgt.f32 v24, v60  }
0xa8: {  	vm7 =	vmand vm7, vm12;
	vm12 =	vgt.f32 v39, v26;
	v35 =	vsel vm2, v57, v35  }
0xa9: {  	v33 =	vsel vm2, v33, v37;
	vm2 =	vmor vm6, vm7;
	vm7 =	veq.f32 v31, v34  }
0xaa: {  	vm6 =	vgt.f32 v31, v34;
	v24 =	vsel vm2, v24, v60;
	vm7 =	vmand vm7, vm13  }
0xab: {  	v38 =	vsel vm2, v38, v0;
	vm13 =	vlt.s32 v12, v22;
	vm2 =	vmor vm6, vm7  }
0xac: {  	vm6 =	vmor vm12, vm9;
	vm7 =	veq.f32 v1, v16;
	vm14 =	veq.f32 v35, v24  }
0xad: {  	vm15 =	vlt.s32 v33, v38;
	v31 =	vsel vm2, v31, v34;
	v32 =	vsel vm2, v32, v36  }
0xae: {  	v26 =	vsel vm6, v39, v26;
	vm2 =	vgt.f32 v1, v16;
	vm7 =	vmand vm7, vm13  }
0xaf: {  	vm8 =	vmand vm14, vm15;
	vm2 =	vmor vm2, vm7;
	vm7 =	vgt.f32 v35, v24  }
0xb0: {  	v44 =	vsel vm6, v40, v44;
	v45 =	vsel vm2, v1, v16;
	vm6 =	vmor vm7, vm8  }
0xb1: {  	v46 =	vsel vm2, v12, v22;
	vm2 =	vgt.f32 v31, v26;
	vm7 =	vlt.s32 v32, v44  }
0xb2: {  	v35 =	vsel vm6, v35, v24;
	v33 =	vsel vm6, v33, v38;
	vm6 =	veq.f32 v31, v26  }
0xb3: {  	vm6 =	vmand vm6, vm7;
	vm7 =	veq.f32 v45, v35;
	vm12 =	vlt.s32 v46, v33  }
0xb4: {  	vm2 =	vmor vm2, vm6;
	vm6 =	vgt.f32 v45, v35;
	vm7 =	vmand vm7, vm12  }
0xb5: {  	v31 =	vsel vm2, v31, v26;
	vm6 =	vmor vm6, vm7  }
0xb6: {  	v38 =	vld [tilespmem:$0x1FDC0];
	v32 =	vsel vm2, v32, v44;
	v47 =	vsel vm6, v45, v35;
	v33 =	vsel vm6, v46, v33  }
0xb7: {  	v37 =	vld [tilespmem:$0x1FDB0];
	vm2 =	veq.f32 v31, v47;
	vm6 =	vlt.s32 v32, v33  }
0xb8: {  	vm7 =	vgt.f32 v31, v47;
	vm2 =	vmand vm2, vm6  }
0xb9: {  	vm2 =	vmor vm7, vm2  }
0xba: {  	v41 =	vlaneseq.u32;
	v54 =	vsel vm2, v32, v33  }
0xbb: {  	vm2 =	veq.s32 v54, v41;
	vm7 =	veq.s32 v54, v38  }
0xbc: {  	v40 =	vld [tilespmem:$0x1FE20];
	v12 =	vsel vm2, $0xFF800000, v2;
	vm2 =	veq.s32 v54, v37;
	v22 =	vsel vm7, $0xFF800000, v3  }
0xbd: {  	vm7 =	veq.s32 v54, v17;
	v43 =	vsel vm2, $0xFF800000, v4;
	vm2 =	veq.s32 v54, v20  }
0xbe: {  	v48 =	vsel vm7, $0xFF800000, v6;
	v24 =	vsel vm2, $0xFF800000, v7;
	vm2 =	veq.s32 v54, v55  }
0xbf: {  	v32 =	vld [tilespmem:$0x1FE50];
	[tilespmem:$0x1F7F0] =	vst v48;
	v49 =	vsel vm2, $0xFF800000, v10  }
0xc0: {  	v42 =	vmov v18;
	vm6 =	veq.s32 v54, v18;
	v18 =	vld [tilespmem:$0x1FDE0];
	[tilespmem:$0x1F800] =	vst v49  }
0xc1: {  	vm7 =	veq.s32 v54, v40;
	v33 =	vld [tilespmem:$0x1FE40]  }
0xc2: {  	v44 =	vsel vm7, $0xFF800000, v15;
	v15 =	vld [tilespmem:$0x1FE70]  }
0xc3: {  	v50 =	vld [tilespmem:$0x1F6A0]  }
0xc4: {  	v51 =	vld [tilespmem:$0x1F6B0]  }
0xc5: {  	v16 =	vsel vm6, $0xFF800000, v5;
	vm6 =	veq.s32 v54, v18;
	v31 =	vld [tilespmem:$0x1FE60]  }
0xc6: {  	v26 =	vsel vm6, $0xFF800000, v8;
	v8 =	vld [tilespmem:$0x1FE80]  }
0xc7: {  	v53 =	vld [tilespmem:$0x1F6C0]  }
0xc8: {  	v56 =	vld [tilespmem:$0x1F6D0]  }
0xc9: {  	v57 =	vld [tilespmem:$0x1F6E0]  }
0xca: {  	v34 =	vld [tilespmem:$0x1FEB0]  }
0xcb: {  	v35 =	vld [tilespmem:$0x1FEA0]  }
0xcc: {  	v36 =	vld [tilespmem:$0x1FED0]  }
0xcd: {  	v58 =	vld [tilespmem:$0x1F6F0]  }
0xce: {  	vm6 =	veq.s32 v54, v19;
	v7 =	vld [tilespmem:$0x1FEF0]  }
0xcf: {  	v39 =	vmovc v20;
	v20 =	vmov v17;
	v17 =	vmov v55;
	v55 =	vsel vm6, $0xFF800000, v9;
	v9 =	vld [tilespmem:$0x1FE90]  }
0xd0: {  	v6 =	vld [tilespmem:$0x1FEE0]  }
0xd1: {  	v59 =	vld [tilespmem:$0x1F700];
	vm7 =	veq.s32 v54, v15  }
0xd2: {  	vm2 =	veq.s32 v54, v32;
	vm6 =	veq.s32 v54, v33;
	v47 =	vsel vm7, $0xFF800000, v25;
	v25 =	vld [tilespmem:$0x1FEC0]  }
0xd3: {  	v5 =	vld [tilespmem:$0x1FF10];
	v45 =	vsel vm2, $0xFF800000, v50;
	vm2 =	veq.s32 v54, v31;
	v46 =	vsel vm6, $0xFF800000, v51  }
0xd4: {  	v2 =	vld [tilespmem:$0x1FF00];
	vm6 =	veq.s32 v54, v9;
	vm7 =	veq.s32 v54, v8;
	v48 =	vsel vm2, $0xFF800000, v53  }
0xd5: {  	v4 =	vld [tilespmem:$0x1FF30];
	vm2 =	veq.s32 v54, v34;
	v49 =	vsel vm6, $0xFF800000, v56;
	vm6 =	veq.s32 v54, v35  }
0xd6: {  	v60 =	vld [tilespmem:$0x1F710];
	v51 =	vsel vm2, $0xFF800000, v28;
	v28 =	vsel vm6, $0xFF800000, v58;
	vm6 =	veq.s32 v54, v7  }
0xd7: {  	v50 =	vsel vm7, $0xFF800000, v57;
	v57 =	vsel vm6, $0xFF800000, v62;
	v62 =	vld [tilespmem:$0x1F730];
	vm2 =	veq.s32 v54, v25  }
0xd8: {  	v56 =	vsel vm2, $0xFF800000, v61;
	v61 =	vld [tilespmem:$0x1F720]  }
0xd9: {  	vm7 =	veq.s32 v54, v36  }
0xda: {  	v30 =	vsel vm7, $0xFF800000, v30;
	vm7 =	veq.s32 v54, v6  }
0xdb: {  	v0 =	vld [tilespmem:$0x1FF20];
	v58 =	vsel vm7, $0xFF800000, v59;
	vm2 =	veq.s32 v54, v5  }
0xdc: {  	v3 =	vld [tilespmem:$0x1FF50];
	vm6 =	veq.s32 v54, v2;
	vm7 =	veq.s32 v54, v4;
	v59 =	vsel vm2, $0xFF800000, v60  }
0xdd: {  	v1 =	vmovc v63;
	v60 =	vsel vm6, $0xFF800000, v61;
	v61 =	vsel vm7, $0xFF800000, v62;
	vm7 =	veq.s32 v54, v63;
	v63 =	vld [tilespmem:$0x1F740];
	_ =	sdelay $0x2  }
0xde: {  	v10 =	vld [tilespmem:$0x1FF90]  }
0xdf: {  	vm2 =	veq.s32 v54, v0;
	vm6 =	veq.s32 v54, v3  }
0xe0: {  	v62 =	vsel vm2, $0xFF800000, v63;
	v63 =	vsel vm6, $0xFF800000, v23;
	v23 =	vld [tilespmem:$0x1FF70];
	_ =	sdelay $0x2  }
0xe1: {  	v53 =	vsel vm7, $0xFF800000, v27;
	vm7 =	veq.s32 v54, v10  }
0xe2: {  	v27 =	vld [tilespmem:$0x1FF60];
	v11 =	vsel vm7, $0xFF800000, v11  }
0xe3: {  	[tilespmem:$0x1F770] =	vst v11;
	v11 =	vld [tilespmem:$0x1FFA0];
	vm2 =	veq.s32 v54, v23  }
0xe4: {  	v13 =	vsel vm2, $0xFF800000, v13  }
0xe5: {  	[tilespmem:$0x1F900] =	vst v13;
	v13 =	vld [tilespmem:$0x1FFB0];
	_ =	sdelay $0x2  }
0xe6: {  	vm6 =	veq.s32 v54, v27;
	vm7 =	veq.s32 v54, v11  }
0xe7: {  	[tilespmem:$0x1F7A0] =	vst v43;
	v29 =	vsel vm6, $0xFF800000, v29;
	v14 =	vsel vm7, $0xFF800000, v14  }
0xe8: {  	[tilespmem:$0x1F910] =	vst v29;
	vm6 =	veq.s32 v54, v13  }
0xe9: {  	v29 =	vld [tilespmem:$0x1FF80];
	[tilespmem:$0x1F930] =	vst v14;
	v21 =	vsel vm6, $0xFF800000, v21  }
0xea: {  	v14 =	vmov v43;
	[tilespmem:$0x1F780] =	vst v21;
	v21 =	vld [tilespmem:$0x1FFD0]  }
0xeb: {  	[tilespmem:$0x1F790] =	vst v12;
	v43 =	vmov v12;
	vm7 =	vge.f32 v12, v14;
	v12 =	vld [tilespmem:$0x1F750];
	_ =	sdelay $0x2  }
0xec: {  	vm2 =	veq.s32 v54, v29  }
0xed: {  	v52 =	vsel vm2, $0xFF800000, v52;
	vm2 =	veq.s32 v54, v21  }
0xee: {  	[tilespmem:$0x1F920] =	vst v52;
	v52 =	vld [tilespmem:$0x1FFC0];
	v12 =	vsel vm2, $0xFF800000, v12  }
0xef: {  	[tilespmem:$0x1F940] =	vst v12;
	v12 =	vld [tilespmem:$0x1F760];
	_ =	sdelay $0x3  }
0xf0: {  	v41 =	vsel vm7, v41, v37;
	vm6 =	veq.s32 v54, v52;
	vm2 =	vge.f32 v16, v22  }
0xf1: {  	v37 =	vsel vm2, v42, v38;
	v38 =	vld [tilespmem:$0x1F7F0];
	v12 =	vsel vm6, $0xFF800000, v12;
	vm6 =	vge.f32 v24, v26  }
0xf2: {  	[tilespmem:$0x1F950] =	vst v12;
	v12 =	vsel vm7, v43, v14;
	v42 =	vsel vm6, v39, v18;
	v43 =	vmov v39;
	v39 =	vld [tilespmem:$0x1F800];
	_ =	sdelay $0x4  }
0xf3: {  	[tilespmem:$0x1F7B0] =	vst v16;
	v14 =	vsel vm2, v16, v22;
	vm2 =	vge.f32 v38, v39  }
0xf4: {  	[tilespmem:$0x1F7C0] =	vst v22;
	v16 =	vsel vm6, v24, v26;
	vm6 =	vge.f32 v55, v44;
	v18 =	vsel vm2, v38, v39  }
0xf5: {  	[tilespmem:$0x1F7D0] =	vst v24;
	v38 =	vsel vm2, v20, v17;
	v20 =	vsel vm6, v55, v44;
	vm2 =	vge.f32 v45, v46  }
0xf6: {  	[tilespmem:$0x1F810] =	vst v44;
	v39 =	vsel vm6, v19, v40;
	vm6 =	vge.f32 v47, v48;
	v22 =	vsel vm2, v45, v46  }
0xf7: {  	[tilespmem:$0x1F7E0] =	vst v26;
	v17 =	vsel vm2, v32, v33;
	v24 =	vsel vm6, v47, v48;
	vm2 =	vge.f32 v49, v50  }
0xf8: {  	[tilespmem:$0x1F850] =	vst v51;
	v40 =	vsel vm6, v15, v31;
	vm6 =	vge.f32 v51, v28;
	v26 =	vsel vm2, v49, v50  }
0xf9: {  	[tilespmem:$0x1F860] =	vst v28;
	v33 =	vsel vm2, v9, v8;
	v28 =	vsel vm6, v51, v28;
	vm2 =	vge.f32 v30, v56  }
0xfa: {  	v8 =	vsel vm6, v34, v35;
	v51 =	vmovc v30;
	vm6 =	vge.f32 v57, v58;
	v30 =	vsel vm2, v30, v56  }
0xfb: {  	[tilespmem:$0x1F820] =	vst v46;
	v19 =	vld [tilespmem:$0x1F900];
	v31 =	vsel vm2, v36, v25;
	v32 =	vsel vm6, v57, v58;
	vm2 =	vge.f32 v59, v60  }
0xfc: {  	[tilespmem:$0x1F880] =	vst v57;
	v9 =	vsel vm6, v7, v6;
	vm6 =	vge.f32 v61, v62;
	v25 =	vld [tilespmem:$0x1F910];
	v34 =	vsel vm2, v59, v60  }
0xfd: {  	[tilespmem:$0x1F8C0] =	vst v61;
	v57 =	vld [tilespmem:$0x1F770];
	v35 =	vsel vm2, v5, v2;
	v36 =	vsel vm6, v61, v62;
	vm2 =	vge.f32 v63, v53  }
0xfe: {  	v44 =	vmovc v55;
	v5 =	vsel vm6, v4, v0;
	vm6 =	vge.f32 v12, v14;
	v61 =	vld [tilespmem:$0x1F780];
	v55 =	vsel vm2, v63, v53  }
0xff: {  	[tilespmem:$0x1F870] =	vst v56;
	v12 =	vsel vm6, v12, v14;
	v0 =	vsel vm6, v41, v37;
	vm6 =	vge.f32 v16, v18;
	v41 =	vld [tilespmem:$0x1F920]  }
0x100: {  	[tilespmem:$0x1F8F0] =	vst v53;
	v53 =	vld [tilespmem:$0x1F930];
	v16 =	vsel vm6, v16, v18;
	v46 =	vsel vm6, v42, v38;
	vm6 =	vge.f32 v20, v22  }
0x101: {  	[tilespmem:$0x1F8B0] =	vst v60;
	v60 =	vld [tilespmem:$0x1F940];
	v20 =	vsel vm6, v20, v22;
	v56 =	vsel vm6, v39, v17;
	vm6 =	vge.f32 v24, v26  }
0x102: {  	[tilespmem:$0x1F8D0] =	vst v62;
	v62 =	vld [tilespmem:$0x1F950];
	v14 =	vsel vm2, v3, v1;
	vm2 =	vge.f32 v19, v25;
	v24 =	vsel vm6, v24, v26  }
0x103: {  	[tilespmem:$0x1F8E0] =	vst v63;
	v63 =	vsel vm6, v40, v33;
	vm6 =	vge.f32 v28, v30;
	v15 =	vsel vm2, v19, v25  }
0x104: {  	[tilespmem:$0x1F830] =	vst v48;
	v18 =	vsel vm2, v23, v27;
	v28 =	vsel vm6, v28, v30;
	vm2 =	vge.f32 v57, v41  }
0x105: {  	[tilespmem:$0x1F840] =	vst v50;
	v48 =	vsel vm2, v57, v41;
	v50 =	vsel vm2, v10, v29;
	vm2 =	vge.f32 v61, v53  }
0x106: {  	[tilespmem:$0x1F890] =	vst v58;
	v10 =	vsel vm6, v8, v31;
	vm6 =	vge.f32 v36, v55;
	v58 =	vsel vm2, v61, v53  }
0x107: {  	[tilespmem:$0x1F8A0] =	vst v59;
	v59 =	vsel vm2, v13, v11;
	vm2 =	vge.f32 v60, v62;
	v38 =	vsel vm6, v36, v55  }
0x108: {  	v14 =	vsel vm6, v5, v14;
	vm6 =	vge.f32 v12, v16;
	v3 =	vsel vm2, v60, v62  }
0x109: {  	v6 =	vsel vm2, v21, v52;
	vm2 =	vge.f32 v32, v34;
	v12 =	vsel vm6, v12, v16  }
0x10a: {  	v21 =	vsel vm2, v32, v34;
	v37 =	vsel vm2, v9, v35;
	vm2 =	vge.f32 v15, v48  }
0x10b: {  	v42 =	vsel vm6, v0, v46;
	v15 =	vsel vm2, v15, v48;
	v18 =	vsel vm2, v18, v50  }
0x10c: {  	vm2 =	vge.f32 v20, v24;
	vm7 =	vge.f32 v28, v21;
	vm13 =	vge.f32 v38, v15  }
0x10d: {  	v39 =	vsel vm2, v20, v24;
	v40 =	vsel vm7, v28, v21;
	v15 =	vsel vm13, v38, v15  }
0x10e: {  	v11 =	vmovc v52;
	v52 =	vimm.s32 $0x1;
	vm15 =	vge.f32 v12, v39;
	vm12 =	vge.f32 v40, v15  }
0x10f: {  	vm14 =	vge.f32 v58, v3;
	v12 =	vsel vm15, v12, v39;
	v15 =	vsel vm12, v40, v15  }
0x110: {  	v41 =	vsel vm14, v58, v3;
	v46 =	vsel vm2, v56, v63;
	vm2 =	vge.f32 v12, v15  }
0x111: {  	v48 =	vsel vm7, v10, v37;
	v14 =	vsel vm13, v14, v18;
	v12 =	vsel vm2, v12, v15  }
0x112: {  	v13 =	vsel vm15, v42, v46;
	v14 =	vsel vm12, v48, v14;
	vm6 =	vge.f32 v12, v41  }
0x113: {  	v2 =	vld [tilespmem:$0x1FF10];
	v50 =	vsel vm14, v59, v6;
	v13 =	vsel vm2, v13, v14;
	v12 =	vsel vm6, v12, v41  }
0x114: {  	v1 =	vld [tilespmem:$0x1FEE0];
	v13 =	vsel vm6, v13, v50;
	[tilespmem:$0x300] =	vst v12  }
0x115: {  	v30 =	vld [tilespmem:$0x1F8A0];
	v59 =	vimm.s32 $0x2;
	[tilespmem:$0x380] =	vst v13  }
0x116: {  	v12 =	vld.msk [tilespmem:s19+$0x0], $0xffff  }
0x117: {  	v62 =	vimm.s32 $0x3;
	v13 =	vld.msk [tilespmem:s20+$0x0], $0xffff  }
0x118: {  	v53 =	vld.idx.msk [tilespmem:v52+s19+$0x0], $0xffff  }
0x119: {  	v5 =	vimm.s32 $0x4;
	v55 =	vld.idx.msk [tilespmem:v52+s20+$0x0], $0xffff  }
0x11a: {  	v60 =	vld.idx.msk [tilespmem:v59+s19+$0x0], $0xffff  }
0x11b: {  	v6 =	vimm.s32 $0x5;
	v17 =	vld.idx.msk [tilespmem:v59+s20+$0x0], $0xffff  }
0x11c: {  	v63 =	vld.idx.msk [tilespmem:v62+s19+$0x0], $0xffff  }
0x11d: {  	v8 =	vimm.s32 $0x6;
	v19 =	vld.idx.msk [tilespmem:v62+s20+$0x0], $0xffff  }
0x11e: {  	v20 =	vld.idx.msk [tilespmem:v5+s19+$0x0], $0xffff  }
0x11f: {  	v9 =	vimm.s32 $0x7;
	v21 =	vld.idx.msk [tilespmem:v5+s20+$0x0], $0xffff  }
0x120: {  	v22 =	vld.idx.msk [tilespmem:v6+s19+$0x0], $0xffff  }
0x121: {  	v38 =	vimm.s32 $0x8;
	v23 =	vld.idx.msk [tilespmem:v6+s20+$0x0], $0xffff  }
0x122: {  	v24 =	vld.idx.msk [tilespmem:v8+s19+$0x0], $0xffff  }
0x123: {  	v39 =	vimm.s32 $0x9;
	v25 =	vld.idx.msk [tilespmem:v8+s20+$0x0], $0xffff  }
0x124: {  	v46 =	vimm.s32 $0xB;
	v10 =	vld.idx.msk [tilespmem:v9+s19+$0x0], $0xffff  }
0x125: {  	v4 =	vmov v27;
	v27 =	vld.idx.msk [tilespmem:v9+s20+$0x0], $0xffff  }
0x126: {  	v41 =	vimm.s32 $0xA;
	v28 =	vld.idx.msk [tilespmem:v38+s19+$0x0], $0xffff  }
0x127: {  	v29 =	vld.idx.msk [tilespmem:v38+s20+$0x0], $0xffff  }
0x128: {  	v40 =	vld.idx.msk [tilespmem:v39+s19+$0x0], $0xffff  }
0x129: {  	v37 =	vimm.s32 $0xF;
	v48 =	vld.idx.msk [tilespmem:v46+s19+$0x0], $0xffff  }
0x12a: {  	v56 =	vimm.s32 $0xC;
	v50 =	vld.idx.msk [tilespmem:v46+s20+$0x0], $0xffff;
	v62 =	vimm.s32 $0xD;
	v6 =	vimm.s32 $0xE  }
0x12b: {  	v42 =	vld.idx.msk [tilespmem:v41+s19+$0x0], $0xffff;
	vm2 =	vgt.f32 v12, v53;
	vm6 =	veq.f32 v12, v53;
	vm7 =	vlt.s32 v13, v55  }
0x12c: {  	v33 =	vld.idx.msk [tilespmem:v41+s20+$0x0], $0xffff;
	vm13 =	vlt.s32 v17, v19;
	vm14 =	vlt.s32 v21, v23;
	vm15 =	veq.f32 v24, v10  }
0x12d: {  	v31 =	vld.idx.msk [tilespmem:v39+s20+$0x0], $0xffff;
	vm12 =	vlt.s32 v25, v27;
	vm6 =	vmand vm6, vm7;
	vm7 =	veq.f32 v60, v63  }
0x12e: {  	v39 =	vld.idx.msk [tilespmem:v37+s20+$0x0], $0xffff;
	vm9 =	vmand vm15, vm12;
	vm2 =	vmor vm2, vm6;
	vm6 =	vgt.f32 v60, v63  }
0x12f: {  	v9 =	vld.idx.msk [tilespmem:v6+s20+$0x0], $0xffff;
	vm7 =	vmand vm7, vm13;
	vm13 =	vgt.f32 v24, v10;
	v12 =	vsel vm2, v12, v53  }
0x130: {  	v36 =	vld [tilespmem:$0x1FE00];
	v13 =	vsel vm2, v13, v55;
	vm2 =	vmor vm6, vm7;
	vm6 =	vgt.f32 v20, v22  }
0x131: {  	v32 =	vld [tilespmem:$0x1FDC0];
	vm7 =	veq.f32 v20, v22;
	vm15 =	veq.f32 v42, v48;
	vm12 =	vlt.s32 v33, v50  }
0x132: {  	v58 =	vld.idx.msk [tilespmem:v56+s19+$0x0], $0xffff;
	v60 =	vsel vm2, v60, v63;
	vm7 =	vmand vm7, vm14;
	v17 =	vsel vm2, v17, v19  }
0x133: {  	v59 =	vld.idx.msk [tilespmem:v56+s20+$0x0], $0xffff;
	vm14 =	vlt.s32 v29, v31;
	vm8 =	vmand vm15, vm12;
	vm2 =	vmor vm6, vm7  }
0x134: {  	v5 =	vld.idx.msk [tilespmem:v62+s20+$0x0], $0xffff;
	vm6 =	vmor vm13, vm9;
	vm7 =	veq.f32 v28, v40;
	vm13 =	vlt.s32 v9, v39  }
0x135: {  	v63 =	vld.idx.msk [tilespmem:v62+s19+$0x0], $0xffff;
	v20 =	vsel vm2, v20, v22;
	v21 =	vsel vm2, v21, v23;
	v10 =	vsel vm6, v24, v10  }
0x136: {  	v38 =	vld.idx.msk [tilespmem:v37+s19+$0x0], $0xffff;
	vm2 =	vgt.f32 v28, v40;
	vm7 =	vmand vm7, vm14;
	v25 =	vsel vm6, v25, v27  }
0x137: {  	v8 =	vld.idx.msk [tilespmem:v6+s19+$0x0], $0xffff;
	vm14 =	vlt.s32 v13, v17;
	vm2 =	vmor vm2, vm7;
	vm7 =	vgt.f32 v42, v48  }
0x138: {  	v34 =	vld [tilespmem:$0x1FDE0];
	vm15 =	veq.f32 v20, v10;
	vm12 =	vlt.s32 v21, v25;
	v40 =	vsel vm2, v28, v40  }
0x139: {  	v35 =	vld [tilespmem:$0x1FE10];
	vm6 =	vmor vm7, vm8;
	v41 =	vsel vm2, v29, v31;
	vm7 =	vlt.s32 v59, v5  }
0x13a: {  	v3 =	vld [tilespmem:$0x1FEC0];
	v42 =	vsel vm6, v42, v48;
	v46 =	vsel vm6, v33, v50;
	vm6 =	veq.f32 v58, v63  }
0x13b: {  	v18 =	vld [tilespmem:$0x1F830];
	vm9 =	vmand vm15, vm12;
	vm2 =	vgt.f32 v58, v63;
	vm6 =	vmand vm6, vm7  }
0x13c: {  	v15 =	vld [tilespmem:$0x1FE70];
	vm7 =	veq.f32 v8, v38;
	vm2 =	vmor vm2, vm6;
	vm6 =	vgt.f32 v8, v38  }
0x13d: {  	v37 =	vld [tilespmem:$0x1FE60];
	vm7 =	vmand vm7, vm13;
	vm13 =	vgt.f32 v20, v10;
	v16 =	vsel vm2, v58, v63  }
0x13e: {  	v6 =	vld [tilespmem:$0x1F7E0];
	v14 =	vsel vm2, v59, v5;
	vm2 =	vmor vm6, vm7;
	vm7 =	veq.f32 v12, v60  }
0x13f: {  	v62 =	vld [tilespmem:$0x1F7C0];
	vm6 =	vgt.f32 v12, v60;
	v48 =	vsel vm2, v8, v38;
	vm7 =	vmand vm7, vm14  }
0x140: {  	v23 =	vld [tilespmem:$0x1F850];
	v19 =	vsel vm2, v9, v39;
	vm14 =	vlt.s32 v41, v46;
	vm2 =	vmor vm6, vm7  }
0x141: {  	v27 =	vld [tilespmem:$0x1F870];
	vm6 =	vmor vm13, vm9;
	vm7 =	veq.f32 v40, v42;
	vm15 =	veq.f32 v16, v48  }
0x142: {  	v31 =	vld [tilespmem:$0x1FDD0];
	vm12 =	vlt.s32 v14, v19;
	v12 =	vsel vm2, v12, v60;
	v13 =	vsel vm2, v13, v17  }
0x143: {  	v28 =	vld [tilespmem:$0x1F880];
	v50 =	vsel vm6, v20, v10;
	vm2 =	vgt.f32 v40, v42;
	vm7 =	vmand vm7, vm14  }
0x144: {  	v29 =	vld [tilespmem:$0x1F890];
	vm8 =	vmand vm15, vm12;
	vm2 =	vmor vm2, vm7;
	vm7 =	vgt.f32 v16, v48  }
0x145: {  	v58 =	vld [tilespmem:$0x1F790];
	v52 =	vsel vm6, v21, v25;
	v53 =	vsel vm2, v40, v42;
	vm6 =	vmor vm7, vm8  }
0x146: {  	v59 =	vld [tilespmem:$0x1F7A0];
	v55 =	vsel vm2, v41, v46;
	vm2 =	vgt.f32 v12, v50;
	vm7 =	vlt.s32 v13, v52  }
0x147: {  	v63 =	vld [tilespmem:$0x1F7D0];
	v16 =	vsel vm6, v16, v48;
	v14 =	vsel vm6, v14, v19;
	vm6 =	veq.f32 v12, v50  }
0x148: {  	v8 =	vld [tilespmem:$0x1F7F0];
	vm6 =	vmand vm6, vm7;
	vm7 =	veq.f32 v53, v16;
	vm13 =	vlt.s32 v55, v14  }
0x149: {  	v9 =	vld [tilespmem:$0x1F800];
	vm2 =	vmor vm2, vm6;
	vm6 =	vgt.f32 v53, v16;
	vm7 =	vmand vm7, vm13  }
0x14a: {  	v39 =	vld [tilespmem:$0x1FEB0];
	v12 =	vsel vm2, v12, v50;
	vm6 =	vmor vm6, vm7  }
0x14b: {  	v38 =	vld [tilespmem:$0x1FEA0];
	v13 =	vsel vm2, v13, v52;
	v56 =	vsel vm6, v53, v16;
	v14 =	vsel vm6, v55, v14  }
0x14c: {  	v21 =	vld [tilespmem:$0x1FDB0];
	vm2 =	veq.f32 v12, v56;
	vm6 =	vlt.s32 v13, v14  }
0x14d: {  	v60 =	vld [tilespmem:$0x1F7B0];
	vm7 =	vgt.f32 v12, v56;
	vm2 =	vmand vm2, vm6  }
0x14e: {  	v19 =	vld [tilespmem:$0x1FE30];
	vm2 =	vmor vm7, vm2  }
0x14f: {  	v22 =	vlaneseq.u32;
	v55 =	vsel vm2, v13, v14;
	v14 =	vld [tilespmem:$0x1FE40]  }
0x150: {  	v13 =	vld [tilespmem:$0x1F820];
	vm2 =	veq.s32 v55, v22;
	vm6 =	veq.s32 v55, v31  }
0x151: {  	v17 =	vld [tilespmem:$0x1FE50];
	vm7 =	veq.s32 v55, v32;
	v5 =	vsel vm2, $0xFF800000, v58;
	vm2 =	veq.s32 v55, v21  }
0x152: {  	v16 =	vld [tilespmem:$0x1FE20];
	v0 =	vsel vm6, $0xFF800000, v60;
	vm6 =	veq.s32 v55, v34;
	v59 =	vsel vm2, $0xFF800000, v59  }
0x153: {  	v10 =	vld [tilespmem:$0x1F810];
	vm2 =	veq.s32 v55, v43;
	v41 =	vsel vm6, $0xFF800000, v6;
	vm6 =	veq.s32 v55, v19  }
0x154: {  	v20 =	vld [tilespmem:$0x1F840];
	v56 =	vsel vm2, $0xFF800000, v63;
	v63 =	vsel vm6, $0xFF800000, v44;
	vm6 =	veq.s32 v55, v14  }
0x155: {  	v33 =	vsel vm7, $0xFF800000, v62;
	vm7 =	veq.s32 v55, v35;
	v46 =	vsel vm6, $0xFF800000, v13;
	v13 =	vld [tilespmem:$0x1FE90]  }
0x156: {  	v25 =	vld [tilespmem:$0x1F860];
	v26 =	vsel vm7, $0xFF800000, v8;
	vm2 =	veq.s32 v55, v36  }
0x157: {  	v40 =	vld [tilespmem:$0x1F8B0];
	[tilespmem:$0x1F9C0] =	vst v0;
	vm7 =	veq.s32 v55, v16;
	v0 =	vsel vm2, $0xFF800000, v9;
	vm2 =	veq.s32 v55, v17  }
0x158: {  	v42 =	vsel vm7, $0xFF800000, v10;
	v10 =	vld [tilespmem:$0x1FED0];
	v12 =	vsel vm2, $0xFF800000, v45  }
0x159: {  	vm2 =	veq.s32 v55, v37;
	[tilespmem:$0x1FA40] =	vst v12;
	v12 =	vld [tilespmem:$0x1FE80]  }
0x15a: {  	[tilespmem:$0x1FA10] =	vst v0;
	v0 =	vld [tilespmem:$0x1FF00];
	v24 =	vsel vm2, $0xFF800000, v18;
	vm2 =	veq.s32 v55, v39;
	vm6 =	veq.s32 v55, v13  }
0x15b: {  	v45 =	vld [tilespmem:$0x1F8C0];
	v50 =	vsel vm2, $0xFF800000, v23;
	v60 =	vsel vm6, $0xFF800000, v49;
	vm6 =	veq.s32 v55, v38  }
0x15c: {  	v6 =	vmovc v7;
	vm2 =	veq.s32 v55, v3;
	v25 =	vsel vm6, $0xFF800000, v25;
	vm6 =	veq.s32 v55, v7;
	v7 =	vld [tilespmem:$0x1FF30]  }
0x15d: {  	vm7 =	veq.s32 v55, v15;
	v62 =	vsel vm2, $0xFF800000, v27;
	vm2 =	veq.s32 v55, v2;
	v49 =	vld [tilespmem:$0x1FF20]  }
0x15e: {  	v44 =	vsel vm7, $0xFF800000, v47;
	v47 =	vld [tilespmem:$0x1F8D0];
	v8 =	vsel vm2, $0xFF800000, v30;
	vm7 =	veq.s32 v55, v12  }
0x15f: {  	[tilespmem:$0x1F960] =	vst v8;
	v8 =	vld [tilespmem:$0x1FF50];
	v48 =	vsel vm7, $0xFF800000, v20;
	vm7 =	veq.s32 v55, v10  }
0x160: {  	v58 =	vsel vm7, $0xFF800000, v51;
	vm7 =	veq.s32 v55, v1;
	v51 =	vld [tilespmem:$0x1F8E0]  }
0x161: {  	v52 =	vsel vm6, $0xFF800000, v28;
	v28 =	vld [tilespmem:$0x1F900];
	v27 =	vsel vm7, $0xFF800000, v29;
	vm7 =	veq.s32 v55, v7  }
0x162: {  	vm6 =	veq.s32 v55, v0;
	vm2 =	veq.s32 v55, v49;
	v23 =	vsel vm7, $0xFF800000, v45;
	v45 =	vld [tilespmem:$0x1FF70]  }
0x163: {  	v53 =	vsel vm6, $0xFF800000, v40;
	v40 =	vsel vm2, $0xFF800000, v47;
	v47 =	vld [tilespmem:$0x1F910];
	_ =	sdelay $0x1  }
0x164: {  	v18 =	vld [tilespmem:$0x1FF40]  }
0x165: {  	v20 =	vld [tilespmem:$0x1F8F0];
	vm6 =	veq.s32 v55, v8  }
0x166: {  	v30 =	vsel vm6, $0xFF800000, v51;
	vm6 =	veq.s32 v55, v4;
	v51 =	vld [tilespmem:$0x1FF90];
	vm2 =	veq.s32 v55, v45  }
0x167: {  	v9 =	vsel vm2, $0xFF800000, v28;
	v28 =	vsel vm6, $0xFF800000, v47;
	v47 =	vld [tilespmem:$0x1FFB0];
	_ =	sdelay $0x2  }
0x168: {  	vm7 =	veq.s32 v55, v18  }
0x169: {  	v29 =	vsel vm7, $0xFF800000, v20;
	v20 =	vld [tilespmem:$0x1F920];
	vm7 =	veq.s32 v55, v51  }
0x16a: {  	v57 =	vsel vm7, $0xFF800000, v57;
	[tilespmem:$0x1F970] =	vst v9;
	v9 =	vld [tilespmem:$0x1FF80];
	vm6 =	veq.s32 v55, v47  }
0x16b: {  	[tilespmem:$0x1FB30] =	vst v57;
	v57 =	vld [tilespmem:$0x1FFA0];
	v61 =	vsel vm6, $0xFF800000, v61  }
0x16c: {  	[tilespmem:$0x1FB40] =	vst v61;
	v61 =	vld [tilespmem:$0x1F930];
	_ =	sdelay $0x2  }
0x16d: {  	vm2 =	veq.s32 v55, v9  }
0x16e: {  	vm7 =	veq.s32 v55, v57;
	v20 =	vsel vm2, $0xFF800000, v20  }
0x16f: {  	[tilespmem:$0x1F980] =	vst v20;
	v20 =	vsel vm7, $0xFF800000, v61  }
0x170: {  	[tilespmem:$0x1FB50] =	vst v20;
	v20 =	vld [tilespmem:$0x1FFD0]  }
0x171: {  	[tilespmem:$0x1F9A0] =	vst v5;
	vm6 =	veq.s32 v55, v11;
	v61 =	vmovc v11;
	v11 =	vmov v5;
	vm7 =	vge.f32 v5, v59;
	v5 =	vld [tilespmem:$0x1F940];
	_ =	sdelay $0x3  }
0x172: {  	vm2 =	veq.s32 v55, v20  }
0x173: {  	v5 =	vsel vm2, $0xFF800000, v5  }
0x174: {  	[tilespmem:$0x1F990] =	vst v5;
	v5 =	vld [tilespmem:$0x1F950];
	_ =	sdelay $0x4  }
0x175: {  	v5 =	vsel vm6, $0xFF800000, v5  }
0x176: {  	[tilespmem:$0x1FB60] =	vst v5;
	v5 =	vsel vm7, v11, v59;
	v11 =	vld [tilespmem:$0x1F9C0];
	_ =	sdelay $0x4  }
0x177: {  	vm6 =	vge.f32 v56, v41;
	vm2 =	vge.f32 v11, v33  }
0x178: {  	[tilespmem:$0x1F9E0] =	vst v56;
	v22 =	vsel vm7, v22, v21;
	v21 =	vsel vm2, v31, v32;
	v31 =	vsel vm6, v56, v41;
	v56 =	vld [tilespmem:$0x1FA10];
	_ =	sdelay $0x1  }
0x179: {  	[tilespmem:$0x1F9B0] =	vst v59;
	v59 =	vld [tilespmem:$0x1FA40];
	_ =	sdelay $0x1  }
0x17a: {  	[tilespmem:$0x1F9D0] =	vst v33  }
0x17b: {  	[tilespmem:$0x1FA30] =	vst v42;
	v11 =	vsel vm2, v11, v33;
	vm2 =	vge.f32 v26, v56  }
0x17c: {  	[tilespmem:$0x1FA20] =	vst v63;
	v32 =	vsel vm6, v43, v34;
	vm6 =	vge.f32 v63, v42;
	v33 =	vsel vm2, v26, v56  }
0x17d: {  	[tilespmem:$0x1FA60] =	vst v44;
	v34 =	vsel vm2, v35, v36;
	v35 =	vsel vm6, v63, v42;
	vm2 =	vge.f32 v59, v46  }
0x17e: {  	v36 =	vsel vm6, v19, v16;
	v63 =	vmovc v44;
	vm6 =	vge.f32 v44, v24;
	v42 =	vsel vm2, v59, v46  }
0x17f: {  	[tilespmem:$0x1FA50] =	vst v46;
	v44 =	vsel vm2, v17, v14;
	v46 =	vsel vm6, v63, v24;
	vm2 =	vge.f32 v60, v48  }
0x180: {  	v14 =	vsel vm6, v15, v37;
	vm6 =	vge.f32 v50, v25;
	v37 =	vsel vm2, v13, v12  }
0x181: {  	[tilespmem:$0x1FA90] =	vst v50;
	v50 =	vsel vm6, v50, v25;
	v12 =	vsel vm6, v39, v38;
	vm6 =	vge.f32 v52, v27  }
0x182: {  	v59 =	vsel vm6, v6, v1;
	v6 =	vld [tilespmem:$0x1F960]  }
0x183: {  	[tilespmem:$0x1FA70] =	vst v24  }
0x184: {  	[tilespmem:$0x1FA80] =	vst v48;
	v48 =	vsel vm2, v60, v48;
	vm2 =	vge.f32 v58, v62  }
0x185: {  	[tilespmem:$0x1FAB0] =	vst v58;
	v56 =	vsel vm2, v58, v62;
	v58 =	vsel vm6, v52, v27;
	vm6 =	vge.f32 v23, v40  }
0x186: {  	[tilespmem:$0x1FAC0] =	vst v62;
	v13 =	vsel vm2, v10, v3;
	v62 =	vsel vm6, v23, v40  }
0x187: {  	[tilespmem:$0x1FAF0] =	vst v53;
	v16 =	vld [tilespmem:$0x1F970];
	v63 =	vsel vm6, v7, v49;
	vm6 =	vge.f32 v5, v11;
	vm2 =	vge.f32 v6, v53  }
0x188: {  	v24 =	vmovc v60;
	v60 =	vsel vm2, v6, v53;
	v1 =	vsel vm2, v2, v0;
	vm2 =	vge.f32 v30, v29;
	v53 =	vld [tilespmem:$0x1F980]  }
0x189: {  	v15 =	vmov v8;
	v7 =	vsel vm6, v22, v21;
	v21 =	vsel vm2, v8, v18;
	v8 =	vld [tilespmem:$0x1FB30];
	_ =	sdelay $0x1  }
0x18a: {  	v5 =	vsel vm6, v5, v11;
	vm6 =	vge.f32 v31, v33  }
0x18b: {  	v31 =	vsel vm6, v31, v33;
	v32 =	vsel vm6, v32, v34  }
0x18c: {  	[tilespmem:$0x1FAD0] =	vst v52;
	v10 =	vld [tilespmem:$0x1FB40];
	vm6 =	vge.f32 v35, v42;
	v11 =	vsel vm2, v30, v29;
	vm2 =	vge.f32 v16, v28  }
0x18d: {  	v52 =	vmovc v2;
	v2 =	vld [tilespmem:$0x1F990];
	v33 =	vsel vm2, v16, v28;
	v34 =	vsel vm2, v45, v4;
	vm2 =	vge.f32 v8, v53  }
0x18e: {  	v36 =	vsel vm6, v36, v44;
	v44 =	vsel vm2, v51, v9;
	v9 =	vld [tilespmem:$0x1FB50]  }
0x18f: {  	[tilespmem:$0x1FAE0] =	vst v27;
	v27 =	vmov v30;
	v35 =	vsel vm6, v35, v42;
	vm6 =	vge.f32 v46, v48;
	v30 =	vld [tilespmem:$0x1FB60]  }
0x190: {  	v46 =	vsel vm6, v46, v48;
	v18 =	vsel vm6, v14, v37;
	vm6 =	vge.f32 v50, v56  }
0x191: {  	v50 =	vsel vm6, v50, v56;
	v45 =	vsel vm6, v12, v13;
	vm6 =	vge.f32 v62, v11  }
0x192: {  	[tilespmem:$0x1FA00] =	vst v26;
	v11 =	vsel vm6, v62, v11;
	v21 =	vsel vm6, v63, v21;
	vm6 =	vge.f32 v5, v31  }
0x193: {  	[tilespmem:$0x1FB10] =	vst v29;
	v5 =	vsel vm6, v5, v31;
	v42 =	vsel vm2, v8, v53;
	vm2 =	vge.f32 v10, v9  }
0x194: {  	v26 =	vmovc v17;
	v17 =	vsel vm2, v10, v9;
	v19 =	vsel vm2, v47, v57;
	vm2 =	vge.f32 v2, v30  }
0x195: {  	v29 =	vmovc v47;
	v37 =	vsel vm2, v2, v30;
	v47 =	vsel vm2, v20, v61;
	vm2 =	vge.f32 v58, v60  }
0x196: {  	v58 =	vsel vm2, v58, v60;
	v59 =	vsel vm2, v59, v1;
	vm2 =	vge.f32 v33, v42  }
0x197: {  	v7 =	vsel vm6, v7, v32;
	v33 =	vsel vm2, v33, v42;
	v34 =	vsel vm2, v34, v44  }
0x198: {  	vm2 =	vge.f32 v35, v46;
	vm7 =	vge.f32 v50, v58;
	vm14 =	vge.f32 v11, v33  }
0x199: {  	v62 =	vsel vm2, v35, v46;
	v63 =	vsel vm7, v50, v58;
	v11 =	vsel vm14, v11, v33  }
0x19a: {  	vm15 =	vge.f32 v17, v37;
	vm12 =	vge.f32 v5, v62;
	vm13 =	vge.f32 v63, v11  }
0x19b: {  	v1 =	vsel vm15, v17, v37;
	v5 =	vsel vm12, v5, v62;
	v11 =	vsel vm13, v63, v11  }
0x19c: {  	v14 =	vsel vm15, v19, v47;
	v10 =	vsel vm2, v36, v18;
	vm2 =	vge.f32 v5, v11  }
0x19d: {  	v12 =	vsel vm7, v45, v59;
	v21 =	vsel vm14, v21, v34;
	v5 =	vsel vm2, v5, v11  }
0x19e: {  	v7 =	vsel vm12, v7, v10;
	v13 =	vsel vm13, v12, v21;
	vm6 =	vge.f32 v5, v1  }
0x19f: {  	v17 =	vimm.s32 $0x1;
	v7 =	vsel vm2, v7, v13;
	v5 =	vsel vm6, v5, v1  }
0x1a0: {  	v7 =	vsel vm6, v7, v14;
	[tilespmem:$0x300] =	vst v5  }
0x1a1: {  	v19 =	vimm.s32 $0x2;
	[tilespmem:$0x380] =	vst v7  }
0x1a2: {  	v5 =	vld.msk [tilespmem:s19+$0x0], $0xffff  }
0x1a3: {  	v22 =	vimm.s32 $0x3;
	v7 =	vld.msk [tilespmem:s20+$0x0], $0xffff  }
0x1a4: {  	v18 =	vld.idx.msk [tilespmem:v17+s19+$0x0], $0xffff  }
0x1a5: {  	[tilespmem:$0x1FB20] =	vst v28;
	v28 =	vimm.s32 $0x4;
	v21 =	vld.idx.msk [tilespmem:v17+s20+$0x0], $0xffff  }
0x1a6: {  	v30 =	vimm.s32 $0x5;
	v20 =	vld.idx.msk [tilespmem:v19+s19+$0x0], $0xffff  }
0x1a7: {  	v37 =	vimm.s32 $0x6;
	v32 =	vld.idx.msk [tilespmem:v19+s20+$0x0], $0xffff  }
0x1a8: {  	[tilespmem:$0x1FB00] =	vst v23;
	v23 =	vld.idx.msk [tilespmem:v22+s19+$0x0], $0xffff  }
0x1a9: {  	v43 =	vimm.s32 $0x7;
	v34 =	vld.idx.msk [tilespmem:v22+s20+$0x0], $0xffff  }
0x1aa: {  	v36 =	vld.idx.msk [tilespmem:v28+s20+$0x0], $0xffff  }
0x1ab: {  	[tilespmem:$0x1FAA0] =	vst v25;
	v25 =	vmov v40;
	v40 =	vmov v61;
	v61 =	vimm.s32 $0x8;
	v44 =	vld.idx.msk [tilespmem:v30+s20+$0x0], $0xffff  }
0x1ac: {  	[tilespmem:$0x1F9F0] =	vst v41;
	v41 =	vld.idx.msk [tilespmem:v37+s19+$0x0], $0xffff  }
0x1ad: {  	v63 =	vimm.s32 $0xA;
	v47 =	vld.idx.msk [tilespmem:v37+s20+$0x0], $0xffff  }
0x1ae: {  	v45 =	vld.idx.msk [tilespmem:v43+s19+$0x0], $0xffff  }
0x1af: {  	v0 =	vimm.s32 $0xB;
	v49 =	vld.idx.msk [tilespmem:v43+s20+$0x0], $0xffff  }
0x1b0: {  	v50 =	vld.idx.msk [tilespmem:v61+s19+$0x0], $0xffff  }
0x1b1: {  	v51 =	vld.idx.msk [tilespmem:v61+s20+$0x0], $0xffff  }
0x1b2: {  	v58 =	vld.idx.msk [tilespmem:v63+s19+$0x0], $0xffff  }
0x1b3: {  	v62 =	vimm.s32 $0x9;
	v59 =	vld.idx.msk [tilespmem:v63+s20+$0x0], $0xffff  }
0x1b4: {  	v1 =	vld.idx.msk [tilespmem:v0+s19+$0x0], $0xffff  }
0x1b5: {  	v61 =	vld.idx.msk [tilespmem:v0+s20+$0x0], $0xffff;
	v19 =	vimm.s32 $0xE  }
0x1b6: {  	v10 =	vimm.s32 $0xC;
	v42 =	vld.idx.msk [tilespmem:v30+s19+$0x0], $0xffff;
	v17 =	vimm.s32 $0xD;
	v30 =	vimm.s32 $0xF  }
0x1b7: {  	v35 =	vld.idx.msk [tilespmem:v28+s19+$0x0], $0xffff;
	vm2 =	vgt.f32 v5, v18;
	vm6 =	veq.f32 v5, v18;
	vm7 =	vlt.s32 v7, v21  }
0x1b8: {  	v56 =	vld.idx.msk [tilespmem:v62+s19+$0x0], $0xffff;
	vm14 =	vlt.s32 v32, v34;
	vm15 =	vlt.s32 v36, v44;
	vm12 =	veq.f32 v41, v45  }
0x1b9: {  	v57 =	vld.idx.msk [tilespmem:v62+s20+$0x0], $0xffff;
	vm13 =	vlt.s32 v47, v49;
	vm6 =	vmand vm6, vm7;
	vm7 =	veq.f32 v20, v23  }
0x1ba: {  	v22 =	vld.idx.msk [tilespmem:v19+s20+$0x0], $0xffff;
	vm9 =	vmand vm12, vm13;
	vm12 =	veq.f32 v58, v1;
	vm13 =	vlt.s32 v59, v61  }
0x1bb: {  	v43 =	vld.idx.msk [tilespmem:v30+s20+$0x0], $0xffff;
	vm2 =	vmor vm2, vm6;
	vm6 =	vgt.f32 v20, v23;
	vm7 =	vmand vm7, vm14  }
0x1bc: {  	vm14 =	vgt.f32 v41, v45;
	vm8 =	vmand vm12, vm13;
	v5 =	vsel vm2, v5, v18  }
0x1bd: {  	v7 =	vsel vm2, v7, v21;
	vm2 =	vmor vm6, vm7;
	vm7 =	veq.f32 v35, v42  }
0x1be: {  	v12 =	vld.idx.msk [tilespmem:v10+s19+$0x0], $0xffff;
	vm6 =	vgt.f32 v35, v42;
	v14 =	vsel vm2, v20, v23;
	vm7 =	vmand vm7, vm15  }
0x1bf: {  	v13 =	vld.idx.msk [tilespmem:v10+s20+$0x0], $0xffff;
	v32 =	vsel vm2, v32, v34;
	vm15 =	vlt.s32 v51, v57;
	vm2 =	vmor vm6, vm7  }
0x1c0: {  	v33 =	vld.idx.msk [tilespmem:v17+s20+$0x0], $0xffff;
	vm6 =	vmor vm14, vm9;
	vm7 =	veq.f32 v50, v56;
	vm14 =	vlt.s32 v22, v43  }
0x1c1: {  	v18 =	vld.idx.msk [tilespmem:v17+s19+$0x0], $0xffff;
	v35 =	vsel vm2, v35, v42;
	v36 =	vsel vm2, v36, v44;
	v23 =	vsel vm6, v41, v45  }
0x1c2: {  	v20 =	vld.idx.msk [tilespmem:v19+s19+$0x0], $0xffff;
	vm2 =	vgt.f32 v50, v56;
	vm7 =	vmand vm7, vm15;
	v47 =	vsel vm6, v47, v49  }
0x1c3: {  	v41 =	vld.idx.msk [tilespmem:v30+s19+$0x0], $0xffff;
	vm15 =	vlt.s32 v7, v32;
	vm2 =	vmor vm2, vm7;
	vm7 =	vgt.f32 v58, v1  }
0x1c4: {  	vm12 =	veq.f32 v35, v23;
	vm13 =	vlt.s32 v36, v47;
	v56 =	vsel vm2, v50, v56  }
0x1c5: {  	v48 =	vld [tilespmem:$0x1FA80];
	vm6 =	vmor vm7, vm8;
	v57 =	vsel vm2, v51, v57;
	vm7 =	vlt.s32 v13, v33  }
0x1c6: {  	v4 =	vld [tilespmem:$0x1FEE0];
	v0 =	vsel vm6, v58, v1;
	v1 =	vsel vm6, v59, v61;
	vm6 =	veq.f32 v12, v18  }
0x1c7: {  	v8 =	vld [tilespmem:$0x1FED0];
	vm2 =	vgt.f32 v12, v18;
	vm9 =	vmand vm12, vm13;
	vm6 =	vmand vm6, vm7  }
0x1c8: {  	v60 =	vld [tilespmem:$0x1FAE0];
	vm7 =	veq.f32 v20, v41;
	vm2 =	vmor vm2, vm6;
	vm6 =	vgt.f32 v20, v41  }
0x1c9: {  	v46 =	vld [tilespmem:$0x1FA60];
	vm7 =	vmand vm7, vm14;
	v31 =	vsel vm2, v12, v18;
	v11 =	vsel vm2, v13, v33  }
0x1ca: {  	v10 =	vld [tilespmem:$0x1FDB0];
	vm14 =	vgt.f32 v35, v23;
	vm2 =	vmor vm6, vm7;
	vm7 =	veq.f32 v5, v14  }
0x1cb: {  	v28 =	vld [tilespmem:$0x1F9D0];
	vm6 =	vgt.f32 v5, v14;
	v12 =	vsel vm2, v20, v41;
	vm7 =	vmand vm7, vm15  }
0x1cc: {  	v37 =	vld [tilespmem:$0x1FA40];
	v34 =	vsel vm2, v22, v43;
	vm15 =	vlt.s32 v57, v1;
	vm2 =	vmor vm6, vm7  }
0x1cd: {  	v21 =	vld [tilespmem:$0x1F9A0];
	vm6 =	vmor vm14, vm9;
	vm7 =	veq.f32 v56, v0;
	vm12 =	veq.f32 v31, v12  }
0x1ce: {  	v30 =	vld [tilespmem:$0x1F9E0];
	vm13 =	vlt.s32 v11, v34;
	v5 =	vsel vm2, v5, v14;
	v7 =	vsel vm2, v7, v32  }
0x1cf: {  	v44 =	vld [tilespmem:$0x1FA50];
	v13 =	vsel vm6, v35, v23;
	vm2 =	vgt.f32 v56, v0;
	vm7 =	vmand vm7, vm15  }
0x1d0: {  	v49 =	vld [tilespmem:$0x1FA90];
	vm8 =	vmand vm12, vm13;
	vm2 =	vmor vm2, vm7;
	vm7 =	vgt.f32 v31, v12  }
0x1d1: {  	v50 =	vld [tilespmem:$0x1FAA0];
	v14 =	vsel vm6, v36, v47;
	v17 =	vsel vm2, v56, v0;
	vm6 =	vmor vm7, vm8  }
0x1d2: {  	v33 =	vld [tilespmem:$0x1FA10];
	v18 =	vsel vm2, v57, v1;
	vm2 =	vgt.f32 v5, v13;
	vm7 =	vlt.s32 v7, v14  }
0x1d3: {  	v22 =	vld [tilespmem:$0x1F9B0];
	v31 =	vsel vm6, v31, v12;
	v11 =	vsel vm6, v11, v34;
	vm6 =	veq.f32 v5, v13  }
0x1d4: {  	v43 =	vld [tilespmem:$0x1FDD0];
	vm6 =	vmand vm6, vm7;
	vm7 =	veq.f32 v17, v31;
	vm14 =	vlt.s32 v18, v11  }
0x1d5: {  	v41 =	vld [tilespmem:$0x1FDC0];
	vm2 =	vmor vm2, vm6;
	vm6 =	vgt.f32 v17, v31;
	vm7 =	vmand vm7, vm14  }
0x1d6: {  	v23 =	vld [tilespmem:$0x1F9C0];
	v5 =	vsel vm2, v5, v13;
	vm6 =	vmor vm6, vm7  }
0x1d7: {  	v35 =	vld [tilespmem:$0x1FDE0];
	v7 =	vsel vm2, v7, v14;
	v19 =	vsel vm6, v17, v31;
	v11 =	vsel vm6, v18, v11  }
0x1d8: {  	v32 =	vld [tilespmem:$0x1FA00];
	vm2 =	veq.f32 v5, v19;
	vm6 =	vlt.s32 v7, v11  }
0x1d9: {  	v36 =	vld [tilespmem:$0x1FA30];
	vm7 =	vgt.f32 v5, v19;
	vm2 =	vmand vm2, vm6  }
0x1da: {  	v31 =	vld [tilespmem:$0x1F9F0];
	vm2 =	vmor vm7, vm2  }
0x1db: {  	v20 =	vlaneseq.u32;
	v19 =	vld [tilespmem:$0x1FE10];
	v56 =	vsel vm2, v7, v11  }
0x1dc: {  	v47 =	vld [tilespmem:$0x1FA70];
	vm2 =	veq.s32 v56, v20  }
0x1dd: {  	v34 =	vld [tilespmem:$0x1FA20];
	v0 =	vsel vm2, $0xFF800000, v21;
	vm2 =	veq.s32 v56, v43  }
0x1de: {  	v42 =	vsel vm2, $0xFF800000, v23;
	vm2 =	veq.s32 v56, v41;
	v23 =	vld [tilespmem:$0x1FDF0]  }
0x1df: {  	v18 =	vld [tilespmem:$0x1FE00];
	vm6 =	veq.s32 v56, v10;
	v1 =	vsel vm2, $0xFF800000, v28;
	vm2 =	veq.s32 v56, v35  }
0x1e0: {  	v45 =	vsel vm6, $0xFF800000, v22;
	v22 =	vld [tilespmem:$0x1FE30];
	v3 =	vsel vm2, $0xFF800000, v31;
	vm2 =	veq.s32 v56, v19  }
0x1e1: {  	[tilespmem:$0x1FBF0] =	vst v3;
	v3 =	vsel vm2, $0xFF800000, v32;
	v32 =	vld [tilespmem:$0x1FE20]  }
0x1e2: {  	v12 =	vld [tilespmem:$0x1FE40]  }
0x1e3: {  	v20 =	vld [tilespmem:$0x1FE60];
	vm6 =	veq.s32 v56, v23  }
0x1e4: {  	v31 =	vld [tilespmem:$0x1FE70];
	v17 =	vsel vm6, $0xFF800000, v30;
	vm6 =	veq.s32 v56, v18  }
0x1e5: {  	v57 =	vld [tilespmem:$0x1FAC0];
	[tilespmem:$0x1FC00] =	vst v3;
	vm2 =	veq.s32 v56, v22;
	v3 =	vsel vm6, $0xFF800000, v33  }
0x1e6: {  	v7 =	vld [tilespmem:$0x1FEC0];
	[tilespmem:$0x1FC10] =	vst v3;
	v3 =	vsel vm2, $0xFF800000, v34;
	vm2 =	veq.s32 v56, v32  }
0x1e7: {  	vm6 =	veq.s32 v56, v26;
	v34 =	vld [tilespmem:$0x1FE90];
	[tilespmem:$0x1FC20] =	vst v3;
	v3 =	vsel vm2, $0xFF800000, v36  }
0x1e8: {  	vm2 =	veq.s32 v56, v12;
	v36 =	vld [tilespmem:$0x1FE80];
	[tilespmem:$0x1FC30] =	vst v3;
	v3 =	vsel vm6, $0xFF800000, v37  }
0x1e9: {  	v51 =	vld [tilespmem:$0x1FAB0];
	v44 =	vsel vm2, $0xFF800000, v44;
	vm2 =	veq.s32 v56, v31;
	vm6 =	veq.s32 v56, v20  }
0x1ea: {  	v58 =	vld [tilespmem:$0x1FAD0];
	[tilespmem:$0x1FC40] =	vst v3;
	v3 =	vsel vm2, $0xFF800000, v46;
	v63 =	vsel vm6, $0xFF800000, v47;
	vm6 =	veq.s32 v56, v39  }
0x1eb: {  	v13 =	vld [tilespmem:$0x1FEF0];
	[tilespmem:$0x1FC60] =	vst v3;
	v3 =	vsel vm6, $0xFF800000, v49;
	vm6 =	veq.s32 v56, v7  }
0x1ec: {  	v61 =	vld [tilespmem:$0x1FAF0];
	vm2 =	veq.s32 v56, v34;
	v28 =	vsel vm6, $0xFF800000, v57  }
0x1ed: {  	v14 =	vmovc v26;
	[tilespmem:$0x1FCA0] =	vst v3;
	vm6 =	veq.s32 v56, v52;
	v3 =	vld [tilespmem:$0x1FF00];
	v26 =	vsel vm2, $0xFF800000, v24;
	vm2 =	veq.s32 v56, v36  }
0x1ee: {  	v24 =	vsel vm2, $0xFF800000, v48;
	vm2 =	veq.s32 v56, v38;
	v48 =	vsel vm6, $0xFF800000, v6;
	v6 =	vld [tilespmem:$0x1FF30]  }
0x1ef: {  	v62 =	vld [tilespmem:$0x1FB00];
	v59 =	vsel vm2, $0xFF800000, v50;
	vm2 =	veq.s32 v56, v8  }
0x1f0: {  	v30 =	vsel vm2, $0xFF800000, v51;
	vm2 =	veq.s32 v56, v13  }
0x1f1: {  	v58 =	vsel vm2, $0xFF800000, v58;
	vm2 =	veq.s32 v56, v4  }
0x1f2: {  	v51 =	vsel vm2, $0xFF800000, v60;
	vm2 =	veq.s32 v56, v3  }
0x1f3: {  	v46 =	vsel vm2, $0xFF800000, v61;
	vm2 =	veq.s32 v56, v6  }
0x1f4: {  	v5 =	vld [tilespmem:$0x1FF20];
	v50 =	vsel vm2, $0xFF800000, v62;
	vm2 =	veq.s32 v56, v15  }
0x1f5: {  	v9 =	vmov v52;
	v52 =	vsel vm2, $0xFF800000, v27;
	v27 =	vld [tilespmem:$0x1FF70];
	_ =	sdelay $0x3  }
0x1f6: {  	v11 =	vld [tilespmem:$0x1FF40];
	vm6 =	veq.s32 v56, v5  }
0x1f7: {  	v21 =	vmov v15;
	v47 =	vsel vm6, $0xFF800000, v25;
	v15 =	vld [tilespmem:$0x1FB10];
	vm6 =	veq.s32 v56, v27  }
0x1f8: {  	v60 =	vsel vm6, $0xFF800000, v16;
	v16 =	vld [tilespmem:$0x1FF60]  }
0x1f9: {  	v33 =	vld [tilespmem:$0x1FB20]  }
0x1fa: {  	v25 =	vld [tilespmem:$0x1FF80];
	_ =	sdelay $0x1  }
0x1fb: {  	vm2 =	veq.s32 v56, v11  }
0x1fc: {  	v49 =	vsel vm2, $0xFF800000, v15;
	vm2 =	veq.s32 v56, v16  }
0x1fd: {  	v57 =	vsel vm2, $0xFF800000, v33;
	v33 =	vld [tilespmem:$0x1FF90]  }
0x1fe: {  	v37 =	vld [tilespmem:$0x1FB30];
	vm6 =	veq.s32 v56, v25  }
0x1ff: {  	v61 =	vsel vm6, $0xFF800000, v53;
	v53 =	vld [tilespmem:$0x1FB40];
	_ =	sdelay $0x2  }
0x200: {  	vm2 =	veq.s32 v56, v33  }
0x201: {  	v62 =	vsel vm2, $0xFF800000, v37;
	vm2 =	veq.s32 v56, v29  }
0x202: {  	v37 =	vmov v29;
	v29 =	vld [tilespmem:$0x1FFA0];
	v15 =	vsel vm2, $0xFF800000, v53  }
0x203: {  	[tilespmem:$0x1FB70] =	vst v15;
	v15 =	vld [tilespmem:$0x1FB50];
	_ =	sdelay $0x3  }
0x204: {  	v53 =	vld [tilespmem:$0x1FFD0];
	vm2 =	veq.s32 v56, v29  }
0x205: {  	v15 =	vsel vm2, $0xFF800000, v15  }
0x206: {  	[tilespmem:$0x1FD90] =	vst v15;
	v15 =	vld [tilespmem:$0x1FB60];
	_ =	sdelay $0x2  }
0x207: {  	[tilespmem:$0x1FBB0] =	vst v45;
	vm6 =	veq.s32 v56, v53  }
0x208: {  	[tilespmem:$0x1FBD0] =	vst v1;
	v2 =	vsel vm6, $0xFF800000, v2;
	vm2 =	veq.s32 v56, v40;
	vm6 =	vge.f32 v42, v1  }
0x209: {  	[tilespmem:$0x1FB80] =	vst v2;
	v2 =	vsel vm2, $0xFF800000, v15;
	vm2 =	vge.f32 v0, v45;
	v15 =	vlaneseq.u32  }
0x20a: {  	[tilespmem:$0x1FB90] =	vst v2;
	v2 =	vsel vm2, v0, v45;
	v45 =	vsel vm2, v15, v10;
	v10 =	vsel vm6, v42, v1;
	v1 =	vld [tilespmem:$0x1FC10]  }
0x20b: {  	[tilespmem:$0x1FBA0] =	vst v0;
	v0 =	vld [tilespmem:$0x1FC00]  }
0x20c: {  	[tilespmem:$0x1FBC0] =	vst v42;
	v42 =	vsel vm6, v43, v41;
	v43 =	vld [tilespmem:$0x1FBF0];
	_ =	sdelay $0x3  }
0x20d: {  	vm6 =	vge.f32 v0, v1  }
0x20e: {  	vm2 =	vge.f32 v17, v43;
	v41 =	vsel vm6, v19, v18;
	v19 =	vld [tilespmem:$0x1FC20]  }
0x20f: {  	[tilespmem:$0x1FBE0] =	vst v17;
	v15 =	vsel vm2, v17, v43;
	v17 =	vsel vm6, v0, v1;
	v0 =	vld [tilespmem:$0x1FC30]  }
0x210: {  	v43 =	vsel vm2, v23, v35;
	v23 =	vld [tilespmem:$0x1FC40];
	_ =	sdelay $0x4  }
0x211: {  	v35 =	vmov v44;
	vm2 =	vge.f32 v19, v0;
	vm6 =	vge.f32 v23, v44  }
0x212: {  	[tilespmem:$0x1FC50] =	vst v44;
	v44 =	vsel vm2, v22, v32;
	v22 =	vsel vm6, v23, v35;
	v23 =	vsel vm6, v14, v12;
	v12 =	vld [tilespmem:$0x1FC60]  }
0x213: {  	v18 =	vld [tilespmem:$0x1FCA0];
	_ =	sdelay $0x1  }
0x214: {  	[tilespmem:$0x1FC70] =	vst v63  }
0x215: {  	[tilespmem:$0x1FCC0] =	vst v28;
	v14 =	vmov v24;
	vm6 =	vge.f32 v26, v24  }
0x216: {  	[tilespmem:$0x1FC80] =	vst v26;
	v19 =	vsel vm2, v19, v0;
	v26 =	vsel vm6, v26, v14;
	vm2 =	vge.f32 v12, v63  }
0x217: {  	[tilespmem:$0x1FC90] =	vst v24;
	v24 =	vsel vm2, v12, v63;
	v63 =	vsel vm2, v31, v20;
	vm2 =	vge.f32 v18, v59  }
0x218: {  	v20 =	vsel vm6, v34, v36;
	v34 =	vmovc v28;
	vm6 =	vge.f32 v30, v28;
	v28 =	vsel vm2, v18, v59  }
0x219: {  	v35 =	vmovc v30;
	v12 =	vsel vm2, v39, v38;
	v30 =	vsel vm6, v30, v34;
	vm2 =	vge.f32 v58, v51  }
0x21a: {  	[tilespmem:$0x1FCF0] =	vst v48;
	v31 =	vsel vm6, v8, v7;
	vm6 =	vge.f32 v48, v46;
	v32 =	vsel vm2, v58, v51  }
0x21b: {  	v38 =	vmovc v39;
	v7 =	vsel vm2, v13, v4;
	v34 =	vsel vm6, v48, v46;
	vm2 =	vge.f32 v50, v47  }
0x21c: {  	v39 =	vmovc v35;
	v35 =	vsel vm6, v9, v3;
	vm6 =	vge.f32 v2, v10;
	v36 =	vsel vm2, v50, v47  }
0x21d: {  	[tilespmem:$0x1FCB0] =	vst v59;
	v2 =	vsel vm6, v2, v10;
	v10 =	vsel vm2, v6, v5;
	vm2 =	vge.f32 v52, v49  }
0x21e: {  	[tilespmem:$0x1FD20] =	vst v47;
	v3 =	vsel vm6, v45, v42;
	vm6 =	vge.f32 v15, v17;
	v9 =	vsel vm2, v52, v49  }
0x21f: {  	[tilespmem:$0x1FD00] =	vst v46;
	v15 =	vsel vm6, v15, v17;
	v45 =	vsel vm2, v21, v11;
	vm2 =	vge.f32 v60, v57  }
0x220: {  	[tilespmem:$0x1FD10] =	vst v50;
	v59 =	vld [tilespmem:$0x1FB70];
	v4 =	vsel vm6, v43, v41;
	vm6 =	vge.f32 v19, v22;
	v46 =	vsel vm2, v60, v57  }
0x221: {  	[tilespmem:$0x1FD40] =	vst v49;
	v50 =	vld [tilespmem:$0x1FD90];
	v19 =	vsel vm6, v19, v22;
	v47 =	vsel vm2, v27, v16;
	vm2 =	vge.f32 v62, v61  }
0x222: {  	[tilespmem:$0x1FD50] =	vst v60;
	v5 =	vsel vm6, v44, v23;
	vm6 =	vge.f32 v24, v26;
	v60 =	vld [tilespmem:$0x1FB80];
	vm7 =	vge.f32 v36, v9  }
0x223: {  	[tilespmem:$0x1FD80] =	vst v61;
	v48 =	vsel vm2, v62, v61;
	v24 =	vsel vm6, v24, v26;
	v49 =	vsel vm2, v33, v25;
	v61 =	vld [tilespmem:$0x1FB90]  }
0x224: {  	[tilespmem:$0x1FCE0] =	vst v51;
	v51 =	vsel vm6, v63, v20;
	vm6 =	vge.f32 v28, v30;
	v14 =	vsel vm7, v36, v9  }
0x225: {  	[tilespmem:$0x1FD70] =	vst v62;
	v10 =	vsel vm7, v10, v45;
	v62 =	vimm.s32 $0x1;
	v28 =	vsel vm6, v28, v30  }
0x226: {  	v41 =	vsel vm6, v12, v31;
	vm6 =	vge.f32 v32, v34;
	vm2 =	vge.f32 v59, v50  }
0x227: {  	v32 =	vsel vm6, v32, v34;
	v44 =	vsel vm6, v7, v35;
	vm6 =	vge.f32 v2, v15  }
0x228: {  	[tilespmem:$0x1FD30] =	vst v52;
	v52 =	vsel vm2, v59, v50;
	v6 =	vsel vm2, v37, v29;
	vm2 =	vge.f32 v60, v61  }
0x229: {  	v42 =	vsel vm2, v60, v61;
	v43 =	vsel vm2, v53, v40;
	vm2 =	vge.f32 v46, v48  }
0x22a: {  	v2 =	vsel vm6, v2, v15;
	vm7 =	vge.f32 v28, v32;
	v45 =	vsel vm2, v46, v48  }
0x22b: {  	v46 =	vsel vm2, v47, v49;
	vm2 =	vge.f32 v19, v24;
	vm15 =	vge.f32 v14, v45  }
0x22c: {  	v48 =	vsel vm7, v28, v32;
	v47 =	vsel vm2, v19, v24;
	v14 =	vsel vm15, v14, v45  }
0x22d: {  	v50 =	vsel vm6, v3, v4;
	vm13 =	vge.f32 v2, v47;
	vm14 =	vge.f32 v48, v14  }
0x22e: {  	vm12 =	vge.f32 v52, v42;
	v2 =	vsel vm13, v2, v47;
	v14 =	vsel vm14, v48, v14  }
0x22f: {  	v49 =	vsel vm12, v52, v42;
	v51 =	vsel vm2, v5, v51;
	vm2 =	vge.f32 v2, v14  }
0x230: {  	v52 =	vsel vm7, v41, v44;
	v10 =	vsel vm15, v10, v46;
	v2 =	vsel vm2, v2, v14  }
0x231: {  	v0 =	vmovc v37;
	v9 =	vsel vm13, v50, v51;
	v10 =	vsel vm14, v52, v10;
	vm6 =	vge.f32 v2, v49  }
0x232: {  	v37 =	vmovc v53;
	v53 =	vsel vm12, v6, v43;
	v9 =	vsel vm2, v9, v10;
	v2 =	vsel vm6, v2, v49  }
0x233: {  	v9 =	vsel vm6, v9, v53;
	[tilespmem:$0x300] =	vst v2  }
0x234: {  	v6 =	vimm.s32 $0x2;
	[tilespmem:$0x380] =	vst v9  }
0x235: {  	v2 =	vld.msk [tilespmem:s19+$0x0], $0xffff  }
0x236: {  	v12 =	vimm.s32 $0x3;
	v9 =	vld.msk [tilespmem:s20+$0x0], $0xffff  }
0x237: {  	v10 =	vld.idx.msk [tilespmem:v62+s19+$0x0], $0xffff  }
0x238: {  	[tilespmem:$0x1FCD0] =	vst v58;
	v58 =	vmov v40;
	v40 =	vimm.s32 $0x4;
	v63 =	vld.idx.msk [tilespmem:v62+s20+$0x0], $0xffff  }
0x239: {  	v7 =	vld.idx.msk [tilespmem:v6+s19+$0x0], $0xffff  }
0x23a: {  	v41 =	vimm.s32 $0x5;
	v16 =	vld.idx.msk [tilespmem:v6+s20+$0x0], $0xffff  }
0x23b: {  	v13 =	vld.idx.msk [tilespmem:v12+s19+$0x0], $0xffff  }
0x23c: {  	v42 =	vimm.s32 $0x6;
	v18 =	vld.idx.msk [tilespmem:v12+s20+$0x0], $0xffff  }
0x23d: {  	v43 =	vimm.s32 $0x7;
	v19 =	vld.idx.msk [tilespmem:v40+s19+$0x0], $0xffff  }
0x23e: {  	v20 =	vld.idx.msk [tilespmem:v40+s20+$0x0], $0xffff  }
0x23f: {  	v22 =	vld.idx.msk [tilespmem:v41+s19+$0x0], $0xffff  }
0x240: {  	v45 =	vimm.s32 $0x8;
	v23 =	vld.idx.msk [tilespmem:v41+s20+$0x0], $0xffff  }
0x241: {  	v25 =	vld.idx.msk [tilespmem:v42+s20+$0x0], $0xffff  }
0x242: {  	v21 =	vmov v27;
	v46 =	vimm.s32 $0x9;
	v27 =	vld.idx.msk [tilespmem:v43+s20+$0x0], $0xffff  }
0x243: {  	v48 =	vimm.s32 $0xA;
	v24 =	vld.idx.msk [tilespmem:v42+s19+$0x0], $0xffff  }
0x244: {  	v50 =	vimm.s32 $0xB;
	v44 =	vld.idx.msk [tilespmem:v43+s19+$0x0], $0xffff  }
0x245: {  	[tilespmem:$0x1FD60] =	vst v57;
	v57 =	vmovc v29;
	v53 =	vimm.s32 $0xC;
	v28 =	vld.idx.msk [tilespmem:v45+s19+$0x0], $0xffff;
	v40 =	vimm.s32 $0xE;
	vm2 =	vgt.f32 v2, v10  }
0x246: {  	v29 =	vld.idx.msk [tilespmem:v45+s20+$0x0], $0xffff;
	vm6 =	veq.f32 v2, v10;
	vm7 =	vlt.s32 v9, v63;
	vm15 =	vlt.s32 v16, v18  }
0x247: {  	v31 =	vld.idx.msk [tilespmem:v46+s20+$0x0], $0xffff;
	vm12 =	vlt.s32 v25, v27;
	vm6 =	vmand vm6, vm7;
	vm7 =	veq.f32 v7, v13  }
0x248: {  	v49 =	vld.idx.msk [tilespmem:v48+s19+$0x0], $0xffff;
	vm2 =	vmor vm2, vm6;
	vm6 =	vgt.f32 v7, v13;
	vm7 =	vmand vm7, vm15  }
0x249: {  	v1 =	vmovc v33;
	v33 =	vld.idx.msk [tilespmem:v48+s20+$0x0], $0xffff;
	v2 =	vsel vm2, v2, v10;
	v9 =	vsel vm2, v9, v63;
	vm2 =	vmor vm6, vm7  }
0x24a: {  	v51 =	vld.idx.msk [tilespmem:v50+s19+$0x0], $0xffff;
	vm6 =	veq.f32 v19, v22;
	vm7 =	vlt.s32 v20, v23;
	v6 =	vsel vm2, v7, v13  }
0x24b: {  	v52 =	vld.idx.msk [tilespmem:v50+s20+$0x0], $0xffff;
	v7 =	vimm.s32 $0xD;
	vm6 =	vmand vm6, vm7;
	vm7 =	veq.f32 v24, v44  }
0x24c: {  	v47 =	vld.idx.msk [tilespmem:v46+s19+$0x0], $0xffff;
	vm13 =	vgt.f32 v19, v22;
	vm14 =	vgt.f32 v24, v44;
	vm7 =	vmand vm7, vm12  }
0x24d: {  	v62 =	vld.idx.msk [tilespmem:v53+s19+$0x0], $0xffff;
	v16 =	vsel vm2, v16, v18;
	vm2 =	vmor vm13, vm6;
	vm6 =	vmor vm14, vm7  }
0x24e: {  	v41 =	vld.idx.msk [tilespmem:v40+s19+$0x0], $0xffff;
	v43 =	vsel vm6, v24, v44;
	v44 =	vimm.s32 $0xF  }
0x24f: {  	v63 =	vld.idx.msk [tilespmem:v53+s20+$0x0], $0xffff  }
0x250: {  	vm15 =	vlt.s32 v29, v31;
	vm12 =	veq.f32 v49, v51;
	vm13 =	vlt.s32 v33, v52;
	v8 =	vld.idx.msk [tilespmem:v7+s19+$0x0], $0xffff  }
0x251: {  	v19 =	vsel vm2, v19, v22;
	v20 =	vsel vm2, v20, v23;
	vm7 =	veq.f32 v28, v47;
	v11 =	vld.idx.msk [tilespmem:v7+s20+$0x0], $0xffff  }
0x252: {  	v42 =	vld.idx.msk [tilespmem:v40+s20+$0x0], $0xffff;
	vm2 =	vgt.f32 v28, v47;
	vm14 =	vgt.f32 v49, v51;
	vm7 =	vmand vm7, vm15  }
0x253: {  	v25 =	vsel vm6, v25, v27;
	vm2 =	vmor vm2, vm7;
	vm7 =	vmand vm12, vm13;
	v45 =	vld.idx.msk [tilespmem:v44+s19+$0x0], $0xffff  }
0x254: {  	vm12 =	vlt.s32 v20, v25;
	vm6 =	vmor vm14, vm7;
	v46 =	vld.idx.msk [tilespmem:v44+s20+$0x0], $0xffff  }
0x255: {  	vm13 =	vgt.f32 v2, v6;
	v47 =	vsel vm2, v28, v47;
	v49 =	vsel vm6, v49, v51  }
0x256: {  	v17 =	vld [tilespmem:$0x1FDC0];
	v50 =	vsel vm6, v33, v52;
	vm6 =	veq.f32 v62, v8;
	vm7 =	vlt.s32 v63, v11  }
0x257: {  	v36 =	vld [tilespmem:$0x1FC30];
	v48 =	vsel vm2, v29, v31;
	vm2 =	vgt.f32 v62, v8;
	vm6 =	vmand vm6, vm7  }
0x258: {  	v30 =	vld [tilespmem:$0x1FBF0];
	vm14 =	vgt.f32 v19, v43;
	vm2 =	vmor vm2, vm6;
	vm7 =	veq.f32 v41, v45  }
0x259: {  	v34 =	vld [tilespmem:$0x1FC10];
	vm15 =	vlt.s32 v42, v46;
	v15 =	vsel vm2, v62, v8;
	v10 =	vsel vm2, v63, v11  }
0x25a: {  	v35 =	vld [tilespmem:$0x1FC20];
	vm6 =	vmand vm7, vm15;
	vm7 =	vgt.f32 v41, v45;
	vm15 =	vlt.s32 v48, v50  }
0x25b: {  	v32 =	vld [tilespmem:$0x1FC00];
	vm2 =	vmor vm7, vm6;
	vm6 =	veq.f32 v2, v6;
	vm7 =	vlt.s32 v9, v16  }
0x25c: {  	v40 =	vld [tilespmem:$0x1FC40];
	v51 =	vsel vm2, v41, v45;
	vm6 =	vmand vm6, vm7;
	vm7 =	veq.f32 v19, v43  }
0x25d: {  	v23 =	vld [tilespmem:$0x1FBB0];
	v52 =	vsel vm2, v42, v46;
	vm7 =	vmand vm7, vm12;
	vm2 =	vmor vm13, vm6  }
0x25e: {  	v22 =	vld [tilespmem:$0x1FCA0];
	vm12 =	veq.f32 v15, v51;
	vm13 =	vlt.s32 v10, v52;
	vm6 =	vmor vm14, vm7  }
0x25f: {  	v27 =	vld [tilespmem:$0x1FBD0];
	v2 =	vsel vm2, v2, v6;
	v9 =	vsel vm2, v9, v16;
	vm7 =	veq.f32 v47, v49  }
0x260: {  	v29 =	vld [tilespmem:$0x1FBE0];
	vm2 =	vgt.f32 v47, v49;
	vm14 =	vgt.f32 v15, v51;
	vm7 =	vmand vm7, vm15  }
0x261: {  	v44 =	vld [tilespmem:$0x1FE40];
	v53 =	vsel vm6, v19, v43;
	vm2 =	vmor vm2, vm7;
	vm7 =	vmand vm12, vm13  }
0x262: {  	v45 =	vld [tilespmem:$0x1FE50];
	v62 =	vsel vm6, v20, v25;
	v63 =	vsel vm2, v47, v49;
	vm6 =	vmor vm14, vm7  }
0x263: {  	v41 =	vld [tilespmem:$0x1FC50];
	v4 =	vsel vm2, v48, v50;
	vm2 =	vgt.f32 v2, v53;
	vm7 =	vlt.s32 v9, v62  }
0x264: {  	v42 =	vld [tilespmem:$0x1FC60];
	v15 =	vsel vm6, v15, v51;
	v10 =	vsel vm6, v10, v52;
	vm6 =	veq.f32 v2, v53  }
0x265: {  	v46 =	vld [tilespmem:$0x1FC80];
	vm6 =	vmand vm6, vm7;
	vm7 =	veq.f32 v63, v15;
	vm15 =	vlt.s32 v4, v10  }
0x266: {  	v6 =	vld [tilespmem:$0x1FBA0];
	vm2 =	vmor vm2, vm6;
	vm6 =	vmand vm7, vm15;
	vm7 =	vgt.f32 v63, v15  }
0x267: {  	v20 =	vld [tilespmem:$0x1FDB0];
	v2 =	vsel vm2, v2, v53;
	vm6 =	vmor vm7, vm6  }
0x268: {  	v19 =	vld [tilespmem:$0x1FDD0];
	v9 =	vsel vm2, v9, v62;
	v5 =	vsel vm6, v63, v15;
	v10 =	vsel vm6, v4, v10  }
0x269: {  	v52 =	vld [tilespmem:$0x1FDE0];
	vm2 =	veq.f32 v2, v5;
	vm6 =	vlt.s32 v9, v10  }
0x26a: {  	v50 =	vld [tilespmem:$0x1FE70];
	vm7 =	vgt.f32 v2, v5;
	vm2 =	vmand vm2, vm6  }
0x26b: {  	v53 =	vld [tilespmem:$0x1FDF0];
	vm2 =	vmor vm7, vm2  }
0x26c: {  	v18 =	vlaneseq.u32;
	v63 =	vld [tilespmem:$0x1FE30];
	v2 =	vsel vm2, v9, v10  }
0x26d: {  	v51 =	vld [tilespmem:$0x1FE10];
	vm2 =	veq.s32 v2, v18  }
0x26e: {  	v25 =	vld [tilespmem:$0x1FBC0];
	vm6 =	veq.s32 v2, v17;
	vm7 =	veq.s32 v2, v52;
	vm12 =	veq.s32 v2, v45  }
0x26f: {  	v49 =	vld [tilespmem:$0x1FE00];
	vm13 =	veq.s32 v2, v44;
	vm14 =	veq.s32 v2, v50;
	v7 =	vsel vm2, $0xFF800000, v6  }
0x270: {  	v62 =	vld [tilespmem:$0x1FE20];
	vm2 =	veq.s32 v2, v20;
	v28 =	vsel vm6, $0xFF800000, v27;
	vm6 =	veq.s32 v2, v53  }
0x271: {  	v47 =	vld [tilespmem:$0x1FE90];
	v31 =	vsel vm7, $0xFF800000, v30;
	vm7 =	veq.s32 v2, v63;
	v24 =	vsel vm2, $0xFF800000, v23  }
0x272: {  	v16 =	vld [tilespmem:$0x1FC90];
	vm2 =	veq.s32 v2, v19;
	v3 =	vsel vm6, $0xFF800000, v29;
	vm6 =	veq.s32 v2, v51  }
0x273: {  	v48 =	vld [tilespmem:$0x1FE60];
	v6 =	vsel vm7, $0xFF800000, v35;
	v26 =	vsel vm2, $0xFF800000, v25;
	vm2 =	vge.f32 v7, v24  }
0x274: {  	v43 =	vld [tilespmem:$0x1FC70];
	v33 =	vsel vm6, $0xFF800000, v32;
	vm6 =	veq.s32 v2, v49;
	v9 =	vsel vm2, v7, v24  }
0x275: {  	v23 =	vld [tilespmem:$0x1FCB0];
	vm15 =	vge.f32 v26, v28;
	v4 =	vsel vm6, $0xFF800000, v34;
	vm6 =	veq.s32 v2, v62  }
0x276: {  	v7 =	vsel vm13, $0xFF800000, v41;
	vm13 =	veq.s32 v2, v47;
	v41 =	vld [tilespmem:$0x1FED0];
	v8 =	vsel vm6, $0xFF800000, v36  }
0x277: {  	v25 =	vld [tilespmem:$0x1FCC0];
	v10 =	vsel vm15, v26, v28;
	v12 =	vsel vm13, $0xFF800000, v46;
	vm6 =	vge.f32 v6, v8  }
0x278: {  	v46 =	vld [tilespmem:$0x1FE80];
	v5 =	vsel vm6, v6, v8;
	v6 =	vsel vm12, $0xFF800000, v40;
	vm12 =	veq.s32 v2, v48  }
0x279: {  	v26 =	vld [tilespmem:$0x1FCD0];
	v8 =	vsel vm14, $0xFF800000, v42;
	v11 =	vsel vm12, $0xFF800000, v43;
	vm11 =	vge.f32 v6, v7  }
0x27a: {  	v42 =	vld [tilespmem:$0x1FEA0];
	vm12 =	veq.s32 v2, v38;
	vm9 =	vge.f32 v8, v11;
	v6 =	vsel vm11, v6, v7  }
0x27b: {  	v40 =	vld [tilespmem:$0x1FEF0];
	v7 =	vsel vm9, v8, v11;
	v11 =	vsel vm12, $0xFF800000, v22;
	vm12 =	veq.s32 v2, v41  }
0x27c: {  	v24 =	vsel vm12, $0xFF800000, v39;
	v39 =	vld [tilespmem:$0x1FEC0]  }
0x27d: {  	v43 =	vmov v38;
	v38 =	vld [tilespmem:$0x1FEE0];
	vm14 =	veq.s32 v2, v46  }
0x27e: {  	v27 =	vld [tilespmem:$0x1FCE0];
	v13 =	vsel vm14, $0xFF800000, v16  }
0x27f: {  	v30 =	vld [tilespmem:$0x1FCF0];
	vm7 =	vge.f32 v3, v31;
	vm10 =	vge.f32 v12, v13  }
0x280: {  	v32 =	vld [tilespmem:$0x1FD10];
	v3 =	vsel vm7, v3, v31;
	vm13 =	veq.s32 v2, v42;
	v8 =	vsel vm10, v12, v13  }
0x281: {  	v31 =	vld [tilespmem:$0x1FD00];
	v12 =	vsel vm13, $0xFF800000, v23;
	vm13 =	veq.s32 v2, v40;
	vm12 =	veq.s32 v2, v39  }
0x282: {  	v15 =	vsel vm13, $0xFF800000, v26;
	v26 =	vld [tilespmem:$0x1FF10];
	v14 =	vsel vm12, $0xFF800000, v25;
	vm12 =	veq.s32 v2, v38  }
0x283: {  	v16 =	vsel vm12, $0xFF800000, v27;
	v27 =	vld [tilespmem:$0x1FF00]  }
0x284: {  	v34 =	vld [tilespmem:$0x1FD30];
	vm8 =	vge.f32 v33, v4;
	v28 =	vsel vm2, v18, v20;
	vm2 =	vge.f32 v9, v10  }
0x285: {  	v29 =	vsel vm15, v19, v17;
	v4 =	vsel vm8, v33, v4;
	v33 =	vld [tilespmem:$0x1FD20];
	v9 =	vsel vm2, v9, v10  }
0x286: {  	v10 =	vsel vm2, v28, v29;
	v28 =	vld [tilespmem:$0x1FF30];
	vm12 =	vge.f32 v11, v12;
	vm13 =	vge.f32 v24, v14  }
0x287: {  	v29 =	vld [tilespmem:$0x1FF20];
	v11 =	vsel vm12, v11, v12;
	v12 =	vsel vm13, v24, v14;
	vm3 =	veq.s32 v2, v26  }
0x288: {  	vm14 =	vge.f32 v15, v16;
	v14 =	vsel vm3, $0xFF800000, v30;
	v30 =	vld [tilespmem:$0x1FF50];
	vm2 =	veq.s32 v2, v27  }
0x289: {  	v13 =	vsel vm14, v15, v16;
	v15 =	vsel vm2, $0xFF800000, v31;
	v31 =	vld [tilespmem:$0x1FF40]  }
0x28a: {  	v35 =	vld [tilespmem:$0x1FD40]  }
0x28b: {  	v36 =	vld [tilespmem:$0x1FD50]  }
0x28c: {  	v25 =	vld [tilespmem:$0x1FD70];
	vm3 =	veq.s32 v2, v29;
	vm2 =	veq.s32 v2, v28  }
0x28d: {  	v17 =	vsel vm3, $0xFF800000, v33;
	v33 =	vld [tilespmem:$0x1FF60];
	v16 =	vsel vm2, $0xFF800000, v32;
	vm2 =	veq.s32 v2, v30  }
0x28e: {  	v24 =	vld [tilespmem:$0x1FD60];
	v18 =	vsel vm2, $0xFF800000, v34;
	vm2 =	veq.s32 v2, v31  }
0x28f: {  	vm3 =	veq.s32 v2, v21;
	v19 =	vsel vm2, $0xFF800000, v35;
	v35 =	vld [tilespmem:$0x1FF80]  }
0x290: {  	v20 =	vsel vm3, $0xFF800000, v36;
	v36 =	vld [tilespmem:$0x1FD80];
	_ =	sdelay $0x1  }
0x291: {  	vm2 =	veq.s32 v2, v33  }
0x292: {  	v32 =	vmov v21;
	v21 =	vsel vm2, $0xFF800000, v24;
	vm2 =	veq.s32 v2, v1  }
0x293: {  	v22 =	vsel vm2, $0xFF800000, v25;
	vm2 =	veq.s32 v2, v0;
	vm3 =	veq.s32 v2, v35  }
0x294: {  	v34 =	vmovc v1;
	v1 =	vsel vm3, $0xFF800000, v36;
	v36 =	vmov v0;
	v0 =	vsel vm2, $0xFF800000, v59;
	v59 =	vld [tilespmem:$0x1FD90]  }
0x295: {  	vm15 =	vge.f32 v3, v4  }
0x296: {  	v3 =	vsel vm15, v3, v4;
	vm3 =	veq.s32 v2, v37  }
0x297: {  	vm2 =	veq.s32 v2, v57;
	v24 =	vsel vm3, $0xFF800000, v60;
	vm3 =	vge.f32 v16, v17  }
0x298: {  	v60 =	vsel vm7, v53, v52;
	vm7 =	vge.f32 v18, v19;
	v52 =	vsel vm9, v50, v48  }
0x299: {  	v53 =	vsel vm10, v47, v46;
	v23 =	vsel vm2, $0xFF800000, v59;
	vm2 =	veq.s32 v2, v58  }
0x29a: {  	v59 =	vsel vm12, v43, v42;
	v25 =	vsel vm2, $0xFF800000, v61;
	vm2 =	vge.f32 v14, v15  }
0x29b: {  	v61 =	vsel vm8, v51, v49;
	vm8 =	vge.f32 v20, v21;
	v49 =	vsel vm6, v63, v62  }
0x29c: {  	v51 =	vsel vm11, v45, v44;
	vm6 =	vge.f32 v22, v1;
	vm11 =	vge.f32 v0, v23  }
0x29d: {  	v63 =	vsel vm3, v28, v29;
	v28 =	vsel vm7, v30, v31;
	v14 =	vsel vm2, v14, v15  }
0x29e: {  	v15 =	vsel vm3, v16, v17;
	v4 =	vsel vm15, v60, v61;
	v16 =	vsel vm7, v18, v19  }
0x29f: {  	v17 =	vsel vm8, v20, v21;
	vm15 =	vge.f32 v5, v6;
	v1 =	vsel vm6, v22, v1  }
0x2a0: {  	v0 =	vsel vm11, v0, v23;
	v60 =	vsel vm13, v41, v39;
	v61 =	vsel vm14, v40, v38  }
0x2a1: {  	v62 =	vsel vm2, v26, v27;
	vm2 =	vge.f32 v24, v25;
	vm3 =	vge.f32 v11, v12  }
0x2a2: {  	v29 =	vsel vm8, v32, v33;
	v30 =	vsel vm6, v34, v35;
	v31 =	vsel vm11, v36, v57  }
0x2a3: {  	v41 =	vimm.s32 $0x1;
	v5 =	vsel vm15, v5, v6;
	v6 =	vsel vm15, v49, v51  }
0x2a4: {  	vm15 =	vge.f32 v7, v8;
	v24 =	vsel vm2, v24, v25;
	v11 =	vsel vm3, v11, v12  }
0x2a5: {  	v19 =	vsel vm3, v59, v60;
	vm3 =	vge.f32 v13, v14;
	vm6 =	vge.f32 v15, v16  }
0x2a6: {  	v32 =	vsel vm2, v37, v58;
	vm2 =	vge.f32 v17, v1;
	v7 =	vsel vm15, v7, v8  }
0x2a7: {  	v8 =	vsel vm15, v52, v53;
	v13 =	vsel vm3, v13, v14;
	v21 =	vsel vm3, v61, v62  }
0x2a8: {  	v15 =	vsel vm6, v15, v16;
	v33 =	vsel vm6, v63, v28;
	vm3 =	vge.f32 v9, v3  }
0x2a9: {  	v1 =	vsel vm2, v17, v1;
	v12 =	vsel vm2, v29, v30;
	v3 =	vsel vm3, v9, v3  }
0x2aa: {  	vm2 =	vge.f32 v5, v7;
	vm6 =	vge.f32 v11, v13;
	vm7 =	vge.f32 v15, v1  }
0x2ab: {  	v5 =	vsel vm2, v5, v7;
	v34 =	vsel vm6, v11, v13;
	v1 =	vsel vm7, v15, v1  }
0x2ac: {  	v4 =	vsel vm3, v10, v4;
	vm3 =	vge.f32 v3, v5;
	vm12 =	vge.f32 v34, v1  }
0x2ad: {  	v6 =	vsel vm2, v6, v8;
	v3 =	vsel vm3, v3, v5;
	v1 =	vsel vm12, v34, v1  }
0x2ae: {  	vm2 =	vge.f32 v0, v24;
	v35 =	vsel vm6, v19, v21;
	vm6 =	vge.f32 v3, v1  }
0x2af: {  	v36 =	vsel vm7, v33, v12;
	v0 =	vsel vm2, v0, v24;
	v1 =	vsel vm6, v3, v1  }
0x2b0: {  	v37 =	vsel vm3, v4, v6;
	v38 =	vsel vm12, v35, v36;
	vm3 =	vge.f32 v1, v0  }
0x2b1: {  	v39 =	vsel vm2, v31, v32;
	v3 =	vsel vm6, v37, v38;
	v0 =	vsel vm3, v1, v0  }
0x2b2: {  	v40 =	vsel vm3, v3, v39;
	[tilespmem:$0x300] =	vst v0  }
0x2b3: {  	v43 =	vimm.s32 $0x2;
	[tilespmem:$0x380] =	vst v40  }
0x2b4: {  	v0 =	vld.msk [tilespmem:s19+$0x0], $0xffff  }
0x2b5: {  	v45 =	vimm.s32 $0x3;
	v1 =	vld.msk [tilespmem:s20+$0x0], $0xffff  }
0x2b6: {  	v42 =	vld.idx.msk [tilespmem:v41+s19+$0x0], $0xffff  }
0x2b7: {  	v47 =	vimm.s32 $0x4;
	v4 =	vld.idx.msk [tilespmem:v41+s20+$0x0], $0xffff  }
0x2b8: {  	v44 =	vld.idx.msk [tilespmem:v43+s19+$0x0], $0xffff  }
0x2b9: {  	v49 =	vimm.s32 $0x5;
	v6 =	vld.idx.msk [tilespmem:v43+s20+$0x0], $0xffff  }
0x2ba: {  	v46 =	vld.idx.msk [tilespmem:v45+s19+$0x0], $0xffff  }
0x2bb: {  	v51 =	vimm.s32 $0x6;
	v8 =	vld.idx.msk [tilespmem:v45+s20+$0x0], $0xffff  }
0x2bc: {  	v48 =	vld.idx.msk [tilespmem:v47+s19+$0x0], $0xffff  }
0x2bd: {  	v53 =	vimm.s32 $0x7;
	v10 =	vld.idx.msk [tilespmem:v47+s20+$0x0], $0xffff  }
0x2be: {  	v50 =	vld.idx.msk [tilespmem:v49+s19+$0x0], $0xffff  }
0x2bf: {  	v58 =	vimm.s32 $0x8;
	v12 =	vld.idx.msk [tilespmem:v49+s20+$0x0], $0xffff  }
0x2c0: {  	v60 =	vimm.s32 $0x9;
	v52 =	vld.idx.msk [tilespmem:v51+s19+$0x0], $0xffff  }
0x2c1: {  	v14 =	vld.idx.msk [tilespmem:v51+s20+$0x0], $0xffff  }
0x2c2: {  	v57 =	vld.idx.msk [tilespmem:v53+s19+$0x0], $0xffff  }
0x2c3: {  	v62 =	vimm.s32 $0xA;
	v16 =	vld.idx.msk [tilespmem:v53+s20+$0x0], $0xffff  }
0x2c4: {  	v59 =	vld.idx.msk [tilespmem:v58+s19+$0x0], $0xffff  }
0x2c5: {  	v28 =	vimm.s32 $0xB;
	v61 =	vld.idx.msk [tilespmem:v60+s19+$0x0], $0xffff  }
0x2c6: {  	v18 =	vld.idx.msk [tilespmem:v58+s20+$0x0], $0xffff  }
0x2c7: {  	v30 =	vimm.s32 $0xC;
	v35 =	vimm.s32 $0xD;
	v20 =	vld.idx.msk [tilespmem:v60+s20+$0x0], $0xffff  }
0x2c8: {  	v37 =	vimm.s32 $0xE;
	v40 =	vimm.s32 $0xF;
	v63 =	vld.idx.msk [tilespmem:v62+s19+$0x0], $0xffff;
	vm2 =	vgt.f32 v0, v42  }
0x2c9: {  	v22 =	vld.idx.msk [tilespmem:v62+s20+$0x0], $0xffff;
	vm3 =	veq.f32 v0, v42;
	vm6 =	vlt.s32 v1, v4;
	vm7 =	vlt.s32 v6, v8  }
0x2ca: {  	v29 =	vld.idx.msk [tilespmem:v28+s19+$0x0], $0xffff;
	vm13 =	vgt.f32 v59, v61;
	vm3 =	vmand vm3, vm6;
	vm6 =	veq.f32 v44, v46  }
0x2cb: {  	v24 =	vld.idx.msk [tilespmem:v28+s20+$0x0], $0xffff;
	vm2 =	vmor vm2, vm3;
	vm3 =	vgt.f32 v44, v46;
	vm6 =	vmand vm6, vm7  }
0x2cc: {  	v31 =	vld.idx.msk [tilespmem:v30+s19+$0x0], $0xffff;
	v0 =	vsel vm2, v0, v42;
	vm3 =	vmor vm3, vm6;
	vm6 =	vlt.s32 v10, v12  }
0x2cd: {  	v32 =	vld.idx.msk [tilespmem:v30+s20+$0x0], $0xffff;
	v33 =	vsel vm3, v44, v46;
	v34 =	vsel vm3, v6, v8;
	vm3 =	veq.f32 v48, v50  }
0x2ce: {  	v36 =	vld.idx.msk [tilespmem:v35+s19+$0x0], $0xffff;
	v1 =	vsel vm2, v1, v4;
	vm2 =	vgt.f32 v48, v50;
	vm3 =	vmand vm3, vm6  }
0x2cf: {  	v39 =	vld.idx.msk [tilespmem:v37+s20+$0x0], $0xffff;
	vm7 =	vlt.s32 v14, v16;
	vm6 =	veq.f32 v52, v57;
	vm2 =	vmor vm2, vm3  }
0x2d0: {  	v42 =	vld.idx.msk [tilespmem:v40+s20+$0x0], $0xffff;
	vm3 =	vgt.f32 v52, v57;
	vm6 =	vmand vm6, vm7;
	vm7 =	vlt.s32 v22, v24  }
0x2d1: {  	v7 =	vld.idx.msk [tilespmem:v35+s20+$0x0], $0xffff;
	v9 =	vsel vm2, v48, v50;
	v10 =	vsel vm2, v10, v12;
	vm2 =	vmor vm3, vm6  }
0x2d2: {  	v38 =	vld.idx.msk [tilespmem:v37+s19+$0x0], $0xffff;
	vm3 =	veq.f32 v59, v61;
	vm6 =	vlt.s32 v18, v20;
	v13 =	vsel vm2, v52, v57  }
0x2d3: {  	v41 =	vld.idx.msk [tilespmem:v40+s19+$0x0], $0xffff;
	vm3 =	vmand vm3, vm6;
	vm6 =	veq.f32 v63, v29;
	v14 =	vsel vm2, v14, v16  }
0x2d4: {  	vm6 =	vmand vm6, vm7;
	vm7 =	vgt.f32 v63, v29;
	vm2 =	vmor vm13, vm3  }
0x2d5: {  	vm14 =	vlt.s32 v39, v42;
	vm3 =	vmor vm7, vm6;
	v43 =	vsel vm2, v59, v61  }
0x2d6: {  	v44 =	vsel vm2, v18, v20;
	vm6 =	veq.f32 v31, v36;
	vm7 =	vlt.s32 v32, v7  }
0x2d7: {  	vm2 =	vgt.f32 v31, v36;
	v45 =	vsel vm3, v63, v29;
	vm6 =	vmand vm6, vm7  }
0x2d8: {  	vm7 =	veq.f32 v38, v41;
	v46 =	vsel vm3, v22, v24;
	vm2 =	vmor vm2, vm6  }
0x2d9: {  	vm6 =	vmand vm7, vm14;
	vm7 =	vgt.f32 v38, v41;
	vm15 =	vgt.f32 v43, v45  }
0x2da: {  	v6 =	vsel vm2, v31, v36;
	vm3 =	vmor vm7, vm6;
	vm6 =	vlt.s32 v1, v34  }
0x2db: {  	v47 =	vsel vm3, v38, v41;
	v48 =	vsel vm3, v39, v42;
	vm3 =	veq.f32 v0, v33  }
0x2dc: {  	v3 =	vsel vm2, v32, v7;
	vm2 =	vgt.f32 v0, v33;
	vm3 =	vmand vm3, vm6  }
0x2dd: {  	vm7 =	vlt.s32 v10, v14;
	vm6 =	veq.f32 v9, v13;
	vm2 =	vmor vm2, vm3  }
0x2de: {  	vm3 =	vmand vm6, vm7;
	vm6 =	vgt.f32 v9, v13;
	vm7 =	vlt.s32 v3, v48  }
0x2df: {  	v0 =	vsel vm2, v0, v33;
	v1 =	vsel vm2, v1, v34;
	vm2 =	vmor vm6, vm3  }
0x2e0: {  	vm3 =	veq.f32 v43, v45;
	vm6 =	vlt.s32 v44, v46;
	v49 =	vsel vm2, v9, v13  }
0x2e1: {  	vm3 =	vmand vm3, vm6;
	vm6 =	veq.f32 v6, v47;
	v50 =	vsel vm2, v10, v14  }
0x2e2: {  	vm6 =	vmand vm6, vm7;
	vm7 =	vgt.f32 v6, v47;
	vm2 =	vmor vm15, vm3  }
0x2e3: {  	v57 =	vld [tilespmem:$0x1FDA0];
	vm3 =	vmor vm7, vm6;
	v51 =	vsel vm2, v43, v45  }
0x2e4: {  	v52 =	vsel vm2, v44, v46;
	vm2 =	veq.f32 v0, v49;
	vm7 =	vgt.f32 v0, v49  }
0x2e5: {  	v6 =	vsel vm3, v6, v47;
	v3 =	vsel vm3, v3, v48;
	vm3 =	vlt.s32 v1, v50  }
0x2e6: {  	vm2 =	vmand vm2, vm3;
	vm3 =	veq.f32 v51, v6;
	vm6 =	vlt.s32 v52, v3  }
0x2e7: {  	vm3 =	vmand vm3, vm6;
	vm6 =	vgt.f32 v51, v6;
	vm2 =	vmor vm7, vm2  }
0x2e8: {  	v58 =	vadd.s32 v57, v54;
	vm3 =	vmor vm6, vm3;
	v0 =	vsel vm2, v0, v49  }
0x2e9: {  	v1 =	vsel vm2, v1, v50;
	v53 =	vsel vm3, v51, v6;
	v3 =	vsel vm3, v52, v3  }
0x2ea: {  	v59 =	vadd.s32 v57, v55;
	vm3 =	veq.f32 v0, v53;
	vm6 =	vlt.s32 v1, v3  }
0x2eb: {  	v60 =	vadd.s32 v57, v56;
	vm2 =	vgt.f32 v0, v53;
	vm3 =	vmand vm3, vm6  }
0x2ec: {  	v0 =	vnsel vm1, $0x0, v58;
	vm6 =	vcmask $0x314;
	vm2 =	vmor vm2, vm3  }
0x2ed: {  	v0 =	vsel vm6, v0, v59;
	v1 =	vsel vm2, v1, v3;
	vm2 =	vcmask $0x714  }
0x2ee: {  	v2 =	vadd.s32 v57, v2;
	v0 =	vsel vm2, v0, v60  }
0x2ef: {  	v1 =	vadd.s32 v57, v1;
	v0 =	vsel vm4, v0, v2  }
0x2f0: {  	v0 =	vsel vm5, v0, v1  }
0x2f1: {  	[tilespmem:$0x280] =	vst v0  }
0x2f2: {  	v0 =	vld.msk [tilespmem:$0x280], $0xff;
	_ =	sdelay $0x3  }
0x2f3: {  	v62 =	vld [tilespmem:$0x1FFE0]  }
0x2f4: {  	v61 =	vshrl.u32 v0, $0x3  }
0x2f5: {  	v63 =	vld [tilespmem:$0x1FFF0];
	v1 =	vmul.u32 $0xA0, v61  }
0x2f6: {  	v0 =	vand.u32 $0x7, v0  }
0x2f7: {  	v0 =	vor.u32 v0, v1  }
0x2f8: {  	v0 =	vperm.xlane v0, v62;
	_ =	sdelay $0x1  }
0x2f9: {  	v0 =	vadd.s32 v63, v0;
	_ =	sdelay $0x4  }
0x2fa: {  	[tilespmem:s17], [sflag:$0x1] =	stream.indirect_vreg.gather [hbm4b:s1+s3], $0x80, v0, vm0, $0xb8;
	[tilespmem:$0x5400] =	vst v63  }
0x2fb: {  	_ = 	snop  }
0x2fc: {  	[tilespmem:s21], [sflag:$0x1] =	stream.indirect_vreg.gather [hbm4b:s5+s3], $0x80, v0, vm0, $0xb8;
	[tilespmem:$0x5400] =	vst v63  }
0x2fd: {  	_ = 	snop  }
0x2fe: {  	[tilespmem:s22], [sflag:$0x1] =	stream.indirect_vreg.gather [hbm4b:s6+s3], $0x80, v0, vm0, $0xb8;
	[tilespmem:$0x5400] =	vst v63  }
0x2ff: {  	_ = 	snop  }
0x300: {  	[tilespmem:s23], [sflag:$0x1] =	stream.indirect_vreg.gather [hbm4b:s7+s3], $0x80, v0, vm0, $0xb8;
	[tilespmem:$0x5400] =	vst v63  }
0x301: {  	_ = 	snop  }
0x302: {  	[tilespmem:s24], [sflag:$0x1] =	stream.indirect_vreg.gather [hbm4b:s8+s3], $0x80, v0, vm0, $0xb8;
	[tilespmem:$0x5400] =	vst v63  }
0x303: {  	_ = 	snop  }
0x304: {  	[tilespmem:s25], [sflag:$0x1] =	stream.indirect_vreg.gather [hbm4b:s9+s3], $0x80, v0, vm0, $0xb8;
	[tilespmem:$0x5400] =	vst v63  }
0x305: {  	_ = 	snop  }
0x306: {  	[tilespmem:s26], [sflag:$0x1] =	stream.indirect_vreg.gather [hbm4b:s10+s3], $0x80, v0, vm0, $0xb8;
	[tilespmem:$0x5400] =	vst v63  }
0x307: {  	_ = 	snop  }
0x308: {  	[tilespmem:s28], [sflag:$0x1] =	stream.indirect_vreg.gather [hbm4b:s11+s3], $0x80, v0, vm0, $0xb8;
	[tilespmem:$0x5400] =	vst v63  }
0x309: {  	_ = 	snop  }
0x30a: {  	[tilespmem:s29], [sflag:$0x1] =	stream.indirect_vreg.gather [hbm4b:s12+s3], $0x80, v0, vm0, $0xb8;
	[tilespmem:$0x5400] =	vst v63  }
0x30b: {  	_ = 	snop  }
0x30c: {  	[tilespmem:s30], [sflag:$0x1] =	stream.indirect_vreg.gather [hbm4b:s13+s3], $0x80, v0, vm0, $0xb8;
	[tilespmem:$0x5400] =	vst v63  }
0x30d: {  	_ =	swait.ge [sflag:s31], $0x5000  }
0x30e: {  	p0 =	sne.s32 s15, $0x1;
	[sflag:s31] =	ssyncset.done $0x0  }
.Ltmp0:
0x30f: {  	[sflag:s31] =	ssyncadd.s32 $0xFFFFB000;
	(pc) =	sbr.rel @p0 .LBB2_1-.Ltmp0, $4  }
0x310: {  	[hbm4b:s14+s3] =	stream.linear.scatter [tilespmem:s17], [sflag:$0x2], $0x5000, $0x38;
	[tilespmem:$0x5400] =	vst v63  }
0x311: {  	_ =	swait.ge [sflag:s18], $0x5000  }
0x312: {  	[sflag:s18] =	ssyncset.done $0x0  }
0x313: {  	s15 =	sadd.s32 $0xFFFFFFFF, s15;
	[sflag:s18] =	ssyncadd.s32 $0xFFFFB000  }
0x314: {  	_ =	sfence.sel $0x180000  }
0x315: {  	[bflag:$0x0] =	sbarrier.arrive $0xFFFF  }
0x316: {  	p0 =	sne.s32 s0, $0x0;
	_ =	strace $0x90000047  }
0x317: {  	s0 =	sadd.s32 @!p0 $0x100000, s2;
	[bflag:$0x2] =	sbarrier.arrive $0xFFFF  }
0x318: {  	[sflag:s0] =	ssyncadd.tile.s32 @!p0 $0x1;
	_ =	shalt  }
.Lfunc_end2:
_tile_overlayer_lowered:
.L_overlay_start_2:
0x319: {  	(tag) =	ssettag $0x2  }
0x31a: {  	s0 =	rddreg [dreg:$0x0];
	s2 =	stileid.u32  }
0x31b: {  	s1 =	rddreg [dreg:$0x1];
	p0 =	sne.s32 s2, $0x0  }
0x31c: {  	s3 =	rddreg [dreg:$0x2];
	[bflag:$0x3] =	sbarrier.arrive $0xFFFF;
	s2 =	simm.s32 @!p0 $0x1C02  }
0x31d: {  	[timem:s3], [sflag:s2] =	dma.local @!p0 [hbm:s0], s1  }
0x31e: {  	s0 =	simm.s32 @!p0 $0x2  }
0x31f: {  	_ =	swait.ge @!p0 [sflag:s0], s1  }
0x320: {  	s1 =	ssub.s32 @!p0 $0x0, s1;
	[sflag:s0] =	ssyncset.done @!p0 $0x0  }
0x321: {  	[sflag:s0] =	ssyncadd.s32 @!p0 s1  }
0x322: {  	[bflag:$0x3] =	sbarrier.arrive $0xFFFF  }
0x323: {  	_ =	shalt  }

</sc_bundles>
